<compile_context>
chip_gen: v7x
topology: tpu7x:2x2x1
jax: 0.10.2.dev20260603
libtpu: 0.0.44.dev20260713+nightly
codegen_flags: <defaults>
</compile_context>

<pallas_src>
import functools

import jax
import jax.numpy as jnp
from jax import lax
from jax.experimental import pallas as pl
from jax.experimental.pallas import tpu as pltpu
from jax.experimental.pallas import tpu_sc as plsc

NC = 2
NS = 16
LANES = 16

BATCH = 32
CHANNELS = 3
IMG = 512
PLANE = IMG * IMG
NBINS = 16
FEAT = CHANNELS * NBINS
PAD = 128
OUT_DIM = 64
UNROLL = 8

ROW_TC = 176
ROW_SC = IMG - ROW_TC
ROWS = 48
CPP = ROW_SC // ROWS
CHUNK = ROWS * IMG

RB = ROW_TC
K_TC = ROW_TC // RB
OFF_B = 0


def _sc_body(x_hbm, out_hbm,
             buf0, buf1, hist_v, out_v, sem0, sem1):
  b = lax.axis_index("s") * NC + lax.axis_index("c")

  bufs = (buf0, buf1)
  sems = (sem0, sem1)
  total = CHANNELS * CPP

  def start_dma(t):
    c, ch = divmod(t, CPP)
    return pltpu.async_copy(
        x_hbm.at[b, c, pl.ds(ROW_TC + ch * ROWS, ROWS), :],
        bufs[t % 2], sems[t % 2])

  pending = start_dma(0)

  lane = lax.iota(jnp.int32, LANES)
  ones = jnp.ones((LANES,), jnp.float32)
  zeros = jnp.zeros((LANES,), jnp.float32)
  for j in range(PAD // LANES):
    out_v[pl.ds(j * LANES, LANES)] = zeros

  for c in range(CHANNELS):
    for l in range(LANES):
      hist_v[l, :] = zeros
    for ch in range(CPP):
      t = c * CPP + ch
      nxt = start_dma(t + 1) if t + 1 < total else None
      pending.wait()
      buf = bufs[t % 2]

      @plsc.parallel_loop(0, CHUNK, step=LANES, unroll=UNROLL)
      def _(i, buf=buf):
        row = lax.shift_right_logical(i, 9)
        col = lax.bitwise_and(i, IMG - 1)
        v = buf[row, pl.ds(col, LANES)]
        bins = (v * 16.0).astype(jnp.int32)
        plsc.addupdate_scatter(hist_v, [lane, bins], ones)

      pending = nxt
    acc = hist_v[0, :]
    for l in range(1, LANES):
      acc = acc + hist_v[l, :]
    out_v[pl.ds(c * NBINS, LANES)] = acc
  pltpu.sync_copy(out_v, out_hbm.at[b])


def _sc_counts(x):
  mesh = plsc.VectorSubcoreMesh(core_axis_name="c", subcore_axis_name="s")
  fn = pl.kernel(
      _sc_body,
      out_type=jax.ShapeDtypeStruct((BATCH, PAD), jnp.float32),
      mesh=mesh,
      compiler_params=pltpu.CompilerParams(
          needs_layout_passes=False, use_tc_tiling_on_sc=True),
      scratch_types=[
          pltpu.VMEM((ROWS, IMG), jnp.float32),
          pltpu.VMEM((ROWS, IMG), jnp.float32),
          pltpu.VMEM((LANES, NBINS), jnp.float32),
          pltpu.VMEM((PAD,), jnp.float32),
          pltpu.SemaphoreType.DMA,
          pltpu.SemaphoreType.DMA,
      ],
  )
  return fn(x)


def _tc_hist_body(x_ref, out_ref):
  k = pl.program_id(1)
  rows = []
  for c in range(CHANNELS):
    xc = x_ref[0, c]
    rows.append(jnp.full((IMG,), jnp.float32(RB)))
    rows.extend(jnp.sum((xc >= (i / 16.0)).astype(jnp.float32), axis=0)
                for i in range(1, NBINS))
  blk = jnp.stack(rows).reshape(1, FEAT, IMG)

  @pl.when(k == 0)
  def _():
    out_ref[...] = blk

  @pl.when(k != 0)
  def _():
    out_ref[...] += blk


def _tc_counts(x):
  return pl.pallas_call(
      _tc_hist_body,
      grid=(BATCH, K_TC),
      in_specs=[pl.BlockSpec((1, CHANNELS, RB, IMG),
                             lambda i, k: (i, 0, k + OFF_B, 0))],
      out_specs=pl.BlockSpec((1, FEAT, IMG), lambda i, k: (i, 0, 0)),
      out_shape=jax.ShapeDtypeStruct((BATCH, FEAT, IMG), jnp.float32),
  )(x)


def _fc_body(a_ref, c_ref, wp_ref, w_ref, bias_ref, o_ref):
  tails = jnp.sum(c_ref[...], axis=2)
  nxt = jnp.concatenate(
      [tails[:, 1:], jnp.zeros((BATCH, 1), jnp.float32)], axis=1)
  mask = (lax.broadcasted_iota(jnp.int32, (1, FEAT), 1) % NBINS
          ) != (NBINS - 1)
  cnt_tc = tails - jnp.where(mask, nxt, 0.0)
  scale = jnp.float32(1.0 / PLANE)
  o = jnp.dot(a_ref[...] * scale, wp_ref[...],
              preferred_element_type=jnp.float32)
  o += jnp.dot(cnt_tc * scale, w_ref[...],
               preferred_element_type=jnp.float32)
  o_ref[...] = jnp.maximum(o + bias_ref[...][None, :], 0.0)


def _fc(cnt_sc, cnt_tc, w_pad, w, bias):
  return pl.pallas_call(
      _fc_body,
      out_shape=jax.ShapeDtypeStruct((BATCH, OUT_DIM), jnp.float32),
  )(cnt_sc, cnt_tc, w_pad, w, bias)


@jax.jit
def kernel(x, W, b):
  cnt_sc = _sc_counts(x)
  cnt_tc = _tc_counts(x)
  w_pad = jnp.zeros((PAD, OUT_DIM), jnp.float32).at[:FEAT].set(W)
  return _fc(cnt_sc, cnt_tc, w_pad, W, b)

# --- scband reference (transcript-rebuilt; emitter-appended) ---
"""Pipeline reference for scband-color-histogram-layer-16827681866032 (READ-ONLY COPY).

The authoritative reference and input builder live on the scoring server;
editing this copy changes nothing except your own understanding.
"""

import jax, jax.numpy as jnp
import numpy as np

BINS = 16
OUTPUT_DIM = 64

def _create_hist(x, bins=BINS, min_val=0.0, max_val=1.0):
    # x: [B, P] pixel values in [0, 1]
    edges = jnp.linspace(min_val, max_val, bins + 1)
    cols = []
    for i in range(bins):
        mask = (x >= edges[i]) & (x < edges[i + 1])
        if i == bins - 1:
            mask = mask | (x == edges[i + 1])
        cols.append(mask.astype(jnp.float32).mean(axis=1))
    return jnp.stack(cols, axis=1)  # [B, bins]

def setup_inputs(seed: int = 0) -> dict:
    key = jax.random.key(seed)
    k1, k2, k3 = jax.random.split(key, 3)
    x = jax.random.uniform(k1, (32, 3, 512, 512), dtype=jnp.float32)
    # nn.Linear(bins*3=48, 64): store as [in, out] for h @ W + b
    W = jax.random.normal(k2, (BINS * 3, OUTPUT_DIM), dtype=jnp.float32) * (1.0 / np.sqrt(BINS * 3))
    b = jax.random.normal(k3, (OUTPUT_DIM,), dtype=jnp.float32) * 0.01
    return {"x": x, "W": W, "b": b}

def reference(x, W, b):
    batch_size = x.shape[0]
    r_hist = _create_hist(x[:, 0].reshape(batch_size, -1))
    g_hist = _create_hist(x[:, 1].reshape(batch_size, -1))
    b_hist = _create_hist(x[:, 2].reshape(batch_size, -1))
    hist_features = jnp.concatenate([r_hist, g_hist, b_hist], axis=1)  # [B, 48]
    # Linear -> ReLU -> Dropout(eval mode = identity)
    out = jnp.maximum(hist_features @ W + b, 0.0)
    return out

if __name__ == "__main__":
    import jax
    _d = setup_inputs()
    print(jax.jit(kernel)(*tuple(_d.values())))

</pallas_src>

<mosaic_0001>
#map = affine_map<(d0, d1) -> (0, 0, 0, 0)>
#map1 = affine_map<(d0, d1) -> (0, 0)>
module attributes {stable_mosaic.version = 14 : i64} {
  func.func @_sc_body(%arg0: i32, %arg1: i32, %arg2: memref<32x3x512x512xf32, #tpu.memory_space<hbm>>, %arg3: memref<32x128xf32, #tpu.memory_space<hbm>>, %arg4: memref<48x512xf32, #tpu.memory_space<vmem>>, %arg5: memref<48x512xf32, #tpu.memory_space<vmem>>, %arg6: memref<16x16xf32, #tpu.memory_space<vmem>>, %arg7: memref<128xf32, #tpu.memory_space<vmem>>, %arg8: memref<!tpu.dma_semaphore, #tpu.memory_space<semaphore_mem>>, %arg9: memref<!tpu.dma_semaphore, #tpu.memory_space<semaphore_mem>>) attributes {dimension_semantics = [#tpu.dimension_semantics<core_parallel>, #tpu.dimension_semantics<subcore_parallel>], iteration_bounds = array<i64: 2, 16>, scalar_prefetch = 0 : i64, scratch_operands = 6 : i64, tpu.core_type = #tpu.core_type<sc_vector_subcore>, window_params = [{transform_indices = #map}, {transform_indices = #map1}]} {
    %mul3A = arith.constant 2 : i32
    %mul3A_0 = arith.muli %arg1, %mul3A : i32
    %add3A = arith.addi %mul3A_0, %arg0 : i32
    %dma_start3A = arith.constant 0 : i32
    %dma_start3A_1 = arith.constant 176 : i32
    %dma_start3A_2 = arith.constant 0 : i32
    %dma_start3A_3 = tpu.memref_slice %arg2[%add3A, %dma_start3A, %dma_start3A_1, %dma_start3A_2] : memref<32x3x512x512xf32, #tpu.memory_space<hbm>> -> memref<1x1x48x512xf32, #tpu.memory_space<hbm>>
    %dma_start3A_4 = tpu.memref_squeeze %dma_start3A_3 : memref<1x1x48x512xf32, #tpu.memory_space<hbm>> -> memref<48x512xf32, #tpu.memory_space<hbm>>
    %dma_start3A_5 = arith.constant 176 : i32
    %dma_start3A_6 = arith.constant 0 : i32
    %dma_start3A_7 = tpu.memref_slice %arg2[%add3A, %dma_start3A, %dma_start3A_5, %dma_start3A_6] : memref<32x3x512x512xf32, #tpu.memory_space<hbm>> -> memref<1x1x48x512xf32, #tpu.memory_space<hbm>>
    %dma_start3A_8 = tpu.memref_squeeze %dma_start3A_7 : memref<1x1x48x512xf32, #tpu.memory_space<hbm>> -> memref<48x512xf32, #tpu.memory_space<hbm>>
    tpu.enqueue_dma source(%dma_start3A_8 : memref<48x512xf32, #tpu.memory_space<hbm>>) target(%arg4 : memref<48x512xf32, #tpu.memory_space<vmem>>) target_semaphore(%arg8 : memref<!tpu.dma_semaphore, #tpu.memory_space<semaphore_mem>>)
    %iota3A = tpu.iota {dimensions = array<i32: 0>} : vector<16xi32>
    %broadcast_in_dim3A = arith.constant 1.000000e+00 : f32
    %broadcast_in_dim3A_9 = vector.broadcast %broadcast_in_dim3A : f32 to vector<16xf32>
    %broadcast_in_dim3A_10 = arith.constant 0.000000e+00 : f32
    %broadcast_in_dim3A_11 = vector.broadcast %broadcast_in_dim3A_10 : f32 to vector<16xf32>
    %swap3A = arith.constant 0 : index
    %swap3A_12 = tpu.vector_load %arg7[%swap3A] {strides = array<i32>} : memref<128xf32, #tpu.memory_space<vmem>>, vector<16xf32>,
    tpu.vector_store %arg7[%swap3A], %broadcast_in_dim3A_11 {strides = array<i32>} : memref<128xf32, #tpu.memory_space<vmem>>, vector<16xf32>,
    %swap3A_13 = arith.constant 16 : index
    %swap3A_14 = tpu.vector_load %arg7[%swap3A_13] {strides = array<i32>} : memref<128xf32, #tpu.memory_space<vmem>>, vector<16xf32>,
    tpu.vector_store %arg7[%swap3A_13], %broadcast_in_dim3A_11 {strides = array<i32>} : memref<128xf32, #tpu.memory_space<vmem>>, vector<16xf32>,
    %swap3A_15 = arith.constant 32 : index
    %swap3A_16 = tpu.vector_load %arg7[%swap3A_15] {strides = array<i32>} : memref<128xf32, #tpu.memory_space<vmem>>, vector<16xf32>,
    tpu.vector_store %arg7[%swap3A_15], %broadcast_in_dim3A_11 {strides = array<i32>} : memref<128xf32, #tpu.memory_space<vmem>>, vector<16xf32>,
    %swap3A_17 = arith.constant 48 : index
    %swap3A_18 = tpu.vector_load %arg7[%swap3A_17] {strides = array<i32>} : memref<128xf32, #tpu.memory_space<vmem>>, vector<16xf32>,
    tpu.vector_store %arg7[%swap3A_17], %broadcast_in_dim3A_11 {strides = array<i32>} : memref<128xf32, #tpu.memory_space<vmem>>, vector<16xf32>,
    %swap3A_19 = arith.constant 64 : index
    %swap3A_20 = tpu.vector_load %arg7[%swap3A_19] {strides = array<i32>} : memref<128xf32, #tpu.memory_space<vmem>>, vector<16xf32>,
    tpu.vector_store %arg7[%swap3A_19], %broadcast_in_dim3A_11 {strides = array<i32>} : memref<128xf32, #tpu.memory_space<vmem>>, vector<16xf32>,
    %swap3A_21 = arith.constant 80 : index
    %swap3A_22 = tpu.vector_load %arg7[%swap3A_21] {strides = array<i32>} : memref<128xf32, #tpu.memory_space<vmem>>, vector<16xf32>,
    tpu.vector_store %arg7[%swap3A_21], %broadcast_in_dim3A_11 {strides = array<i32>} : memref<128xf32, #tpu.memory_space<vmem>>, vector<16xf32>,
    %swap3A_23 = arith.constant 96 : index
    %swap3A_24 = tpu.vector_load %arg7[%swap3A_23] {strides = array<i32>} : memref<128xf32, #tpu.memory_space<vmem>>, vector<16xf32>,
    tpu.vector_store %arg7[%swap3A_23], %broadcast_in_dim3A_11 {strides = array<i32>} : memref<128xf32, #tpu.memory_space<vmem>>, vector<16xf32>,
    %swap3A_25 = arith.constant 112 : index
    %swap3A_26 = tpu.vector_load %arg7[%swap3A_25] {strides = array<i32>} : memref<128xf32, #tpu.memory_space<vmem>>, vector<16xf32>,
    tpu.vector_store %arg7[%swap3A_25], %broadcast_in_dim3A_11 {strides = array<i32>} : memref<128xf32, #tpu.memory_space<vmem>>, vector<16xf32>,
    %swap3A_27 = arith.constant 0 : i32
    %swap3A_28 = arith.index_cast %swap3A_27 : i32 to index
    %swap3A_29 = arith.constant 0 : index
    %swap3A_30 = tpu.vector_load %arg6[%swap3A_28, %swap3A_29] {strides = array<i32>} : memref<16x16xf32, #tpu.memory_space<vmem>>, vector<16xf32>,
    tpu.vector_store %arg6[%swap3A_28, %swap3A_29], %broadcast_in_dim3A_11 {strides = array<i32>} : memref<16x16xf32, #tpu.memory_space<vmem>>, vector<16xf32>,
    %swap3A_31 = arith.constant 1 : i32
    %swap3A_32 = arith.index_cast %swap3A_31 : i32 to index
    %swap3A_33 = arith.constant 0 : index
    %swap3A_34 = tpu.vector_load %arg6[%swap3A_32, %swap3A_33] {strides = array<i32>} : memref<16x16xf32, #tpu.memory_space<vmem>>, vector<16xf32>,
    tpu.vector_store %arg6[%swap3A_32, %swap3A_33], %broadcast_in_dim3A_11 {strides = array<i32>} : memref<16x16xf32, #tpu.memory_space<vmem>>, vector<16xf32>,
    %swap3A_35 = arith.constant 2 : i32
    %swap3A_36 = arith.index_cast %swap3A_35 : i32 to index
    %swap3A_37 = arith.constant 0 : index
    %swap3A_38 = tpu.vector_load %arg6[%swap3A_36, %swap3A_37] {strides = array<i32>} : memref<16x16xf32, #tpu.memory_space<vmem>>, vector<16xf32>,
    tpu.vector_store %arg6[%swap3A_36, %swap3A_37], %broadcast_in_dim3A_11 {strides = array<i32>} : memref<16x16xf32, #tpu.memory_space<vmem>>, vector<16xf32>,
    %swap3A_39 = arith.constant 3 : i32
    %swap3A_40 = arith.index_cast %swap3A_39 : i32 to index
    %swap3A_41 = arith.constant 0 : index
    %swap3A_42 = tpu.vector_load %arg6[%swap3A_40, %swap3A_41] {strides = array<i32>} : memref<16x16xf32, #tpu.memory_space<vmem>>, vector<16xf32>,
    tpu.vector_store %arg6[%swap3A_40, %swap3A_41], %broadcast_in_dim3A_11 {strides = array<i32>} : memref<16x16xf32, #tpu.memory_space<vmem>>, vector<16xf32>,
    %swap3A_43 = arith.constant 4 : i32
    %swap3A_44 = arith.index_cast %swap3A_43 : i32 to index
    %swap3A_45 = arith.constant 0 : index
    %swap3A_46 = tpu.vector_load %arg6[%swap3A_44, %swap3A_45] {strides = array<i32>} : memref<16x16xf32, #tpu.memory_space<vmem>>, vector<16xf32>,
    tpu.vector_store %arg6[%swap3A_44, %swap3A_45], %broadcast_in_dim3A_11 {strides = array<i32>} : memref<16x16xf32, #tpu.memory_space<vmem>>, vector<16xf32>,
    %swap3A_47 = arith.constant 5 : i32
    %swap3A_48 = arith.index_cast %swap3A_47 : i32 to index
    %swap3A_49 = arith.constant 0 : index
    %swap3A_50 = tpu.vector_load %arg6[%swap3A_48, %swap3A_49] {strides = array<i32>} : memref<16x16xf32, #tpu.memory_space<vmem>>, vector<16xf32>,
    tpu.vector_store %arg6[%swap3A_48, %swap3A_49], %broadcast_in_dim3A_11 {strides = array<i32>} : memref<16x16xf32, #tpu.memory_space<vmem>>, vector<16xf32>,
    %swap3A_51 = arith.constant 6 : i32
    %swap3A_52 = arith.index_cast %swap3A_51 : i32 to index
    %swap3A_53 = arith.constant 0 : index
    %swap3A_54 = tpu.vector_load %arg6[%swap3A_52, %swap3A_53] {strides = array<i32>} : memref<16x16xf32, #tpu.memory_space<vmem>>, vector<16xf32>,
    tpu.vector_store %arg6[%swap3A_52, %swap3A_53], %broadcast_in_dim3A_11 {strides = array<i32>} : memref<16x16xf32, #tpu.memory_space<vmem>>, vector<16xf32>,
    %swap3A_55 = arith.constant 7 : i32
    %swap3A_56 = arith.index_cast %swap3A_55 : i32 to index
    %swap3A_57 = arith.constant 0 : index
    %swap3A_58 = tpu.vector_load %arg6[%swap3A_56, %swap3A_57] {strides = array<i32>} : memref<16x16xf32, #tpu.memory_space<vmem>>, vector<16xf32>,
    tpu.vector_store %arg6[%swap3A_56, %swap3A_57], %broadcast_in_dim3A_11 {strides = array<i32>} : memref<16x16xf32, #tpu.memory_space<vmem>>, vector<16xf32>,
    %swap3A_59 = arith.constant 8 : i32
    %swap3A_60 = arith.index_cast %swap3A_59 : i32 to index
    %swap3A_61 = arith.constant 0 : index
    %swap3A_62 = tpu.vector_load %arg6[%swap3A_60, %swap3A_61] {strides = array<i32>} : memref<16x16xf32, #tpu.memory_space<vmem>>, vector<16xf32>,
    tpu.vector_store %arg6[%swap3A_60, %swap3A_61], %broadcast_in_dim3A_11 {strides = array<i32>} : memref<16x16xf32, #tpu.memory_space<vmem>>, vector<16xf32>,
    %swap3A_63 = arith.constant 9 : i32
    %swap3A_64 = arith.index_cast %swap3A_63 : i32 to index
    %swap3A_65 = arith.constant 0 : index
    %swap3A_66 = tpu.vector_load %arg6[%swap3A_64, %swap3A_65] {strides = array<i32>} : memref<16x16xf32, #tpu.memory_space<vmem>>, vector<16xf32>,
    tpu.vector_store %arg6[%swap3A_64, %swap3A_65], %broadcast_in_dim3A_11 {strides = array<i32>} : memref<16x16xf32, #tpu.memory_space<vmem>>, vector<16xf32>,
    %swap3A_67 = arith.constant 10 : i32
    %swap3A_68 = arith.index_cast %swap3A_67 : i32 to index
    %swap3A_69 = arith.constant 0 : index
    %swap3A_70 = tpu.vector_load %arg6[%swap3A_68, %swap3A_69] {strides = array<i32>} : memref<16x16xf32, #tpu.memory_space<vmem>>, vector<16xf32>,
    tpu.vector_store %arg6[%swap3A_68, %swap3A_69], %broadcast_in_dim3A_11 {strides = array<i32>} : memref<16x16xf32, #tpu.memory_space<vmem>>, vector<16xf32>,
    %swap3A_71 = arith.constant 11 : i32
    %swap3A_72 = arith.index_cast %swap3A_71 : i32 to index
    %swap3A_73 = arith.constant 0 : index
    %swap3A_74 = tpu.vector_load %arg6[%swap3A_72, %swap3A_73] {strides = array<i32>} : memref<16x16xf32, #tpu.memory_space<vmem>>, vector<16xf32>,
    tpu.vector_store %arg6[%swap3A_72, %swap3A_73], %broadcast_in_dim3A_11 {strides = array<i32>} : memref<16x16xf32, #tpu.memory_space<vmem>>, vector<16xf32>,
    %swap3A_75 = arith.constant 12 : i32
    %swap3A_76 = arith.index_cast %swap3A_75 : i32 to index
    %swap3A_77 = arith.constant 0 : index
    %swap3A_78 = tpu.vector_load %arg6[%swap3A_76, %swap3A_77] {strides = array<i32>} : memref<16x16xf32, #tpu.memory_space<vmem>>, vector<16xf32>,
    tpu.vector_store %arg6[%swap3A_76, %swap3A_77], %broadcast_in_dim3A_11 {strides = array<i32>} : memref<16x16xf32, #tpu.memory_space<vmem>>, vector<16xf32>,
    %swap3A_79 = arith.constant 13 : i32
    %swap3A_80 = arith.index_cast %swap3A_79 : i32 to index
    %swap3A_81 = arith.constant 0 : index
    %swap3A_82 = tpu.vector_load %arg6[%swap3A_80, %swap3A_81] {strides = array<i32>} : memref<16x16xf32, #tpu.memory_space<vmem>>, vector<16xf32>,
    tpu.vector_store %arg6[%swap3A_80, %swap3A_81], %broadcast_in_dim3A_11 {strides = array<i32>} : memref<16x16xf32, #tpu.memory_space<vmem>>, vector<16xf32>,
    %swap3A_83 = arith.constant 14 : i32
    %swap3A_84 = arith.index_cast %swap3A_83 : i32 to index
    %swap3A_85 = arith.constant 0 : index
    %swap3A_86 = tpu.vector_load %arg6[%swap3A_84, %swap3A_85] {strides = array<i32>} : memref<16x16xf32, #tpu.memory_space<vmem>>, vector<16xf32>,
    tpu.vector_store %arg6[%swap3A_84, %swap3A_85], %broadcast_in_dim3A_11 {strides = array<i32>} : memref<16x16xf32, #tpu.memory_space<vmem>>, vector<16xf32>,
    %swap3A_87 = arith.constant 15 : i32
    %swap3A_88 = arith.index_cast %swap3A_87 : i32 to index
    %swap3A_89 = arith.constant 0 : index
    %swap3A_90 = tpu.vector_load %arg6[%swap3A_88, %swap3A_89] {strides = array<i32>} : memref<16x16xf32, #tpu.memory_space<vmem>>, vector<16xf32>,
    tpu.vector_store %arg6[%swap3A_88, %swap3A_89], %broadcast_in_dim3A_11 {strides = array<i32>} : memref<16x16xf32, #tpu.memory_space<vmem>>, vector<16xf32>,
    %dma_start3A_91 = arith.constant 0 : i32
    %dma_start3A_92 = arith.constant 224 : i32
    %dma_start3A_93 = arith.constant 0 : i32
    %dma_start3A_94 = tpu.memref_slice %arg2[%add3A, %dma_start3A_91, %dma_start3A_92, %dma_start3A_93] : memref<32x3x512x512xf32, #tpu.memory_space<hbm>> -> memref<1x1x48x512xf32, #tpu.memory_space<hbm>>
    %dma_start3A_95 = tpu.memref_squeeze %dma_start3A_94 : memref<1x1x48x512xf32, #tpu.memory_space<hbm>> -> memref<48x512xf32, #tpu.memory_space<hbm>>
    %dma_start3A_96 = arith.constant 224 : i32
    %dma_start3A_97 = arith.constant 0 : i32
    %dma_start3A_98 = tpu.memref_slice %arg2[%add3A, %dma_start3A_91, %dma_start3A_96, %dma_start3A_97] : memref<32x3x512x512xf32, #tpu.memory_space<hbm>> -> memref<1x1x48x512xf32, #tpu.memory_space<hbm>>
    %dma_start3A_99 = tpu.memref_squeeze %dma_start3A_98 : memref<1x1x48x512xf32, #tpu.memory_space<hbm>> -> memref<48x512xf32, #tpu.memory_space<hbm>>
    tpu.enqueue_dma source(%dma_start3A_99 : memref<48x512xf32, #tpu.memory_space<hbm>>) target(%arg5 : memref<48x512xf32, #tpu.memory_space<vmem>>) target_semaphore(%arg9 : memref<!tpu.dma_semaphore, #tpu.memory_space<semaphore_mem>>)
    %dma_wait3A = arith.constant 0 : i32
    %dma_wait3A_100 = arith.constant 176 : i32
    %dma_wait3A_101 = arith.constant 0 : i32
    %dma_wait3A_102 = tpu.memref_slice %arg2[%add3A, %dma_wait3A, %dma_wait3A_100, %dma_wait3A_101] : memref<32x3x512x512xf32, #tpu.memory_space<hbm>> -> memref<1x1x48x512xf32, #tpu.memory_space<hbm>>
    %dma_wait3A_103 = tpu.memref_squeeze %dma_wait3A_102 : memref<1x1x48x512xf32, #tpu.memory_space<hbm>> -> memref<48x512xf32, #tpu.memory_space<hbm>>
    %dma_wait3A_104 = arith.constant 176 : i32
    %dma_wait3A_105 = arith.constant 0 : i32
    %dma_wait3A_106 = tpu.memref_slice %arg2[%add3A, %dma_wait3A, %dma_wait3A_104, %dma_wait3A_105] : memref<32x3x512x512xf32, #tpu.memory_space<hbm>> -> memref<1x1x48x512xf32, #tpu.memory_space<hbm>>
    %dma_wait3A_107 = tpu.memref_squeeze %dma_wait3A_106 : memref<1x1x48x512xf32, #tpu.memory_space<hbm>> -> memref<48x512xf32, #tpu.memory_space<hbm>>
    tpu.wait_dma2 semaphore(%arg8 : memref<!tpu.dma_semaphore, #tpu.memory_space<semaphore_mem>>) src(%dma_wait3A_107 : memref<48x512xf32, #tpu.memory_space<hbm>>) dst(%arg4 : memref<48x512xf32, #tpu.memory_space<vmem>>)
    %parallel_loop3A = arith.constant 0 : i32
    %parallel_loop3A_108 = arith.constant 24576 : i32
    %parallel_loop3A_109 = arith.constant 16 : i32
    scf.for %parallel_loop3A_891 = %parallel_loop3A to %parallel_loop3A_108 step %parallel_loop3A_109  : i32 {
      %parallel_loop3A_892 = arith.constant 9 : i32
      %parallel_loop3A_893 = arith.shrui %parallel_loop3A_891, %parallel_loop3A_892 : i32
      %parallel_loop3A_894 = arith.constant 511 : i32
      %parallel_loop3A_895 = arith.andi %parallel_loop3A_891, %parallel_loop3A_894 : i32
      %parallel_loop3A_896 = arith.index_cast %parallel_loop3A_893 : i32 to index
      %parallel_loop3A_897 = arith.index_cast %parallel_loop3A_895 : i32 to index
      %parallel_loop3A_898 = tpu.vector_load %arg4[%parallel_loop3A_896, %parallel_loop3A_897] {strides = array<i32>} : memref<48x512xf32, #tpu.memory_space<vmem>>, vector<16xf32>,
      %parallel_loop3A_899 = arith.constant 1.600000e+01 : f32
      %parallel_loop3A_900 = vector.broadcast %parallel_loop3A_899 : f32 to vector<16xf32>
      %parallel_loop3A_901 = arith.mulf %parallel_loop3A_898, %parallel_loop3A_900 : vector<16xf32>
      %parallel_loop3A_902 = arith.fptosi %parallel_loop3A_901 : vector<16xf32> to vector<16xi32>
      tpu.vector_store_idx %arg6[%iota3A, %parallel_loop3A_902], %broadcast_in_dim3A_9 {add = true} : memref<16x16xf32, #tpu.memory_space<vmem>>[vector<16xi32>, vector<16xi32>], vector<16xf32>,
    } {sc.loop_unroll_factor = 8 : i64, sc.parallel_access}
    %dma_start3A_110 = arith.constant 0 : i32
    %dma_start3A_111 = arith.constant 272 : i32
    %dma_start3A_112 = arith.constant 0 : i32
    %dma_start3A_113 = tpu.memref_slice %arg2[%add3A, %dma_start3A_110, %dma_start3A_111, %dma_start3A_112] : memref<32x3x512x512xf32, #tpu.memory_space<hbm>> -> memref<1x1x48x512xf32, #tpu.memory_space<hbm>>
    %dma_start3A_114 = tpu.memref_squeeze %dma_start3A_113 : memref<1x1x48x512xf32, #tpu.memory_space<hbm>> -> memref<48x512xf32, #tpu.memory_space<hbm>>
    %dma_start3A_115 = arith.constant 272 : i32
    %dma_start3A_116 = arith.constant 0 : i32
    %dma_start3A_117 = tpu.memref_slice %arg2[%add3A, %dma_start3A_110, %dma_start3A_115, %dma_start3A_116] : memref<32x3x512x512xf32, #tpu.memory_space<hbm>> -> memref<1x1x48x512xf32, #tpu.memory_space<hbm>>
    %dma_start3A_118 = tpu.memref_squeeze %dma_start3A_117 : memref<1x1x48x512xf32, #tpu.memory_space<hbm>> -> memref<48x512xf32, #tpu.memory_space<hbm>>
    tpu.enqueue_dma source(%dma_start3A_118 : memref<48x512xf32, #tpu.memory_space<hbm>>) target(%arg4 : memref<48x512xf32, #tpu.memory_space<vmem>>) target_semaphore(%arg8 : memref<!tpu.dma_semaphore, #tpu.memory_space<semaphore_mem>>)
    %dma_wait3A_119 = arith.constant 0 : i32
    %dma_wait3A_120 = arith.constant 224 : i32
    %dma_wait3A_121 = arith.constant 0 : i32
    %dma_wait3A_122 = tpu.memref_slice %arg2[%add3A, %dma_wait3A_119, %dma_wait3A_120, %dma_wait3A_121] : memref<32x3x512x512xf32, #tpu.memory_space<hbm>> -> memref<1x1x48x512xf32, #tpu.memory_space<hbm>>
    %dma_wait3A_123 = tpu.memref_squeeze %dma_wait3A_122 : memref<1x1x48x512xf32, #tpu.memory_space<hbm>> -> memref<48x512xf32, #tpu.memory_space<hbm>>
    %dma_wait3A_124 = arith.constant 224 : i32
    %dma_wait3A_125 = arith.constant 0 : i32
    %dma_wait3A_126 = tpu.memref_slice %arg2[%add3A, %dma_wait3A_119, %dma_wait3A_124, %dma_wait3A_125] : memref<32x3x512x512xf32, #tpu.memory_space<hbm>> -> memref<1x1x48x512xf32, #tpu.memory_space<hbm>>
    %dma_wait3A_127 = tpu.memref_squeeze %dma_wait3A_126 : memref<1x1x48x512xf32, #tpu.memory_space<hbm>> -> memref<48x512xf32, #tpu.memory_space<hbm>>
    tpu.wait_dma2 semaphore(%arg9 : memref<!tpu.dma_semaphore, #tpu.memory_space<semaphore_mem>>) src(%dma_wait3A_127 : memref<48x512xf32, #tpu.memory_space<hbm>>) dst(%arg5 : memref<48x512xf32, #tpu.memory_space<vmem>>)
    %parallel_loop3A_128 = arith.constant 0 : i32
    %parallel_loop3A_129 = arith.constant 24576 : i32
    %parallel_loop3A_130 = arith.constant 16 : i32
    scf.for %parallel_loop3A_891 = %parallel_loop3A_128 to %parallel_loop3A_129 step %parallel_loop3A_130  : i32 {
      %parallel_loop3A_892 = arith.constant 9 : i32
      %parallel_loop3A_893 = arith.shrui %parallel_loop3A_891, %parallel_loop3A_892 : i32
      %parallel_loop3A_894 = arith.constant 511 : i32
      %parallel_loop3A_895 = arith.andi %parallel_loop3A_891, %parallel_loop3A_894 : i32
      %parallel_loop3A_896 = arith.index_cast %parallel_loop3A_893 : i32 to index
      %parallel_loop3A_897 = arith.index_cast %parallel_loop3A_895 : i32 to index
      %parallel_loop3A_898 = tpu.vector_load %arg5[%parallel_loop3A_896, %parallel_loop3A_897] {strides = array<i32>} : memref<48x512xf32, #tpu.memory_space<vmem>>, vector<16xf32>,
      %parallel_loop3A_899 = arith.constant 1.600000e+01 : f32
      %parallel_loop3A_900 = vector.broadcast %parallel_loop3A_899 : f32 to vector<16xf32>
      %parallel_loop3A_901 = arith.mulf %parallel_loop3A_898, %parallel_loop3A_900 : vector<16xf32>
      %parallel_loop3A_902 = arith.fptosi %parallel_loop3A_901 : vector<16xf32> to vector<16xi32>
      tpu.vector_store_idx %arg6[%iota3A, %parallel_loop3A_902], %broadcast_in_dim3A_9 {add = true} : memref<16x16xf32, #tpu.memory_space<vmem>>[vector<16xi32>, vector<16xi32>], vector<16xf32>,
    } {sc.loop_unroll_factor = 8 : i64, sc.parallel_access}
    %dma_start3A_131 = arith.constant 0 : i32
    %dma_start3A_132 = arith.constant 320 : i32
    %dma_start3A_133 = arith.constant 0 : i32
    %dma_start3A_134 = tpu.memref_slice %arg2[%add3A, %dma_start3A_131, %dma_start3A_132, %dma_start3A_133] : memref<32x3x512x512xf32, #tpu.memory_space<hbm>> -> memref<1x1x48x512xf32, #tpu.memory_space<hbm>>
    %dma_start3A_135 = tpu.memref_squeeze %dma_start3A_134 : memref<1x1x48x512xf32, #tpu.memory_space<hbm>> -> memref<48x512xf32, #tpu.memory_space<hbm>>
    %dma_start3A_136 = arith.constant 320 : i32
    %dma_start3A_137 = arith.constant 0 : i32
    %dma_start3A_138 = tpu.memref_slice %arg2[%add3A, %dma_start3A_131, %dma_start3A_136, %dma_start3A_137] : memref<32x3x512x512xf32, #tpu.memory_space<hbm>> -> memref<1x1x48x512xf32, #tpu.memory_space<hbm>>
    %dma_start3A_139 = tpu.memref_squeeze %dma_start3A_138 : memref<1x1x48x512xf32, #tpu.memory_space<hbm>> -> memref<48x512xf32, #tpu.memory_space<hbm>>
    tpu.enqueue_dma source(%dma_start3A_139 : memref<48x512xf32, #tpu.memory_space<hbm>>) target(%arg5 : memref<48x512xf32, #tpu.memory_space<vmem>>) target_semaphore(%arg9 : memref<!tpu.dma_semaphore, #tpu.memory_space<semaphore_mem>>)
    %dma_wait3A_140 = arith.constant 0 : i32
    %dma_wait3A_141 = arith.constant 272 : i32
    %dma_wait3A_142 = arith.constant 0 : i32
    %dma_wait3A_143 = tpu.memref_slice %arg2[%add3A, %dma_wait3A_140, %dma_wait3A_141, %dma_wait3A_142] : memref<32x3x512x512xf32, #tpu.memory_space<hbm>> -> memref<1x1x48x512xf32, #tpu.memory_space<hbm>>
    %dma_wait3A_144 = tpu.memref_squeeze %dma_wait3A_143 : memref<1x1x48x512xf32, #tpu.memory_space<hbm>> -> memref<48x512xf32, #tpu.memory_space<hbm>>
    %dma_wait3A_145 = arith.constant 272 : i32
    %dma_wait3A_146 = arith.constant 0 : i32
    %dma_wait3A_147 = tpu.memref_slice %arg2[%add3A, %dma_wait3A_140, %dma_wait3A_145, %dma_wait3A_146] : memref<32x3x512x512xf32, #tpu.memory_space<hbm>> -> memref<1x1x48x512xf32, #tpu.memory_space<hbm>>
    %dma_wait3A_148 = tpu.memref_squeeze %dma_wait3A_147 : memref<1x1x48x512xf32, #tpu.memory_space<hbm>> -> memref<48x512xf32, #tpu.memory_space<hbm>>
    tpu.wait_dma2 semaphore(%arg8 : memref<!tpu.dma_semaphore, #tpu.memory_space<semaphore_mem>>) src(%dma_wait3A_148 : memref<48x512xf32, #tpu.memory_space<hbm>>) dst(%arg4 : memref<48x512xf32, #tpu.memory_space<vmem>>)
    %parallel_loop3A_149 = arith.constant 0 : i32
    %parallel_loop3A_150 = arith.constant 24576 : i32
    %parallel_loop3A_151 = arith.constant 16 : i32
    scf.for %parallel_loop3A_891 = %parallel_loop3A_149 to %parallel_loop3A_150 step %parallel_loop3A_151  : i32 {
      %parallel_loop3A_892 = arith.constant 9 : i32
      %parallel_loop3A_893 = arith.shrui %parallel_loop3A_891, %parallel_loop3A_892 : i32
      %parallel_loop3A_894 = arith.constant 511 : i32
      %parallel_loop3A_895 = arith.andi %parallel_loop3A_891, %parallel_loop3A_894 : i32
      %parallel_loop3A_896 = arith.index_cast %parallel_loop3A_893 : i32 to index
      %parallel_loop3A_897 = arith.index_cast %parallel_loop3A_895 : i32 to index
      %parallel_loop3A_898 = tpu.vector_load %arg4[%parallel_loop3A_896, %parallel_loop3A_897] {strides = array<i32>} : memref<48x512xf32, #tpu.memory_space<vmem>>, vector<16xf32>,
      %parallel_loop3A_899 = arith.constant 1.600000e+01 : f32
      %parallel_loop3A_900 = vector.broadcast %parallel_loop3A_899 : f32 to vector<16xf32>
      %parallel_loop3A_901 = arith.mulf %parallel_loop3A_898, %parallel_loop3A_900 : vector<16xf32>
      %parallel_loop3A_902 = arith.fptosi %parallel_loop3A_901 : vector<16xf32> to vector<16xi32>
      tpu.vector_store_idx %arg6[%iota3A, %parallel_loop3A_902], %broadcast_in_dim3A_9 {add = true} : memref<16x16xf32, #tpu.memory_space<vmem>>[vector<16xi32>, vector<16xi32>], vector<16xf32>,
    } {sc.loop_unroll_factor = 8 : i64, sc.parallel_access}
    %dma_start3A_152 = arith.constant 0 : i32
    %dma_start3A_153 = arith.constant 368 : i32
    %dma_start3A_154 = arith.constant 0 : i32
    %dma_start3A_155 = tpu.memref_slice %arg2[%add3A, %dma_start3A_152, %dma_start3A_153, %dma_start3A_154] : memref<32x3x512x512xf32, #tpu.memory_space<hbm>> -> memref<1x1x48x512xf32, #tpu.memory_space<hbm>>
    %dma_start3A_156 = tpu.memref_squeeze %dma_start3A_155 : memref<1x1x48x512xf32, #tpu.memory_space<hbm>> -> memref<48x512xf32, #tpu.memory_space<hbm>>
    %dma_start3A_157 = arith.constant 368 : i32
    %dma_start3A_158 = arith.constant 0 : i32
    %dma_start3A_159 = tpu.memref_slice %arg2[%add3A, %dma_start3A_152, %dma_start3A_157, %dma_start3A_158] : memref<32x3x512x512xf32, #tpu.memory_space<hbm>> -> memref<1x1x48x512xf32, #tpu.memory_space<hbm>>
    %dma_start3A_160 = tpu.memref_squeeze %dma_start3A_159 : memref<1x1x48x512xf32, #tpu.memory_space<hbm>> -> memref<48x512xf32, #tpu.memory_space<hbm>>
    tpu.enqueue_dma source(%dma_start3A_160 : memref<48x512xf32, #tpu.memory_space<hbm>>) target(%arg4 : memref<48x512xf32, #tpu.memory_space<vmem>>) target_semaphore(%arg8 : memref<!tpu.dma_semaphore, #tpu.memory_space<semaphore_mem>>)
    %dma_wait3A_161 = arith.constant 0 : i32
    %dma_wait3A_162 = arith.constant 320 : i32
    %dma_wait3A_163 = arith.constant 0 : i32
    %dma_wait3A_164 = tpu.memref_slice %arg2[%add3A, %dma_wait3A_161, %dma_wait3A_162, %dma_wait3A_163] : memref<32x3x512x512xf32, #tpu.memory_space<hbm>> -> memref<1x1x48x512xf32, #tpu.memory_space<hbm>>
    %dma_wait3A_165 = tpu.memref_squeeze %dma_wait3A_164 : memref<1x1x48x512xf32, #tpu.memory_space<hbm>> -> memref<48x512xf32, #tpu.memory_space<hbm>>
    %dma_wait3A_166 = arith.constant 320 : i32
    %dma_wait3A_167 = arith.constant 0 : i32
    %dma_wait3A_168 = tpu.memref_slice %arg2[%add3A, %dma_wait3A_161, %dma_wait3A_166, %dma_wait3A_167] : memref<32x3x512x512xf32, #tpu.memory_space<hbm>> -> memref<1x1x48x512xf32, #tpu.memory_space<hbm>>
    %dma_wait3A_169 = tpu.memref_squeeze %dma_wait3A_168 : memref<1x1x48x512xf32, #tpu.memory_space<hbm>> -> memref<48x512xf32, #tpu.memory_space<hbm>>
    tpu.wait_dma2 semaphore(%arg9 : memref<!tpu.dma_semaphore, #tpu.memory_space<semaphore_mem>>) src(%dma_wait3A_169 : memref<48x512xf32, #tpu.memory_space<hbm>>) dst(%arg5 : memref<48x512xf32, #tpu.memory_space<vmem>>)
    %parallel_loop3A_170 = arith.constant 0 : i32
    %parallel_loop3A_171 = arith.constant 24576 : i32
    %parallel_loop3A_172 = arith.constant 16 : i32
    scf.for %parallel_loop3A_891 = %parallel_loop3A_170 to %parallel_loop3A_171 step %parallel_loop3A_172  : i32 {
      %parallel_loop3A_892 = arith.constant 9 : i32
      %parallel_loop3A_893 = arith.shrui %parallel_loop3A_891, %parallel_loop3A_892 : i32
      %parallel_loop3A_894 = arith.constant 511 : i32
      %parallel_loop3A_895 = arith.andi %parallel_loop3A_891, %parallel_loop3A_894 : i32
      %parallel_loop3A_896 = arith.index_cast %parallel_loop3A_893 : i32 to index
      %parallel_loop3A_897 = arith.index_cast %parallel_loop3A_895 : i32 to index
      %parallel_loop3A_898 = tpu.vector_load %arg5[%parallel_loop3A_896, %parallel_loop3A_897] {strides = array<i32>} : memref<48x512xf32, #tpu.memory_space<vmem>>, vector<16xf32>,
      %parallel_loop3A_899 = arith.constant 1.600000e+01 : f32
      %parallel_loop3A_900 = vector.broadcast %parallel_loop3A_899 : f32 to vector<16xf32>
      %parallel_loop3A_901 = arith.mulf %parallel_loop3A_898, %parallel_loop3A_900 : vector<16xf32>
      %parallel_loop3A_902 = arith.fptosi %parallel_loop3A_901 : vector<16xf32> to vector<16xi32>
      tpu.vector_store_idx %arg6[%iota3A, %parallel_loop3A_902], %broadcast_in_dim3A_9 {add = true} : memref<16x16xf32, #tpu.memory_space<vmem>>[vector<16xi32>, vector<16xi32>], vector<16xf32>,
    } {sc.loop_unroll_factor = 8 : i64, sc.parallel_access}
    %dma_start3A_173 = arith.constant 0 : i32
    %dma_start3A_174 = arith.constant 416 : i32
    %dma_start3A_175 = arith.constant 0 : i32
    %dma_start3A_176 = tpu.memref_slice %arg2[%add3A, %dma_start3A_173, %dma_start3A_174, %dma_start3A_175] : memref<32x3x512x512xf32, #tpu.memory_space<hbm>> -> memref<1x1x48x512xf32, #tpu.memory_space<hbm>>
    %dma_start3A_177 = tpu.memref_squeeze %dma_start3A_176 : memref<1x1x48x512xf32, #tpu.memory_space<hbm>> -> memref<48x512xf32, #tpu.memory_space<hbm>>
    %dma_start3A_178 = arith.constant 416 : i32
    %dma_start3A_179 = arith.constant 0 : i32
    %dma_start3A_180 = tpu.memref_slice %arg2[%add3A, %dma_start3A_173, %dma_start3A_178, %dma_start3A_179] : memref<32x3x512x512xf32, #tpu.memory_space<hbm>> -> memref<1x1x48x512xf32, #tpu.memory_space<hbm>>
    %dma_start3A_181 = tpu.memref_squeeze %dma_start3A_180 : memref<1x1x48x512xf32, #tpu.memory_space<hbm>> -> memref<48x512xf32, #tpu.memory_space<hbm>>
    tpu.enqueue_dma source(%dma_start3A_181 : memref<48x512xf32, #tpu.memory_space<hbm>>) target(%arg5 : memref<48x512xf32, #tpu.memory_space<vmem>>) target_semaphore(%arg9 : memref<!tpu.dma_semaphore, #tpu.memory_space<semaphore_mem>>)
    %dma_wait3A_182 = arith.constant 0 : i32
    %dma_wait3A_183 = arith.constant 368 : i32
    %dma_wait3A_184 = arith.constant 0 : i32
    %dma_wait3A_185 = tpu.memref_slice %arg2[%add3A, %dma_wait3A_182, %dma_wait3A_183, %dma_wait3A_184] : memref<32x3x512x512xf32, #tpu.memory_space<hbm>> -> memref<1x1x48x512xf32, #tpu.memory_space<hbm>>
    %dma_wait3A_186 = tpu.memref_squeeze %dma_wait3A_185 : memref<1x1x48x512xf32, #tpu.memory_space<hbm>> -> memref<48x512xf32, #tpu.memory_space<hbm>>
    %dma_wait3A_187 = arith.constant 368 : i32
    %dma_wait3A_188 = arith.constant 0 : i32
    %dma_wait3A_189 = tpu.memref_slice %arg2[%add3A, %dma_wait3A_182, %dma_wait3A_187, %dma_wait3A_188] : memref<32x3x512x512xf32, #tpu.memory_space<hbm>> -> memref<1x1x48x512xf32, #tpu.memory_space<hbm>>
    %dma_wait3A_190 = tpu.memref_squeeze %dma_wait3A_189 : memref<1x1x48x512xf32, #tpu.memory_space<hbm>> -> memref<48x512xf32, #tpu.memory_space<hbm>>
    tpu.wait_dma2 semaphore(%arg8 : memref<!tpu.dma_semaphore, #tpu.memory_space<semaphore_mem>>) src(%dma_wait3A_190 : memref<48x512xf32, #tpu.memory_space<hbm>>) dst(%arg4 : memref<48x512xf32, #tpu.memory_space<vmem>>)
    %parallel_loop3A_191 = arith.constant 0 : i32
    %parallel_loop3A_192 = arith.constant 24576 : i32
    %parallel_loop3A_193 = arith.constant 16 : i32
    scf.for %parallel_loop3A_891 = %parallel_loop3A_191 to %parallel_loop3A_192 step %parallel_loop3A_193  : i32 {
      %parallel_loop3A_892 = arith.constant 9 : i32
      %parallel_loop3A_893 = arith.shrui %parallel_loop3A_891, %parallel_loop3A_892 : i32
      %parallel_loop3A_894 = arith.constant 511 : i32
      %parallel_loop3A_895 = arith.andi %parallel_loop3A_891, %parallel_loop3A_894 : i32
      %parallel_loop3A_896 = arith.index_cast %parallel_loop3A_893 : i32 to index
      %parallel_loop3A_897 = arith.index_cast %parallel_loop3A_895 : i32 to index
      %parallel_loop3A_898 = tpu.vector_load %arg4[%parallel_loop3A_896, %parallel_loop3A_897] {strides = array<i32>} : memref<48x512xf32, #tpu.memory_space<vmem>>, vector<16xf32>,
      %parallel_loop3A_899 = arith.constant 1.600000e+01 : f32
      %parallel_loop3A_900 = vector.broadcast %parallel_loop3A_899 : f32 to vector<16xf32>
      %parallel_loop3A_901 = arith.mulf %parallel_loop3A_898, %parallel_loop3A_900 : vector<16xf32>
      %parallel_loop3A_902 = arith.fptosi %parallel_loop3A_901 : vector<16xf32> to vector<16xi32>
      tpu.vector_store_idx %arg6[%iota3A, %parallel_loop3A_902], %broadcast_in_dim3A_9 {add = true} : memref<16x16xf32, #tpu.memory_space<vmem>>[vector<16xi32>, vector<16xi32>], vector<16xf32>,
    } {sc.loop_unroll_factor = 8 : i64, sc.parallel_access}
    %dma_start3A_194 = arith.constant 0 : i32
    %dma_start3A_195 = arith.constant 464 : i32
    %dma_start3A_196 = arith.constant 0 : i32
    %dma_start3A_197 = tpu.memref_slice %arg2[%add3A, %dma_start3A_194, %dma_start3A_195, %dma_start3A_196] : memref<32x3x512x512xf32, #tpu.memory_space<hbm>> -> memref<1x1x48x512xf32, #tpu.memory_space<hbm>>
    %dma_start3A_198 = tpu.memref_squeeze %dma_start3A_197 : memref<1x1x48x512xf32, #tpu.memory_space<hbm>> -> memref<48x512xf32, #tpu.memory_space<hbm>>
    %dma_start3A_199 = arith.constant 464 : i32
    %dma_start3A_200 = arith.constant 0 : i32
    %dma_start3A_201 = tpu.memref_slice %arg2[%add3A, %dma_start3A_194, %dma_start3A_199, %dma_start3A_200] : memref<32x3x512x512xf32, #tpu.memory_space<hbm>> -> memref<1x1x48x512xf32, #tpu.memory_space<hbm>>
    %dma_start3A_202 = tpu.memref_squeeze %dma_start3A_201 : memref<1x1x48x512xf32, #tpu.memory_space<hbm>> -> memref<48x512xf32, #tpu.memory_space<hbm>>
    tpu.enqueue_dma source(%dma_start3A_202 : memref<48x512xf32, #tpu.memory_space<hbm>>) target(%arg4 : memref<48x512xf32, #tpu.memory_space<vmem>>) target_semaphore(%arg8 : memref<!tpu.dma_semaphore, #tpu.memory_space<semaphore_mem>>)
    %dma_wait3A_203 = arith.constant 0 : i32
    %dma_wait3A_204 = arith.constant 416 : i32
    %dma_wait3A_205 = arith.constant 0 : i32
    %dma_wait3A_206 = tpu.memref_slice %arg2[%add3A, %dma_wait3A_203, %dma_wait3A_204, %dma_wait3A_205] : memref<32x3x512x512xf32, #tpu.memory_space<hbm>> -> memref<1x1x48x512xf32, #tpu.memory_space<hbm>>
    %dma_wait3A_207 = tpu.memref_squeeze %dma_wait3A_206 : memref<1x1x48x512xf32, #tpu.memory_space<hbm>> -> memref<48x512xf32, #tpu.memory_space<hbm>>
    %dma_wait3A_208 = arith.constant 416 : i32
    %dma_wait3A_209 = arith.constant 0 : i32
    %dma_wait3A_210 = tpu.memref_slice %arg2[%add3A, %dma_wait3A_203, %dma_wait3A_208, %dma_wait3A_209] : memref<32x3x512x512xf32, #tpu.memory_space<hbm>> -> memref<1x1x48x512xf32, #tpu.memory_space<hbm>>
    %dma_wait3A_211 = tpu.memref_squeeze %dma_wait3A_210 : memref<1x1x48x512xf32, #tpu.memory_space<hbm>> -> memref<48x512xf32, #tpu.memory_space<hbm>>
    tpu.wait_dma2 semaphore(%arg9 : memref<!tpu.dma_semaphore, #tpu.memory_space<semaphore_mem>>) src(%dma_wait3A_211 : memref<48x512xf32, #tpu.memory_space<hbm>>) dst(%arg5 : memref<48x512xf32, #tpu.memory_space<vmem>>)
    %parallel_loop3A_212 = arith.constant 0 : i32
    %parallel_loop3A_213 = arith.constant 24576 : i32
    %parallel_loop3A_214 = arith.constant 16 : i32
    scf.for %parallel_loop3A_891 = %parallel_loop3A_212 to %parallel_loop3A_213 step %parallel_loop3A_214  : i32 {
      %parallel_loop3A_892 = arith.constant 9 : i32
      %parallel_loop3A_893 = arith.shrui %parallel_loop3A_891, %parallel_loop3A_892 : i32
      %parallel_loop3A_894 = arith.constant 511 : i32
      %parallel_loop3A_895 = arith.andi %parallel_loop3A_891, %parallel_loop3A_894 : i32
      %parallel_loop3A_896 = arith.index_cast %parallel_loop3A_893 : i32 to index
      %parallel_loop3A_897 = arith.index_cast %parallel_loop3A_895 : i32 to index
      %parallel_loop3A_898 = tpu.vector_load %arg5[%parallel_loop3A_896, %parallel_loop3A_897] {strides = array<i32>} : memref<48x512xf32, #tpu.memory_space<vmem>>, vector<16xf32>,
      %parallel_loop3A_899 = arith.constant 1.600000e+01 : f32
      %parallel_loop3A_900 = vector.broadcast %parallel_loop3A_899 : f32 to vector<16xf32>
      %parallel_loop3A_901 = arith.mulf %parallel_loop3A_898, %parallel_loop3A_900 : vector<16xf32>
      %parallel_loop3A_902 = arith.fptosi %parallel_loop3A_901 : vector<16xf32> to vector<16xi32>
      tpu.vector_store_idx %arg6[%iota3A, %parallel_loop3A_902], %broadcast_in_dim3A_9 {add = true} : memref<16x16xf32, #tpu.memory_space<vmem>>[vector<16xi32>, vector<16xi32>], vector<16xf32>,
    } {sc.loop_unroll_factor = 8 : i64, sc.parallel_access}
    %dma_start3A_215 = arith.constant 1 : i32
    %dma_start3A_216 = arith.constant 176 : i32
    %dma_start3A_217 = arith.constant 0 : i32
    %dma_start3A_218 = tpu.memref_slice %arg2[%add3A, %dma_start3A_215, %dma_start3A_216, %dma_start3A_217] : memref<32x3x512x512xf32, #tpu.memory_space<hbm>> -> memref<1x1x48x512xf32, #tpu.memory_space<hbm>>
    %dma_start3A_219 = tpu.memref_squeeze %dma_start3A_218 : memref<1x1x48x512xf32, #tpu.memory_space<hbm>> -> memref<48x512xf32, #tpu.memory_space<hbm>>
    %dma_start3A_220 = arith.constant 176 : i32
    %dma_start3A_221 = arith.constant 0 : i32
    %dma_start3A_222 = tpu.memref_slice %arg2[%add3A, %dma_start3A_215, %dma_start3A_220, %dma_start3A_221] : memref<32x3x512x512xf32, #tpu.memory_space<hbm>> -> memref<1x1x48x512xf32, #tpu.memory_space<hbm>>
    %dma_start3A_223 = tpu.memref_squeeze %dma_start3A_222 : memref<1x1x48x512xf32, #tpu.memory_space<hbm>> -> memref<48x512xf32, #tpu.memory_space<hbm>>
    tpu.enqueue_dma source(%dma_start3A_223 : memref<48x512xf32, #tpu.memory_space<hbm>>) target(%arg5 : memref<48x512xf32, #tpu.memory_space<vmem>>) target_semaphore(%arg9 : memref<!tpu.dma_semaphore, #tpu.memory_space<semaphore_mem>>)
    %dma_wait3A_224 = arith.constant 0 : i32
    %dma_wait3A_225 = arith.constant 464 : i32
    %dma_wait3A_226 = arith.constant 0 : i32
    %dma_wait3A_227 = tpu.memref_slice %arg2[%add3A, %dma_wait3A_224, %dma_wait3A_225, %dma_wait3A_226] : memref<32x3x512x512xf32, #tpu.memory_space<hbm>> -> memref<1x1x48x512xf32, #tpu.memory_space<hbm>>
    %dma_wait3A_228 = tpu.memref_squeeze %dma_wait3A_227 : memref<1x1x48x512xf32, #tpu.memory_space<hbm>> -> memref<48x512xf32, #tpu.memory_space<hbm>>
    %dma_wait3A_229 = arith.constant 464 : i32
    %dma_wait3A_230 = arith.constant 0 : i32
    %dma_wait3A_231 = tpu.memref_slice %arg2[%add3A, %dma_wait3A_224, %dma_wait3A_229, %dma_wait3A_230] : memref<32x3x512x512xf32, #tpu.memory_space<hbm>> -> memref<1x1x48x512xf32, #tpu.memory_space<hbm>>
    %dma_wait3A_232 = tpu.memref_squeeze %dma_wait3A_231 : memref<1x1x48x512xf32, #tpu.memory_space<hbm>> -> memref<48x512xf32, #tpu.memory_space<hbm>>
    tpu.wait_dma2 semaphore(%arg8 : memref<!tpu.dma_semaphore, #tpu.memory_space<semaphore_mem>>) src(%dma_wait3A_232 : memref<48x512xf32, #tpu.memory_space<hbm>>) dst(%arg4 : memref<48x512xf32, #tpu.memory_space<vmem>>)
    %parallel_loop3A_233 = arith.constant 0 : i32
    %parallel_loop3A_234 = arith.constant 24576 : i32
    %parallel_loop3A_235 = arith.constant 16 : i32
    scf.for %parallel_loop3A_891 = %parallel_loop3A_233 to %parallel_loop3A_234 step %parallel_loop3A_235  : i32 {
      %parallel_loop3A_892 = arith.constant 9 : i32
      %parallel_loop3A_893 = arith.shrui %parallel_loop3A_891, %parallel_loop3A_892 : i32
      %parallel_loop3A_894 = arith.constant 511 : i32
      %parallel_loop3A_895 = arith.andi %parallel_loop3A_891, %parallel_loop3A_894 : i32
      %parallel_loop3A_896 = arith.index_cast %parallel_loop3A_893 : i32 to index
      %parallel_loop3A_897 = arith.index_cast %parallel_loop3A_895 : i32 to index
      %parallel_loop3A_898 = tpu.vector_load %arg4[%parallel_loop3A_896, %parallel_loop3A_897] {strides = array<i32>} : memref<48x512xf32, #tpu.memory_space<vmem>>, vector<16xf32>,
      %parallel_loop3A_899 = arith.constant 1.600000e+01 : f32
      %parallel_loop3A_900 = vector.broadcast %parallel_loop3A_899 : f32 to vector<16xf32>
      %parallel_loop3A_901 = arith.mulf %parallel_loop3A_898, %parallel_loop3A_900 : vector<16xf32>
      %parallel_loop3A_902 = arith.fptosi %parallel_loop3A_901 : vector<16xf32> to vector<16xi32>
      tpu.vector_store_idx %arg6[%iota3A, %parallel_loop3A_902], %broadcast_in_dim3A_9 {add = true} : memref<16x16xf32, #tpu.memory_space<vmem>>[vector<16xi32>, vector<16xi32>], vector<16xf32>,
    } {sc.loop_unroll_factor = 8 : i64, sc.parallel_access}
    %get3A = arith.constant 0 : i32
    %get3A_236 = arith.index_cast %get3A : i32 to index
    %get3A_237 = arith.constant 0 : index
    %get3A_238 = tpu.vector_load %arg6[%get3A_236, %get3A_237] {strides = array<i32>} : memref<16x16xf32, #tpu.memory_space<vmem>>, vector<16xf32>,
    %get3A_239 = arith.constant 1 : i32
    %get3A_240 = arith.index_cast %get3A_239 : i32 to index
    %get3A_241 = arith.constant 0 : index
    %get3A_242 = tpu.vector_load %arg6[%get3A_240, %get3A_241] {strides = array<i32>} : memref<16x16xf32, #tpu.memory_space<vmem>>, vector<16xf32>,
    %add3A_243 = arith.addf %get3A_238, %get3A_242 : vector<16xf32>
    %get3A_244 = arith.constant 2 : i32
    %get3A_245 = arith.index_cast %get3A_244 : i32 to index
    %get3A_246 = arith.constant 0 : index
    %get3A_247 = tpu.vector_load %arg6[%get3A_245, %get3A_246] {strides = array<i32>} : memref<16x16xf32, #tpu.memory_space<vmem>>, vector<16xf32>,
    %add3A_248 = arith.addf %add3A_243, %get3A_247 : vector<16xf32>
    %get3A_249 = arith.constant 3 : i32
    %get3A_250 = arith.index_cast %get3A_249 : i32 to index
    %get3A_251 = arith.constant 0 : index
    %get3A_252 = tpu.vector_load %arg6[%get3A_250, %get3A_251] {strides = array<i32>} : memref<16x16xf32, #tpu.memory_space<vmem>>, vector<16xf32>,
    %add3A_253 = arith.addf %add3A_248, %get3A_252 : vector<16xf32>
    %get3A_254 = arith.constant 4 : i32
    %get3A_255 = arith.index_cast %get3A_254 : i32 to index
    %get3A_256 = arith.constant 0 : index
    %get3A_257 = tpu.vector_load %arg6[%get3A_255, %get3A_256] {strides = array<i32>} : memref<16x16xf32, #tpu.memory_space<vmem>>, vector<16xf32>,
    %add3A_258 = arith.addf %add3A_253, %get3A_257 : vector<16xf32>
    %get3A_259 = arith.constant 5 : i32
    %get3A_260 = arith.index_cast %get3A_259 : i32 to index
    %get3A_261 = arith.constant 0 : index
    %get3A_262 = tpu.vector_load %arg6[%get3A_260, %get3A_261] {strides = array<i32>} : memref<16x16xf32, #tpu.memory_space<vmem>>, vector<16xf32>,
    %add3A_263 = arith.addf %add3A_258, %get3A_262 : vector<16xf32>
    %get3A_264 = arith.constant 6 : i32
    %get3A_265 = arith.index_cast %get3A_264 : i32 to index
    %get3A_266 = arith.constant 0 : index
    %get3A_267 = tpu.vector_load %arg6[%get3A_265, %get3A_266] {strides = array<i32>} : memref<16x16xf32, #tpu.memory_space<vmem>>, vector<16xf32>,
    %add3A_268 = arith.addf %add3A_263, %get3A_267 : vector<16xf32>
    %get3A_269 = arith.constant 7 : i32
    %get3A_270 = arith.index_cast %get3A_269 : i32 to index
    %get3A_271 = arith.constant 0 : index
    %get3A_272 = tpu.vector_load %arg6[%get3A_270, %get3A_271] {strides = array<i32>} : memref<16x16xf32, #tpu.memory_space<vmem>>, vector<16xf32>,
    %add3A_273 = arith.addf %add3A_268, %get3A_272 : vector<16xf32>
    %get3A_274 = arith.constant 8 : i32
    %get3A_275 = arith.index_cast %get3A_274 : i32 to index
    %get3A_276 = arith.constant 0 : index
    %get3A_277 = tpu.vector_load %arg6[%get3A_275, %get3A_276] {strides = array<i32>} : memref<16x16xf32, #tpu.memory_space<vmem>>, vector<16xf32>,
    %add3A_278 = arith.addf %add3A_273, %get3A_277 : vector<16xf32>
    %get3A_279 = arith.constant 9 : i32
    %get3A_280 = arith.index_cast %get3A_279 : i32 to index
    %get3A_281 = arith.constant 0 : index
    %get3A_282 = tpu.vector_load %arg6[%get3A_280, %get3A_281] {strides = array<i32>} : memref<16x16xf32, #tpu.memory_space<vmem>>, vector<16xf32>,
    %add3A_283 = arith.addf %add3A_278, %get3A_282 : vector<16xf32>
    %get3A_284 = arith.constant 10 : i32
    %get3A_285 = arith.index_cast %get3A_284 : i32 to index
    %get3A_286 = arith.constant 0 : index
    %get3A_287 = tpu.vector_load %arg6[%get3A_285, %get3A_286] {strides = array<i32>} : memref<16x16xf32, #tpu.memory_space<vmem>>, vector<16xf32>,
    %add3A_288 = arith.addf %add3A_283, %get3A_287 : vector<16xf32>
    %get3A_289 = arith.constant 11 : i32
    %get3A_290 = arith.index_cast %get3A_289 : i32 to index
    %get3A_291 = arith.constant 0 : index
    %get3A_292 = tpu.vector_load %arg6[%get3A_290, %get3A_291] {strides = array<i32>} : memref<16x16xf32, #tpu.memory_space<vmem>>, vector<16xf32>,
    %add3A_293 = arith.addf %add3A_288, %get3A_292 : vector<16xf32>
    %get3A_294 = arith.constant 12 : i32
    %get3A_295 = arith.index_cast %get3A_294 : i32 to index
    %get3A_296 = arith.constant 0 : index
    %get3A_297 = tpu.vector_load %arg6[%get3A_295, %get3A_296] {strides = array<i32>} : memref<16x16xf32, #tpu.memory_space<vmem>>, vector<16xf32>,
    %add3A_298 = arith.addf %add3A_293, %get3A_297 : vector<16xf32>
    %get3A_299 = arith.constant 13 : i32
    %get3A_300 = arith.index_cast %get3A_299 : i32 to index
    %get3A_301 = arith.constant 0 : index
    %get3A_302 = tpu.vector_load %arg6[%get3A_300, %get3A_301] {strides = array<i32>} : memref<16x16xf32, #tpu.memory_space<vmem>>, vector<16xf32>,
    %add3A_303 = arith.addf %add3A_298, %get3A_302 : vector<16xf32>
    %get3A_304 = arith.constant 14 : i32
    %get3A_305 = arith.index_cast %get3A_304 : i32 to index
    %get3A_306 = arith.constant 0 : index
    %get3A_307 = tpu.vector_load %arg6[%get3A_305, %get3A_306] {strides = array<i32>} : memref<16x16xf32, #tpu.memory_space<vmem>>, vector<16xf32>,
    %add3A_308 = arith.addf %add3A_303, %get3A_307 : vector<16xf32>
    %get3A_309 = arith.constant 15 : i32
    %get3A_310 = arith.index_cast %get3A_309 : i32 to index
    %get3A_311 = arith.constant 0 : index
    %get3A_312 = tpu.vector_load %arg6[%get3A_310, %get3A_311] {strides = array<i32>} : memref<16x16xf32, #tpu.memory_space<vmem>>, vector<16xf32>,
    %add3A_313 = arith.addf %add3A_308, %get3A_312 : vector<16xf32>
    %swap3A_314 = arith.constant 0 : index
    %swap3A_315 = tpu.vector_load %arg7[%swap3A_314] {strides = array<i32>} : memref<128xf32, #tpu.memory_space<vmem>>, vector<16xf32>,
    tpu.vector_store %arg7[%swap3A_314], %add3A_313 {strides = array<i32>} : memref<128xf32, #tpu.memory_space<vmem>>, vector<16xf32>,
    %swap3A_316 = arith.constant 0 : i32
    %swap3A_317 = arith.index_cast %swap3A_316 : i32 to index
    %swap3A_318 = arith.constant 0 : index
    %swap3A_319 = tpu.vector_load %arg6[%swap3A_317, %swap3A_318] {strides = array<i32>} : memref<16x16xf32, #tpu.memory_space<vmem>>, vector<16xf32>,
    tpu.vector_store %arg6[%swap3A_317, %swap3A_318], %broadcast_in_dim3A_11 {strides = array<i32>} : memref<16x16xf32, #tpu.memory_space<vmem>>, vector<16xf32>,
    %swap3A_320 = arith.constant 1 : i32
    %swap3A_321 = arith.index_cast %swap3A_320 : i32 to index
    %swap3A_322 = arith.constant 0 : index
    %swap3A_323 = tpu.vector_load %arg6[%swap3A_321, %swap3A_322] {strides = array<i32>} : memref<16x16xf32, #tpu.memory_space<vmem>>, vector<16xf32>,
    tpu.vector_store %arg6[%swap3A_321, %swap3A_322], %broadcast_in_dim3A_11 {strides = array<i32>} : memref<16x16xf32, #tpu.memory_space<vmem>>, vector<16xf32>,
    %swap3A_324 = arith.constant 2 : i32
    %swap3A_325 = arith.index_cast %swap3A_324 : i32 to index
    %swap3A_326 = arith.constant 0 : index
    %swap3A_327 = tpu.vector_load %arg6[%swap3A_325, %swap3A_326] {strides = array<i32>} : memref<16x16xf32, #tpu.memory_space<vmem>>, vector<16xf32>,
    tpu.vector_store %arg6[%swap3A_325, %swap3A_326], %broadcast_in_dim3A_11 {strides = array<i32>} : memref<16x16xf32, #tpu.memory_space<vmem>>, vector<16xf32>,
    %swap3A_328 = arith.constant 3 : i32
    %swap3A_329 = arith.index_cast %swap3A_328 : i32 to index
    %swap3A_330 = arith.constant 0 : index
    %swap3A_331 = tpu.vector_load %arg6[%swap3A_329, %swap3A_330] {strides = array<i32>} : memref<16x16xf32, #tpu.memory_space<vmem>>, vector<16xf32>,
    tpu.vector_store %arg6[%swap3A_329, %swap3A_330], %broadcast_in_dim3A_11 {strides = array<i32>} : memref<16x16xf32, #tpu.memory_space<vmem>>, vector<16xf32>,
    %swap3A_332 = arith.constant 4 : i32
    %swap3A_333 = arith.index_cast %swap3A_332 : i32 to index
    %swap3A_334 = arith.constant 0 : index
    %swap3A_335 = tpu.vector_load %arg6[%swap3A_333, %swap3A_334] {strides = array<i32>} : memref<16x16xf32, #tpu.memory_space<vmem>>, vector<16xf32>,
    tpu.vector_store %arg6[%swap3A_333, %swap3A_334], %broadcast_in_dim3A_11 {strides = array<i32>} : memref<16x16xf32, #tpu.memory_space<vmem>>, vector<16xf32>,
    %swap3A_336 = arith.constant 5 : i32
    %swap3A_337 = arith.index_cast %swap3A_336 : i32 to index
    %swap3A_338 = arith.constant 0 : index
    %swap3A_339 = tpu.vector_load %arg6[%swap3A_337, %swap3A_338] {strides = array<i32>} : memref<16x16xf32, #tpu.memory_space<vmem>>, vector<16xf32>,
    tpu.vector_store %arg6[%swap3A_337, %swap3A_338], %broadcast_in_dim3A_11 {strides = array<i32>} : memref<16x16xf32, #tpu.memory_space<vmem>>, vector<16xf32>,
    %swap3A_340 = arith.constant 6 : i32
    %swap3A_341 = arith.index_cast %swap3A_340 : i32 to index
    %swap3A_342 = arith.constant 0 : index
    %swap3A_343 = tpu.vector_load %arg6[%swap3A_341, %swap3A_342] {strides = array<i32>} : memref<16x16xf32, #tpu.memory_space<vmem>>, vector<16xf32>,
    tpu.vector_store %arg6[%swap3A_341, %swap3A_342], %broadcast_in_dim3A_11 {strides = array<i32>} : memref<16x16xf32, #tpu.memory_space<vmem>>, vector<16xf32>,
    %swap3A_344 = arith.constant 7 : i32
    %swap3A_345 = arith.index_cast %swap3A_344 : i32 to index
    %swap3A_346 = arith.constant 0 : index
    %swap3A_347 = tpu.vector_load %arg6[%swap3A_345, %swap3A_346] {strides = array<i32>} : memref<16x16xf32, #tpu.memory_space<vmem>>, vector<16xf32>,
    tpu.vector_store %arg6[%swap3A_345, %swap3A_346], %broadcast_in_dim3A_11 {strides = array<i32>} : memref<16x16xf32, #tpu.memory_space<vmem>>, vector<16xf32>,
    %swap3A_348 = arith.constant 8 : i32
    %swap3A_349 = arith.index_cast %swap3A_348 : i32 to index
    %swap3A_350 = arith.constant 0 : index
    %swap3A_351 = tpu.vector_load %arg6[%swap3A_349, %swap3A_350] {strides = array<i32>} : memref<16x16xf32, #tpu.memory_space<vmem>>, vector<16xf32>,
    tpu.vector_store %arg6[%swap3A_349, %swap3A_350], %broadcast_in_dim3A_11 {strides = array<i32>} : memref<16x16xf32, #tpu.memory_space<vmem>>, vector<16xf32>,
    %swap3A_352 = arith.constant 9 : i32
    %swap3A_353 = arith.index_cast %swap3A_352 : i32 to index
    %swap3A_354 = arith.constant 0 : index
    %swap3A_355 = tpu.vector_load %arg6[%swap3A_353, %swap3A_354] {strides = array<i32>} : memref<16x16xf32, #tpu.memory_space<vmem>>, vector<16xf32>,
    tpu.vector_store %arg6[%swap3A_353, %swap3A_354], %broadcast_in_dim3A_11 {strides = array<i32>} : memref<16x16xf32, #tpu.memory_space<vmem>>, vector<16xf32>,
    %swap3A_356 = arith.constant 10 : i32
    %swap3A_357 = arith.index_cast %swap3A_356 : i32 to index
    %swap3A_358 = arith.constant 0 : index
    %swap3A_359 = tpu.vector_load %arg6[%swap3A_357, %swap3A_358] {strides = array<i32>} : memref<16x16xf32, #tpu.memory_space<vmem>>, vector<16xf32>,
    tpu.vector_store %arg6[%swap3A_357, %swap3A_358], %broadcast_in_dim3A_11 {strides = array<i32>} : memref<16x16xf32, #tpu.memory_space<vmem>>, vector<16xf32>,
    %swap3A_360 = arith.constant 11 : i32
    %swap3A_361 = arith.index_cast %swap3A_360 : i32 to index
    %swap3A_362 = arith.constant 0 : index
    %swap3A_363 = tpu.vector_load %arg6[%swap3A_361, %swap3A_362] {strides = array<i32>} : memref<16x16xf32, #tpu.memory_space<vmem>>, vector<16xf32>,
    tpu.vector_store %arg6[%swap3A_361, %swap3A_362], %broadcast_in_dim3A_11 {strides = array<i32>} : memref<16x16xf32, #tpu.memory_space<vmem>>, vector<16xf32>,
    %swap3A_364 = arith.constant 12 : i32
    %swap3A_365 = arith.index_cast %swap3A_364 : i32 to index
    %swap3A_366 = arith.constant 0 : index
    %swap3A_367 = tpu.vector_load %arg6[%swap3A_365, %swap3A_366] {strides = array<i32>} : memref<16x16xf32, #tpu.memory_space<vmem>>, vector<16xf32>,
    tpu.vector_store %arg6[%swap3A_365, %swap3A_366], %broadcast_in_dim3A_11 {strides = array<i32>} : memref<16x16xf32, #tpu.memory_space<vmem>>, vector<16xf32>,
    %swap3A_368 = arith.constant 13 : i32
    %swap3A_369 = arith.index_cast %swap3A_368 : i32 to index
    %swap3A_370 = arith.constant 0 : index
    %swap3A_371 = tpu.vector_load %arg6[%swap3A_369, %swap3A_370] {strides = array<i32>} : memref<16x16xf32, #tpu.memory_space<vmem>>, vector<16xf32>,
    tpu.vector_store %arg6[%swap3A_369, %swap3A_370], %broadcast_in_dim3A_11 {strides = array<i32>} : memref<16x16xf32, #tpu.memory_space<vmem>>, vector<16xf32>,
    %swap3A_372 = arith.constant 14 : i32
    %swap3A_373 = arith.index_cast %swap3A_372 : i32 to index
    %swap3A_374 = arith.constant 0 : index
    %swap3A_375 = tpu.vector_load %arg6[%swap3A_373, %swap3A_374] {strides = array<i32>} : memref<16x16xf32, #tpu.memory_space<vmem>>, vector<16xf32>,
    tpu.vector_store %arg6[%swap3A_373, %swap3A_374], %broadcast_in_dim3A_11 {strides = array<i32>} : memref<16x16xf32, #tpu.memory_space<vmem>>, vector<16xf32>,
    %swap3A_376 = arith.constant 15 : i32
    %swap3A_377 = arith.index_cast %swap3A_376 : i32 to index
    %swap3A_378 = arith.constant 0 : index
    %swap3A_379 = tpu.vector_load %arg6[%swap3A_377, %swap3A_378] {strides = array<i32>} : memref<16x16xf32, #tpu.memory_space<vmem>>, vector<16xf32>,
    tpu.vector_store %arg6[%swap3A_377, %swap3A_378], %broadcast_in_dim3A_11 {strides = array<i32>} : memref<16x16xf32, #tpu.memory_space<vmem>>, vector<16xf32>,
    %dma_start3A_380 = arith.constant 1 : i32
    %dma_start3A_381 = arith.constant 224 : i32
    %dma_start3A_382 = arith.constant 0 : i32
    %dma_start3A_383 = tpu.memref_slice %arg2[%add3A, %dma_start3A_380, %dma_start3A_381, %dma_start3A_382] : memref<32x3x512x512xf32, #tpu.memory_space<hbm>> -> memref<1x1x48x512xf32, #tpu.memory_space<hbm>>
    %dma_start3A_384 = tpu.memref_squeeze %dma_start3A_383 : memref<1x1x48x512xf32, #tpu.memory_space<hbm>> -> memref<48x512xf32, #tpu.memory_space<hbm>>
    %dma_start3A_385 = arith.constant 224 : i32
    %dma_start3A_386 = arith.constant 0 : i32
    %dma_start3A_387 = tpu.memref_slice %arg2[%add3A, %dma_start3A_380, %dma_start3A_385, %dma_start3A_386] : memref<32x3x512x512xf32, #tpu.memory_space<hbm>> -> memref<1x1x48x512xf32, #tpu.memory_space<hbm>>
    %dma_start3A_388 = tpu.memref_squeeze %dma_start3A_387 : memref<1x1x48x512xf32, #tpu.memory_space<hbm>> -> memref<48x512xf32, #tpu.memory_space<hbm>>
    tpu.enqueue_dma source(%dma_start3A_388 : memref<48x512xf32, #tpu.memory_space<hbm>>) target(%arg4 : memref<48x512xf32, #tpu.memory_space<vmem>>) target_semaphore(%arg8 : memref<!tpu.dma_semaphore, #tpu.memory_space<semaphore_mem>>)
    %dma_wait3A_389 = arith.constant 1 : i32
    %dma_wait3A_390 = arith.constant 176 : i32
    %dma_wait3A_391 = arith.constant 0 : i32
    %dma_wait3A_392 = tpu.memref_slice %arg2[%add3A, %dma_wait3A_389, %dma_wait3A_390, %dma_wait3A_391] : memref<32x3x512x512xf32, #tpu.memory_space<hbm>> -> memref<1x1x48x512xf32, #tpu.memory_space<hbm>>
    %dma_wait3A_393 = tpu.memref_squeeze %dma_wait3A_392 : memref<1x1x48x512xf32, #tpu.memory_space<hbm>> -> memref<48x512xf32, #tpu.memory_space<hbm>>
    %dma_wait3A_394 = arith.constant 176 : i32
    %dma_wait3A_395 = arith.constant 0 : i32
    %dma_wait3A_396 = tpu.memref_slice %arg2[%add3A, %dma_wait3A_389, %dma_wait3A_394, %dma_wait3A_395] : memref<32x3x512x512xf32, #tpu.memory_space<hbm>> -> memref<1x1x48x512xf32, #tpu.memory_space<hbm>>
    %dma_wait3A_397 = tpu.memref_squeeze %dma_wait3A_396 : memref<1x1x48x512xf32, #tpu.memory_space<hbm>> -> memref<48x512xf32, #tpu.memory_space<hbm>>
    tpu.wait_dma2 semaphore(%arg9 : memref<!tpu.dma_semaphore, #tpu.memory_space<semaphore_mem>>) src(%dma_wait3A_397 : memref<48x512xf32, #tpu.memory_space<hbm>>) dst(%arg5 : memref<48x512xf32, #tpu.memory_space<vmem>>)
    %parallel_loop3A_398 = arith.constant 0 : i32
    %parallel_loop3A_399 = arith.constant 24576 : i32
    %parallel_loop3A_400 = arith.constant 16 : i32
    scf.for %parallel_loop3A_891 = %parallel_loop3A_398 to %parallel_loop3A_399 step %parallel_loop3A_400  : i32 {
      %parallel_loop3A_892 = arith.constant 9 : i32
      %parallel_loop3A_893 = arith.shrui %parallel_loop3A_891, %parallel_loop3A_892 : i32
      %parallel_loop3A_894 = arith.constant 511 : i32
      %parallel_loop3A_895 = arith.andi %parallel_loop3A_891, %parallel_loop3A_894 : i32
      %parallel_loop3A_896 = arith.index_cast %parallel_loop3A_893 : i32 to index
      %parallel_loop3A_897 = arith.index_cast %parallel_loop3A_895 : i32 to index
      %parallel_loop3A_898 = tpu.vector_load %arg5[%parallel_loop3A_896, %parallel_loop3A_897] {strides = array<i32>} : memref<48x512xf32, #tpu.memory_space<vmem>>, vector<16xf32>,
      %parallel_loop3A_899 = arith.constant 1.600000e+01 : f32
      %parallel_loop3A_900 = vector.broadcast %parallel_loop3A_899 : f32 to vector<16xf32>
      %parallel_loop3A_901 = arith.mulf %parallel_loop3A_898, %parallel_loop3A_900 : vector<16xf32>
      %parallel_loop3A_902 = arith.fptosi %parallel_loop3A_901 : vector<16xf32> to vector<16xi32>
      tpu.vector_store_idx %arg6[%iota3A, %parallel_loop3A_902], %broadcast_in_dim3A_9 {add = true} : memref<16x16xf32, #tpu.memory_space<vmem>>[vector<16xi32>, vector<16xi32>], vector<16xf32>,
    } {sc.loop_unroll_factor = 8 : i64, sc.parallel_access}
    %dma_start3A_401 = arith.constant 1 : i32
    %dma_start3A_402 = arith.constant 272 : i32
    %dma_start3A_403 = arith.constant 0 : i32
    %dma_start3A_404 = tpu.memref_slice %arg2[%add3A, %dma_start3A_401, %dma_start3A_402, %dma_start3A_403] : memref<32x3x512x512xf32, #tpu.memory_space<hbm>> -> memref<1x1x48x512xf32, #tpu.memory_space<hbm>>
    %dma_start3A_405 = tpu.memref_squeeze %dma_start3A_404 : memref<1x1x48x512xf32, #tpu.memory_space<hbm>> -> memref<48x512xf32, #tpu.memory_space<hbm>>
    %dma_start3A_406 = arith.constant 272 : i32
    %dma_start3A_407 = arith.constant 0 : i32
    %dma_start3A_408 = tpu.memref_slice %arg2[%add3A, %dma_start3A_401, %dma_start3A_406, %dma_start3A_407] : memref<32x3x512x512xf32, #tpu.memory_space<hbm>> -> memref<1x1x48x512xf32, #tpu.memory_space<hbm>>
    %dma_start3A_409 = tpu.memref_squeeze %dma_start3A_408 : memref<1x1x48x512xf32, #tpu.memory_space<hbm>> -> memref<48x512xf32, #tpu.memory_space<hbm>>
    tpu.enqueue_dma source(%dma_start3A_409 : memref<48x512xf32, #tpu.memory_space<hbm>>) target(%arg5 : memref<48x512xf32, #tpu.memory_space<vmem>>) target_semaphore(%arg9 : memref<!tpu.dma_semaphore, #tpu.memory_space<semaphore_mem>>)
    %dma_wait3A_410 = arith.constant 1 : i32
    %dma_wait3A_411 = arith.constant 224 : i32
    %dma_wait3A_412 = arith.constant 0 : i32
    %dma_wait3A_413 = tpu.memref_slice %arg2[%add3A, %dma_wait3A_410, %dma_wait3A_411, %dma_wait3A_412] : memref<32x3x512x512xf32, #tpu.memory_space<hbm>> -> memref<1x1x48x512xf32, #tpu.memory_space<hbm>>
    %dma_wait3A_414 = tpu.memref_squeeze %dma_wait3A_413 : memref<1x1x48x512xf32, #tpu.memory_space<hbm>> -> memref<48x512xf32, #tpu.memory_space<hbm>>
    %dma_wait3A_415 = arith.constant 224 : i32
    %dma_wait3A_416 = arith.constant 0 : i32
    %dma_wait3A_417 = tpu.memref_slice %arg2[%add3A, %dma_wait3A_410, %dma_wait3A_415, %dma_wait3A_416] : memref<32x3x512x512xf32, #tpu.memory_space<hbm>> -> memref<1x1x48x512xf32, #tpu.memory_space<hbm>>
    %dma_wait3A_418 = tpu.memref_squeeze %dma_wait3A_417 : memref<1x1x48x512xf32, #tpu.memory_space<hbm>> -> memref<48x512xf32, #tpu.memory_space<hbm>>
    tpu.wait_dma2 semaphore(%arg8 : memref<!tpu.dma_semaphore, #tpu.memory_space<semaphore_mem>>) src(%dma_wait3A_418 : memref<48x512xf32, #tpu.memory_space<hbm>>) dst(%arg4 : memref<48x512xf32, #tpu.memory_space<vmem>>)
    %parallel_loop3A_419 = arith.constant 0 : i32
    %parallel_loop3A_420 = arith.constant 24576 : i32
    %parallel_loop3A_421 = arith.constant 16 : i32
    scf.for %parallel_loop3A_891 = %parallel_loop3A_419 to %parallel_loop3A_420 step %parallel_loop3A_421  : i32 {
      %parallel_loop3A_892 = arith.constant 9 : i32
      %parallel_loop3A_893 = arith.shrui %parallel_loop3A_891, %parallel_loop3A_892 : i32
      %parallel_loop3A_894 = arith.constant 511 : i32
      %parallel_loop3A_895 = arith.andi %parallel_loop3A_891, %parallel_loop3A_894 : i32
      %parallel_loop3A_896 = arith.index_cast %parallel_loop3A_893 : i32 to index
      %parallel_loop3A_897 = arith.index_cast %parallel_loop3A_895 : i32 to index
      %parallel_loop3A_898 = tpu.vector_load %arg4[%parallel_loop3A_896, %parallel_loop3A_897] {strides = array<i32>} : memref<48x512xf32, #tpu.memory_space<vmem>>, vector<16xf32>,
      %parallel_loop3A_899 = arith.constant 1.600000e+01 : f32
      %parallel_loop3A_900 = vector.broadcast %parallel_loop3A_899 : f32 to vector<16xf32>
      %parallel_loop3A_901 = arith.mulf %parallel_loop3A_898, %parallel_loop3A_900 : vector<16xf32>
      %parallel_loop3A_902 = arith.fptosi %parallel_loop3A_901 : vector<16xf32> to vector<16xi32>
      tpu.vector_store_idx %arg6[%iota3A, %parallel_loop3A_902], %broadcast_in_dim3A_9 {add = true} : memref<16x16xf32, #tpu.memory_space<vmem>>[vector<16xi32>, vector<16xi32>], vector<16xf32>,
    } {sc.loop_unroll_factor = 8 : i64, sc.parallel_access}
    %dma_start3A_422 = arith.constant 1 : i32
    %dma_start3A_423 = arith.constant 320 : i32
    %dma_start3A_424 = arith.constant 0 : i32
    %dma_start3A_425 = tpu.memref_slice %arg2[%add3A, %dma_start3A_422, %dma_start3A_423, %dma_start3A_424] : memref<32x3x512x512xf32, #tpu.memory_space<hbm>> -> memref<1x1x48x512xf32, #tpu.memory_space<hbm>>
    %dma_start3A_426 = tpu.memref_squeeze %dma_start3A_425 : memref<1x1x48x512xf32, #tpu.memory_space<hbm>> -> memref<48x512xf32, #tpu.memory_space<hbm>>
    %dma_start3A_427 = arith.constant 320 : i32
    %dma_start3A_428 = arith.constant 0 : i32
    %dma_start3A_429 = tpu.memref_slice %arg2[%add3A, %dma_start3A_422, %dma_start3A_427, %dma_start3A_428] : memref<32x3x512x512xf32, #tpu.memory_space<hbm>> -> memref<1x1x48x512xf32, #tpu.memory_space<hbm>>
    %dma_start3A_430 = tpu.memref_squeeze %dma_start3A_429 : memref<1x1x48x512xf32, #tpu.memory_space<hbm>> -> memref<48x512xf32, #tpu.memory_space<hbm>>
    tpu.enqueue_dma source(%dma_start3A_430 : memref<48x512xf32, #tpu.memory_space<hbm>>) target(%arg4 : memref<48x512xf32, #tpu.memory_space<vmem>>) target_semaphore(%arg8 : memref<!tpu.dma_semaphore, #tpu.memory_space<semaphore_mem>>)
    %dma_wait3A_431 = arith.constant 1 : i32
    %dma_wait3A_432 = arith.constant 272 : i32
    %dma_wait3A_433 = arith.constant 0 : i32
    %dma_wait3A_434 = tpu.memref_slice %arg2[%add3A, %dma_wait3A_431, %dma_wait3A_432, %dma_wait3A_433] : memref<32x3x512x512xf32, #tpu.memory_space<hbm>> -> memref<1x1x48x512xf32, #tpu.memory_space<hbm>>
    %dma_wait3A_435 = tpu.memref_squeeze %dma_wait3A_434 : memref<1x1x48x512xf32, #tpu.memory_space<hbm>> -> memref<48x512xf32, #tpu.memory_space<hbm>>
    %dma_wait3A_436 = arith.constant 272 : i32
    %dma_wait3A_437 = arith.constant 0 : i32
    %dma_wait3A_438 = tpu.memref_slice %arg2[%add3A, %dma_wait3A_431, %dma_wait3A_436, %dma_wait3A_437] : memref<32x3x512x512xf32, #tpu.memory_space<hbm>> -> memref<1x1x48x512xf32, #tpu.memory_space<hbm>>
    %dma_wait3A_439 = tpu.memref_squeeze %dma_wait3A_438 : memref<1x1x48x512xf32, #tpu.memory_space<hbm>> -> memref<48x512xf32, #tpu.memory_space<hbm>>
    tpu.wait_dma2 semaphore(%arg9 : memref<!tpu.dma_semaphore, #tpu.memory_space<semaphore_mem>>) src(%dma_wait3A_439 : memref<48x512xf32, #tpu.memory_space<hbm>>) dst(%arg5 : memref<48x512xf32, #tpu.memory_space<vmem>>)
    %parallel_loop3A_440 = arith.constant 0 : i32
    %parallel_loop3A_441 = arith.constant 24576 : i32
    %parallel_loop3A_442 = arith.constant 16 : i32
    scf.for %parallel_loop3A_891 = %parallel_loop3A_440 to %parallel_loop3A_441 step %parallel_loop3A_442  : i32 {
      %parallel_loop3A_892 = arith.constant 9 : i32
      %parallel_loop3A_893 = arith.shrui %parallel_loop3A_891, %parallel_loop3A_892 : i32
      %parallel_loop3A_894 = arith.constant 511 : i32
      %parallel_loop3A_895 = arith.andi %parallel_loop3A_891, %parallel_loop3A_894 : i32
      %parallel_loop3A_896 = arith.index_cast %parallel_loop3A_893 : i32 to index
      %parallel_loop3A_897 = arith.index_cast %parallel_loop3A_895 : i32 to index
      %parallel_loop3A_898 = tpu.vector_load %arg5[%parallel_loop3A_896, %parallel_loop3A_897] {strides = array<i32>} : memref<48x512xf32, #tpu.memory_space<vmem>>, vector<16xf32>,
      %parallel_loop3A_899 = arith.constant 1.600000e+01 : f32
      %parallel_loop3A_900 = vector.broadcast %parallel_loop3A_899 : f32 to vector<16xf32>
      %parallel_loop3A_901 = arith.mulf %parallel_loop3A_898, %parallel_loop3A_900 : vector<16xf32>
      %parallel_loop3A_902 = arith.fptosi %parallel_loop3A_901 : vector<16xf32> to vector<16xi32>
      tpu.vector_store_idx %arg6[%iota3A, %parallel_loop3A_902], %broadcast_in_dim3A_9 {add = true} : memref<16x16xf32, #tpu.memory_space<vmem>>[vector<16xi32>, vector<16xi32>], vector<16xf32>,
    } {sc.loop_unroll_factor = 8 : i64, sc.parallel_access}
    %dma_start3A_443 = arith.constant 1 : i32
    %dma_start3A_444 = arith.constant 368 : i32
    %dma_start3A_445 = arith.constant 0 : i32
    %dma_start3A_446 = tpu.memref_slice %arg2[%add3A, %dma_start3A_443, %dma_start3A_444, %dma_start3A_445] : memref<32x3x512x512xf32, #tpu.memory_space<hbm>> -> memref<1x1x48x512xf32, #tpu.memory_space<hbm>>
    %dma_start3A_447 = tpu.memref_squeeze %dma_start3A_446 : memref<1x1x48x512xf32, #tpu.memory_space<hbm>> -> memref<48x512xf32, #tpu.memory_space<hbm>>
    %dma_start3A_448 = arith.constant 368 : i32
    %dma_start3A_449 = arith.constant 0 : i32
    %dma_start3A_450 = tpu.memref_slice %arg2[%add3A, %dma_start3A_443, %dma_start3A_448, %dma_start3A_449] : memref<32x3x512x512xf32, #tpu.memory_space<hbm>> -> memref<1x1x48x512xf32, #tpu.memory_space<hbm>>
    %dma_start3A_451 = tpu.memref_squeeze %dma_start3A_450 : memref<1x1x48x512xf32, #tpu.memory_space<hbm>> -> memref<48x512xf32, #tpu.memory_space<hbm>>
    tpu.enqueue_dma source(%dma_start3A_451 : memref<48x512xf32, #tpu.memory_space<hbm>>) target(%arg5 : memref<48x512xf32, #tpu.memory_space<vmem>>) target_semaphore(%arg9 : memref<!tpu.dma_semaphore, #tpu.memory_space<semaphore_mem>>)
    %dma_wait3A_452 = arith.constant 1 : i32
    %dma_wait3A_453 = arith.constant 320 : i32
    %dma_wait3A_454 = arith.constant 0 : i32
    %dma_wait3A_455 = tpu.memref_slice %arg2[%add3A, %dma_wait3A_452, %dma_wait3A_453, %dma_wait3A_454] : memref<32x3x512x512xf32, #tpu.memory_space<hbm>> -> memref<1x1x48x512xf32, #tpu.memory_space<hbm>>
    %dma_wait3A_456 = tpu.memref_squeeze %dma_wait3A_455 : memref<1x1x48x512xf32, #tpu.memory_space<hbm>> -> memref<48x512xf32, #tpu.memory_space<hbm>>
    %dma_wait3A_457 = arith.constant 320 : i32
    %dma_wait3A_458 = arith.constant 0 : i32
    %dma_wait3A_459 = tpu.memref_slice %arg2[%add3A, %dma_wait3A_452, %dma_wait3A_457, %dma_wait3A_458] : memref<32x3x512x512xf32, #tpu.memory_space<hbm>> -> memref<1x1x48x512xf32, #tpu.memory_space<hbm>>
    %dma_wait3A_460 = tpu.memref_squeeze %dma_wait3A_459 : memref<1x1x48x512xf32, #tpu.memory_space<hbm>> -> memref<48x512xf32, #tpu.memory_space<hbm>>
    tpu.wait_dma2 semaphore(%arg8 : memref<!tpu.dma_semaphore, #tpu.memory_space<semaphore_mem>>) src(%dma_wait3A_460 : memref<48x512xf32, #tpu.memory_space<hbm>>) dst(%arg4 : memref<48x512xf32, #tpu.memory_space<vmem>>)
    %parallel_loop3A_461 = arith.constant 0 : i32
    %parallel_loop3A_462 = arith.constant 24576 : i32
    %parallel_loop3A_463 = arith.constant 16 : i32
    scf.for %parallel_loop3A_891 = %parallel_loop3A_461 to %parallel_loop3A_462 step %parallel_loop3A_463  : i32 {
      %parallel_loop3A_892 = arith.constant 9 : i32
      %parallel_loop3A_893 = arith.shrui %parallel_loop3A_891, %parallel_loop3A_892 : i32
      %parallel_loop3A_894 = arith.constant 511 : i32
      %parallel_loop3A_895 = arith.andi %parallel_loop3A_891, %parallel_loop3A_894 : i32
      %parallel_loop3A_896 = arith.index_cast %parallel_loop3A_893 : i32 to index
      %parallel_loop3A_897 = arith.index_cast %parallel_loop3A_895 : i32 to index
      %parallel_loop3A_898 = tpu.vector_load %arg4[%parallel_loop3A_896, %parallel_loop3A_897] {strides = array<i32>} : memref<48x512xf32, #tpu.memory_space<vmem>>, vector<16xf32>,
      %parallel_loop3A_899 = arith.constant 1.600000e+01 : f32
      %parallel_loop3A_900 = vector.broadcast %parallel_loop3A_899 : f32 to vector<16xf32>
      %parallel_loop3A_901 = arith.mulf %parallel_loop3A_898, %parallel_loop3A_900 : vector<16xf32>
      %parallel_loop3A_902 = arith.fptosi %parallel_loop3A_901 : vector<16xf32> to vector<16xi32>
      tpu.vector_store_idx %arg6[%iota3A, %parallel_loop3A_902], %broadcast_in_dim3A_9 {add = true} : memref<16x16xf32, #tpu.memory_space<vmem>>[vector<16xi32>, vector<16xi32>], vector<16xf32>,
    } {sc.loop_unroll_factor = 8 : i64, sc.parallel_access}
    %dma_start3A_464 = arith.constant 1 : i32
    %dma_start3A_465 = arith.constant 416 : i32
    %dma_start3A_466 = arith.constant 0 : i32
    %dma_start3A_467 = tpu.memref_slice %arg2[%add3A, %dma_start3A_464, %dma_start3A_465, %dma_start3A_466] : memref<32x3x512x512xf32, #tpu.memory_space<hbm>> -> memref<1x1x48x512xf32, #tpu.memory_space<hbm>>
    %dma_start3A_468 = tpu.memref_squeeze %dma_start3A_467 : memref<1x1x48x512xf32, #tpu.memory_space<hbm>> -> memref<48x512xf32, #tpu.memory_space<hbm>>
    %dma_start3A_469 = arith.constant 416 : i32
    %dma_start3A_470 = arith.constant 0 : i32
    %dma_start3A_471 = tpu.memref_slice %arg2[%add3A, %dma_start3A_464, %dma_start3A_469, %dma_start3A_470] : memref<32x3x512x512xf32, #tpu.memory_space<hbm>> -> memref<1x1x48x512xf32, #tpu.memory_space<hbm>>
    %dma_start3A_472 = tpu.memref_squeeze %dma_start3A_471 : memref<1x1x48x512xf32, #tpu.memory_space<hbm>> -> memref<48x512xf32, #tpu.memory_space<hbm>>
    tpu.enqueue_dma source(%dma_start3A_472 : memref<48x512xf32, #tpu.memory_space<hbm>>) target(%arg4 : memref<48x512xf32, #tpu.memory_space<vmem>>) target_semaphore(%arg8 : memref<!tpu.dma_semaphore, #tpu.memory_space<semaphore_mem>>)
    %dma_wait3A_473 = arith.constant 1 : i32
    %dma_wait3A_474 = arith.constant 368 : i32
    %dma_wait3A_475 = arith.constant 0 : i32
    %dma_wait3A_476 = tpu.memref_slice %arg2[%add3A, %dma_wait3A_473, %dma_wait3A_474, %dma_wait3A_475] : memref<32x3x512x512xf32, #tpu.memory_space<hbm>> -> memref<1x1x48x512xf32, #tpu.memory_space<hbm>>
    %dma_wait3A_477 = tpu.memref_squeeze %dma_wait3A_476 : memref<1x1x48x512xf32, #tpu.memory_space<hbm>> -> memref<48x512xf32, #tpu.memory_space<hbm>>
    %dma_wait3A_478 = arith.constant 368 : i32
    %dma_wait3A_479 = arith.constant 0 : i32
    %dma_wait3A_480 = tpu.memref_slice %arg2[%add3A, %dma_wait3A_473, %dma_wait3A_478, %dma_wait3A_479] : memref<32x3x512x512xf32, #tpu.memory_space<hbm>> -> memref<1x1x48x512xf32, #tpu.memory_space<hbm>>
    %dma_wait3A_481 = tpu.memref_squeeze %dma_wait3A_480 : memref<1x1x48x512xf32, #tpu.memory_space<hbm>> -> memref<48x512xf32, #tpu.memory_space<hbm>>
    tpu.wait_dma2 semaphore(%arg9 : memref<!tpu.dma_semaphore, #tpu.memory_space<semaphore_mem>>) src(%dma_wait3A_481 : memref<48x512xf32, #tpu.memory_space<hbm>>) dst(%arg5 : memref<48x512xf32, #tpu.memory_space<vmem>>)
    %parallel_loop3A_482 = arith.constant 0 : i32
    %parallel_loop3A_483 = arith.constant 24576 : i32
    %parallel_loop3A_484 = arith.constant 16 : i32
    scf.for %parallel_loop3A_891 = %parallel_loop3A_482 to %parallel_loop3A_483 step %parallel_loop3A_484  : i32 {
      %parallel_loop3A_892 = arith.constant 9 : i32
      %parallel_loop3A_893 = arith.shrui %parallel_loop3A_891, %parallel_loop3A_892 : i32
      %parallel_loop3A_894 = arith.constant 511 : i32
      %parallel_loop3A_895 = arith.andi %parallel_loop3A_891, %parallel_loop3A_894 : i32
      %parallel_loop3A_896 = arith.index_cast %parallel_loop3A_893 : i32 to index
      %parallel_loop3A_897 = arith.index_cast %parallel_loop3A_895 : i32 to index
      %parallel_loop3A_898 = tpu.vector_load %arg5[%parallel_loop3A_896, %parallel_loop3A_897] {strides = array<i32>} : memref<48x512xf32, #tpu.memory_space<vmem>>, vector<16xf32>,
      %parallel_loop3A_899 = arith.constant 1.600000e+01 : f32
      %parallel_loop3A_900 = vector.broadcast %parallel_loop3A_899 : f32 to vector<16xf32>
      %parallel_loop3A_901 = arith.mulf %parallel_loop3A_898, %parallel_loop3A_900 : vector<16xf32>
      %parallel_loop3A_902 = arith.fptosi %parallel_loop3A_901 : vector<16xf32> to vector<16xi32>
      tpu.vector_store_idx %arg6[%iota3A, %parallel_loop3A_902], %broadcast_in_dim3A_9 {add = true} : memref<16x16xf32, #tpu.memory_space<vmem>>[vector<16xi32>, vector<16xi32>], vector<16xf32>,
    } {sc.loop_unroll_factor = 8 : i64, sc.parallel_access}
    %dma_start3A_485 = arith.constant 1 : i32
    %dma_start3A_486 = arith.constant 464 : i32
    %dma_start3A_487 = arith.constant 0 : i32
    %dma_start3A_488 = tpu.memref_slice %arg2[%add3A, %dma_start3A_485, %dma_start3A_486, %dma_start3A_487] : memref<32x3x512x512xf32, #tpu.memory_space<hbm>> -> memref<1x1x48x512xf32, #tpu.memory_space<hbm>>
    %dma_start3A_489 = tpu.memref_squeeze %dma_start3A_488 : memref<1x1x48x512xf32, #tpu.memory_space<hbm>> -> memref<48x512xf32, #tpu.memory_space<hbm>>
    %dma_start3A_490 = arith.constant 464 : i32
    %dma_start3A_491 = arith.constant 0 : i32
    %dma_start3A_492 = tpu.memref_slice %arg2[%add3A, %dma_start3A_485, %dma_start3A_490, %dma_start3A_491] : memref<32x3x512x512xf32, #tpu.memory_space<hbm>> -> memref<1x1x48x512xf32, #tpu.memory_space<hbm>>
    %dma_start3A_493 = tpu.memref_squeeze %dma_start3A_492 : memref<1x1x48x512xf32, #tpu.memory_space<hbm>> -> memref<48x512xf32, #tpu.memory_space<hbm>>
    tpu.enqueue_dma source(%dma_start3A_493 : memref<48x512xf32, #tpu.memory_space<hbm>>) target(%arg5 : memref<48x512xf32, #tpu.memory_space<vmem>>) target_semaphore(%arg9 : memref<!tpu.dma_semaphore, #tpu.memory_space<semaphore_mem>>)
    %dma_wait3A_494 = arith.constant 1 : i32
    %dma_wait3A_495 = arith.constant 416 : i32
    %dma_wait3A_496 = arith.constant 0 : i32
    %dma_wait3A_497 = tpu.memref_slice %arg2[%add3A, %dma_wait3A_494, %dma_wait3A_495, %dma_wait3A_496] : memref<32x3x512x512xf32, #tpu.memory_space<hbm>> -> memref<1x1x48x512xf32, #tpu.memory_space<hbm>>
    %dma_wait3A_498 = tpu.memref_squeeze %dma_wait3A_497 : memref<1x1x48x512xf32, #tpu.memory_space<hbm>> -> memref<48x512xf32, #tpu.memory_space<hbm>>
    %dma_wait3A_499 = arith.constant 416 : i32
    %dma_wait3A_500 = arith.constant 0 : i32
    %dma_wait3A_501 = tpu.memref_slice %arg2[%add3A, %dma_wait3A_494, %dma_wait3A_499, %dma_wait3A_500] : memref<32x3x512x512xf32, #tpu.memory_space<hbm>> -> memref<1x1x48x512xf32, #tpu.memory_space<hbm>>
    %dma_wait3A_502 = tpu.memref_squeeze %dma_wait3A_501 : memref<1x1x48x512xf32, #tpu.memory_space<hbm>> -> memref<48x512xf32, #tpu.memory_space<hbm>>
    tpu.wait_dma2 semaphore(%arg8 : memref<!tpu.dma_semaphore, #tpu.memory_space<semaphore_mem>>) src(%dma_wait3A_502 : memref<48x512xf32, #tpu.memory_space<hbm>>) dst(%arg4 : memref<48x512xf32, #tpu.memory_space<vmem>>)
    %parallel_loop3A_503 = arith.constant 0 : i32
    %parallel_loop3A_504 = arith.constant 24576 : i32
    %parallel_loop3A_505 = arith.constant 16 : i32
    scf.for %parallel_loop3A_891 = %parallel_loop3A_503 to %parallel_loop3A_504 step %parallel_loop3A_505  : i32 {
      %parallel_loop3A_892 = arith.constant 9 : i32
      %parallel_loop3A_893 = arith.shrui %parallel_loop3A_891, %parallel_loop3A_892 : i32
      %parallel_loop3A_894 = arith.constant 511 : i32
      %parallel_loop3A_895 = arith.andi %parallel_loop3A_891, %parallel_loop3A_894 : i32
      %parallel_loop3A_896 = arith.index_cast %parallel_loop3A_893 : i32 to index
      %parallel_loop3A_897 = arith.index_cast %parallel_loop3A_895 : i32 to index
      %parallel_loop3A_898 = tpu.vector_load %arg4[%parallel_loop3A_896, %parallel_loop3A_897] {strides = array<i32>} : memref<48x512xf32, #tpu.memory_space<vmem>>, vector<16xf32>,
      %parallel_loop3A_899 = arith.constant 1.600000e+01 : f32
      %parallel_loop3A_900 = vector.broadcast %parallel_loop3A_899 : f32 to vector<16xf32>
      %parallel_loop3A_901 = arith.mulf %parallel_loop3A_898, %parallel_loop3A_900 : vector<16xf32>
      %parallel_loop3A_902 = arith.fptosi %parallel_loop3A_901 : vector<16xf32> to vector<16xi32>
      tpu.vector_store_idx %arg6[%iota3A, %parallel_loop3A_902], %broadcast_in_dim3A_9 {add = true} : memref<16x16xf32, #tpu.memory_space<vmem>>[vector<16xi32>, vector<16xi32>], vector<16xf32>,
    } {sc.loop_unroll_factor = 8 : i64, sc.parallel_access}
    %dma_start3A_506 = arith.constant 2 : i32
    %dma_start3A_507 = arith.constant 176 : i32
    %dma_start3A_508 = arith.constant 0 : i32
    %dma_start3A_509 = tpu.memref_slice %arg2[%add3A, %dma_start3A_506, %dma_start3A_507, %dma_start3A_508] : memref<32x3x512x512xf32, #tpu.memory_space<hbm>> -> memref<1x1x48x512xf32, #tpu.memory_space<hbm>>
    %dma_start3A_510 = tpu.memref_squeeze %dma_start3A_509 : memref<1x1x48x512xf32, #tpu.memory_space<hbm>> -> memref<48x512xf32, #tpu.memory_space<hbm>>
    %dma_start3A_511 = arith.constant 176 : i32
    %dma_start3A_512 = arith.constant 0 : i32
    %dma_start3A_513 = tpu.memref_slice %arg2[%add3A, %dma_start3A_506, %dma_start3A_511, %dma_start3A_512] : memref<32x3x512x512xf32, #tpu.memory_space<hbm>> -> memref<1x1x48x512xf32, #tpu.memory_space<hbm>>
    %dma_start3A_514 = tpu.memref_squeeze %dma_start3A_513 : memref<1x1x48x512xf32, #tpu.memory_space<hbm>> -> memref<48x512xf32, #tpu.memory_space<hbm>>
    tpu.enqueue_dma source(%dma_start3A_514 : memref<48x512xf32, #tpu.memory_space<hbm>>) target(%arg4 : memref<48x512xf32, #tpu.memory_space<vmem>>) target_semaphore(%arg8 : memref<!tpu.dma_semaphore, #tpu.memory_space<semaphore_mem>>)
    %dma_wait3A_515 = arith.constant 1 : i32
    %dma_wait3A_516 = arith.constant 464 : i32
    %dma_wait3A_517 = arith.constant 0 : i32
    %dma_wait3A_518 = tpu.memref_slice %arg2[%add3A, %dma_wait3A_515, %dma_wait3A_516, %dma_wait3A_517] : memref<32x3x512x512xf32, #tpu.memory_space<hbm>> -> memref<1x1x48x512xf32, #tpu.memory_space<hbm>>
    %dma_wait3A_519 = tpu.memref_squeeze %dma_wait3A_518 : memref<1x1x48x512xf32, #tpu.memory_space<hbm>> -> memref<48x512xf32, #tpu.memory_space<hbm>>
    %dma_wait3A_520 = arith.constant 464 : i32
    %dma_wait3A_521 = arith.constant 0 : i32
    %dma_wait3A_522 = tpu.memref_slice %arg2[%add3A, %dma_wait3A_515, %dma_wait3A_520, %dma_wait3A_521] : memref<32x3x512x512xf32, #tpu.memory_space<hbm>> -> memref<1x1x48x512xf32, #tpu.memory_space<hbm>>
    %dma_wait3A_523 = tpu.memref_squeeze %dma_wait3A_522 : memref<1x1x48x512xf32, #tpu.memory_space<hbm>> -> memref<48x512xf32, #tpu.memory_space<hbm>>
    tpu.wait_dma2 semaphore(%arg9 : memref<!tpu.dma_semaphore, #tpu.memory_space<semaphore_mem>>) src(%dma_wait3A_523 : memref<48x512xf32, #tpu.memory_space<hbm>>) dst(%arg5 : memref<48x512xf32, #tpu.memory_space<vmem>>)
    %parallel_loop3A_524 = arith.constant 0 : i32
    %parallel_loop3A_525 = arith.constant 24576 : i32
    %parallel_loop3A_526 = arith.constant 16 : i32
    scf.for %parallel_loop3A_891 = %parallel_loop3A_524 to %parallel_loop3A_525 step %parallel_loop3A_526  : i32 {
      %parallel_loop3A_892 = arith.constant 9 : i32
      %parallel_loop3A_893 = arith.shrui %parallel_loop3A_891, %parallel_loop3A_892 : i32
      %parallel_loop3A_894 = arith.constant 511 : i32
      %parallel_loop3A_895 = arith.andi %parallel_loop3A_891, %parallel_loop3A_894 : i32
      %parallel_loop3A_896 = arith.index_cast %parallel_loop3A_893 : i32 to index
      %parallel_loop3A_897 = arith.index_cast %parallel_loop3A_895 : i32 to index
      %parallel_loop3A_898 = tpu.vector_load %arg5[%parallel_loop3A_896, %parallel_loop3A_897] {strides = array<i32>} : memref<48x512xf32, #tpu.memory_space<vmem>>, vector<16xf32>,
      %parallel_loop3A_899 = arith.constant 1.600000e+01 : f32
      %parallel_loop3A_900 = vector.broadcast %parallel_loop3A_899 : f32 to vector<16xf32>
      %parallel_loop3A_901 = arith.mulf %parallel_loop3A_898, %parallel_loop3A_900 : vector<16xf32>
      %parallel_loop3A_902 = arith.fptosi %parallel_loop3A_901 : vector<16xf32> to vector<16xi32>
      tpu.vector_store_idx %arg6[%iota3A, %parallel_loop3A_902], %broadcast_in_dim3A_9 {add = true} : memref<16x16xf32, #tpu.memory_space<vmem>>[vector<16xi32>, vector<16xi32>], vector<16xf32>,
    } {sc.loop_unroll_factor = 8 : i64, sc.parallel_access}
    %get3A_527 = arith.constant 0 : i32
    %get3A_528 = arith.index_cast %get3A_527 : i32 to index
    %get3A_529 = arith.constant 0 : index
    %get3A_530 = tpu.vector_load %arg6[%get3A_528, %get3A_529] {strides = array<i32>} : memref<16x16xf32, #tpu.memory_space<vmem>>, vector<16xf32>,
    %get3A_531 = arith.constant 1 : i32
    %get3A_532 = arith.index_cast %get3A_531 : i32 to index
    %get3A_533 = arith.constant 0 : index
    %get3A_534 = tpu.vector_load %arg6[%get3A_532, %get3A_533] {strides = array<i32>} : memref<16x16xf32, #tpu.memory_space<vmem>>, vector<16xf32>,
    %add3A_535 = arith.addf %get3A_530, %get3A_534 : vector<16xf32>
    %get3A_536 = arith.constant 2 : i32
    %get3A_537 = arith.index_cast %get3A_536 : i32 to index
    %get3A_538 = arith.constant 0 : index
    %get3A_539 = tpu.vector_load %arg6[%get3A_537, %get3A_538] {strides = array<i32>} : memref<16x16xf32, #tpu.memory_space<vmem>>, vector<16xf32>,
    %add3A_540 = arith.addf %add3A_535, %get3A_539 : vector<16xf32>
    %get3A_541 = arith.constant 3 : i32
    %get3A_542 = arith.index_cast %get3A_541 : i32 to index
    %get3A_543 = arith.constant 0 : index
    %get3A_544 = tpu.vector_load %arg6[%get3A_542, %get3A_543] {strides = array<i32>} : memref<16x16xf32, #tpu.memory_space<vmem>>, vector<16xf32>,
    %add3A_545 = arith.addf %add3A_540, %get3A_544 : vector<16xf32>
    %get3A_546 = arith.constant 4 : i32
    %get3A_547 = arith.index_cast %get3A_546 : i32 to index
    %get3A_548 = arith.constant 0 : index
    %get3A_549 = tpu.vector_load %arg6[%get3A_547, %get3A_548] {strides = array<i32>} : memref<16x16xf32, #tpu.memory_space<vmem>>, vector<16xf32>,
    %add3A_550 = arith.addf %add3A_545, %get3A_549 : vector<16xf32>
    %get3A_551 = arith.constant 5 : i32
    %get3A_552 = arith.index_cast %get3A_551 : i32 to index
    %get3A_553 = arith.constant 0 : index
    %get3A_554 = tpu.vector_load %arg6[%get3A_552, %get3A_553] {strides = array<i32>} : memref<16x16xf32, #tpu.memory_space<vmem>>, vector<16xf32>,
    %add3A_555 = arith.addf %add3A_550, %get3A_554 : vector<16xf32>
    %get3A_556 = arith.constant 6 : i32
    %get3A_557 = arith.index_cast %get3A_556 : i32 to index
    %get3A_558 = arith.constant 0 : index
    %get3A_559 = tpu.vector_load %arg6[%get3A_557, %get3A_558] {strides = array<i32>} : memref<16x16xf32, #tpu.memory_space<vmem>>, vector<16xf32>,
    %add3A_560 = arith.addf %add3A_555, %get3A_559 : vector<16xf32>
    %get3A_561 = arith.constant 7 : i32
    %get3A_562 = arith.index_cast %get3A_561 : i32 to index
    %get3A_563 = arith.constant 0 : index
    %get3A_564 = tpu.vector_load %arg6[%get3A_562, %get3A_563] {strides = array<i32>} : memref<16x16xf32, #tpu.memory_space<vmem>>, vector<16xf32>,
    %add3A_565 = arith.addf %add3A_560, %get3A_564 : vector<16xf32>
    %get3A_566 = arith.constant 8 : i32
    %get3A_567 = arith.index_cast %get3A_566 : i32 to index
    %get3A_568 = arith.constant 0 : index
    %get3A_569 = tpu.vector_load %arg6[%get3A_567, %get3A_568] {strides = array<i32>} : memref<16x16xf32, #tpu.memory_space<vmem>>, vector<16xf32>,
    %add3A_570 = arith.addf %add3A_565, %get3A_569 : vector<16xf32>
    %get3A_571 = arith.constant 9 : i32
    %get3A_572 = arith.index_cast %get3A_571 : i32 to index
    %get3A_573 = arith.constant 0 : index
    %get3A_574 = tpu.vector_load %arg6[%get3A_572, %get3A_573] {strides = array<i32>} : memref<16x16xf32, #tpu.memory_space<vmem>>, vector<16xf32>,
    %add3A_575 = arith.addf %add3A_570, %get3A_574 : vector<16xf32>
    %get3A_576 = arith.constant 10 : i32
    %get3A_577 = arith.index_cast %get3A_576 : i32 to index
    %get3A_578 = arith.constant 0 : index
    %get3A_579 = tpu.vector_load %arg6[%get3A_577, %get3A_578] {strides = array<i32>} : memref<16x16xf32, #tpu.memory_space<vmem>>, vector<16xf32>,
    %add3A_580 = arith.addf %add3A_575, %get3A_579 : vector<16xf32>
    %get3A_581 = arith.constant 11 : i32
    %get3A_582 = arith.index_cast %get3A_581 : i32 to index
    %get3A_583 = arith.constant 0 : index
    %get3A_584 = tpu.vector_load %arg6[%get3A_582, %get3A_583] {strides = array<i32>} : memref<16x16xf32, #tpu.memory_space<vmem>>, vector<16xf32>,
    %add3A_585 = arith.addf %add3A_580, %get3A_584 : vector<16xf32>
    %get3A_586 = arith.constant 12 : i32
    %get3A_587 = arith.index_cast %get3A_586 : i32 to index
    %get3A_588 = arith.constant 0 : index
    %get3A_589 = tpu.vector_load %arg6[%get3A_587, %get3A_588] {strides = array<i32>} : memref<16x16xf32, #tpu.memory_space<vmem>>, vector<16xf32>,
    %add3A_590 = arith.addf %add3A_585, %get3A_589 : vector<16xf32>
    %get3A_591 = arith.constant 13 : i32
    %get3A_592 = arith.index_cast %get3A_591 : i32 to index
    %get3A_593 = arith.constant 0 : index
    %get3A_594 = tpu.vector_load %arg6[%get3A_592, %get3A_593] {strides = array<i32>} : memref<16x16xf32, #tpu.memory_space<vmem>>, vector<16xf32>,
    %add3A_595 = arith.addf %add3A_590, %get3A_594 : vector<16xf32>
    %get3A_596 = arith.constant 14 : i32
    %get3A_597 = arith.index_cast %get3A_596 : i32 to index
    %get3A_598 = arith.constant 0 : index
    %get3A_599 = tpu.vector_load %arg6[%get3A_597, %get3A_598] {strides = array<i32>} : memref<16x16xf32, #tpu.memory_space<vmem>>, vector<16xf32>,
    %add3A_600 = arith.addf %add3A_595, %get3A_599 : vector<16xf32>
    %get3A_601 = arith.constant 15 : i32
    %get3A_602 = arith.index_cast %get3A_601 : i32 to index
    %get3A_603 = arith.constant 0 : index
    %get3A_604 = tpu.vector_load %arg6[%get3A_602, %get3A_603] {strides = array<i32>} : memref<16x16xf32, #tpu.memory_space<vmem>>, vector<16xf32>,
    %add3A_605 = arith.addf %add3A_600, %get3A_604 : vector<16xf32>
    %swap3A_606 = arith.constant 16 : index
    %swap3A_607 = tpu.vector_load %arg7[%swap3A_606] {strides = array<i32>} : memref<128xf32, #tpu.memory_space<vmem>>, vector<16xf32>,
    tpu.vector_store %arg7[%swap3A_606], %add3A_605 {strides = array<i32>} : memref<128xf32, #tpu.memory_space<vmem>>, vector<16xf32>,
    %swap3A_608 = arith.constant 0 : i32
    %swap3A_609 = arith.index_cast %swap3A_608 : i32 to index
    %swap3A_610 = arith.constant 0 : index
    %swap3A_611 = tpu.vector_load %arg6[%swap3A_609, %swap3A_610] {strides = array<i32>} : memref<16x16xf32, #tpu.memory_space<vmem>>, vector<16xf32>,
    tpu.vector_store %arg6[%swap3A_609, %swap3A_610], %broadcast_in_dim3A_11 {strides = array<i32>} : memref<16x16xf32, #tpu.memory_space<vmem>>, vector<16xf32>,
    %swap3A_612 = arith.constant 1 : i32
    %swap3A_613 = arith.index_cast %swap3A_612 : i32 to index
    %swap3A_614 = arith.constant 0 : index
    %swap3A_615 = tpu.vector_load %arg6[%swap3A_613, %swap3A_614] {strides = array<i32>} : memref<16x16xf32, #tpu.memory_space<vmem>>, vector<16xf32>,
    tpu.vector_store %arg6[%swap3A_613, %swap3A_614], %broadcast_in_dim3A_11 {strides = array<i32>} : memref<16x16xf32, #tpu.memory_space<vmem>>, vector<16xf32>,
    %swap3A_616 = arith.constant 2 : i32
    %swap3A_617 = arith.index_cast %swap3A_616 : i32 to index
    %swap3A_618 = arith.constant 0 : index
    %swap3A_619 = tpu.vector_load %arg6[%swap3A_617, %swap3A_618] {strides = array<i32>} : memref<16x16xf32, #tpu.memory_space<vmem>>, vector<16xf32>,
    tpu.vector_store %arg6[%swap3A_617, %swap3A_618], %broadcast_in_dim3A_11 {strides = array<i32>} : memref<16x16xf32, #tpu.memory_space<vmem>>, vector<16xf32>,
    %swap3A_620 = arith.constant 3 : i32
    %swap3A_621 = arith.index_cast %swap3A_620 : i32 to index
    %swap3A_622 = arith.constant 0 : index
    %swap3A_623 = tpu.vector_load %arg6[%swap3A_621, %swap3A_622] {strides = array<i32>} : memref<16x16xf32, #tpu.memory_space<vmem>>, vector<16xf32>,
    tpu.vector_store %arg6[%swap3A_621, %swap3A_622], %broadcast_in_dim3A_11 {strides = array<i32>} : memref<16x16xf32, #tpu.memory_space<vmem>>, vector<16xf32>,
    %swap3A_624 = arith.constant 4 : i32
    %swap3A_625 = arith.index_cast %swap3A_624 : i32 to index
    %swap3A_626 = arith.constant 0 : index
    %swap3A_627 = tpu.vector_load %arg6[%swap3A_625, %swap3A_626] {strides = array<i32>} : memref<16x16xf32, #tpu.memory_space<vmem>>, vector<16xf32>,
    tpu.vector_store %arg6[%swap3A_625, %swap3A_626], %broadcast_in_dim3A_11 {strides = array<i32>} : memref<16x16xf32, #tpu.memory_space<vmem>>, vector<16xf32>,
    %swap3A_628 = arith.constant 5 : i32
    %swap3A_629 = arith.index_cast %swap3A_628 : i32 to index
    %swap3A_630 = arith.constant 0 : index
    %swap3A_631 = tpu.vector_load %arg6[%swap3A_629, %swap3A_630] {strides = array<i32>} : memref<16x16xf32, #tpu.memory_space<vmem>>, vector<16xf32>,
    tpu.vector_store %arg6[%swap3A_629, %swap3A_630], %broadcast_in_dim3A_11 {strides = array<i32>} : memref<16x16xf32, #tpu.memory_space<vmem>>, vector<16xf32>,
    %swap3A_632 = arith.constant 6 : i32
    %swap3A_633 = arith.index_cast %swap3A_632 : i32 to index
    %swap3A_634 = arith.constant 0 : index
    %swap3A_635 = tpu.vector_load %arg6[%swap3A_633, %swap3A_634] {strides = array<i32>} : memref<16x16xf32, #tpu.memory_space<vmem>>, vector<16xf32>,
    tpu.vector_store %arg6[%swap3A_633, %swap3A_634], %broadcast_in_dim3A_11 {strides = array<i32>} : memref<16x16xf32, #tpu.memory_space<vmem>>, vector<16xf32>,
    %swap3A_636 = arith.constant 7 : i32
    %swap3A_637 = arith.index_cast %swap3A_636 : i32 to index
    %swap3A_638 = arith.constant 0 : index
    %swap3A_639 = tpu.vector_load %arg6[%swap3A_637, %swap3A_638] {strides = array<i32>} : memref<16x16xf32, #tpu.memory_space<vmem>>, vector<16xf32>,
    tpu.vector_store %arg6[%swap3A_637, %swap3A_638], %broadcast_in_dim3A_11 {strides = array<i32>} : memref<16x16xf32, #tpu.memory_space<vmem>>, vector<16xf32>,
    %swap3A_640 = arith.constant 8 : i32
    %swap3A_641 = arith.index_cast %swap3A_640 : i32 to index
    %swap3A_642 = arith.constant 0 : index
    %swap3A_643 = tpu.vector_load %arg6[%swap3A_641, %swap3A_642] {strides = array<i32>} : memref<16x16xf32, #tpu.memory_space<vmem>>, vector<16xf32>,
    tpu.vector_store %arg6[%swap3A_641, %swap3A_642], %broadcast_in_dim3A_11 {strides = array<i32>} : memref<16x16xf32, #tpu.memory_space<vmem>>, vector<16xf32>,
    %swap3A_644 = arith.constant 9 : i32
    %swap3A_645 = arith.index_cast %swap3A_644 : i32 to index
    %swap3A_646 = arith.constant 0 : index
    %swap3A_647 = tpu.vector_load %arg6[%swap3A_645, %swap3A_646] {strides = array<i32>} : memref<16x16xf32, #tpu.memory_space<vmem>>, vector<16xf32>,
    tpu.vector_store %arg6[%swap3A_645, %swap3A_646], %broadcast_in_dim3A_11 {strides = array<i32>} : memref<16x16xf32, #tpu.memory_space<vmem>>, vector<16xf32>,
    %swap3A_648 = arith.constant 10 : i32
    %swap3A_649 = arith.index_cast %swap3A_648 : i32 to index
    %swap3A_650 = arith.constant 0 : index
    %swap3A_651 = tpu.vector_load %arg6[%swap3A_649, %swap3A_650] {strides = array<i32>} : memref<16x16xf32, #tpu.memory_space<vmem>>, vector<16xf32>,
    tpu.vector_store %arg6[%swap3A_649, %swap3A_650], %broadcast_in_dim3A_11 {strides = array<i32>} : memref<16x16xf32, #tpu.memory_space<vmem>>, vector<16xf32>,
    %swap3A_652 = arith.constant 11 : i32
    %swap3A_653 = arith.index_cast %swap3A_652 : i32 to index
    %swap3A_654 = arith.constant 0 : index
    %swap3A_655 = tpu.vector_load %arg6[%swap3A_653, %swap3A_654] {strides = array<i32>} : memref<16x16xf32, #tpu.memory_space<vmem>>, vector<16xf32>,
    tpu.vector_store %arg6[%swap3A_653, %swap3A_654], %broadcast_in_dim3A_11 {strides = array<i32>} : memref<16x16xf32, #tpu.memory_space<vmem>>, vector<16xf32>,
    %swap3A_656 = arith.constant 12 : i32
    %swap3A_657 = arith.index_cast %swap3A_656 : i32 to index
    %swap3A_658 = arith.constant 0 : index
    %swap3A_659 = tpu.vector_load %arg6[%swap3A_657, %swap3A_658] {strides = array<i32>} : memref<16x16xf32, #tpu.memory_space<vmem>>, vector<16xf32>,
    tpu.vector_store %arg6[%swap3A_657, %swap3A_658], %broadcast_in_dim3A_11 {strides = array<i32>} : memref<16x16xf32, #tpu.memory_space<vmem>>, vector<16xf32>,
    %swap3A_660 = arith.constant 13 : i32
    %swap3A_661 = arith.index_cast %swap3A_660 : i32 to index
    %swap3A_662 = arith.constant 0 : index
    %swap3A_663 = tpu.vector_load %arg6[%swap3A_661, %swap3A_662] {strides = array<i32>} : memref<16x16xf32, #tpu.memory_space<vmem>>, vector<16xf32>,
    tpu.vector_store %arg6[%swap3A_661, %swap3A_662], %broadcast_in_dim3A_11 {strides = array<i32>} : memref<16x16xf32, #tpu.memory_space<vmem>>, vector<16xf32>,
    %swap3A_664 = arith.constant 14 : i32
    %swap3A_665 = arith.index_cast %swap3A_664 : i32 to index
    %swap3A_666 = arith.constant 0 : index
    %swap3A_667 = tpu.vector_load %arg6[%swap3A_665, %swap3A_666] {strides = array<i32>} : memref<16x16xf32, #tpu.memory_space<vmem>>, vector<16xf32>,
    tpu.vector_store %arg6[%swap3A_665, %swap3A_666], %broadcast_in_dim3A_11 {strides = array<i32>} : memref<16x16xf32, #tpu.memory_space<vmem>>, vector<16xf32>,
    %swap3A_668 = arith.constant 15 : i32
    %swap3A_669 = arith.index_cast %swap3A_668 : i32 to index
    %swap3A_670 = arith.constant 0 : index
    %swap3A_671 = tpu.vector_load %arg6[%swap3A_669, %swap3A_670] {strides = array<i32>} : memref<16x16xf32, #tpu.memory_space<vmem>>, vector<16xf32>,
    tpu.vector_store %arg6[%swap3A_669, %swap3A_670], %broadcast_in_dim3A_11 {strides = array<i32>} : memref<16x16xf32, #tpu.memory_space<vmem>>, vector<16xf32>,
    %dma_start3A_672 = arith.constant 2 : i32
    %dma_start3A_673 = arith.constant 224 : i32
    %dma_start3A_674 = arith.constant 0 : i32
    %dma_start3A_675 = tpu.memref_slice %arg2[%add3A, %dma_start3A_672, %dma_start3A_673, %dma_start3A_674] : memref<32x3x512x512xf32, #tpu.memory_space<hbm>> -> memref<1x1x48x512xf32, #tpu.memory_space<hbm>>
    %dma_start3A_676 = tpu.memref_squeeze %dma_start3A_675 : memref<1x1x48x512xf32, #tpu.memory_space<hbm>> -> memref<48x512xf32, #tpu.memory_space<hbm>>
    %dma_start3A_677 = arith.constant 224 : i32
    %dma_start3A_678 = arith.constant 0 : i32
    %dma_start3A_679 = tpu.memref_slice %arg2[%add3A, %dma_start3A_672, %dma_start3A_677, %dma_start3A_678] : memref<32x3x512x512xf32, #tpu.memory_space<hbm>> -> memref<1x1x48x512xf32, #tpu.memory_space<hbm>>
    %dma_start3A_680 = tpu.memref_squeeze %dma_start3A_679 : memref<1x1x48x512xf32, #tpu.memory_space<hbm>> -> memref<48x512xf32, #tpu.memory_space<hbm>>
    tpu.enqueue_dma source(%dma_start3A_680 : memref<48x512xf32, #tpu.memory_space<hbm>>) target(%arg5 : memref<48x512xf32, #tpu.memory_space<vmem>>) target_semaphore(%arg9 : memref<!tpu.dma_semaphore, #tpu.memory_space<semaphore_mem>>)
    %dma_wait3A_681 = arith.constant 2 : i32
    %dma_wait3A_682 = arith.constant 176 : i32
    %dma_wait3A_683 = arith.constant 0 : i32
    %dma_wait3A_684 = tpu.memref_slice %arg2[%add3A, %dma_wait3A_681, %dma_wait3A_682, %dma_wait3A_683] : memref<32x3x512x512xf32, #tpu.memory_space<hbm>> -> memref<1x1x48x512xf32, #tpu.memory_space<hbm>>
    %dma_wait3A_685 = tpu.memref_squeeze %dma_wait3A_684 : memref<1x1x48x512xf32, #tpu.memory_space<hbm>> -> memref<48x512xf32, #tpu.memory_space<hbm>>
    %dma_wait3A_686 = arith.constant 176 : i32
    %dma_wait3A_687 = arith.constant 0 : i32
    %dma_wait3A_688 = tpu.memref_slice %arg2[%add3A, %dma_wait3A_681, %dma_wait3A_686, %dma_wait3A_687] : memref<32x3x512x512xf32, #tpu.memory_space<hbm>> -> memref<1x1x48x512xf32, #tpu.memory_space<hbm>>
    %dma_wait3A_689 = tpu.memref_squeeze %dma_wait3A_688 : memref<1x1x48x512xf32, #tpu.memory_space<hbm>> -> memref<48x512xf32, #tpu.memory_space<hbm>>
    tpu.wait_dma2 semaphore(%arg8 : memref<!tpu.dma_semaphore, #tpu.memory_space<semaphore_mem>>) src(%dma_wait3A_689 : memref<48x512xf32, #tpu.memory_space<hbm>>) dst(%arg4 : memref<48x512xf32, #tpu.memory_space<vmem>>)
    %parallel_loop3A_690 = arith.constant 0 : i32
    %parallel_loop3A_691 = arith.constant 24576 : i32
    %parallel_loop3A_692 = arith.constant 16 : i32
    scf.for %parallel_loop3A_891 = %parallel_loop3A_690 to %parallel_loop3A_691 step %parallel_loop3A_692  : i32 {
      %parallel_loop3A_892 = arith.constant 9 : i32
      %parallel_loop3A_893 = arith.shrui %parallel_loop3A_891, %parallel_loop3A_892 : i32
      %parallel_loop3A_894 = arith.constant 511 : i32
      %parallel_loop3A_895 = arith.andi %parallel_loop3A_891, %parallel_loop3A_894 : i32
      %parallel_loop3A_896 = arith.index_cast %parallel_loop3A_893 : i32 to index
      %parallel_loop3A_897 = arith.index_cast %parallel_loop3A_895 : i32 to index
      %parallel_loop3A_898 = tpu.vector_load %arg4[%parallel_loop3A_896, %parallel_loop3A_897] {strides = array<i32>} : memref<48x512xf32, #tpu.memory_space<vmem>>, vector<16xf32>,
      %parallel_loop3A_899 = arith.constant 1.600000e+01 : f32
      %parallel_loop3A_900 = vector.broadcast %parallel_loop3A_899 : f32 to vector<16xf32>
      %parallel_loop3A_901 = arith.mulf %parallel_loop3A_898, %parallel_loop3A_900 : vector<16xf32>
      %parallel_loop3A_902 = arith.fptosi %parallel_loop3A_901 : vector<16xf32> to vector<16xi32>
      tpu.vector_store_idx %arg6[%iota3A, %parallel_loop3A_902], %broadcast_in_dim3A_9 {add = true} : memref<16x16xf32, #tpu.memory_space<vmem>>[vector<16xi32>, vector<16xi32>], vector<16xf32>,
    } {sc.loop_unroll_factor = 8 : i64, sc.parallel_access}
    %dma_start3A_693 = arith.constant 2 : i32
    %dma_start3A_694 = arith.constant 272 : i32
    %dma_start3A_695 = arith.constant 0 : i32
    %dma_start3A_696 = tpu.memref_slice %arg2[%add3A, %dma_start3A_693, %dma_start3A_694, %dma_start3A_695] : memref<32x3x512x512xf32, #tpu.memory_space<hbm>> -> memref<1x1x48x512xf32, #tpu.memory_space<hbm>>
    %dma_start3A_697 = tpu.memref_squeeze %dma_start3A_696 : memref<1x1x48x512xf32, #tpu.memory_space<hbm>> -> memref<48x512xf32, #tpu.memory_space<hbm>>
    %dma_start3A_698 = arith.constant 272 : i32
    %dma_start3A_699 = arith.constant 0 : i32
    %dma_start3A_700 = tpu.memref_slice %arg2[%add3A, %dma_start3A_693, %dma_start3A_698, %dma_start3A_699] : memref<32x3x512x512xf32, #tpu.memory_space<hbm>> -> memref<1x1x48x512xf32, #tpu.memory_space<hbm>>
    %dma_start3A_701 = tpu.memref_squeeze %dma_start3A_700 : memref<1x1x48x512xf32, #tpu.memory_space<hbm>> -> memref<48x512xf32, #tpu.memory_space<hbm>>
    tpu.enqueue_dma source(%dma_start3A_701 : memref<48x512xf32, #tpu.memory_space<hbm>>) target(%arg4 : memref<48x512xf32, #tpu.memory_space<vmem>>) target_semaphore(%arg8 : memref<!tpu.dma_semaphore, #tpu.memory_space<semaphore_mem>>)
    %dma_wait3A_702 = arith.constant 2 : i32
    %dma_wait3A_703 = arith.constant 224 : i32
    %dma_wait3A_704 = arith.constant 0 : i32
    %dma_wait3A_705 = tpu.memref_slice %arg2[%add3A, %dma_wait3A_702, %dma_wait3A_703, %dma_wait3A_704] : memref<32x3x512x512xf32, #tpu.memory_space<hbm>> -> memref<1x1x48x512xf32, #tpu.memory_space<hbm>>
    %dma_wait3A_706 = tpu.memref_squeeze %dma_wait3A_705 : memref<1x1x48x512xf32, #tpu.memory_space<hbm>> -> memref<48x512xf32, #tpu.memory_space<hbm>>
    %dma_wait3A_707 = arith.constant 224 : i32
    %dma_wait3A_708 = arith.constant 0 : i32
    %dma_wait3A_709 = tpu.memref_slice %arg2[%add3A, %dma_wait3A_702, %dma_wait3A_707, %dma_wait3A_708] : memref<32x3x512x512xf32, #tpu.memory_space<hbm>> -> memref<1x1x48x512xf32, #tpu.memory_space<hbm>>
    %dma_wait3A_710 = tpu.memref_squeeze %dma_wait3A_709 : memref<1x1x48x512xf32, #tpu.memory_space<hbm>> -> memref<48x512xf32, #tpu.memory_space<hbm>>
    tpu.wait_dma2 semaphore(%arg9 : memref<!tpu.dma_semaphore, #tpu.memory_space<semaphore_mem>>) src(%dma_wait3A_710 : memref<48x512xf32, #tpu.memory_space<hbm>>) dst(%arg5 : memref<48x512xf32, #tpu.memory_space<vmem>>)
    %parallel_loop3A_711 = arith.constant 0 : i32
    %parallel_loop3A_712 = arith.constant 24576 : i32
    %parallel_loop3A_713 = arith.constant 16 : i32
    scf.for %parallel_loop3A_891 = %parallel_loop3A_711 to %parallel_loop3A_712 step %parallel_loop3A_713  : i32 {
      %parallel_loop3A_892 = arith.constant 9 : i32
      %parallel_loop3A_893 = arith.shrui %parallel_loop3A_891, %parallel_loop3A_892 : i32
      %parallel_loop3A_894 = arith.constant 511 : i32
      %parallel_loop3A_895 = arith.andi %parallel_loop3A_891, %parallel_loop3A_894 : i32
      %parallel_loop3A_896 = arith.index_cast %parallel_loop3A_893 : i32 to index
      %parallel_loop3A_897 = arith.index_cast %parallel_loop3A_895 : i32 to index
      %parallel_loop3A_898 = tpu.vector_load %arg5[%parallel_loop3A_896, %parallel_loop3A_897] {strides = array<i32>} : memref<48x512xf32, #tpu.memory_space<vmem>>, vector<16xf32>,
      %parallel_loop3A_899 = arith.constant 1.600000e+01 : f32
      %parallel_loop3A_900 = vector.broadcast %parallel_loop3A_899 : f32 to vector<16xf32>
      %parallel_loop3A_901 = arith.mulf %parallel_loop3A_898, %parallel_loop3A_900 : vector<16xf32>
      %parallel_loop3A_902 = arith.fptosi %parallel_loop3A_901 : vector<16xf32> to vector<16xi32>
      tpu.vector_store_idx %arg6[%iota3A, %parallel_loop3A_902], %broadcast_in_dim3A_9 {add = true} : memref<16x16xf32, #tpu.memory_space<vmem>>[vector<16xi32>, vector<16xi32>], vector<16xf32>,
    } {sc.loop_unroll_factor = 8 : i64, sc.parallel_access}
    %dma_start3A_714 = arith.constant 2 : i32
    %dma_start3A_715 = arith.constant 320 : i32
    %dma_start3A_716 = arith.constant 0 : i32
    %dma_start3A_717 = tpu.memref_slice %arg2[%add3A, %dma_start3A_714, %dma_start3A_715, %dma_start3A_716] : memref<32x3x512x512xf32, #tpu.memory_space<hbm>> -> memref<1x1x48x512xf32, #tpu.memory_space<hbm>>
    %dma_start3A_718 = tpu.memref_squeeze %dma_start3A_717 : memref<1x1x48x512xf32, #tpu.memory_space<hbm>> -> memref<48x512xf32, #tpu.memory_space<hbm>>
    %dma_start3A_719 = arith.constant 320 : i32
    %dma_start3A_720 = arith.constant 0 : i32
    %dma_start3A_721 = tpu.memref_slice %arg2[%add3A, %dma_start3A_714, %dma_start3A_719, %dma_start3A_720] : memref<32x3x512x512xf32, #tpu.memory_space<hbm>> -> memref<1x1x48x512xf32, #tpu.memory_space<hbm>>
    %dma_start3A_722 = tpu.memref_squeeze %dma_start3A_721 : memref<1x1x48x512xf32, #tpu.memory_space<hbm>> -> memref<48x512xf32, #tpu.memory_space<hbm>>
    tpu.enqueue_dma source(%dma_start3A_722 : memref<48x512xf32, #tpu.memory_space<hbm>>) target(%arg5 : memref<48x512xf32, #tpu.memory_space<vmem>>) target_semaphore(%arg9 : memref<!tpu.dma_semaphore, #tpu.memory_space<semaphore_mem>>)
    %dma_wait3A_723 = arith.constant 2 : i32
    %dma_wait3A_724 = arith.constant 272 : i32
    %dma_wait3A_725 = arith.constant 0 : i32
    %dma_wait3A_726 = tpu.memref_slice %arg2[%add3A, %dma_wait3A_723, %dma_wait3A_724, %dma_wait3A_725] : memref<32x3x512x512xf32, #tpu.memory_space<hbm>> -> memref<1x1x48x512xf32, #tpu.memory_space<hbm>>
    %dma_wait3A_727 = tpu.memref_squeeze %dma_wait3A_726 : memref<1x1x48x512xf32, #tpu.memory_space<hbm>> -> memref<48x512xf32, #tpu.memory_space<hbm>>
    %dma_wait3A_728 = arith.constant 272 : i32
    %dma_wait3A_729 = arith.constant 0 : i32
    %dma_wait3A_730 = tpu.memref_slice %arg2[%add3A, %dma_wait3A_723, %dma_wait3A_728, %dma_wait3A_729] : memref<32x3x512x512xf32, #tpu.memory_space<hbm>> -> memref<1x1x48x512xf32, #tpu.memory_space<hbm>>
    %dma_wait3A_731 = tpu.memref_squeeze %dma_wait3A_730 : memref<1x1x48x512xf32, #tpu.memory_space<hbm>> -> memref<48x512xf32, #tpu.memory_space<hbm>>
    tpu.wait_dma2 semaphore(%arg8 : memref<!tpu.dma_semaphore, #tpu.memory_space<semaphore_mem>>) src(%dma_wait3A_731 : memref<48x512xf32, #tpu.memory_space<hbm>>) dst(%arg4 : memref<48x512xf32, #tpu.memory_space<vmem>>)
    %parallel_loop3A_732 = arith.constant 0 : i32
    %parallel_loop3A_733 = arith.constant 24576 : i32
    %parallel_loop3A_734 = arith.constant 16 : i32
    scf.for %parallel_loop3A_891 = %parallel_loop3A_732 to %parallel_loop3A_733 step %parallel_loop3A_734  : i32 {
      %parallel_loop3A_892 = arith.constant 9 : i32
      %parallel_loop3A_893 = arith.shrui %parallel_loop3A_891, %parallel_loop3A_892 : i32
      %parallel_loop3A_894 = arith.constant 511 : i32
      %parallel_loop3A_895 = arith.andi %parallel_loop3A_891, %parallel_loop3A_894 : i32
      %parallel_loop3A_896 = arith.index_cast %parallel_loop3A_893 : i32 to index
      %parallel_loop3A_897 = arith.index_cast %parallel_loop3A_895 : i32 to index
      %parallel_loop3A_898 = tpu.vector_load %arg4[%parallel_loop3A_896, %parallel_loop3A_897] {strides = array<i32>} : memref<48x512xf32, #tpu.memory_space<vmem>>, vector<16xf32>,
      %parallel_loop3A_899 = arith.constant 1.600000e+01 : f32
      %parallel_loop3A_900 = vector.broadcast %parallel_loop3A_899 : f32 to vector<16xf32>
      %parallel_loop3A_901 = arith.mulf %parallel_loop3A_898, %parallel_loop3A_900 : vector<16xf32>
      %parallel_loop3A_902 = arith.fptosi %parallel_loop3A_901 : vector<16xf32> to vector<16xi32>
      tpu.vector_store_idx %arg6[%iota3A, %parallel_loop3A_902], %broadcast_in_dim3A_9 {add = true} : memref<16x16xf32, #tpu.memory_space<vmem>>[vector<16xi32>, vector<16xi32>], vector<16xf32>,
    } {sc.loop_unroll_factor = 8 : i64, sc.parallel_access}
    %dma_start3A_735 = arith.constant 2 : i32
    %dma_start3A_736 = arith.constant 368 : i32
    %dma_start3A_737 = arith.constant 0 : i32
    %dma_start3A_738 = tpu.memref_slice %arg2[%add3A, %dma_start3A_735, %dma_start3A_736, %dma_start3A_737] : memref<32x3x512x512xf32, #tpu.memory_space<hbm>> -> memref<1x1x48x512xf32, #tpu.memory_space<hbm>>
    %dma_start3A_739 = tpu.memref_squeeze %dma_start3A_738 : memref<1x1x48x512xf32, #tpu.memory_space<hbm>> -> memref<48x512xf32, #tpu.memory_space<hbm>>
    %dma_start3A_740 = arith.constant 368 : i32
    %dma_start3A_741 = arith.constant 0 : i32
    %dma_start3A_742 = tpu.memref_slice %arg2[%add3A, %dma_start3A_735, %dma_start3A_740, %dma_start3A_741] : memref<32x3x512x512xf32, #tpu.memory_space<hbm>> -> memref<1x1x48x512xf32, #tpu.memory_space<hbm>>
    %dma_start3A_743 = tpu.memref_squeeze %dma_start3A_742 : memref<1x1x48x512xf32, #tpu.memory_space<hbm>> -> memref<48x512xf32, #tpu.memory_space<hbm>>
    tpu.enqueue_dma source(%dma_start3A_743 : memref<48x512xf32, #tpu.memory_space<hbm>>) target(%arg4 : memref<48x512xf32, #tpu.memory_space<vmem>>) target_semaphore(%arg8 : memref<!tpu.dma_semaphore, #tpu.memory_space<semaphore_mem>>)
    %dma_wait3A_744 = arith.constant 2 : i32
    %dma_wait3A_745 = arith.constant 320 : i32
    %dma_wait3A_746 = arith.constant 0 : i32
    %dma_wait3A_747 = tpu.memref_slice %arg2[%add3A, %dma_wait3A_744, %dma_wait3A_745, %dma_wait3A_746] : memref<32x3x512x512xf32, #tpu.memory_space<hbm>> -> memref<1x1x48x512xf32, #tpu.memory_space<hbm>>
    %dma_wait3A_748 = tpu.memref_squeeze %dma_wait3A_747 : memref<1x1x48x512xf32, #tpu.memory_space<hbm>> -> memref<48x512xf32, #tpu.memory_space<hbm>>
    %dma_wait3A_749 = arith.constant 320 : i32
    %dma_wait3A_750 = arith.constant 0 : i32
    %dma_wait3A_751 = tpu.memref_slice %arg2[%add3A, %dma_wait3A_744, %dma_wait3A_749, %dma_wait3A_750] : memref<32x3x512x512xf32, #tpu.memory_space<hbm>> -> memref<1x1x48x512xf32, #tpu.memory_space<hbm>>
    %dma_wait3A_752 = tpu.memref_squeeze %dma_wait3A_751 : memref<1x1x48x512xf32, #tpu.memory_space<hbm>> -> memref<48x512xf32, #tpu.memory_space<hbm>>
    tpu.wait_dma2 semaphore(%arg9 : memref<!tpu.dma_semaphore, #tpu.memory_space<semaphore_mem>>) src(%dma_wait3A_752 : memref<48x512xf32, #tpu.memory_space<hbm>>) dst(%arg5 : memref<48x512xf32, #tpu.memory_space<vmem>>)
    %parallel_loop3A_753 = arith.constant 0 : i32
    %parallel_loop3A_754 = arith.constant 24576 : i32
    %parallel_loop3A_755 = arith.constant 16 : i32
    scf.for %parallel_loop3A_891 = %parallel_loop3A_753 to %parallel_loop3A_754 step %parallel_loop3A_755  : i32 {
      %parallel_loop3A_892 = arith.constant 9 : i32
      %parallel_loop3A_893 = arith.shrui %parallel_loop3A_891, %parallel_loop3A_892 : i32
      %parallel_loop3A_894 = arith.constant 511 : i32
      %parallel_loop3A_895 = arith.andi %parallel_loop3A_891, %parallel_loop3A_894 : i32
      %parallel_loop3A_896 = arith.index_cast %parallel_loop3A_893 : i32 to index
      %parallel_loop3A_897 = arith.index_cast %parallel_loop3A_895 : i32 to index
      %parallel_loop3A_898 = tpu.vector_load %arg5[%parallel_loop3A_896, %parallel_loop3A_897] {strides = array<i32>} : memref<48x512xf32, #tpu.memory_space<vmem>>, vector<16xf32>,
      %parallel_loop3A_899 = arith.constant 1.600000e+01 : f32
      %parallel_loop3A_900 = vector.broadcast %parallel_loop3A_899 : f32 to vector<16xf32>
      %parallel_loop3A_901 = arith.mulf %parallel_loop3A_898, %parallel_loop3A_900 : vector<16xf32>
      %parallel_loop3A_902 = arith.fptosi %parallel_loop3A_901 : vector<16xf32> to vector<16xi32>
      tpu.vector_store_idx %arg6[%iota3A, %parallel_loop3A_902], %broadcast_in_dim3A_9 {add = true} : memref<16x16xf32, #tpu.memory_space<vmem>>[vector<16xi32>, vector<16xi32>], vector<16xf32>,
    } {sc.loop_unroll_factor = 8 : i64, sc.parallel_access}
    %dma_start3A_756 = arith.constant 2 : i32
    %dma_start3A_757 = arith.constant 416 : i32
    %dma_start3A_758 = arith.constant 0 : i32
    %dma_start3A_759 = tpu.memref_slice %arg2[%add3A, %dma_start3A_756, %dma_start3A_757, %dma_start3A_758] : memref<32x3x512x512xf32, #tpu.memory_space<hbm>> -> memref<1x1x48x512xf32, #tpu.memory_space<hbm>>
    %dma_start3A_760 = tpu.memref_squeeze %dma_start3A_759 : memref<1x1x48x512xf32, #tpu.memory_space<hbm>> -> memref<48x512xf32, #tpu.memory_space<hbm>>
    %dma_start3A_761 = arith.constant 416 : i32
    %dma_start3A_762 = arith.constant 0 : i32
    %dma_start3A_763 = tpu.memref_slice %arg2[%add3A, %dma_start3A_756, %dma_start3A_761, %dma_start3A_762] : memref<32x3x512x512xf32, #tpu.memory_space<hbm>> -> memref<1x1x48x512xf32, #tpu.memory_space<hbm>>
    %dma_start3A_764 = tpu.memref_squeeze %dma_start3A_763 : memref<1x1x48x512xf32, #tpu.memory_space<hbm>> -> memref<48x512xf32, #tpu.memory_space<hbm>>
    tpu.enqueue_dma source(%dma_start3A_764 : memref<48x512xf32, #tpu.memory_space<hbm>>) target(%arg5 : memref<48x512xf32, #tpu.memory_space<vmem>>) target_semaphore(%arg9 : memref<!tpu.dma_semaphore, #tpu.memory_space<semaphore_mem>>)
    %dma_wait3A_765 = arith.constant 2 : i32
    %dma_wait3A_766 = arith.constant 368 : i32
    %dma_wait3A_767 = arith.constant 0 : i32
    %dma_wait3A_768 = tpu.memref_slice %arg2[%add3A, %dma_wait3A_765, %dma_wait3A_766, %dma_wait3A_767] : memref<32x3x512x512xf32, #tpu.memory_space<hbm>> -> memref<1x1x48x512xf32, #tpu.memory_space<hbm>>
    %dma_wait3A_769 = tpu.memref_squeeze %dma_wait3A_768 : memref<1x1x48x512xf32, #tpu.memory_space<hbm>> -> memref<48x512xf32, #tpu.memory_space<hbm>>
    %dma_wait3A_770 = arith.constant 368 : i32
    %dma_wait3A_771 = arith.constant 0 : i32
    %dma_wait3A_772 = tpu.memref_slice %arg2[%add3A, %dma_wait3A_765, %dma_wait3A_770, %dma_wait3A_771] : memref<32x3x512x512xf32, #tpu.memory_space<hbm>> -> memref<1x1x48x512xf32, #tpu.memory_space<hbm>>
    %dma_wait3A_773 = tpu.memref_squeeze %dma_wait3A_772 : memref<1x1x48x512xf32, #tpu.memory_space<hbm>> -> memref<48x512xf32, #tpu.memory_space<hbm>>
    tpu.wait_dma2 semaphore(%arg8 : memref<!tpu.dma_semaphore, #tpu.memory_space<semaphore_mem>>) src(%dma_wait3A_773 : memref<48x512xf32, #tpu.memory_space<hbm>>) dst(%arg4 : memref<48x512xf32, #tpu.memory_space<vmem>>)
    %parallel_loop3A_774 = arith.constant 0 : i32
    %parallel_loop3A_775 = arith.constant 24576 : i32
    %parallel_loop3A_776 = arith.constant 16 : i32
    scf.for %parallel_loop3A_891 = %parallel_loop3A_774 to %parallel_loop3A_775 step %parallel_loop3A_776  : i32 {
      %parallel_loop3A_892 = arith.constant 9 : i32
      %parallel_loop3A_893 = arith.shrui %parallel_loop3A_891, %parallel_loop3A_892 : i32
      %parallel_loop3A_894 = arith.constant 511 : i32
      %parallel_loop3A_895 = arith.andi %parallel_loop3A_891, %parallel_loop3A_894 : i32
      %parallel_loop3A_896 = arith.index_cast %parallel_loop3A_893 : i32 to index
      %parallel_loop3A_897 = arith.index_cast %parallel_loop3A_895 : i32 to index
      %parallel_loop3A_898 = tpu.vector_load %arg4[%parallel_loop3A_896, %parallel_loop3A_897] {strides = array<i32>} : memref<48x512xf32, #tpu.memory_space<vmem>>, vector<16xf32>,
      %parallel_loop3A_899 = arith.constant 1.600000e+01 : f32
      %parallel_loop3A_900 = vector.broadcast %parallel_loop3A_899 : f32 to vector<16xf32>
      %parallel_loop3A_901 = arith.mulf %parallel_loop3A_898, %parallel_loop3A_900 : vector<16xf32>
      %parallel_loop3A_902 = arith.fptosi %parallel_loop3A_901 : vector<16xf32> to vector<16xi32>
      tpu.vector_store_idx %arg6[%iota3A, %parallel_loop3A_902], %broadcast_in_dim3A_9 {add = true} : memref<16x16xf32, #tpu.memory_space<vmem>>[vector<16xi32>, vector<16xi32>], vector<16xf32>,
    } {sc.loop_unroll_factor = 8 : i64, sc.parallel_access}
    %dma_start3A_777 = arith.constant 2 : i32
    %dma_start3A_778 = arith.constant 464 : i32
    %dma_start3A_779 = arith.constant 0 : i32
    %dma_start3A_780 = tpu.memref_slice %arg2[%add3A, %dma_start3A_777, %dma_start3A_778, %dma_start3A_779] : memref<32x3x512x512xf32, #tpu.memory_space<hbm>> -> memref<1x1x48x512xf32, #tpu.memory_space<hbm>>
    %dma_start3A_781 = tpu.memref_squeeze %dma_start3A_780 : memref<1x1x48x512xf32, #tpu.memory_space<hbm>> -> memref<48x512xf32, #tpu.memory_space<hbm>>
    %dma_start3A_782 = arith.constant 464 : i32
    %dma_start3A_783 = arith.constant 0 : i32
    %dma_start3A_784 = tpu.memref_slice %arg2[%add3A, %dma_start3A_777, %dma_start3A_782, %dma_start3A_783] : memref<32x3x512x512xf32, #tpu.memory_space<hbm>> -> memref<1x1x48x512xf32, #tpu.memory_space<hbm>>
    %dma_start3A_785 = tpu.memref_squeeze %dma_start3A_784 : memref<1x1x48x512xf32, #tpu.memory_space<hbm>> -> memref<48x512xf32, #tpu.memory_space<hbm>>
    tpu.enqueue_dma source(%dma_start3A_785 : memref<48x512xf32, #tpu.memory_space<hbm>>) target(%arg4 : memref<48x512xf32, #tpu.memory_space<vmem>>) target_semaphore(%arg8 : memref<!tpu.dma_semaphore, #tpu.memory_space<semaphore_mem>>)
    %dma_wait3A_786 = arith.constant 2 : i32
    %dma_wait3A_787 = arith.constant 416 : i32
    %dma_wait3A_788 = arith.constant 0 : i32
    %dma_wait3A_789 = tpu.memref_slice %arg2[%add3A, %dma_wait3A_786, %dma_wait3A_787, %dma_wait3A_788] : memref<32x3x512x512xf32, #tpu.memory_space<hbm>> -> memref<1x1x48x512xf32, #tpu.memory_space<hbm>>
    %dma_wait3A_790 = tpu.memref_squeeze %dma_wait3A_789 : memref<1x1x48x512xf32, #tpu.memory_space<hbm>> -> memref<48x512xf32, #tpu.memory_space<hbm>>
    %dma_wait3A_791 = arith.constant 416 : i32
    %dma_wait3A_792 = arith.constant 0 : i32
    %dma_wait3A_793 = tpu.memref_slice %arg2[%add3A, %dma_wait3A_786, %dma_wait3A_791, %dma_wait3A_792] : memref<32x3x512x512xf32, #tpu.memory_space<hbm>> -> memref<1x1x48x512xf32, #tpu.memory_space<hbm>>
    %dma_wait3A_794 = tpu.memref_squeeze %dma_wait3A_793 : memref<1x1x48x512xf32, #tpu.memory_space<hbm>> -> memref<48x512xf32, #tpu.memory_space<hbm>>
    tpu.wait_dma2 semaphore(%arg9 : memref<!tpu.dma_semaphore, #tpu.memory_space<semaphore_mem>>) src(%dma_wait3A_794 : memref<48x512xf32, #tpu.memory_space<hbm>>) dst(%arg5 : memref<48x512xf32, #tpu.memory_space<vmem>>)
    %parallel_loop3A_795 = arith.constant 0 : i32
    %parallel_loop3A_796 = arith.constant 24576 : i32
    %parallel_loop3A_797 = arith.constant 16 : i32
    scf.for %parallel_loop3A_891 = %parallel_loop3A_795 to %parallel_loop3A_796 step %parallel_loop3A_797  : i32 {
      %parallel_loop3A_892 = arith.constant 9 : i32
      %parallel_loop3A_893 = arith.shrui %parallel_loop3A_891, %parallel_loop3A_892 : i32
      %parallel_loop3A_894 = arith.constant 511 : i32
      %parallel_loop3A_895 = arith.andi %parallel_loop3A_891, %parallel_loop3A_894 : i32
      %parallel_loop3A_896 = arith.index_cast %parallel_loop3A_893 : i32 to index
      %parallel_loop3A_897 = arith.index_cast %parallel_loop3A_895 : i32 to index
      %parallel_loop3A_898 = tpu.vector_load %arg5[%parallel_loop3A_896, %parallel_loop3A_897] {strides = array<i32>} : memref<48x512xf32, #tpu.memory_space<vmem>>, vector<16xf32>,
      %parallel_loop3A_899 = arith.constant 1.600000e+01 : f32
      %parallel_loop3A_900 = vector.broadcast %parallel_loop3A_899 : f32 to vector<16xf32>
      %parallel_loop3A_901 = arith.mulf %parallel_loop3A_898, %parallel_loop3A_900 : vector<16xf32>
      %parallel_loop3A_902 = arith.fptosi %parallel_loop3A_901 : vector<16xf32> to vector<16xi32>
      tpu.vector_store_idx %arg6[%iota3A, %parallel_loop3A_902], %broadcast_in_dim3A_9 {add = true} : memref<16x16xf32, #tpu.memory_space<vmem>>[vector<16xi32>, vector<16xi32>], vector<16xf32>,
    } {sc.loop_unroll_factor = 8 : i64, sc.parallel_access}
    %dma_wait3A_798 = arith.constant 2 : i32
    %dma_wait3A_799 = arith.constant 464 : i32
    %dma_wait3A_800 = arith.constant 0 : i32
    %dma_wait3A_801 = tpu.memref_slice %arg2[%add3A, %dma_wait3A_798, %dma_wait3A_799, %dma_wait3A_800] : memref<32x3x512x512xf32, #tpu.memory_space<hbm>> -> memref<1x1x48x512xf32, #tpu.memory_space<hbm>>
    %dma_wait3A_802 = tpu.memref_squeeze %dma_wait3A_801 : memref<1x1x48x512xf32, #tpu.memory_space<hbm>> -> memref<48x512xf32, #tpu.memory_space<hbm>>
    %dma_wait3A_803 = arith.constant 464 : i32
    %dma_wait3A_804 = arith.constant 0 : i32
    %dma_wait3A_805 = tpu.memref_slice %arg2[%add3A, %dma_wait3A_798, %dma_wait3A_803, %dma_wait3A_804] : memref<32x3x512x512xf32, #tpu.memory_space<hbm>> -> memref<1x1x48x512xf32, #tpu.memory_space<hbm>>
    %dma_wait3A_806 = tpu.memref_squeeze %dma_wait3A_805 : memref<1x1x48x512xf32, #tpu.memory_space<hbm>> -> memref<48x512xf32, #tpu.memory_space<hbm>>
    tpu.wait_dma2 semaphore(%arg8 : memref<!tpu.dma_semaphore, #tpu.memory_space<semaphore_mem>>) src(%dma_wait3A_806 : memref<48x512xf32, #tpu.memory_space<hbm>>) dst(%arg4 : memref<48x512xf32, #tpu.memory_space<vmem>>)
    %parallel_loop3A_807 = arith.constant 0 : i32
    %parallel_loop3A_808 = arith.constant 24576 : i32
    %parallel_loop3A_809 = arith.constant 16 : i32
    scf.for %parallel_loop3A_891 = %parallel_loop3A_807 to %parallel_loop3A_808 step %parallel_loop3A_809  : i32 {
      %parallel_loop3A_892 = arith.constant 9 : i32
      %parallel_loop3A_893 = arith.shrui %parallel_loop3A_891, %parallel_loop3A_892 : i32
      %parallel_loop3A_894 = arith.constant 511 : i32
      %parallel_loop3A_895 = arith.andi %parallel_loop3A_891, %parallel_loop3A_894 : i32
      %parallel_loop3A_896 = arith.index_cast %parallel_loop3A_893 : i32 to index
      %parallel_loop3A_897 = arith.index_cast %parallel_loop3A_895 : i32 to index
      %parallel_loop3A_898 = tpu.vector_load %arg4[%parallel_loop3A_896, %parallel_loop3A_897] {strides = array<i32>} : memref<48x512xf32, #tpu.memory_space<vmem>>, vector<16xf32>,
      %parallel_loop3A_899 = arith.constant 1.600000e+01 : f32
      %parallel_loop3A_900 = vector.broadcast %parallel_loop3A_899 : f32 to vector<16xf32>
      %parallel_loop3A_901 = arith.mulf %parallel_loop3A_898, %parallel_loop3A_900 : vector<16xf32>
      %parallel_loop3A_902 = arith.fptosi %parallel_loop3A_901 : vector<16xf32> to vector<16xi32>
      tpu.vector_store_idx %arg6[%iota3A, %parallel_loop3A_902], %broadcast_in_dim3A_9 {add = true} : memref<16x16xf32, #tpu.memory_space<vmem>>[vector<16xi32>, vector<16xi32>], vector<16xf32>,
    } {sc.loop_unroll_factor = 8 : i64, sc.parallel_access}
    %get3A_810 = arith.constant 0 : i32
    %get3A_811 = arith.index_cast %get3A_810 : i32 to index
    %get3A_812 = arith.constant 0 : index
    %get3A_813 = tpu.vector_load %arg6[%get3A_811, %get3A_812] {strides = array<i32>} : memref<16x16xf32, #tpu.memory_space<vmem>>, vector<16xf32>,
    %get3A_814 = arith.constant 1 : i32
    %get3A_815 = arith.index_cast %get3A_814 : i32 to index
    %get3A_816 = arith.constant 0 : index
    %get3A_817 = tpu.vector_load %arg6[%get3A_815, %get3A_816] {strides = array<i32>} : memref<16x16xf32, #tpu.memory_space<vmem>>, vector<16xf32>,
    %add3A_818 = arith.addf %get3A_813, %get3A_817 : vector<16xf32>
    %get3A_819 = arith.constant 2 : i32
    %get3A_820 = arith.index_cast %get3A_819 : i32 to index
    %get3A_821 = arith.constant 0 : index
    %get3A_822 = tpu.vector_load %arg6[%get3A_820, %get3A_821] {strides = array<i32>} : memref<16x16xf32, #tpu.memory_space<vmem>>, vector<16xf32>,
    %add3A_823 = arith.addf %add3A_818, %get3A_822 : vector<16xf32>
    %get3A_824 = arith.constant 3 : i32
    %get3A_825 = arith.index_cast %get3A_824 : i32 to index
    %get3A_826 = arith.constant 0 : index
    %get3A_827 = tpu.vector_load %arg6[%get3A_825, %get3A_826] {strides = array<i32>} : memref<16x16xf32, #tpu.memory_space<vmem>>, vector<16xf32>,
    %add3A_828 = arith.addf %add3A_823, %get3A_827 : vector<16xf32>
    %get3A_829 = arith.constant 4 : i32
    %get3A_830 = arith.index_cast %get3A_829 : i32 to index
    %get3A_831 = arith.constant 0 : index
    %get3A_832 = tpu.vector_load %arg6[%get3A_830, %get3A_831] {strides = array<i32>} : memref<16x16xf32, #tpu.memory_space<vmem>>, vector<16xf32>,
    %add3A_833 = arith.addf %add3A_828, %get3A_832 : vector<16xf32>
    %get3A_834 = arith.constant 5 : i32
    %get3A_835 = arith.index_cast %get3A_834 : i32 to index
    %get3A_836 = arith.constant 0 : index
    %get3A_837 = tpu.vector_load %arg6[%get3A_835, %get3A_836] {strides = array<i32>} : memref<16x16xf32, #tpu.memory_space<vmem>>, vector<16xf32>,
    %add3A_838 = arith.addf %add3A_833, %get3A_837 : vector<16xf32>
    %get3A_839 = arith.constant 6 : i32
    %get3A_840 = arith.index_cast %get3A_839 : i32 to index
    %get3A_841 = arith.constant 0 : index
    %get3A_842 = tpu.vector_load %arg6[%get3A_840, %get3A_841] {strides = array<i32>} : memref<16x16xf32, #tpu.memory_space<vmem>>, vector<16xf32>,
    %add3A_843 = arith.addf %add3A_838, %get3A_842 : vector<16xf32>
    %get3A_844 = arith.constant 7 : i32
    %get3A_845 = arith.index_cast %get3A_844 : i32 to index
    %get3A_846 = arith.constant 0 : index
    %get3A_847 = tpu.vector_load %arg6[%get3A_845, %get3A_846] {strides = array<i32>} : memref<16x16xf32, #tpu.memory_space<vmem>>, vector<16xf32>,
    %add3A_848 = arith.addf %add3A_843, %get3A_847 : vector<16xf32>
    %get3A_849 = arith.constant 8 : i32
    %get3A_850 = arith.index_cast %get3A_849 : i32 to index
    %get3A_851 = arith.constant 0 : index
    %get3A_852 = tpu.vector_load %arg6[%get3A_850, %get3A_851] {strides = array<i32>} : memref<16x16xf32, #tpu.memory_space<vmem>>, vector<16xf32>,
    %add3A_853 = arith.addf %add3A_848, %get3A_852 : vector<16xf32>
    %get3A_854 = arith.constant 9 : i32
    %get3A_855 = arith.index_cast %get3A_854 : i32 to index
    %get3A_856 = arith.constant 0 : index
    %get3A_857 = tpu.vector_load %arg6[%get3A_855, %get3A_856] {strides = array<i32>} : memref<16x16xf32, #tpu.memory_space<vmem>>, vector<16xf32>,
    %add3A_858 = arith.addf %add3A_853, %get3A_857 : vector<16xf32>
    %get3A_859 = arith.constant 10 : i32
    %get3A_860 = arith.index_cast %get3A_859 : i32 to index
    %get3A_861 = arith.constant 0 : index
    %get3A_862 = tpu.vector_load %arg6[%get3A_860, %get3A_861] {strides = array<i32>} : memref<16x16xf32, #tpu.memory_space<vmem>>, vector<16xf32>,
    %add3A_863 = arith.addf %add3A_858, %get3A_862 : vector<16xf32>
    %get3A_864 = arith.constant 11 : i32
    %get3A_865 = arith.index_cast %get3A_864 : i32 to index
    %get3A_866 = arith.constant 0 : index
    %get3A_867 = tpu.vector_load %arg6[%get3A_865, %get3A_866] {strides = array<i32>} : memref<16x16xf32, #tpu.memory_space<vmem>>, vector<16xf32>,
    %add3A_868 = arith.addf %add3A_863, %get3A_867 : vector<16xf32>
    %get3A_869 = arith.constant 12 : i32
    %get3A_870 = arith.index_cast %get3A_869 : i32 to index
    %get3A_871 = arith.constant 0 : index
    %get3A_872 = tpu.vector_load %arg6[%get3A_870, %get3A_871] {strides = array<i32>} : memref<16x16xf32, #tpu.memory_space<vmem>>, vector<16xf32>,
    %add3A_873 = arith.addf %add3A_868, %get3A_872 : vector<16xf32>
    %get3A_874 = arith.constant 13 : i32
    %get3A_875 = arith.index_cast %get3A_874 : i32 to index
    %get3A_876 = arith.constant 0 : index
    %get3A_877 = tpu.vector_load %arg6[%get3A_875, %get3A_876] {strides = array<i32>} : memref<16x16xf32, #tpu.memory_space<vmem>>, vector<16xf32>,
    %add3A_878 = arith.addf %add3A_873, %get3A_877 : vector<16xf32>
    %get3A_879 = arith.constant 14 : i32
    %get3A_880 = arith.index_cast %get3A_879 : i32 to index
    %get3A_881 = arith.constant 0 : index
    %get3A_882 = tpu.vector_load %arg6[%get3A_880, %get3A_881] {strides = array<i32>} : memref<16x16xf32, #tpu.memory_space<vmem>>, vector<16xf32>,
    %add3A_883 = arith.addf %add3A_878, %get3A_882 : vector<16xf32>
    %get3A_884 = arith.constant 15 : i32
    %get3A_885 = arith.index_cast %get3A_884 : i32 to index
    %get3A_886 = arith.constant 0 : index
    %get3A_887 = tpu.vector_load %arg6[%get3A_885, %get3A_886] {strides = array<i32>} : memref<16x16xf32, #tpu.memory_space<vmem>>, vector<16xf32>,
    %add3A_888 = arith.addf %add3A_883, %get3A_887 : vector<16xf32>
    %swap3A_889 = arith.constant 32 : index
    %swap3A_890 = tpu.vector_load %arg7[%swap3A_889] {strides = array<i32>} : memref<128xf32, #tpu.memory_space<vmem>>, vector<16xf32>,
    tpu.vector_store %arg7[%swap3A_889], %add3A_888 {strides = array<i32>} : memref<128xf32, #tpu.memory_space<vmem>>, vector<16xf32>,
    "tpu.region"() ({
      %run_scoped3A = tpu.sem_alloc : memref<!tpu.dma_semaphore, #tpu.memory_space<semaphore_mem>>
      %dma_start3A_891 = arith.constant 0 : i32
      %dma_start3A_892 = tpu.memref_slice %arg3[%add3A, %dma_start3A_891] : memref<32x128xf32, #tpu.memory_space<hbm>> -> memref<1x128xf32, #tpu.memory_space<hbm>>
      %dma_start3A_893 = tpu.memref_squeeze %dma_start3A_892 : memref<1x128xf32, #tpu.memory_space<hbm>> -> memref<128xf32, #tpu.memory_space<hbm>>
      %dma_start3A_894 = arith.constant 0 : i32
      %dma_start3A_895 = tpu.memref_slice %arg3[%add3A, %dma_start3A_894] : memref<32x128xf32, #tpu.memory_space<hbm>> -> memref<1x128xf32, #tpu.memory_space<hbm>>
      %dma_start3A_896 = tpu.memref_squeeze %dma_start3A_895 : memref<1x128xf32, #tpu.memory_space<hbm>> -> memref<128xf32, #tpu.memory_space<hbm>>
      tpu.enqueue_dma source(%arg7 : memref<128xf32, #tpu.memory_space<vmem>>) target(%dma_start3A_896 : memref<128xf32, #tpu.memory_space<hbm>>) target_semaphore(%run_scoped3A : memref<!tpu.dma_semaphore, #tpu.memory_space<semaphore_mem>>)
      %dma_wait3A_897 = arith.constant 0 : i32
      %dma_wait3A_898 = tpu.memref_slice %arg3[%add3A, %dma_wait3A_897] : memref<32x128xf32, #tpu.memory_space<hbm>> -> memref<1x128xf32, #tpu.memory_space<hbm>>
      %dma_wait3A_899 = tpu.memref_squeeze %dma_wait3A_898 : memref<1x128xf32, #tpu.memory_space<hbm>> -> memref<128xf32, #tpu.memory_space<hbm>>
      %dma_wait3A_900 = arith.constant 0 : i32
      %dma_wait3A_901 = tpu.memref_slice %arg3[%add3A, %dma_wait3A_900] : memref<32x128xf32, #tpu.memory_space<hbm>> -> memref<1x128xf32, #tpu.memory_space<hbm>>
      %dma_wait3A_902 = tpu.memref_squeeze %dma_wait3A_901 : memref<1x128xf32, #tpu.memory_space<hbm>> -> memref<128xf32, #tpu.memory_space<hbm>>
      tpu.wait_dma2 semaphore(%run_scoped3A : memref<!tpu.dma_semaphore, #tpu.memory_space<semaphore_mem>>) src(%arg7 : memref<128xf32, #tpu.memory_space<vmem>>) dst(%dma_wait3A_902 : memref<128xf32, #tpu.memory_space<hbm>>)
      tpu.yield
    }) : () -> ()
    return
  }
}

module attributes {stable_mosaic.version = 14 : i64} {
  func.func @_fc_body(%arg0: memref<32x128xf32, #tpu.memory_space<vmem>>, %arg1: memref<32x48x512xf32, #tpu.memory_space<vmem>>, %arg2: memref<128x64xf32, #tpu.memory_space<vmem>>, %arg3: memref<48x64xf32, #tpu.memory_space<vmem>>, %arg4: memref<64xf32, #tpu.memory_space<vmem>>, %arg5: memref<32x64xf32, #tpu.memory_space<vmem>>) attributes {dimension_semantics = [], scalar_prefetch = 0 : i64, scratch_operands = 0 : i64, tpu.core_type = #tpu.core_type<tc>} {
    %get3A = arith.constant 0 : index
    %get3A_0 = arith.constant 0 : index
    %get3A_1 = arith.constant 0 : index
    %get3A_2 = vector.load %arg1[%get3A, %get3A_0, %get3A_1] : memref<32x48x512xf32, #tpu.memory_space<vmem>>, vector<32x48x512xf32>
    %reduce_sum3A = arith.constant dense<0.000000e+00> : vector<32x48xf32>
    %reduce_sum3A_3 = vector.multi_reduction <add>, %get3A_2, %reduce_sum3A [2] : vector<32x48x512xf32> to vector<32x48xf32>
    %slice3A = vector.extract_strided_slice %reduce_sum3A_3 {offsets = [0, 1], sizes = [32, 47], strides = [1, 1]} : vector<32x48xf32> to vector<32x47xf32>
    %broadcast_in_dim3A = arith.constant 0.000000e+00 : f32
    %broadcast_in_dim3A_4 = vector.broadcast %broadcast_in_dim3A : f32 to vector<32x1xf32>
    %concatenate3A = tpu.concatenate %slice3A, %broadcast_in_dim3A_4 in 1 : vector<32x47xf32>, vector<32x1xf32> -> vector<32x48xf32>
    %iota3A = tpu.iota {dimensions = array<i32: 1>} : vector<1x48xi32>
    %jit3A = arith.constant 16 : i32
    %eq3A = arith.constant 0 : i32
    %eq3A_5 = arith.cmpi eq, %jit3A, %eq3A : i32
    %jit3A_6 = arith.constant 1 : i32
    %select_n3A = arith.select %eq3A_5, %jit3A_6, %jit3A : i32
    %rem3A = vector.broadcast %select_n3A : i32 to vector<1x48xi32>
    %rem3A_7 = arith.remsi %iota3A, %rem3A : vector<1x48xi32>
    %ne3A = arith.constant 0 : i32
    %ne3A_8 = vector.broadcast %ne3A : i32 to vector<1x48xi32>
    %ne3A_9 = arith.cmpi ne, %rem3A_7, %ne3A_8 : vector<1x48xi32>
    %lt3A = arith.constant 0 : i32
    %lt3A_10 = vector.broadcast %lt3A : i32 to vector<1x48xi32>
    %lt3A_11 = arith.cmpi slt, %rem3A_7, %lt3A_10 : vector<1x48xi32>
    %lt3A_12 = arith.constant 0 : i32
    %lt3A_13 = arith.cmpi slt, %select_n3A, %lt3A_12 : i32
    %ne3A_14 = vector.broadcast %lt3A_13 : i1 to vector<1x48xi1>
    %ne3A_15 = vector.broadcast %ne3A_14 : vector<1x48xi1> to vector<1x48xi1>
    %ne3A_16 = arith.xori %lt3A_11, %ne3A_15 : vector<1x48xi1>
    %and3A = arith.andi %ne3A_16, %ne3A_9 : vector<1x48xi1>
    %add3A = vector.broadcast %select_n3A : i32 to vector<1x48xi32>
    %add3A_17 = arith.addi %rem3A_7, %add3A : vector<1x48xi32>
    %select_n3A_18 = arith.select %and3A, %add3A_17, %rem3A_7 : vector<1x48xi1>, vector<1x48xi32>
    %ne3A_19 = arith.constant 15 : i32
    %ne3A_20 = vector.broadcast %ne3A_19 : i32 to vector<1x48xi32>
    %ne3A_21 = arith.cmpi ne, %select_n3A_18, %ne3A_20 : vector<1x48xi32>
    %jit3A_22 = arith.constant 0.000000e+00 : f32
    %broadcast_in_dim3A_23 = vector.shape_cast %ne3A_21 : vector<1x48xi1> to vector<1x48xi1>
    %broadcast_in_dim3A_24 = vector.broadcast %broadcast_in_dim3A_23 : vector<1x48xi1> to vector<32x48xi1>
    %broadcast_in_dim3A_25 = vector.broadcast %jit3A_22 : f32 to vector<32x48xf32>
    %select_n3A_26 = arith.select %broadcast_in_dim3A_24, %concatenate3A, %broadcast_in_dim3A_25 : vector<32x48xi1>, vector<32x48xf32>
    %sub3A = arith.subf %reduce_sum3A_3, %select_n3A_26 : vector<32x48xf32>
    %get3A_27 = arith.constant 0 : index
    %get3A_28 = arith.constant 0 : index
    %get3A_29 = vector.load %arg0[%get3A_27, %get3A_28] : memref<32x128xf32, #tpu.memory_space<vmem>>, vector<32x128xf32>
    %mul3A = arith.constant 3.81469727E-6 : f32
    %mul3A_30 = vector.broadcast %mul3A : f32 to vector<32x128xf32>
    %mul3A_31 = arith.mulf %get3A_29, %mul3A_30 : vector<32x128xf32>
    %get3A_32 = arith.constant 0 : index
    %get3A_33 = arith.constant 0 : index
    %get3A_34 = vector.load %arg2[%get3A_32, %get3A_33] : memref<128x64xf32, #tpu.memory_space<vmem>>, vector<128x64xf32>
    %dot_general3A = arith.constant dense<0.000000e+00> : vector<32x64xf32>
    %dot_general3A_35 = tpu.matmul %mul3A_31, %get3A_34, %dot_general3A {dimension_numbers = #tpu.dot_dimension_numbers<[1], [0], [0], [1], [0, 0, 1, 1], [], []>, transpose_lhs_hint = false} : vector<32x128xf32>, vector<128x64xf32>, vector<32x64xf32> -> vector<32x64xf32>
    %mul3A_36 = arith.constant 3.81469727E-6 : f32
    %mul3A_37 = vector.broadcast %mul3A_36 : f32 to vector<32x48xf32>
    %mul3A_38 = arith.mulf %sub3A, %mul3A_37 : vector<32x48xf32>
    %get3A_39 = arith.constant 0 : index
    %get3A_40 = arith.constant 0 : index
    %get3A_41 = vector.load %arg3[%get3A_39, %get3A_40] : memref<48x64xf32, #tpu.memory_space<vmem>>, vector<48x64xf32>
    %dot_general3A_42 = arith.constant dense<0.000000e+00> : vector<32x64xf32>
    %dot_general3A_43 = tpu.matmul %mul3A_38, %get3A_41, %dot_general3A_42 {dimension_numbers = #tpu.dot_dimension_numbers<[1], [0], [0], [1], [0, 0, 1, 1], [], []>, transpose_lhs_hint = false} : vector<32x48xf32>, vector<48x64xf32>, vector<32x64xf32> -> vector<32x64xf32>
    %add3A_44 = arith.addf %dot_general3A_35, %dot_general3A_43 : vector<32x64xf32>
    %get3A_45 = arith.constant 0 : index
    %get3A_46 = vector.load %arg4[%get3A_45] : memref<64xf32, #tpu.memory_space<vmem>>, vector<64xf32>
    %broadcast_in_dim3A_47 = vector.shape_cast %get3A_46 : vector<64xf32> to vector<1x64xf32>
    %add3A_48 = vector.broadcast %broadcast_in_dim3A_47 : vector<1x64xf32> to vector<32x64xf32>
    %add3A_49 = arith.addf %add3A_44, %add3A_48 : vector<32x64xf32>
    %max3A = arith.constant 0.000000e+00 : f32
    %max3A_50 = vector.broadcast %max3A : f32 to vector<32x64xf32>
    %max3A_51 = arith.maximumf %add3A_49, %max3A_50 : vector<32x64xf32>
    %swap3A = arith.constant 0 : index
    %swap3A_52 = arith.constant 0 : index
    %swap3A_53 = vector.load %arg5[%swap3A, %swap3A_52] : memref<32x64xf32, #tpu.memory_space<vmem>>, vector<32x64xf32>
    tpu.vector_store %arg5[%swap3A, %swap3A_52], %max3A_51 {strides = array<i32>} : memref<32x64xf32, #tpu.memory_space<vmem>>, vector<32x64xf32>,
    return
  }
}

module attributes {stable_mosaic.version = 14 : i64} {
  func.func @_tc_hist_body(%arg0: i32, %arg1: i32, %arg2: memref<1x3x176x512xf32, #tpu.memory_space<vmem>>, %arg3: memref<1x48x512xf32, #tpu.memory_space<vmem>>) attributes {dimension_semantics = [#tpu.dimension_semantics<arbitrary>, #tpu.dimension_semantics<arbitrary>], iteration_bounds = array<i64: 32, 1>, scalar_prefetch = 0 : i64, scratch_operands = 0 : i64, tpu.core_type = #tpu.core_type<tc>, window_params = [{transform_indices = @transform_0, window_bounds = array<i64: 1, 3, 176, 512>}, {transform_indices = @transform_1, window_bounds = array<i64: 1, 48, 512>}]} {
    %get3A = arith.constant 0 : index
    %get3A_0 = arith.constant 0 : index
    %get3A_1 = arith.constant 0 : index
    %get3A_2 = arith.constant 0 : index
    %get3A_3 = vector.load %arg2[%get3A, %get3A_0, %get3A_1, %get3A_2] : memref<1x3x176x512xf32, #tpu.memory_space<vmem>>, vector<1x1x176x512xf32>
    %get3A_4 = vector.shape_cast %get3A_3 : vector<1x1x176x512xf32> to vector<176x512xf32>
    %broadcast_in_dim3A = arith.constant 1.760000e+02 : f32
    %broadcast_in_dim3A_5 = vector.broadcast %broadcast_in_dim3A : f32 to vector<512xf32>
    %ge3A = arith.constant 6.250000e-02 : f32
    %ge3A_6 = vector.broadcast %ge3A : f32 to vector<176x512xf32>
    %ge3A_7 = arith.cmpf oge, %get3A_4, %ge3A_6 : vector<176x512xf32>
    %convert_element_type3A = arith.extui %ge3A_7 : vector<176x512xi1> to vector<176x512xi32>
    %convert_element_type3A_8 = arith.sitofp %convert_element_type3A : vector<176x512xi32> to vector<176x512xf32>
    %reduce_sum3A = arith.constant dense<0.000000e+00> : vector<512xf32>
    %reduce_sum3A_9 = vector.multi_reduction <add>, %convert_element_type3A_8, %reduce_sum3A [0] : vector<176x512xf32> to vector<512xf32>
    %ge3A_10 = arith.constant 1.250000e-01 : f32
    %ge3A_11 = vector.broadcast %ge3A_10 : f32 to vector<176x512xf32>
    %ge3A_12 = arith.cmpf oge, %get3A_4, %ge3A_11 : vector<176x512xf32>
    %convert_element_type3A_13 = arith.extui %ge3A_12 : vector<176x512xi1> to vector<176x512xi32>
    %convert_element_type3A_14 = arith.sitofp %convert_element_type3A_13 : vector<176x512xi32> to vector<176x512xf32>
    %reduce_sum3A_15 = arith.constant dense<0.000000e+00> : vector<512xf32>
    %reduce_sum3A_16 = vector.multi_reduction <add>, %convert_element_type3A_14, %reduce_sum3A_15 [0] : vector<176x512xf32> to vector<512xf32>
    %ge3A_17 = arith.constant 1.875000e-01 : f32
    %ge3A_18 = vector.broadcast %ge3A_17 : f32 to vector<176x512xf32>
    %ge3A_19 = arith.cmpf oge, %get3A_4, %ge3A_18 : vector<176x512xf32>
    %convert_element_type3A_20 = arith.extui %ge3A_19 : vector<176x512xi1> to vector<176x512xi32>
    %convert_element_type3A_21 = arith.sitofp %convert_element_type3A_20 : vector<176x512xi32> to vector<176x512xf32>
    %reduce_sum3A_22 = arith.constant dense<0.000000e+00> : vector<512xf32>
    %reduce_sum3A_23 = vector.multi_reduction <add>, %convert_element_type3A_21, %reduce_sum3A_22 [0] : vector<176x512xf32> to vector<512xf32>
    %ge3A_24 = arith.constant 2.500000e-01 : f32
    %ge3A_25 = vector.broadcast %ge3A_24 : f32 to vector<176x512xf32>
    %ge3A_26 = arith.cmpf oge, %get3A_4, %ge3A_25 : vector<176x512xf32>
    %convert_element_type3A_27 = arith.extui %ge3A_26 : vector<176x512xi1> to vector<176x512xi32>
    %convert_element_type3A_28 = arith.sitofp %convert_element_type3A_27 : vector<176x512xi32> to vector<176x512xf32>
    %reduce_sum3A_29 = arith.constant dense<0.000000e+00> : vector<512xf32>
    %reduce_sum3A_30 = vector.multi_reduction <add>, %convert_element_type3A_28, %reduce_sum3A_29 [0] : vector<176x512xf32> to vector<512xf32>
    %ge3A_31 = arith.constant 3.125000e-01 : f32
    %ge3A_32 = vector.broadcast %ge3A_31 : f32 to vector<176x512xf32>
    %ge3A_33 = arith.cmpf oge, %get3A_4, %ge3A_32 : vector<176x512xf32>
    %convert_element_type3A_34 = arith.extui %ge3A_33 : vector<176x512xi1> to vector<176x512xi32>
    %convert_element_type3A_35 = arith.sitofp %convert_element_type3A_34 : vector<176x512xi32> to vector<176x512xf32>
    %reduce_sum3A_36 = arith.constant dense<0.000000e+00> : vector<512xf32>
    %reduce_sum3A_37 = vector.multi_reduction <add>, %convert_element_type3A_35, %reduce_sum3A_36 [0] : vector<176x512xf32> to vector<512xf32>
    %ge3A_38 = arith.constant 3.750000e-01 : f32
    %ge3A_39 = vector.broadcast %ge3A_38 : f32 to vector<176x512xf32>
    %ge3A_40 = arith.cmpf oge, %get3A_4, %ge3A_39 : vector<176x512xf32>
    %convert_element_type3A_41 = arith.extui %ge3A_40 : vector<176x512xi1> to vector<176x512xi32>
    %convert_element_type3A_42 = arith.sitofp %convert_element_type3A_41 : vector<176x512xi32> to vector<176x512xf32>
    %reduce_sum3A_43 = arith.constant dense<0.000000e+00> : vector<512xf32>
    %reduce_sum3A_44 = vector.multi_reduction <add>, %convert_element_type3A_42, %reduce_sum3A_43 [0] : vector<176x512xf32> to vector<512xf32>
    %ge3A_45 = arith.constant 4.375000e-01 : f32
    %ge3A_46 = vector.broadcast %ge3A_45 : f32 to vector<176x512xf32>
    %ge3A_47 = arith.cmpf oge, %get3A_4, %ge3A_46 : vector<176x512xf32>
    %convert_element_type3A_48 = arith.extui %ge3A_47 : vector<176x512xi1> to vector<176x512xi32>
    %convert_element_type3A_49 = arith.sitofp %convert_element_type3A_48 : vector<176x512xi32> to vector<176x512xf32>
    %reduce_sum3A_50 = arith.constant dense<0.000000e+00> : vector<512xf32>
    %reduce_sum3A_51 = vector.multi_reduction <add>, %convert_element_type3A_49, %reduce_sum3A_50 [0] : vector<176x512xf32> to vector<512xf32>
    %ge3A_52 = arith.constant 5.000000e-01 : f32
    %ge3A_53 = vector.broadcast %ge3A_52 : f32 to vector<176x512xf32>
    %ge3A_54 = arith.cmpf oge, %get3A_4, %ge3A_53 : vector<176x512xf32>
    %convert_element_type3A_55 = arith.extui %ge3A_54 : vector<176x512xi1> to vector<176x512xi32>
    %convert_element_type3A_56 = arith.sitofp %convert_element_type3A_55 : vector<176x512xi32> to vector<176x512xf32>
    %reduce_sum3A_57 = arith.constant dense<0.000000e+00> : vector<512xf32>
    %reduce_sum3A_58 = vector.multi_reduction <add>, %convert_element_type3A_56, %reduce_sum3A_57 [0] : vector<176x512xf32> to vector<512xf32>
    %ge3A_59 = arith.constant 5.625000e-01 : f32
    %ge3A_60 = vector.broadcast %ge3A_59 : f32 to vector<176x512xf32>
    %ge3A_61 = arith.cmpf oge, %get3A_4, %ge3A_60 : vector<176x512xf32>
    %convert_element_type3A_62 = arith.extui %ge3A_61 : vector<176x512xi1> to vector<176x512xi32>
    %convert_element_type3A_63 = arith.sitofp %convert_element_type3A_62 : vector<176x512xi32> to vector<176x512xf32>
    %reduce_sum3A_64 = arith.constant dense<0.000000e+00> : vector<512xf32>
    %reduce_sum3A_65 = vector.multi_reduction <add>, %convert_element_type3A_63, %reduce_sum3A_64 [0] : vector<176x512xf32> to vector<512xf32>
    %ge3A_66 = arith.constant 6.250000e-01 : f32
    %ge3A_67 = vector.broadcast %ge3A_66 : f32 to vector<176x512xf32>
    %ge3A_68 = arith.cmpf oge, %get3A_4, %ge3A_67 : vector<176x512xf32>
    %convert_element_type3A_69 = arith.extui %ge3A_68 : vector<176x512xi1> to vector<176x512xi32>
    %convert_element_type3A_70 = arith.sitofp %convert_element_type3A_69 : vector<176x512xi32> to vector<176x512xf32>
    %reduce_sum3A_71 = arith.constant dense<0.000000e+00> : vector<512xf32>
    %reduce_sum3A_72 = vector.multi_reduction <add>, %convert_element_type3A_70, %reduce_sum3A_71 [0] : vector<176x512xf32> to vector<512xf32>
    %ge3A_73 = arith.constant 6.875000e-01 : f32
    %ge3A_74 = vector.broadcast %ge3A_73 : f32 to vector<176x512xf32>
    %ge3A_75 = arith.cmpf oge, %get3A_4, %ge3A_74 : vector<176x512xf32>
    %convert_element_type3A_76 = arith.extui %ge3A_75 : vector<176x512xi1> to vector<176x512xi32>
    %convert_element_type3A_77 = arith.sitofp %convert_element_type3A_76 : vector<176x512xi32> to vector<176x512xf32>
    %reduce_sum3A_78 = arith.constant dense<0.000000e+00> : vector<512xf32>
    %reduce_sum3A_79 = vector.multi_reduction <add>, %convert_element_type3A_77, %reduce_sum3A_78 [0] : vector<176x512xf32> to vector<512xf32>
    %ge3A_80 = arith.constant 7.500000e-01 : f32
    %ge3A_81 = vector.broadcast %ge3A_80 : f32 to vector<176x512xf32>
    %ge3A_82 = arith.cmpf oge, %get3A_4, %ge3A_81 : vector<176x512xf32>
    %convert_element_type3A_83 = arith.extui %ge3A_82 : vector<176x512xi1> to vector<176x512xi32>
    %convert_element_type3A_84 = arith.sitofp %convert_element_type3A_83 : vector<176x512xi32> to vector<176x512xf32>
    %reduce_sum3A_85 = arith.constant dense<0.000000e+00> : vector<512xf32>
    %reduce_sum3A_86 = vector.multi_reduction <add>, %convert_element_type3A_84, %reduce_sum3A_85 [0] : vector<176x512xf32> to vector<512xf32>
    %ge3A_87 = arith.constant 8.125000e-01 : f32
    %ge3A_88 = vector.broadcast %ge3A_87 : f32 to vector<176x512xf32>
    %ge3A_89 = arith.cmpf oge, %get3A_4, %ge3A_88 : vector<176x512xf32>
    %convert_element_type3A_90 = arith.extui %ge3A_89 : vector<176x512xi1> to vector<176x512xi32>
    %convert_element_type3A_91 = arith.sitofp %convert_element_type3A_90 : vector<176x512xi32> to vector<176x512xf32>
    %reduce_sum3A_92 = arith.constant dense<0.000000e+00> : vector<512xf32>
    %reduce_sum3A_93 = vector.multi_reduction <add>, %convert_element_type3A_91, %reduce_sum3A_92 [0] : vector<176x512xf32> to vector<512xf32>
    %ge3A_94 = arith.constant 8.750000e-01 : f32
    %ge3A_95 = vector.broadcast %ge3A_94 : f32 to vector<176x512xf32>
    %ge3A_96 = arith.cmpf oge, %get3A_4, %ge3A_95 : vector<176x512xf32>
    %convert_element_type3A_97 = arith.extui %ge3A_96 : vector<176x512xi1> to vector<176x512xi32>
    %convert_element_type3A_98 = arith.sitofp %convert_element_type3A_97 : vector<176x512xi32> to vector<176x512xf32>
    %reduce_sum3A_99 = arith.constant dense<0.000000e+00> : vector<512xf32>
    %reduce_sum3A_100 = vector.multi_reduction <add>, %convert_element_type3A_98, %reduce_sum3A_99 [0] : vector<176x512xf32> to vector<512xf32>
    %ge3A_101 = arith.constant 9.375000e-01 : f32
    %ge3A_102 = vector.broadcast %ge3A_101 : f32 to vector<176x512xf32>
    %ge3A_103 = arith.cmpf oge, %get3A_4, %ge3A_102 : vector<176x512xf32>
    %convert_element_type3A_104 = arith.extui %ge3A_103 : vector<176x512xi1> to vector<176x512xi32>
    %convert_element_type3A_105 = arith.sitofp %convert_element_type3A_104 : vector<176x512xi32> to vector<176x512xf32>
    %reduce_sum3A_106 = arith.constant dense<0.000000e+00> : vector<512xf32>
    %reduce_sum3A_107 = vector.multi_reduction <add>, %convert_element_type3A_105, %reduce_sum3A_106 [0] : vector<176x512xf32> to vector<512xf32>
    %get3A_108 = arith.constant 0 : index
    %get3A_109 = arith.constant 1 : index
    %get3A_110 = arith.constant 0 : index
    %get3A_111 = arith.constant 0 : index
    %get3A_112 = vector.load %arg2[%get3A_108, %get3A_109, %get3A_110, %get3A_111] : memref<1x3x176x512xf32, #tpu.memory_space<vmem>>, vector<1x1x176x512xf32>
    %get3A_113 = vector.shape_cast %get3A_112 : vector<1x1x176x512xf32> to vector<176x512xf32>
    %broadcast_in_dim3A_114 = arith.constant 1.760000e+02 : f32
    %broadcast_in_dim3A_115 = vector.broadcast %broadcast_in_dim3A_114 : f32 to vector<512xf32>
    %ge3A_116 = arith.constant 6.250000e-02 : f32
    %ge3A_117 = vector.broadcast %ge3A_116 : f32 to vector<176x512xf32>
    %ge3A_118 = arith.cmpf oge, %get3A_113, %ge3A_117 : vector<176x512xf32>
    %convert_element_type3A_119 = arith.extui %ge3A_118 : vector<176x512xi1> to vector<176x512xi32>
    %convert_element_type3A_120 = arith.sitofp %convert_element_type3A_119 : vector<176x512xi32> to vector<176x512xf32>
    %reduce_sum3A_121 = arith.constant dense<0.000000e+00> : vector<512xf32>
    %reduce_sum3A_122 = vector.multi_reduction <add>, %convert_element_type3A_120, %reduce_sum3A_121 [0] : vector<176x512xf32> to vector<512xf32>
    %ge3A_123 = arith.constant 1.250000e-01 : f32
    %ge3A_124 = vector.broadcast %ge3A_123 : f32 to vector<176x512xf32>
    %ge3A_125 = arith.cmpf oge, %get3A_113, %ge3A_124 : vector<176x512xf32>
    %convert_element_type3A_126 = arith.extui %ge3A_125 : vector<176x512xi1> to vector<176x512xi32>
    %convert_element_type3A_127 = arith.sitofp %convert_element_type3A_126 : vector<176x512xi32> to vector<176x512xf32>
    %reduce_sum3A_128 = arith.constant dense<0.000000e+00> : vector<512xf32>
    %reduce_sum3A_129 = vector.multi_reduction <add>, %convert_element_type3A_127, %reduce_sum3A_128 [0] : vector<176x512xf32> to vector<512xf32>
    %ge3A_130 = arith.constant 1.875000e-01 : f32
    %ge3A_131 = vector.broadcast %ge3A_130 : f32 to vector<176x512xf32>
    %ge3A_132 = arith.cmpf oge, %get3A_113, %ge3A_131 : vector<176x512xf32>
    %convert_element_type3A_133 = arith.extui %ge3A_132 : vector<176x512xi1> to vector<176x512xi32>
    %convert_element_type3A_134 = arith.sitofp %convert_element_type3A_133 : vector<176x512xi32> to vector<176x512xf32>
    %reduce_sum3A_135 = arith.constant dense<0.000000e+00> : vector<512xf32>
    %reduce_sum3A_136 = vector.multi_reduction <add>, %convert_element_type3A_134, %reduce_sum3A_135 [0] : vector<176x512xf32> to vector<512xf32>
    %ge3A_137 = arith.constant 2.500000e-01 : f32
    %ge3A_138 = vector.broadcast %ge3A_137 : f32 to vector<176x512xf32>
    %ge3A_139 = arith.cmpf oge, %get3A_113, %ge3A_138 : vector<176x512xf32>
    %convert_element_type3A_140 = arith.extui %ge3A_139 : vector<176x512xi1> to vector<176x512xi32>
    %convert_element_type3A_141 = arith.sitofp %convert_element_type3A_140 : vector<176x512xi32> to vector<176x512xf32>
    %reduce_sum3A_142 = arith.constant dense<0.000000e+00> : vector<512xf32>
    %reduce_sum3A_143 = vector.multi_reduction <add>, %convert_element_type3A_141, %reduce_sum3A_142 [0] : vector<176x512xf32> to vector<512xf32>
    %ge3A_144 = arith.constant 3.125000e-01 : f32
    %ge3A_145 = vector.broadcast %ge3A_144 : f32 to vector<176x512xf32>
    %ge3A_146 = arith.cmpf oge, %get3A_113, %ge3A_145 : vector<176x512xf32>
    %convert_element_type3A_147 = arith.extui %ge3A_146 : vector<176x512xi1> to vector<176x512xi32>
    %convert_element_type3A_148 = arith.sitofp %convert_element_type3A_147 : vector<176x512xi32> to vector<176x512xf32>
    %reduce_sum3A_149 = arith.constant dense<0.000000e+00> : vector<512xf32>
    %reduce_sum3A_150 = vector.multi_reduction <add>, %convert_element_type3A_148, %reduce_sum3A_149 [0] : vector<176x512xf32> to vector<512xf32>
    %ge3A_151 = arith.constant 3.750000e-01 : f32
    %ge3A_152 = vector.broadcast %ge3A_151 : f32 to vector<176x512xf32>
    %ge3A_153 = arith.cmpf oge, %get3A_113, %ge3A_152 : vector<176x512xf32>
    %convert_element_type3A_154 = arith.extui %ge3A_153 : vector<176x512xi1> to vector<176x512xi32>
    %convert_element_type3A_155 = arith.sitofp %convert_element_type3A_154 : vector<176x512xi32> to vector<176x512xf32>
    %reduce_sum3A_156 = arith.constant dense<0.000000e+00> : vector<512xf32>
    %reduce_sum3A_157 = vector.multi_reduction <add>, %convert_element_type3A_155, %reduce_sum3A_156 [0] : vector<176x512xf32> to vector<512xf32>
    %ge3A_158 = arith.constant 4.375000e-01 : f32
    %ge3A_159 = vector.broadcast %ge3A_158 : f32 to vector<176x512xf32>
    %ge3A_160 = arith.cmpf oge, %get3A_113, %ge3A_159 : vector<176x512xf32>
    %convert_element_type3A_161 = arith.extui %ge3A_160 : vector<176x512xi1> to vector<176x512xi32>
    %convert_element_type3A_162 = arith.sitofp %convert_element_type3A_161 : vector<176x512xi32> to vector<176x512xf32>
    %reduce_sum3A_163 = arith.constant dense<0.000000e+00> : vector<512xf32>
    %reduce_sum3A_164 = vector.multi_reduction <add>, %convert_element_type3A_162, %reduce_sum3A_163 [0] : vector<176x512xf32> to vector<512xf32>
    %ge3A_165 = arith.constant 5.000000e-01 : f32
    %ge3A_166 = vector.broadcast %ge3A_165 : f32 to vector<176x512xf32>
    %ge3A_167 = arith.cmpf oge, %get3A_113, %ge3A_166 : vector<176x512xf32>
    %convert_element_type3A_168 = arith.extui %ge3A_167 : vector<176x512xi1> to vector<176x512xi32>
    %convert_element_type3A_169 = arith.sitofp %convert_element_type3A_168 : vector<176x512xi32> to vector<176x512xf32>
    %reduce_sum3A_170 = arith.constant dense<0.000000e+00> : vector<512xf32>
    %reduce_sum3A_171 = vector.multi_reduction <add>, %convert_element_type3A_169, %reduce_sum3A_170 [0] : vector<176x512xf32> to vector<512xf32>
    %ge3A_172 = arith.constant 5.625000e-01 : f32
    %ge3A_173 = vector.broadcast %ge3A_172 : f32 to vector<176x512xf32>
    %ge3A_174 = arith.cmpf oge, %get3A_113, %ge3A_173 : vector<176x512xf32>
    %convert_element_type3A_175 = arith.extui %ge3A_174 : vector<176x512xi1> to vector<176x512xi32>
    %convert_element_type3A_176 = arith.sitofp %convert_element_type3A_175 : vector<176x512xi32> to vector<176x512xf32>
    %reduce_sum3A_177 = arith.constant dense<0.000000e+00> : vector<512xf32>
    %reduce_sum3A_178 = vector.multi_reduction <add>, %convert_element_type3A_176, %reduce_sum3A_177 [0] : vector<176x512xf32> to vector<512xf32>
    %ge3A_179 = arith.constant 6.250000e-01 : f32
    %ge3A_180 = vector.broadcast %ge3A_179 : f32 to vector<176x512xf32>
    %ge3A_181 = arith.cmpf oge, %get3A_113, %ge3A_180 : vector<176x512xf32>
    %convert_element_type3A_182 = arith.extui %ge3A_181 : vector<176x512xi1> to vector<176x512xi32>
    %convert_element_type3A_183 = arith.sitofp %convert_element_type3A_182 : vector<176x512xi32> to vector<176x512xf32>
    %reduce_sum3A_184 = arith.constant dense<0.000000e+00> : vector<512xf32>
    %reduce_sum3A_185 = vector.multi_reduction <add>, %convert_element_type3A_183, %reduce_sum3A_184 [0] : vector<176x512xf32> to vector<512xf32>
    %ge3A_186 = arith.constant 6.875000e-01 : f32
    %ge3A_187 = vector.broadcast %ge3A_186 : f32 to vector<176x512xf32>
    %ge3A_188 = arith.cmpf oge, %get3A_113, %ge3A_187 : vector<176x512xf32>
    %convert_element_type3A_189 = arith.extui %ge3A_188 : vector<176x512xi1> to vector<176x512xi32>
    %convert_element_type3A_190 = arith.sitofp %convert_element_type3A_189 : vector<176x512xi32> to vector<176x512xf32>
    %reduce_sum3A_191 = arith.constant dense<0.000000e+00> : vector<512xf32>
    %reduce_sum3A_192 = vector.multi_reduction <add>, %convert_element_type3A_190, %reduce_sum3A_191 [0] : vector<176x512xf32> to vector<512xf32>
    %ge3A_193 = arith.constant 7.500000e-01 : f32
    %ge3A_194 = vector.broadcast %ge3A_193 : f32 to vector<176x512xf32>
    %ge3A_195 = arith.cmpf oge, %get3A_113, %ge3A_194 : vector<176x512xf32>
    %convert_element_type3A_196 = arith.extui %ge3A_195 : vector<176x512xi1> to vector<176x512xi32>
    %convert_element_type3A_197 = arith.sitofp %convert_element_type3A_196 : vector<176x512xi32> to vector<176x512xf32>
    %reduce_sum3A_198 = arith.constant dense<0.000000e+00> : vector<512xf32>
    %reduce_sum3A_199 = vector.multi_reduction <add>, %convert_element_type3A_197, %reduce_sum3A_198 [0] : vector<176x512xf32> to vector<512xf32>
    %ge3A_200 = arith.constant 8.125000e-01 : f32
    %ge3A_201 = vector.broadcast %ge3A_200 : f32 to vector<176x512xf32>
    %ge3A_202 = arith.cmpf oge, %get3A_113, %ge3A_201 : vector<176x512xf32>
    %convert_element_type3A_203 = arith.extui %ge3A_202 : vector<176x512xi1> to vector<176x512xi32>
    %convert_element_type3A_204 = arith.sitofp %convert_element_type3A_203 : vector<176x512xi32> to vector<176x512xf32>
    %reduce_sum3A_205 = arith.constant dense<0.000000e+00> : vector<512xf32>
    %reduce_sum3A_206 = vector.multi_reduction <add>, %convert_element_type3A_204, %reduce_sum3A_205 [0] : vector<176x512xf32> to vector<512xf32>
    %ge3A_207 = arith.constant 8.750000e-01 : f32
    %ge3A_208 = vector.broadcast %ge3A_207 : f32 to vector<176x512xf32>
    %ge3A_209 = arith.cmpf oge, %get3A_113, %ge3A_208 : vector<176x512xf32>
    %convert_element_type3A_210 = arith.extui %ge3A_209 : vector<176x512xi1> to vector<176x512xi32>
    %convert_element_type3A_211 = arith.sitofp %convert_element_type3A_210 : vector<176x512xi32> to vector<176x512xf32>
    %reduce_sum3A_212 = arith.constant dense<0.000000e+00> : vector<512xf32>
    %reduce_sum3A_213 = vector.multi_reduction <add>, %convert_element_type3A_211, %reduce_sum3A_212 [0] : vector<176x512xf32> to vector<512xf32>
    %ge3A_214 = arith.constant 9.375000e-01 : f32
    %ge3A_215 = vector.broadcast %ge3A_214 : f32 to vector<176x512xf32>
    %ge3A_216 = arith.cmpf oge, %get3A_113, %ge3A_215 : vector<176x512xf32>
    %convert_element_type3A_217 = arith.extui %ge3A_216 : vector<176x512xi1> to vector<176x512xi32>
    %convert_element_type3A_218 = arith.sitofp %convert_element_type3A_217 : vector<176x512xi32> to vector<176x512xf32>
    %reduce_sum3A_219 = arith.constant dense<0.000000e+00> : vector<512xf32>
    %reduce_sum3A_220 = vector.multi_reduction <add>, %convert_element_type3A_218, %reduce_sum3A_219 [0] : vector<176x512xf32> to vector<512xf32>
    %get3A_221 = arith.constant 0 : index
    %get3A_222 = arith.constant 2 : index
    %get3A_223 = arith.constant 0 : index
    %get3A_224 = arith.constant 0 : index
    %get3A_225 = vector.load %arg2[%get3A_221, %get3A_222, %get3A_223, %get3A_224] : memref<1x3x176x512xf32, #tpu.memory_space<vmem>>, vector<1x1x176x512xf32>
    %get3A_226 = vector.shape_cast %get3A_225 : vector<1x1x176x512xf32> to vector<176x512xf32>
    %broadcast_in_dim3A_227 = arith.constant 1.760000e+02 : f32
    %broadcast_in_dim3A_228 = vector.broadcast %broadcast_in_dim3A_227 : f32 to vector<512xf32>
    %ge3A_229 = arith.constant 6.250000e-02 : f32
    %ge3A_230 = vector.broadcast %ge3A_229 : f32 to vector<176x512xf32>
    %ge3A_231 = arith.cmpf oge, %get3A_226, %ge3A_230 : vector<176x512xf32>
    %convert_element_type3A_232 = arith.extui %ge3A_231 : vector<176x512xi1> to vector<176x512xi32>
    %convert_element_type3A_233 = arith.sitofp %convert_element_type3A_232 : vector<176x512xi32> to vector<176x512xf32>
    %reduce_sum3A_234 = arith.constant dense<0.000000e+00> : vector<512xf32>
    %reduce_sum3A_235 = vector.multi_reduction <add>, %convert_element_type3A_233, %reduce_sum3A_234 [0] : vector<176x512xf32> to vector<512xf32>
    %ge3A_236 = arith.constant 1.250000e-01 : f32
    %ge3A_237 = vector.broadcast %ge3A_236 : f32 to vector<176x512xf32>
    %ge3A_238 = arith.cmpf oge, %get3A_226, %ge3A_237 : vector<176x512xf32>
    %convert_element_type3A_239 = arith.extui %ge3A_238 : vector<176x512xi1> to vector<176x512xi32>
    %convert_element_type3A_240 = arith.sitofp %convert_element_type3A_239 : vector<176x512xi32> to vector<176x512xf32>
    %reduce_sum3A_241 = arith.constant dense<0.000000e+00> : vector<512xf32>
    %reduce_sum3A_242 = vector.multi_reduction <add>, %convert_element_type3A_240, %reduce_sum3A_241 [0] : vector<176x512xf32> to vector<512xf32>
    %ge3A_243 = arith.constant 1.875000e-01 : f32
    %ge3A_244 = vector.broadcast %ge3A_243 : f32 to vector<176x512xf32>
    %ge3A_245 = arith.cmpf oge, %get3A_226, %ge3A_244 : vector<176x512xf32>
    %convert_element_type3A_246 = arith.extui %ge3A_245 : vector<176x512xi1> to vector<176x512xi32>
    %convert_element_type3A_247 = arith.sitofp %convert_element_type3A_246 : vector<176x512xi32> to vector<176x512xf32>
    %reduce_sum3A_248 = arith.constant dense<0.000000e+00> : vector<512xf32>
    %reduce_sum3A_249 = vector.multi_reduction <add>, %convert_element_type3A_247, %reduce_sum3A_248 [0] : vector<176x512xf32> to vector<512xf32>
    %ge3A_250 = arith.constant 2.500000e-01 : f32
    %ge3A_251 = vector.broadcast %ge3A_250 : f32 to vector<176x512xf32>
    %ge3A_252 = arith.cmpf oge, %get3A_226, %ge3A_251 : vector<176x512xf32>
    %convert_element_type3A_253 = arith.extui %ge3A_252 : vector<176x512xi1> to vector<176x512xi32>
    %convert_element_type3A_254 = arith.sitofp %convert_element_type3A_253 : vector<176x512xi32> to vector<176x512xf32>
    %reduce_sum3A_255 = arith.constant dense<0.000000e+00> : vector<512xf32>
    %reduce_sum3A_256 = vector.multi_reduction <add>, %convert_element_type3A_254, %reduce_sum3A_255 [0] : vector<176x512xf32> to vector<512xf32>
    %ge3A_257 = arith.constant 3.125000e-01 : f32
    %ge3A_258 = vector.broadcast %ge3A_257 : f32 to vector<176x512xf32>
    %ge3A_259 = arith.cmpf oge, %get3A_226, %ge3A_258 : vector<176x512xf32>
    %convert_element_type3A_260 = arith.extui %ge3A_259 : vector<176x512xi1> to vector<176x512xi32>
    %convert_element_type3A_261 = arith.sitofp %convert_element_type3A_260 : vector<176x512xi32> to vector<176x512xf32>
    %reduce_sum3A_262 = arith.constant dense<0.000000e+00> : vector<512xf32>
    %reduce_sum3A_263 = vector.multi_reduction <add>, %convert_element_type3A_261, %reduce_sum3A_262 [0] : vector<176x512xf32> to vector<512xf32>
    %ge3A_264 = arith.constant 3.750000e-01 : f32
    %ge3A_265 = vector.broadcast %ge3A_264 : f32 to vector<176x512xf32>
    %ge3A_266 = arith.cmpf oge, %get3A_226, %ge3A_265 : vector<176x512xf32>
    %convert_element_type3A_267 = arith.extui %ge3A_266 : vector<176x512xi1> to vector<176x512xi32>
    %convert_element_type3A_268 = arith.sitofp %convert_element_type3A_267 : vector<176x512xi32> to vector<176x512xf32>
    %reduce_sum3A_269 = arith.constant dense<0.000000e+00> : vector<512xf32>
    %reduce_sum3A_270 = vector.multi_reduction <add>, %convert_element_type3A_268, %reduce_sum3A_269 [0] : vector<176x512xf32> to vector<512xf32>
    %ge3A_271 = arith.constant 4.375000e-01 : f32
    %ge3A_272 = vector.broadcast %ge3A_271 : f32 to vector<176x512xf32>
    %ge3A_273 = arith.cmpf oge, %get3A_226, %ge3A_272 : vector<176x512xf32>
    %convert_element_type3A_274 = arith.extui %ge3A_273 : vector<176x512xi1> to vector<176x512xi32>
    %convert_element_type3A_275 = arith.sitofp %convert_element_type3A_274 : vector<176x512xi32> to vector<176x512xf32>
    %reduce_sum3A_276 = arith.constant dense<0.000000e+00> : vector<512xf32>
    %reduce_sum3A_277 = vector.multi_reduction <add>, %convert_element_type3A_275, %reduce_sum3A_276 [0] : vector<176x512xf32> to vector<512xf32>
    %ge3A_278 = arith.constant 5.000000e-01 : f32
    %ge3A_279 = vector.broadcast %ge3A_278 : f32 to vector<176x512xf32>
    %ge3A_280 = arith.cmpf oge, %get3A_226, %ge3A_279 : vector<176x512xf32>
    %convert_element_type3A_281 = arith.extui %ge3A_280 : vector<176x512xi1> to vector<176x512xi32>
    %convert_element_type3A_282 = arith.sitofp %convert_element_type3A_281 : vector<176x512xi32> to vector<176x512xf32>
    %reduce_sum3A_283 = arith.constant dense<0.000000e+00> : vector<512xf32>
    %reduce_sum3A_284 = vector.multi_reduction <add>, %convert_element_type3A_282, %reduce_sum3A_283 [0] : vector<176x512xf32> to vector<512xf32>
    %ge3A_285 = arith.constant 5.625000e-01 : f32
    %ge3A_286 = vector.broadcast %ge3A_285 : f32 to vector<176x512xf32>
    %ge3A_287 = arith.cmpf oge, %get3A_226, %ge3A_286 : vector<176x512xf32>
    %convert_element_type3A_288 = arith.extui %ge3A_287 : vector<176x512xi1> to vector<176x512xi32>
    %convert_element_type3A_289 = arith.sitofp %convert_element_type3A_288 : vector<176x512xi32> to vector<176x512xf32>
    %reduce_sum3A_290 = arith.constant dense<0.000000e+00> : vector<512xf32>
    %reduce_sum3A_291 = vector.multi_reduction <add>, %convert_element_type3A_289, %reduce_sum3A_290 [0] : vector<176x512xf32> to vector<512xf32>
    %ge3A_292 = arith.constant 6.250000e-01 : f32
    %ge3A_293 = vector.broadcast %ge3A_292 : f32 to vector<176x512xf32>
    %ge3A_294 = arith.cmpf oge, %get3A_226, %ge3A_293 : vector<176x512xf32>
    %convert_element_type3A_295 = arith.extui %ge3A_294 : vector<176x512xi1> to vector<176x512xi32>
    %convert_element_type3A_296 = arith.sitofp %convert_element_type3A_295 : vector<176x512xi32> to vector<176x512xf32>
    %reduce_sum3A_297 = arith.constant dense<0.000000e+00> : vector<512xf32>
    %reduce_sum3A_298 = vector.multi_reduction <add>, %convert_element_type3A_296, %reduce_sum3A_297 [0] : vector<176x512xf32> to vector<512xf32>
    %ge3A_299 = arith.constant 6.875000e-01 : f32
    %ge3A_300 = vector.broadcast %ge3A_299 : f32 to vector<176x512xf32>
    %ge3A_301 = arith.cmpf oge, %get3A_226, %ge3A_300 : vector<176x512xf32>
    %convert_element_type3A_302 = arith.extui %ge3A_301 : vector<176x512xi1> to vector<176x512xi32>
    %convert_element_type3A_303 = arith.sitofp %convert_element_type3A_302 : vector<176x512xi32> to vector<176x512xf32>
    %reduce_sum3A_304 = arith.constant dense<0.000000e+00> : vector<512xf32>
    %reduce_sum3A_305 = vector.multi_reduction <add>, %convert_element_type3A_303, %reduce_sum3A_304 [0] : vector<176x512xf32> to vector<512xf32>
    %ge3A_306 = arith.constant 7.500000e-01 : f32
    %ge3A_307 = vector.broadcast %ge3A_306 : f32 to vector<176x512xf32>
    %ge3A_308 = arith.cmpf oge, %get3A_226, %ge3A_307 : vector<176x512xf32>
    %convert_element_type3A_309 = arith.extui %ge3A_308 : vector<176x512xi1> to vector<176x512xi32>
    %convert_element_type3A_310 = arith.sitofp %convert_element_type3A_309 : vector<176x512xi32> to vector<176x512xf32>
    %reduce_sum3A_311 = arith.constant dense<0.000000e+00> : vector<512xf32>
    %reduce_sum3A_312 = vector.multi_reduction <add>, %convert_element_type3A_310, %reduce_sum3A_311 [0] : vector<176x512xf32> to vector<512xf32>
    %ge3A_313 = arith.constant 8.125000e-01 : f32
    %ge3A_314 = vector.broadcast %ge3A_313 : f32 to vector<176x512xf32>
    %ge3A_315 = arith.cmpf oge, %get3A_226, %ge3A_314 : vector<176x512xf32>
    %convert_element_type3A_316 = arith.extui %ge3A_315 : vector<176x512xi1> to vector<176x512xi32>
    %convert_element_type3A_317 = arith.sitofp %convert_element_type3A_316 : vector<176x512xi32> to vector<176x512xf32>
    %reduce_sum3A_318 = arith.constant dense<0.000000e+00> : vector<512xf32>
    %reduce_sum3A_319 = vector.multi_reduction <add>, %convert_element_type3A_317, %reduce_sum3A_318 [0] : vector<176x512xf32> to vector<512xf32>
    %ge3A_320 = arith.constant 8.750000e-01 : f32
    %ge3A_321 = vector.broadcast %ge3A_320 : f32 to vector<176x512xf32>
    %ge3A_322 = arith.cmpf oge, %get3A_226, %ge3A_321 : vector<176x512xf32>
    %convert_element_type3A_323 = arith.extui %ge3A_322 : vector<176x512xi1> to vector<176x512xi32>
    %convert_element_type3A_324 = arith.sitofp %convert_element_type3A_323 : vector<176x512xi32> to vector<176x512xf32>
    %reduce_sum3A_325 = arith.constant dense<0.000000e+00> : vector<512xf32>
    %reduce_sum3A_326 = vector.multi_reduction <add>, %convert_element_type3A_324, %reduce_sum3A_325 [0] : vector<176x512xf32> to vector<512xf32>
    %ge3A_327 = arith.constant 9.375000e-01 : f32
    %ge3A_328 = vector.broadcast %ge3A_327 : f32 to vector<176x512xf32>
    %ge3A_329 = arith.cmpf oge, %get3A_226, %ge3A_328 : vector<176x512xf32>
    %convert_element_type3A_330 = arith.extui %ge3A_329 : vector<176x512xi1> to vector<176x512xi32>
    %convert_element_type3A_331 = arith.sitofp %convert_element_type3A_330 : vector<176x512xi32> to vector<176x512xf32>
    %reduce_sum3A_332 = arith.constant dense<0.000000e+00> : vector<512xf32>
    %reduce_sum3A_333 = vector.multi_reduction <add>, %convert_element_type3A_331, %reduce_sum3A_332 [0] : vector<176x512xf32> to vector<512xf32>
    %stack3A = vector.shape_cast %broadcast_in_dim3A_5 : vector<512xf32> to vector<1x512xf32>
    %stack3A_334 = vector.shape_cast %reduce_sum3A_9 : vector<512xf32> to vector<1x512xf32>
    %stack3A_335 = vector.shape_cast %reduce_sum3A_16 : vector<512xf32> to vector<1x512xf32>
    %stack3A_336 = vector.shape_cast %reduce_sum3A_23 : vector<512xf32> to vector<1x512xf32>
    %stack3A_337 = vector.shape_cast %reduce_sum3A_30 : vector<512xf32> to vector<1x512xf32>
    %stack3A_338 = vector.shape_cast %reduce_sum3A_37 : vector<512xf32> to vector<1x512xf32>
    %stack3A_339 = vector.shape_cast %reduce_sum3A_44 : vector<512xf32> to vector<1x512xf32>
    %stack3A_340 = vector.shape_cast %reduce_sum3A_51 : vector<512xf32> to vector<1x512xf32>
    %stack3A_341 = vector.shape_cast %reduce_sum3A_58 : vector<512xf32> to vector<1x512xf32>
    %stack3A_342 = vector.shape_cast %reduce_sum3A_65 : vector<512xf32> to vector<1x512xf32>
    %stack3A_343 = vector.shape_cast %reduce_sum3A_72 : vector<512xf32> to vector<1x512xf32>
    %stack3A_344 = vector.shape_cast %reduce_sum3A_79 : vector<512xf32> to vector<1x512xf32>
    %stack3A_345 = vector.shape_cast %reduce_sum3A_86 : vector<512xf32> to vector<1x512xf32>
    %stack3A_346 = vector.shape_cast %reduce_sum3A_93 : vector<512xf32> to vector<1x512xf32>
    %stack3A_347 = vector.shape_cast %reduce_sum3A_100 : vector<512xf32> to vector<1x512xf32>
    %stack3A_348 = vector.shape_cast %reduce_sum3A_107 : vector<512xf32> to vector<1x512xf32>
    %stack3A_349 = vector.shape_cast %broadcast_in_dim3A_115 : vector<512xf32> to vector<1x512xf32>
    %stack3A_350 = vector.shape_cast %reduce_sum3A_122 : vector<512xf32> to vector<1x512xf32>
    %stack3A_351 = vector.shape_cast %reduce_sum3A_129 : vector<512xf32> to vector<1x512xf32>
    %stack3A_352 = vector.shape_cast %reduce_sum3A_136 : vector<512xf32> to vector<1x512xf32>
    %stack3A_353 = vector.shape_cast %reduce_sum3A_143 : vector<512xf32> to vector<1x512xf32>
    %stack3A_354 = vector.shape_cast %reduce_sum3A_150 : vector<512xf32> to vector<1x512xf32>
    %stack3A_355 = vector.shape_cast %reduce_sum3A_157 : vector<512xf32> to vector<1x512xf32>
    %stack3A_356 = vector.shape_cast %reduce_sum3A_164 : vector<512xf32> to vector<1x512xf32>
    %stack3A_357 = vector.shape_cast %reduce_sum3A_171 : vector<512xf32> to vector<1x512xf32>
    %stack3A_358 = vector.shape_cast %reduce_sum3A_178 : vector<512xf32> to vector<1x512xf32>
    %stack3A_359 = vector.shape_cast %reduce_sum3A_185 : vector<512xf32> to vector<1x512xf32>
    %stack3A_360 = vector.shape_cast %reduce_sum3A_192 : vector<512xf32> to vector<1x512xf32>
    %stack3A_361 = vector.shape_cast %reduce_sum3A_199 : vector<512xf32> to vector<1x512xf32>
    %stack3A_362 = vector.shape_cast %reduce_sum3A_206 : vector<512xf32> to vector<1x512xf32>
    %stack3A_363 = vector.shape_cast %reduce_sum3A_213 : vector<512xf32> to vector<1x512xf32>
    %stack3A_364 = vector.shape_cast %reduce_sum3A_220 : vector<512xf32> to vector<1x512xf32>
    %stack3A_365 = vector.shape_cast %broadcast_in_dim3A_228 : vector<512xf32> to vector<1x512xf32>
    %stack3A_366 = vector.shape_cast %reduce_sum3A_235 : vector<512xf32> to vector<1x512xf32>
    %stack3A_367 = vector.shape_cast %reduce_sum3A_242 : vector<512xf32> to vector<1x512xf32>
    %stack3A_368 = vector.shape_cast %reduce_sum3A_249 : vector<512xf32> to vector<1x512xf32>
    %stack3A_369 = vector.shape_cast %reduce_sum3A_256 : vector<512xf32> to vector<1x512xf32>
    %stack3A_370 = vector.shape_cast %reduce_sum3A_263 : vector<512xf32> to vector<1x512xf32>
    %stack3A_371 = vector.shape_cast %reduce_sum3A_270 : vector<512xf32> to vector<1x512xf32>
    %stack3A_372 = vector.shape_cast %reduce_sum3A_277 : vector<512xf32> to vector<1x512xf32>
    %stack3A_373 = vector.shape_cast %reduce_sum3A_284 : vector<512xf32> to vector<1x512xf32>
    %stack3A_374 = vector.shape_cast %reduce_sum3A_291 : vector<512xf32> to vector<1x512xf32>
    %stack3A_375 = vector.shape_cast %reduce_sum3A_298 : vector<512xf32> to vector<1x512xf32>
    %stack3A_376 = vector.shape_cast %reduce_sum3A_305 : vector<512xf32> to vector<1x512xf32>
    %stack3A_377 = vector.shape_cast %reduce_sum3A_312 : vector<512xf32> to vector<1x512xf32>
    %stack3A_378 = vector.shape_cast %reduce_sum3A_319 : vector<512xf32> to vector<1x512xf32>
    %stack3A_379 = vector.shape_cast %reduce_sum3A_326 : vector<512xf32> to vector<1x512xf32>
    %stack3A_380 = vector.shape_cast %reduce_sum3A_333 : vector<512xf32> to vector<1x512xf32>
    %stack3A_381 = tpu.concatenate %stack3A, %stack3A_334, %stack3A_335, %stack3A_336, %stack3A_337, %stack3A_338, %stack3A_339, %stack3A_340, %stack3A_341, %stack3A_342, %stack3A_343, %stack3A_344, %stack3A_345, %stack3A_346, %stack3A_347, %stack3A_348, %stack3A_349, %stack3A_350, %stack3A_351, %stack3A_352, %stack3A_353, %stack3A_354, %stack3A_355, %stack3A_356, %stack3A_357, %stack3A_358, %stack3A_359, %stack3A_360, %stack3A_361, %stack3A_362, %stack3A_363, %stack3A_364, %stack3A_365, %stack3A_366, %stack3A_367, %stack3A_368, %stack3A_369, %stack3A_370, %stack3A_371, %stack3A_372, %stack3A_373, %stack3A_374, %stack3A_375, %stack3A_376, %stack3A_377, %stack3A_378, %stack3A_379, %stack3A_380 in 0 : vector<1x512xf32>, vector<1x512xf32>, vector<1x512xf32>, vector<1x512xf32>, vector<1x512xf32>, vector<1x512xf32>, vector<1x512xf32>, vector<1x512xf32>, vector<1x512xf32>, vector<1x512xf32>, vector<1x512xf32>, vector<1x512xf32>, vector<1x512xf32>, vector<1x512xf32>, vector<1x512xf32>, vector<1x512xf32>, vector<1x512xf32>, vector<1x512xf32>, vector<1x512xf32>, vector<1x512xf32>, vector<1x512xf32>, vector<1x512xf32>, vector<1x512xf32>, vector<1x512xf32>, vector<1x512xf32>, vector<1x512xf32>, vector<1x512xf32>, vector<1x512xf32>, vector<1x512xf32>, vector<1x512xf32>, vector<1x512xf32>, vector<1x512xf32>, vector<1x512xf32>, vector<1x512xf32>, vector<1x512xf32>, vector<1x512xf32>, vector<1x512xf32>, vector<1x512xf32>, vector<1x512xf32>, vector<1x512xf32>, vector<1x512xf32>, vector<1x512xf32>, vector<1x512xf32>, vector<1x512xf32>, vector<1x512xf32>, vector<1x512xf32>, vector<1x512xf32>, vector<1x512xf32> -> vector<48x512xf32>
    %reshape3A = vector.shape_cast %stack3A_381 : vector<48x512xf32> to vector<1x48x512xf32>
    %eq3A = arith.constant 0 : i32
    %eq3A_382 = arith.cmpi eq, %arg1, %eq3A : i32
    %convert_element_type3A_383 = arith.extui %eq3A_382 : i1 to i32
    %cond3A = arith.constant 0 : i32
    %cond3A_384 = arith.cmpi ne, %convert_element_type3A_383, %cond3A : i32
    scf.if %cond3A_384 {
      %swap3A = arith.constant 0 : index
      %swap3A_389 = arith.constant 0 : index
      %swap3A_390 = arith.constant 0 : index
      %swap3A_391 = vector.load %arg3[%swap3A, %swap3A_389, %swap3A_390] : memref<1x48x512xf32, #tpu.memory_space<vmem>>, vector<1x48x512xf32>
      tpu.vector_store %arg3[%swap3A, %swap3A_389, %swap3A_390], %reshape3A {strides = array<i32>} : memref<1x48x512xf32, #tpu.memory_space<vmem>>, vector<1x48x512xf32>,
    } else {
    }
    %ne3A = arith.constant 0 : i32
    %ne3A_385 = arith.cmpi ne, %arg1, %ne3A : i32
    %convert_element_type3A_386 = arith.extui %ne3A_385 : i1 to i32
    %cond3A_387 = arith.constant 0 : i32
    %cond3A_388 = arith.cmpi ne, %convert_element_type3A_386, %cond3A_387 : i32
    scf.if %cond3A_388 {
      %get3A_389 = arith.constant 0 : index
      %get3A_390 = arith.constant 0 : index
      %get3A_391 = arith.constant 0 : index
      %get3A_392 = vector.load %arg3[%get3A_389, %get3A_390, %get3A_391] : memref<1x48x512xf32, #tpu.memory_space<vmem>>, vector<1x48x512xf32>
      %add3A = arith.addf %get3A_392, %reshape3A : vector<1x48x512xf32>
      %swap3A = arith.constant 0 : index
      %swap3A_393 = arith.constant 0 : index
      %swap3A_394 = arith.constant 0 : index
      %swap3A_395 = vector.load %arg3[%swap3A, %swap3A_393, %swap3A_394] : memref<1x48x512xf32, #tpu.memory_space<vmem>>, vector<1x48x512xf32>
      tpu.vector_store %arg3[%swap3A, %swap3A_393, %swap3A_394], %add3A {strides = array<i32>} : memref<1x48x512xf32, #tpu.memory_space<vmem>>, vector<1x48x512xf32>,
    } else {
    }
    return
  }
  func.func @transform_0(%arg0: i32, %arg1: i32) -> (i32, i32, i32, i32) {
    %add3A = arith.constant 0 : i32
    %add3A_0 = arith.addi %arg1, %add3A : i32
    %c0_i32 = arith.constant 0 : i32
    %c0_i32_1 = arith.constant 0 : i32
    %c0_i32_2 = arith.constant 0 : i32
    return %arg0, %c0_i32, %add3A_0, %c0_i32_1 : i32, i32, i32, i32
  }
  func.func @transform_1(%arg0: i32, %arg1: i32) -> (i32, i32, i32) {
    %c0_i32 = arith.constant 0 : i32
    %c0_i32_0 = arith.constant 0 : i32
    %c0_i32_1 = arith.constant 0 : i32
    return %arg0, %c0_i32, %c0_i32_0 : i32, i32, i32
  }
}

</mosaic_0001>

<sc_bundles>
// kernel: kernel.5.cloned.1.call-start
scs
__scs_entry_jumppad:
0x0: {  	(pc) =	sbr.rel $0x88, $3  }
0x1: {  	(tag) =	ssettag $0x0;
	lr =	simm.s32 $0x1  }
0x2: {  	[smem:$0x3F9E] =	sst lr;
	_ =	strace $0xD0000000  }
0x3: {  	_ = 	snop  }
0x4: {  	_ = 	snop  }
0x5: {  	_ = 	snop  }
0x6: {  	_ = 	snop  }
0x7: {  	_ = 	snop  }
__scs_overlays_trampoline_lowered:
0x8: {  	[smem:$0x3FAD] =	sst s0  }
0x9: {  	[smem:$0x3FAE] =	sst s1  }
0xa: {  	[smem:$0x3FAF] =	sst s2  }
0xb: {  	[smem:$0x3FB0] =	sst s3  }
0xc: {  	[smem:$0x3FB1] =	sst s4  }
0xd: {  	[smem:$0x3FB2] =	sst s5  }
0xe: {  	[smem:$0x3FB3] =	sst s6  }
0xf: {  	[smem:$0x3FB4] =	sst s7  }
0x10: {  	[smem:$0x3FB5] =	sst s8  }
0x11: {  	[smem:$0x3FB6] =	sst s9;
	s0 =	simm.s32 @!p0 $0x0  }
0x12: {  	s1 =	sld [smem:$0x3F9C];
	s0 =	simm.s32 @p0 $0x1  }
0x13: {  	[smem:$0x3FB7] =	sst s0;
	s0 =	simm.s32 @!p1 $0x0  }
0x14: {  	s2 =	sld [smem:$0x3F9B];
	s0 =	simm.s32 @p1 $0x1  }
0x15: {  	[smem:$0x3FB8] =	sst s0;
	s0 =	simm.s32 @!p2 $0x0  }
0x16: {  	s3 =	sld [smem:$0x3FDB];
	s0 =	simm.s32 @p2 $0x1  }
0x17: {  	s4 =	simm.s32 $0x1BF5;
	[smem:$0x3FBA] =	sst s0  }
0x18: {  	s0 =	sld [smem:$0x3F9D];
	_ =	swait.ge [sflag:s4], $0x0  }
0x19: {  	s7 =	sld [smem:$0x3F9E]  }
0x1a: {  	s8 =	sadd.s32 $0xFFFFE003, lr  }
0x1b: {  	s9 =	sadd.s32 $0xFFFFFEF7, lr;
	s5 =	simm.s32 $0xFFFFFFFF;
	p2 =	slt.u32 s8, $0xFFFFF086  }
0x1c: {  	p1 =	slt.u32 s9, $0xF7A;
	s5 =	simm.s32 @!p2 $0x0  }
0x1d: {  	s5 =	simm.s32 @p1 $0x1;
	p0 =	seq.s32 s7, s2  }
0x1e: {  	s7 =	smul.u32 @!p0 $0xF7A, s2;
	p2 =	seq.s32 @!p0 s5, $0x0  }
0x1f: {  	s9 =	smul.u32 $0xF7A, s1;
	s8 =	simm.s32 @!p0 $0x1BF5;
	p2 =	por !p2, p0  }
0x20: {  	[sflag:s8] =	ssyncset.s32 @!p0 $0xFFFFF086;
	s6 =	sadd.s32 @!p0 s3, s7;
	s7 =	simm.s32 @!p0 $0x108  }
0x21: {  	s3 =	sadd.s32 s3, s9;
	s6 =	sadd.s32 @!p0 $0x88, s6;
	s7 =	simm.s32 @p2 $0x1082  }
0x22: {  	[simem:s7], [sflag:s8] =	dma.local @!p0 [hbm:s6], $0xF7A  }
0x23: {  	s9 =	sor.u32 $0xD0000000, s2;
	s6 =	simm.s32 $0x108;
	_ =	swait.ge @!p0 [sflag:s8], $0x0  }
0x24: {  	s3 =	sadd.s32 $0x88, s3;
	s6 =	simm.s32 @!p1 $0x1082;
	[sflag:s4] =	ssyncset.s32 $0xFFFFF086  }
0x25: {  	[simem:s6], [sflag:s4] =	dma.local [hbm:s3], $0xF7A  }
0x26: {  	[smem:$0x3F9E] =	sst s1;
	(tag) =	ssettag s2;
	_ =	strace s9  }
0x27: {  	s1 =	sld [smem:$0x3FAE]  }
0x28: {  	s2 =	sld [smem:$0x3FAF]  }
0x29: {  	s4 =	sld [smem:$0x3FB1]  }
0x2a: {  	p0 =	seq.s32 s5, $0x0;
	s5 =	sld [smem:$0x3FB2]  }
0x2b: {  	s6 =	sld [smem:$0x3FB3]  }
0x2c: {  	s7 =	sld [smem:$0x3FB4]  }
0x2d: {  	s3 =	simm.s32 $0x108;
	s8 =	sld [smem:$0x3FB5]  }
0x2e: {  	s3 =	simm.s32 @!p0 $0x1082;
	s9 =	sld [smem:$0x3FB6]  }
0x2f: {  	lr =	sadd.s32 s0, s3;
	s0 =	sld [smem:$0x3FAD]  }
0x30: {  	s3 =	sld [smem:$0x3FB0]  }
0x31: {  	[smem:$0x3FB9] =	sst s10  }
0x32: {  	s10 =	sld [smem:$0x3FB7];
	_ =	sdelay $0x3  }
0x33: {  	p0 =	seq.s32 s10, $0x1;
	s10 =	sld [smem:$0x3FB9];
	_ =	sdelay $0x3  }
0x34: {  	[smem:$0x3FB9] =	sst s10  }
0x35: {  	s10 =	sld [smem:$0x3FB8];
	_ =	sdelay $0x3  }
0x36: {  	p1 =	seq.s32 s10, $0x1;
	s10 =	sld [smem:$0x3FB9];
	_ =	sdelay $0x3  }
0x37: {  	[smem:$0x3FB9] =	sst s10  }
0x38: {  	s10 =	sld [smem:$0x3FBA]  }
0x39: {  	_ = 	snop;
	(pc) =	sbr.ind lr, $3  }
0x3a: {  	_ = 	snop  }
0x3b: {  	_ = 	snop  }
0x3c: {  	p2 =	seq.s32 s10, $0x1;
	s10 =	sld [smem:$0x3FB9]  }
0x3d: {  	_ =	shalt  }
0x3e: {  	_ =	shalt  }
0x3f: {  	_ =	shalt  }
0x40: {  	_ =	shalt  }
0x41: {  	_ =	shalt  }
0x42: {  	_ =	shalt  }
0x43: {  	_ =	shalt  }
0x44: {  	_ =	shalt  }
0x45: {  	_ =	shalt  }
0x46: {  	_ =	shalt  }
0x47: {  	_ =	shalt  }
0x48: {  	_ =	shalt  }
0x49: {  	_ =	shalt  }
0x4a: {  	_ =	shalt  }
0x4b: {  	_ =	shalt  }
0x4c: {  	_ =	shalt  }
0x4d: {  	_ =	shalt  }
0x4e: {  	_ =	shalt  }
0x4f: {  	_ =	shalt  }
0x50: {  	_ =	shalt  }
0x51: {  	_ =	shalt  }
0x52: {  	_ =	shalt  }
0x53: {  	_ =	shalt  }
0x54: {  	_ =	shalt  }
0x55: {  	_ =	shalt  }
0x56: {  	_ =	shalt  }
0x57: {  	_ =	shalt  }
0x58: {  	_ =	shalt  }
0x59: {  	_ =	shalt  }
0x5a: {  	_ =	shalt  }
0x5b: {  	_ =	shalt  }
0x5c: {  	_ =	shalt  }
0x5d: {  	_ =	shalt  }
0x5e: {  	_ =	shalt  }
0x5f: {  	_ =	shalt  }
0x60: {  	_ =	shalt  }
0x61: {  	_ =	shalt  }
0x62: {  	_ =	shalt  }
0x63: {  	_ =	shalt  }
0x64: {  	_ =	shalt  }
0x65: {  	_ =	shalt  }
0x66: {  	_ =	shalt  }
0x67: {  	_ =	shalt  }
0x68: {  	_ =	shalt  }
0x69: {  	_ =	shalt  }
0x6a: {  	_ =	shalt  }
0x6b: {  	_ =	shalt  }
0x6c: {  	_ =	shalt  }
0x6d: {  	_ =	shalt  }
0x6e: {  	_ =	shalt  }
0x6f: {  	_ =	shalt  }
0x70: {  	_ =	shalt  }
0x71: {  	_ =	shalt  }
0x72: {  	_ =	shalt  }
0x73: {  	_ =	shalt  }
0x74: {  	_ =	shalt  }
0x75: {  	_ =	shalt  }
0x76: {  	_ =	shalt  }
0x77: {  	_ =	shalt  }
0x78: {  	_ =	shalt  }
0x79: {  	_ =	shalt  }
0x7a: {  	_ =	shalt  }
0x7b: {  	_ =	shalt  }
0x7c: {  	_ =	shalt  }
0x7d: {  	_ =	shalt  }
0x7e: {  	_ =	shalt  }
0x7f: {  	_ =	shalt  }
0x80: {  	_ =	shalt  }
0x81: {  	_ =	shalt  }
0x82: {  	_ =	shalt  }
0x83: {  	_ =	shalt  }
0x84: {  	_ =	shalt  }
0x85: {  	_ =	shalt  }
0x86: {  	_ =	shalt  }
0x87: {  	_ =	shalt  }
.Lfunc_end0:
.L_simem_size_0:
called_computation_lowered:
.L_overlay_start_0:
0x88: {  	s2 =	sld [smem:$0x3FD9]  }
0x89: {  	s3 =	sld [smem:$0x3FFE];
	_ =	sdelay $0x1  }
0x8a: {  	s1 =	srdreg.scid  }
0x8b: {  	s0 =	sand.u32 $0x1, s1  }
0x8c: {  	s18 =	sshll.u32 s0, $0xA;
	s2 =	sadd.s32 s3, s2  }
0x8d: {  	s2 =	sadd.s32 s2, s18  }
0x8e: {  	[smem:$0x3FC5] =	sst s2  }
0x8f: {  	_ = 	snop  }
0x90: {  	s2 =	sld [smem:$0x3FC9]  }
0x91: {  	s19 =	sld [smem:$0x3FD0];
	(tm) =	ssettm $0x1  }
0x92: {  	s4 =	sld [smem:$0x3FFB];
	_ =	sdelay $0x3  }
0x93: {  	_ =	strace s4  }
0x94: {  	s4 =	sld [smem:$0x3FFC];
	_ =	sdelay $0x3  }
0x95: {  	_ =	strace s4  }
0x96: {  	s4 =	sld [smem:$0x3FFD];
	_ =	sdelay $0x3  }
0x97: {  	_ =	strace s4  }
0x98: {  	_ =	strace $0x8FFFFFFF  }
0x99: {  	s20 =	sld [smem:$0x3FDB];
	_ =	sdelay $0x1  }
0x9a: {  	s5 =	simm.s32 $_scs_section_size  }
0x9b: {  	s6 =	simm.s32 $_size__tile_overlayer_lowered;
	s7 =	simm.s32 $_tile_overlayer_lowered  }
0x9c: {  	s23 =	simm.s32 $0x1BFF;
	s22 =	sshll.u32 s7, $0x1;
	s4 =	sadd.s32 s5, s20  }
0x9d: {  	s8 =	simm.s32 $0x0;
	s21 =	sshll.u32 s6, $0x1;
	s6 =	sadd.s32 s22, s4  }
0x9e: {  	[timem:s8], [sflag:s23] =	dma.local [hbm:s6], s21  }
0x9f: {  	_ =	swait.ge [sflag:s23], s21  }
0xa0: {  	s5 =	ssub.s32 $0x0, s21;
	[sflag:s23] =	ssyncset.done $0x0  }
0xa1: {  	[sflag:s23] =	ssyncadd.s32 s5;
	_ =	sdelay $0x1  }
0xa2: {  	s24 =	simm.s32 $0x1B8B  }
0xa3: {  	_ =	swait.ge [sflag:s24], $0x1  }
0xa4: {  	[sflag:s24] =	ssyncset.done $0x0  }
0xa5: {  	s25 =	simm.s32 $0x1B8E;
	[sflag:s24] =	ssyncadd.s32 $0xFFFFFFFF  }
0xa6: {  	s26 =	simm.s32 $execute0_lowered;
	[smem:$0x3FD2] =	sst s25  }
0xa7: {  	s5 =	sshll.u32 s26, $0x1;
	_ =	strace $0x80000046;
	[dreg:$0x1] =	wrdreg $0xFFFFFFFF  }
0xa8: {  	s28 =	simm.s32 $_size_execute0_lowered;
	s4 =	sadd.s32 s4, s5;
	[dreg:$0x0] =	wrdreg $0x0  }
0xa9: {  	s5 =	sshll.u32 s28, $0x1;
	[dreg:$0x2] =	wrdreg s4  }
0xaa: {  	[dreg:$0x3] =	wrdreg s5  }
0xab: {  	[dreg:$0x4] =	wrdreg $0xC0  }
0xac: {  	_ =	task [dreg:s8], $0x5FFFF  }
0xad: {  	[dreg:$0x1] =	wrdreg $0xFFFFFFFF  }
0xae: {  	[dreg:$0x0] =	wrdreg $0x60  }
0xaf: {  	[dreg:$0x2] =	wrdreg s2  }
0xb0: {  	[dreg:$0x3] =	wrdreg s19  }
0xb1: {  	[dreg:$0x4] =	wrdreg $0x9  }
0xb2: {  	_ =	task.clear_ibuf [dreg:s8], $0x5FFFF;
	_ =	strace $0x90000046  }
0xb3: {  	s29 =	simm.s32 $0x9;
	_ =	strace $0x80000048  }
0xb4: {  	_ =	swait.ge [sflag:s29], $0x1  }
0xb5: {  	[sflag:s29] =	ssyncadd.s32 $0xFFFFFFFF  }
0xb6: {  	_ =	strace $0x90000048  }
0xb7: {  	_ =	sfence  }
0xb8: {  	s30 =	sld [smem:$0x0];
	_ =	sdelay $0x2  }
0xb9: {  	s31 =	sshll.u32 s1, $0xD;
	s1 =	sshrl.u32 s1, $0x2  }
0xba: {  	s3 =	sand.u32 $0x4000, s31;
	s1 =	sadd.s32 s1, s30  }
0xbb: {  	s0 =	sor.u32 s3, s0;
	s1 =	sshll.u32 s1, $0x11  }
0xbc: {  	s0 =	sor.u32 s1, s0  }
0xbd: {  	s0 =	sadd.s32 $0x8F2B, s0  }
0xbe: {  	[sflag:s0] =	ssyncadd.remote.s32 $0x1  }
0xbf: {  	_ =	sfence.sel $0xFFFF  }
0xc0: {  	[dreg:$0x0] =	wrdreg $0xFFFFFFFF;
	(pc) =	sbr.abs _section_cstart, $3  }
0xc1: {  	[dreg:$0x1] =	wrdreg $0xFFFFFFFF  }
0xc2: {  	_ =	task.clear_ibuf [dreg:s8], $0x2FFFF;
	_ =	strace $0x9FFFFFFF  }
0xc3: {  	(tm) =	ssettm $0x7FFFFFFF  }
tec
execute0_lowered:
.L_overlay_start_1:
0x0: {  	(tag) =	ssettag $0x1  }
0x1: {  	s0 =	srdreg.scid  }
0x2: {  	s1 =	stileid.u32;
	s3 =	rddreg [dreg:$0x0]  }
0x3: {  	s4 =	rddreg [dreg:$0x1];
	s0 =	sand.u32 $0x1, s0;
	s1 =	sshll.u32 s1, $0x1  }
0x4: {  	s2 =	simm.s32 $0x0;
	s28 =	simm.s32 $0x1;
	s1 =	sor.u32 s0, s1  }
0x5: {  	s29 =	simm.s32 $0xC000;
	[smem:$0x7FF] =	sst s2;
	s5 =	smul.u32 $0xC0000, s1  }
0x6: {  	s30 =	simm.s32 $0x2;
	s0 =	ssub.s32 $0x2, s0;
	_ =	strace $0x80000047  }
0x7: {  	s6 =	sshrl.u32 s0, $0x1;
	s1 =	sshll.u32 s1, $0x4;
	s5 =	sshrl.u32 s5, $0x3  }
0x8: {  	s0 =	ssub.s32 s0, s6;
	s22 =	sadd.s32 s4, s1;
	s3 =	sadd.s32 s3, s5  }
0x9: {  	s1 =	simm.s32 $0x3;
	s5 =	sadd.s32 $0x2C00, s3;
	s24 =	sadd.s32 $0x3800, s3  }
0xa: {  	s25 =	sadd.s32 $0x4400, s3;
	s26 =	sadd.s32 $0x5000, s3;
	s31 =	sadd.s32 $0x5C00, s3  }
0xb: {  	s8 =	sadd.s32 $0x6800, s3;
	s9 =	sadd.s32 $0x7400, s3;
	s10 =	sadd.s32 $0xAC00, s3  }
0xc: {  	s11 =	sadd.s32 $0xB800, s3;
	s12 =	sadd.s32 $0xC400, s3;
	s13 =	sadd.s32 $0xD000, s3  }
0xd: {  	s14 =	sadd.s32 $0xDC00, s3;
	s15 =	sadd.s32 $0xE800, s3;
	[dreg:$0x3] =	wrdreg s5  }
0xe: {  	s16 =	sadd.s32 $0xF400, s3;
	s17 =	sadd.s32 $0x12C00, s3;
	[dreg:$0x4] =	wrdreg s24  }
0xf: {  	s18 =	sadd.s32 $0x13800, s3;
	s19 =	sadd.s32 $0x14400, s3;
	[dreg:$0x5] =	wrdreg s25  }
0x10: {  	s20 =	sadd.s32 $0x15000, s3;
	s21 =	sadd.s32 $0x15C00, s3;
	[dreg:$0x6] =	wrdreg s26  }
0x11: {  	v1 =	vlaneseq.u32;
	s23 =	sadd.s32 $0x16800, s3;
	[dreg:$0x7] =	wrdreg s31;
	s24 =	sadd.s32 $0x17400, s3  }
0x12: {  	v0 =	vimm.f32 $0.0e+00;
	v2 =	vimm.f32 $1.000000000e+00;
	v1 =	vmul.u32 $0x80, v1;
	s25 =	smax.u32 s0, $0x1;
	s26 =	simm.s32 $0x6000;
	s0 =	simm.s32 $0x0  }
.LBB2_1:
0x13: {  	s3 =	rddreg [dreg:$0x3]  }
0x14: {  	[tilespmem:s2], [sflag:$0x1] =	stream.linear.gather [hbm4b:s3+s2], $0x6000, $0x38;
	[tilespmem:$0xC880] =	vst v63  }
0x15: {  	[tilespmem:$0xC800] =	vst v0  }
0x16: {  	[tilespmem:$0xC810] =	vst v0  }
0x17: {  	[tilespmem:$0xC820] =	vst v0  }
0x18: {  	[tilespmem:$0xC830] =	vst v0  }
0x19: {  	[tilespmem:$0xC840] =	vst v0  }
0x1a: {  	[tilespmem:$0xC850] =	vst v0  }
0x1b: {  	[tilespmem:$0xC860] =	vst v0  }
0x1c: {  	[tilespmem:$0xC870] =	vst v0  }
0x1d: {  	[tilespmem:$0xC000] =	vst v0  }
0x1e: {  	[tilespmem:$0xC080] =	vst v0  }
0x1f: {  	[tilespmem:$0xC100] =	vst v0  }
0x20: {  	[tilespmem:$0xC180] =	vst v0  }
0x21: {  	[tilespmem:$0xC200] =	vst v0  }
0x22: {  	[tilespmem:$0xC280] =	vst v0  }
0x23: {  	[tilespmem:$0xC300] =	vst v0  }
0x24: {  	[tilespmem:$0xC380] =	vst v0  }
0x25: {  	[tilespmem:$0xC400] =	vst v0  }
0x26: {  	[tilespmem:$0xC480] =	vst v0  }
0x27: {  	[tilespmem:$0xC500] =	vst v0  }
0x28: {  	[tilespmem:$0xC580] =	vst v0  }
0x29: {  	[tilespmem:$0xC600] =	vst v0  }
0x2a: {  	[tilespmem:$0xC680] =	vst v0  }
0x2b: {  	[tilespmem:$0xC700] =	vst v0  }
0x2c: {  	s6 =	rddreg [dreg:$0x4];
	s7 =	simm.s32 $0x0;
	[tilespmem:$0xC780] =	vst v0  }
0x2d: {  	[tilespmem:s26], [sflag:$0x2] =	stream.linear.gather [hbm4b:s6+s2], $0x6000, $0x38;
	[tilespmem:$0xC880] =	vst v63  }
0x2e: {  	s4 =	sand.u32 $0xC00, s2;
	s3 =	sand.u32 $0x7000, s7;
	_ =	swait.ge [sflag:s28], $0x6000  }
0x2f: {  	s31 =	sand.u32 $0x380, s2;
	s3 =	sor.u32 s4, s3;
	[sflag:s28] =	ssyncset.done $0x0  }
0x30: {  	s3 =	sor.u32 s31, s3;
	[sflag:s28] =	ssyncadd.s32 $0xFFFFA000  }
0x31: {  	v3 =	vld [tilespmem:s3+$0x70];
	_ =	sdelay $0x3  }
0x32: {  	v4 =	vld [tilespmem:s3+$0x0]  }
0x33: {  	v5 =	vld [tilespmem:s3+$0x10];
	v3 =	vmul.f32 $1.600000000e+01, v3  }
0x34: {  	v6 =	vld [tilespmem:s3+$0x20]  }
0x35: {  	v7 =	vld [tilespmem:s3+$0x30];
	v3 =	vtrunc.f32 v3  }
0x36: {  	v8 =	vld [tilespmem:s3+$0x40];
	v3 =	vcvt.f32.s32 v3  }
0x37: {  	v9 =	vld [tilespmem:s3+$0x50]  }
0x38: {  	s31 =	simm.s32 $0x80;
	v10 =	vld [tilespmem:s3+$0x60];
	s3 =	simm.s32 $0x400;
	v3 =	vadd.s32 v1, v3  }
0x39: {  	s4 =	simm.s32 $0x20;
	s5 =	sand.u32 $0x7000, s31;
	s6 =	sand.u32 $0xC00, s3;
	v4 =	vmul.f32 $1.600000000e+01, v4  }
0x3a: {  	s7 =	sand.u32 $0x380, s4;
	s5 =	sor.u32 s6, s5;
	v5 =	vmul.f32 $1.600000000e+01, v5;
	v6 =	vmul.f32 $1.600000000e+01, v6  }
0x3b: {  	s5 =	sor.u32 s7, s5;
	v7 =	vmul.f32 $1.600000000e+01, v7;
	v8 =	vmul.f32 $1.600000000e+01, v8  }
0x3c: {  	v11 =	vld [tilespmem:s5+$0x0];
	v9 =	vmul.f32 $1.600000000e+01, v9;
	v4 =	vtrunc.f32 v4  }
0x3d: {  	v5 =	vtrunc.f32 v5;
	v6 =	vtrunc.f32 v6;
	[tilespmem:v3+s29+$0x0] =	vst.idx.add.f32.msk $0xffff, v2  }
0x3e: {  	v3 =	vtrunc.f32 v7;
	v7 =	vmul.f32 $1.600000000e+01, v10;
	v10 =	vld [tilespmem:s5+$0x70]  }
0x3f: {  	v12 =	vld [tilespmem:s5+$0x10];
	v8 =	vtrunc.f32 v8;
	v4 =	vcvt.f32.s32 v4  }
0x40: {  	v9 =	vtrunc.f32 v9;
	v5 =	vcvt.f32.s32 v5  }
0x41: {  	v13 =	vld [tilespmem:s5+$0x20];
	v6 =	vcvt.f32.s32 v6;
	v8 =	vcvt.f32.s32 v8;
	v4 =	vadd.s32 v1, v4  }
0x42: {  	v15 =	vld [tilespmem:s5+$0x30];
	v9 =	vcvt.f32.s32 v9;
	v14 =	vadd.s32 v1, v5;
	v3 =	vcvt.f32.s32 v3  }
0x43: {  	v16 =	vld [tilespmem:s5+$0x40];
	v6 =	vadd.s32 v1, v6;
	v7 =	vtrunc.f32 v7;
	v5 =	vmul.f32 $1.600000000e+01, v10  }
0x44: {  	v18 =	vld [tilespmem:s5+$0x50];
	v17 =	vadd.s32 v1, v3;
	v3 =	vmul.f32 $1.600000000e+01, v11;
	v11 =	vmul.f32 $1.600000000e+01, v12  }
0x45: {  	v10 =	vcvt.f32.s32 v7;
	v7 =	vld [tilespmem:s5+$0x60];
	v12 =	vtrunc.f32 v5;
	v5 =	vadd.s32 v1, v8  }
0x46: {  	v13 =	vmul.f32 $1.600000000e+01, v13;
	[tilespmem:v4+s29+$0x0] =	vst.idx.add.f32.msk $0xffff, v2;
	v4 =	vadd.s32 v1, v9;
	v19 =	vcvt.f32.s32 v12  }
0x47: {  	[tilespmem:v14+s29+$0x0] =	vst.idx.add.f32.msk $0xffff, v2;
	v9 =	vtrunc.f32 v11;
	v8 =	vtrunc.f32 v3;
	v3 =	vadd.s32 v1, v10  }
0x48: {  	[tilespmem:v6+s29+$0x0] =	vst.idx.add.f32.msk $0xffff, v2;
	v11 =	vmul.f32 $1.600000000e+01, v16;
	v12 =	vmul.f32 $1.600000000e+01, v15;
	v6 =	vadd.s32 v1, v19  }
0x49: {  	v10 =	vtrunc.f32 v13;
	v13 =	vmul.f32 $1.600000000e+01, v18;
	[tilespmem:v17+s29+$0x0] =	vst.idx.add.f32.msk $0xffff, v2  }
.LBB2_2:
0x4a: {  	s31 =	sadd.s32 $0x80, s31;
	v12 =	vtrunc.f32 v12;
	v7 =	vmul.f32 $1.600000000e+01, v7;
	s3 =	sadd.s32 $0x400, s3;
	[tilespmem:v5+s29+$0x0] =	vst.idx.add.f32.msk $0xffff, v2  }
0x4b: {  	v5 =	vtrunc.f32 v11;
	s4 =	sadd.s32 $0x20, s4;
	s5 =	sand.u32 $0x7000, s31;
	s6 =	sand.u32 $0xC00, s3;
	v11 =	vtrunc.f32 v13;
	[tilespmem:v4+s29+$0x0] =	vst.idx.add.f32.msk $0xffff, v2  }
0x4c: {  	s7 =	sand.u32 $0x380, s4;
	p0 =	slt.u32 s31, $0x5F80;
	v4 =	vcvt.f32.s32 v8;
	s5 =	sor.u32 s6, s5;
	v7 =	vtrunc.f32 v7;
	[tilespmem:v3+s29+$0x0] =	vst.idx.add.f32.msk $0xffff, v2  }
0x4d: {  	v8 =	vcvt.f32.s32 v10;
	v3 =	vcvt.f32.s32 v9;
	s5 =	sor.u32 s7, s5;
	[tilespmem:v6+s29+$0x0] =	vst.idx.add.f32.msk $0xffff, v2  }
0x4e: {  	v5 =	vcvt.f32.s32 v5;
	v9 =	vadd.s32 v1, v4;
	v4 =	vcvt.f32.s32 v12;
	v6 =	vld [tilespmem:s5+$0x70]  }
0x4f: {  	v7 =	vcvt.f32.s32 v7;
	v13 =	vadd.s32 v1, v3;
	v3 =	vcvt.f32.s32 v11;
	v10 =	vld [tilespmem:s5+$0x0]  }
0x50: {  	v14 =	vadd.s32 v1, v8;
	v5 =	vadd.s32 v1, v5;
	v15 =	vadd.s32 v1, v4;
	v11 =	vld [tilespmem:s5+$0x10]  }
0x51: {  	v4 =	vadd.s32 v1, v3;
	v3 =	vadd.s32 v1, v7;
	v8 =	vld [tilespmem:s5+$0x20]  }
0x52: {  	v12 =	vld [tilespmem:s5+$0x30]  }
0x53: {  	v16 =	vld [tilespmem:s5+$0x40];
	v6 =	vmul.f32 $1.600000000e+01, v6  }
0x54: {  	v10 =	vmul.f32 $1.600000000e+01, v10;
	v17 =	vld [tilespmem:s5+$0x50]  }
.Ltmp0:
0x55: {  	v11 =	vmul.f32 $1.600000000e+01, v11;
	v7 =	vld [tilespmem:s5+$0x60];
	v6 =	vtrunc.f32 v6;
	(pc) =	sbr.rel @p0 .LBB2_2-.Ltmp0, $4  }
0x56: {  	v18 =	vmul.f32 $1.600000000e+01, v8;
	v6 =	vcvt.f32.s32 v6;
	[tilespmem:v9+s29+$0x0] =	vst.idx.add.f32.msk $0xffff, v2  }
0x57: {  	v8 =	vtrunc.f32 v10;
	v12 =	vmul.f32 $1.600000000e+01, v12;
	[tilespmem:v13+s29+$0x0] =	vst.idx.add.f32.msk $0xffff, v2  }
0x58: {  	v9 =	vtrunc.f32 v11;
	v11 =	vmul.f32 $1.600000000e+01, v16;
	v6 =	vadd.s32 v1, v6;
	[tilespmem:v14+s29+$0x0] =	vst.idx.add.f32.msk $0xffff, v2  }
0x59: {  	v10 =	vtrunc.f32 v18;
	v13 =	vmul.f32 $1.600000000e+01, v17;
	[tilespmem:v15+s29+$0x0] =	vst.idx.add.f32.msk $0xffff, v2  }
0x5a: {  	_ = 	snop  }
0x5b: {  	v8 =	vcvt.f32.s32 v8  }
0x5c: {  	v12 =	vtrunc.f32 v12;
	v9 =	vcvt.f32.s32 v9  }
0x5d: {  	v7 =	vmul.f32 $1.600000000e+01, v7;
	v10 =	vcvt.f32.s32 v10;
	v8 =	vadd.s32 v1, v8  }
0x5e: {  	[tilespmem:v5+s29+$0x0] =	vst.idx.add.f32.msk $0xffff, v2;
	v5 =	vtrunc.f32 v11;
	v11 =	vcvt.f32.s32 v12;
	v9 =	vadd.s32 v1, v9  }
0x5f: {  	[tilespmem:v4+s29+$0x0] =	vst.idx.add.f32.msk $0xffff, v2;
	v12 =	vtrunc.f32 v13;
	v4 =	vcvt.f32.s32 v5;
	v5 =	vadd.s32 v1, v10  }
0x60: {  	[tilespmem:v3+s29+$0x0] =	vst.idx.add.f32.msk $0xffff, v2;
	v7 =	vtrunc.f32 v7;
	v3 =	vcvt.f32.s32 v12;
	v10 =	vadd.s32 v1, v11  }
0x61: {  	[tilespmem:v6+s29+$0x0] =	vst.idx.add.f32.msk $0xffff, v2;
	v6 =	vcvt.f32.s32 v7;
	v4 =	vadd.s32 v1, v4  }
0x62: {  	v3 =	vadd.s32 v1, v3;
	[tilespmem:v8+s29+$0x0] =	vst.idx.add.f32.msk $0xffff, v2  }
0x63: {  	v6 =	vadd.s32 v1, v6;
	[tilespmem:v9+s29+$0x0] =	vst.idx.add.f32.msk $0xffff, v2  }
0x64: {  	[tilespmem:v5+s29+$0x0] =	vst.idx.add.f32.msk $0xffff, v2  }
0x65: {  	[tilespmem:v10+s29+$0x0] =	vst.idx.add.f32.msk $0xffff, v2  }
0x66: {  	[tilespmem:v4+s29+$0x0] =	vst.idx.add.f32.msk $0xffff, v2  }
0x67: {  	[tilespmem:v3+s29+$0x0] =	vst.idx.add.f32.msk $0xffff, v2  }
0x68: {  	[tilespmem:v6+s29+$0x0] =	vst.idx.add.f32.msk $0xffff, v2  }
0x69: {  	s3 =	simm.s32 $0x0;
	s7 =	simm.s32 $0x0;
	s4 =	rddreg [dreg:$0x5]  }
0x6a: {  	[tilespmem:s3], [sflag:$0x1] =	stream.linear.gather [hbm4b:s4+s3], $0x6000, $0x38;
	[tilespmem:$0xC880] =	vst v63  }
0x6b: {  	s5 =	sand.u32 $0xC00, s3;
	s4 =	sand.u32 $0x7000, s7;
	_ =	swait.ge [sflag:s30], $0x6000  }
0x6c: {  	s3 =	sand.u32 $0x380, s3;
	s4 =	sor.u32 s5, s4;
	[sflag:s30] =	ssyncset.done $0x0  }
0x6d: {  	s3 =	sor.u32 s3, s4;
	[sflag:s30] =	ssyncadd.s32 $0xFFFFA000  }
0x6e: {  	v3 =	vld [tilespmem:s3+$0x6070];
	_ =	sdelay $0x3  }
0x6f: {  	v4 =	vld [tilespmem:s3+$0x6000]  }
0x70: {  	v5 =	vld [tilespmem:s3+$0x6010];
	v3 =	vmul.f32 $1.600000000e+01, v3  }
0x71: {  	v6 =	vld [tilespmem:s3+$0x6020]  }
0x72: {  	v7 =	vld [tilespmem:s3+$0x6030];
	v3 =	vtrunc.f32 v3  }
0x73: {  	v8 =	vld [tilespmem:s3+$0x6040];
	v3 =	vcvt.f32.s32 v3  }
0x74: {  	v9 =	vld [tilespmem:s3+$0x6050]  }
0x75: {  	s31 =	simm.s32 $0x80;
	v10 =	vld [tilespmem:s3+$0x6060];
	s3 =	simm.s32 $0x400;
	v3 =	vadd.s32 v1, v3  }
0x76: {  	s5 =	sand.u32 $0x7000, s31;
	s4 =	simm.s32 $0x20;
	s6 =	sand.u32 $0xC00, s3;
	v4 =	vmul.f32 $1.600000000e+01, v4  }
0x77: {  	s7 =	sand.u32 $0x380, s4;
	s5 =	sor.u32 s6, s5;
	v5 =	vmul.f32 $1.600000000e+01, v5;
	v6 =	vmul.f32 $1.600000000e+01, v6  }
0x78: {  	s5 =	sor.u32 s7, s5;
	v7 =	vmul.f32 $1.600000000e+01, v7;
	v8 =	vmul.f32 $1.600000000e+01, v8  }
0x79: {  	v11 =	vld [tilespmem:s5+$0x6000];
	v9 =	vmul.f32 $1.600000000e+01, v9;
	v4 =	vtrunc.f32 v4  }
0x7a: {  	v5 =	vtrunc.f32 v5;
	v6 =	vtrunc.f32 v6;
	[tilespmem:v3+s29+$0x0] =	vst.idx.add.f32.msk $0xffff, v2  }
0x7b: {  	v3 =	vtrunc.f32 v7;
	v7 =	vmul.f32 $1.600000000e+01, v10;
	v10 =	vld [tilespmem:s5+$0x6070]  }
0x7c: {  	v12 =	vld [tilespmem:s5+$0x6010];
	v8 =	vtrunc.f32 v8;
	v4 =	vcvt.f32.s32 v4  }
0x7d: {  	v9 =	vtrunc.f32 v9;
	v5 =	vcvt.f32.s32 v5  }
0x7e: {  	v13 =	vld [tilespmem:s5+$0x6020];
	v6 =	vcvt.f32.s32 v6;
	v8 =	vcvt.f32.s32 v8;
	v4 =	vadd.s32 v1, v4  }
0x7f: {  	v15 =	vld [tilespmem:s5+$0x6030];
	v9 =	vcvt.f32.s32 v9;
	v14 =	vadd.s32 v1, v5;
	v3 =	vcvt.f32.s32 v3  }
0x80: {  	v16 =	vld [tilespmem:s5+$0x6040];
	v6 =	vadd.s32 v1, v6;
	v7 =	vtrunc.f32 v7;
	v5 =	vmul.f32 $1.600000000e+01, v10  }
0x81: {  	v18 =	vld [tilespmem:s5+$0x6050];
	v17 =	vadd.s32 v1, v3;
	v3 =	vmul.f32 $1.600000000e+01, v11;
	v11 =	vmul.f32 $1.600000000e+01, v12  }
0x82: {  	v10 =	vcvt.f32.s32 v7;
	v7 =	vld [tilespmem:s5+$0x6060];
	v12 =	vtrunc.f32 v5;
	v5 =	vadd.s32 v1, v8  }
0x83: {  	v13 =	vmul.f32 $1.600000000e+01, v13;
	[tilespmem:v4+s29+$0x0] =	vst.idx.add.f32.msk $0xffff, v2;
	v4 =	vadd.s32 v1, v9;
	v19 =	vcvt.f32.s32 v12  }
0x84: {  	[tilespmem:v14+s29+$0x0] =	vst.idx.add.f32.msk $0xffff, v2;
	v9 =	vtrunc.f32 v11;
	v8 =	vtrunc.f32 v3;
	v3 =	vadd.s32 v1, v10  }
0x85: {  	[tilespmem:v6+s29+$0x0] =	vst.idx.add.f32.msk $0xffff, v2;
	v11 =	vmul.f32 $1.600000000e+01, v16;
	v12 =	vmul.f32 $1.600000000e+01, v15;
	v6 =	vadd.s32 v1, v19  }
0x86: {  	v10 =	vtrunc.f32 v13;
	v13 =	vmul.f32 $1.600000000e+01, v18;
	[tilespmem:v17+s29+$0x0] =	vst.idx.add.f32.msk $0xffff, v2  }
.LBB2_4:
0x87: {  	s31 =	sadd.s32 $0x80, s31;
	v12 =	vtrunc.f32 v12;
	v7 =	vmul.f32 $1.600000000e+01, v7;
	s3 =	sadd.s32 $0x400, s3;
	[tilespmem:v5+s29+$0x0] =	vst.idx.add.f32.msk $0xffff, v2  }
0x88: {  	v5 =	vtrunc.f32 v11;
	s4 =	sadd.s32 $0x20, s4;
	s5 =	sand.u32 $0x7000, s31;
	s6 =	sand.u32 $0xC00, s3;
	v11 =	vtrunc.f32 v13;
	[tilespmem:v4+s29+$0x0] =	vst.idx.add.f32.msk $0xffff, v2  }
0x89: {  	s7 =	sand.u32 $0x380, s4;
	p0 =	slt.u32 s31, $0x5F80;
	v4 =	vcvt.f32.s32 v8;
	s5 =	sor.u32 s6, s5;
	v7 =	vtrunc.f32 v7;
	[tilespmem:v3+s29+$0x0] =	vst.idx.add.f32.msk $0xffff, v2  }
0x8a: {  	v8 =	vcvt.f32.s32 v10;
	v3 =	vcvt.f32.s32 v9;
	s5 =	sor.u32 s7, s5;
	[tilespmem:v6+s29+$0x0] =	vst.idx.add.f32.msk $0xffff, v2  }
0x8b: {  	v5 =	vcvt.f32.s32 v5;
	v9 =	vadd.s32 v1, v4;
	v4 =	vcvt.f32.s32 v12;
	v6 =	vld [tilespmem:s5+$0x6070]  }
0x8c: {  	v7 =	vcvt.f32.s32 v7;
	v13 =	vadd.s32 v1, v3;
	v3 =	vcvt.f32.s32 v11;
	v10 =	vld [tilespmem:s5+$0x6000]  }
0x8d: {  	v14 =	vadd.s32 v1, v8;
	v5 =	vadd.s32 v1, v5;
	v15 =	vadd.s32 v1, v4;
	v11 =	vld [tilespmem:s5+$0x6010]  }
0x8e: {  	v4 =	vadd.s32 v1, v3;
	v3 =	vadd.s32 v1, v7;
	v8 =	vld [tilespmem:s5+$0x6020]  }
0x8f: {  	v12 =	vld [tilespmem:s5+$0x6030]  }
0x90: {  	v16 =	vld [tilespmem:s5+$0x6040];
	v6 =	vmul.f32 $1.600000000e+01, v6  }
0x91: {  	v10 =	vmul.f32 $1.600000000e+01, v10;
	v17 =	vld [tilespmem:s5+$0x6050]  }
.Ltmp1:
0x92: {  	v11 =	vmul.f32 $1.600000000e+01, v11;
	v7 =	vld [tilespmem:s5+$0x6060];
	v6 =	vtrunc.f32 v6;
	(pc) =	sbr.rel @p0 .LBB2_4-.Ltmp1, $4  }
0x93: {  	v18 =	vmul.f32 $1.600000000e+01, v8;
	v6 =	vcvt.f32.s32 v6;
	[tilespmem:v9+s29+$0x0] =	vst.idx.add.f32.msk $0xffff, v2  }
0x94: {  	v8 =	vtrunc.f32 v10;
	v12 =	vmul.f32 $1.600000000e+01, v12;
	[tilespmem:v13+s29+$0x0] =	vst.idx.add.f32.msk $0xffff, v2  }
0x95: {  	v9 =	vtrunc.f32 v11;
	v11 =	vmul.f32 $1.600000000e+01, v16;
	v6 =	vadd.s32 v1, v6;
	[tilespmem:v14+s29+$0x0] =	vst.idx.add.f32.msk $0xffff, v2  }
0x96: {  	v10 =	vtrunc.f32 v18;
	v13 =	vmul.f32 $1.600000000e+01, v17;
	[tilespmem:v15+s29+$0x0] =	vst.idx.add.f32.msk $0xffff, v2  }
0x97: {  	_ = 	snop  }
0x98: {  	v8 =	vcvt.f32.s32 v8  }
0x99: {  	v12 =	vtrunc.f32 v12;
	v9 =	vcvt.f32.s32 v9  }
0x9a: {  	v7 =	vmul.f32 $1.600000000e+01, v7;
	v10 =	vcvt.f32.s32 v10;
	v8 =	vadd.s32 v1, v8  }
0x9b: {  	[tilespmem:v5+s29+$0x0] =	vst.idx.add.f32.msk $0xffff, v2;
	v5 =	vtrunc.f32 v11;
	v11 =	vcvt.f32.s32 v12;
	v9 =	vadd.s32 v1, v9  }
0x9c: {  	[tilespmem:v4+s29+$0x0] =	vst.idx.add.f32.msk $0xffff, v2;
	v12 =	vtrunc.f32 v13;
	v4 =	vcvt.f32.s32 v5;
	v5 =	vadd.s32 v1, v10  }
0x9d: {  	[tilespmem:v3+s29+$0x0] =	vst.idx.add.f32.msk $0xffff, v2;
	v7 =	vtrunc.f32 v7;
	v3 =	vcvt.f32.s32 v12;
	v10 =	vadd.s32 v1, v11  }
0x9e: {  	[tilespmem:v6+s29+$0x0] =	vst.idx.add.f32.msk $0xffff, v2;
	v6 =	vcvt.f32.s32 v7;
	v4 =	vadd.s32 v1, v4  }
0x9f: {  	v3 =	vadd.s32 v1, v3;
	[tilespmem:v8+s29+$0x0] =	vst.idx.add.f32.msk $0xffff, v2  }
0xa0: {  	v6 =	vadd.s32 v1, v6;
	[tilespmem:v9+s29+$0x0] =	vst.idx.add.f32.msk $0xffff, v2  }
0xa1: {  	[tilespmem:v5+s29+$0x0] =	vst.idx.add.f32.msk $0xffff, v2  }
0xa2: {  	[tilespmem:v10+s29+$0x0] =	vst.idx.add.f32.msk $0xffff, v2  }
0xa3: {  	[tilespmem:v4+s29+$0x0] =	vst.idx.add.f32.msk $0xffff, v2  }
0xa4: {  	[tilespmem:v3+s29+$0x0] =	vst.idx.add.f32.msk $0xffff, v2  }
0xa5: {  	[tilespmem:v6+s29+$0x0] =	vst.idx.add.f32.msk $0xffff, v2  }
0xa6: {  	s3 =	simm.s32 $0x0;
	s7 =	simm.s32 $0x0;
	s4 =	rddreg [dreg:$0x6]  }
0xa7: {  	[tilespmem:s26], [sflag:$0x2] =	stream.linear.gather [hbm4b:s4+s3], $0x6000, $0x38;
	[tilespmem:$0xC880] =	vst v63  }
0xa8: {  	s5 =	sand.u32 $0xC00, s3;
	s4 =	sand.u32 $0x7000, s7;
	_ =	swait.ge [sflag:s28], $0x6000  }
0xa9: {  	s3 =	sand.u32 $0x380, s3;
	s4 =	sor.u32 s5, s4;
	[sflag:s28] =	ssyncset.done $0x0  }
0xaa: {  	s3 =	sor.u32 s3, s4;
	[sflag:s28] =	ssyncadd.s32 $0xFFFFA000  }
0xab: {  	v3 =	vld [tilespmem:s3+$0x70];
	_ =	sdelay $0x3  }
0xac: {  	v4 =	vld [tilespmem:s3+$0x0]  }
0xad: {  	v5 =	vld [tilespmem:s3+$0x10];
	v3 =	vmul.f32 $1.600000000e+01, v3  }
0xae: {  	v6 =	vld [tilespmem:s3+$0x20]  }
0xaf: {  	v7 =	vld [tilespmem:s3+$0x30];
	v3 =	vtrunc.f32 v3  }
0xb0: {  	v8 =	vld [tilespmem:s3+$0x40];
	v3 =	vcvt.f32.s32 v3  }
0xb1: {  	v9 =	vld [tilespmem:s3+$0x50]  }
0xb2: {  	s31 =	simm.s32 $0x80;
	v10 =	vld [tilespmem:s3+$0x60];
	s3 =	simm.s32 $0x400;
	v3 =	vadd.s32 v1, v3  }
0xb3: {  	s5 =	sand.u32 $0x7000, s31;
	s4 =	simm.s32 $0x20;
	s6 =	sand.u32 $0xC00, s3;
	v4 =	vmul.f32 $1.600000000e+01, v4  }
0xb4: {  	s7 =	sand.u32 $0x380, s4;
	s5 =	sor.u32 s6, s5;
	v5 =	vmul.f32 $1.600000000e+01, v5;
	v6 =	vmul.f32 $1.600000000e+01, v6  }
0xb5: {  	s5 =	sor.u32 s7, s5;
	v7 =	vmul.f32 $1.600000000e+01, v7;
	v8 =	vmul.f32 $1.600000000e+01, v8  }
0xb6: {  	v11 =	vld [tilespmem:s5+$0x0];
	v9 =	vmul.f32 $1.600000000e+01, v9;
	v4 =	vtrunc.f32 v4  }
0xb7: {  	v5 =	vtrunc.f32 v5;
	v6 =	vtrunc.f32 v6;
	[tilespmem:v3+s29+$0x0] =	vst.idx.add.f32.msk $0xffff, v2  }
0xb8: {  	v3 =	vtrunc.f32 v7;
	v7 =	vmul.f32 $1.600000000e+01, v10;
	v10 =	vld [tilespmem:s5+$0x70]  }
0xb9: {  	v12 =	vld [tilespmem:s5+$0x10];
	v8 =	vtrunc.f32 v8;
	v4 =	vcvt.f32.s32 v4  }
0xba: {  	v9 =	vtrunc.f32 v9;
	v5 =	vcvt.f32.s32 v5  }
0xbb: {  	v13 =	vld [tilespmem:s5+$0x20];
	v6 =	vcvt.f32.s32 v6;
	v8 =	vcvt.f32.s32 v8;
	v4 =	vadd.s32 v1, v4  }
0xbc: {  	v15 =	vld [tilespmem:s5+$0x30];
	v9 =	vcvt.f32.s32 v9;
	v14 =	vadd.s32 v1, v5;
	v3 =	vcvt.f32.s32 v3  }
0xbd: {  	v16 =	vld [tilespmem:s5+$0x40];
	v6 =	vadd.s32 v1, v6;
	v7 =	vtrunc.f32 v7;
	v5 =	vmul.f32 $1.600000000e+01, v10  }
0xbe: {  	v18 =	vld [tilespmem:s5+$0x50];
	v17 =	vadd.s32 v1, v3;
	v3 =	vmul.f32 $1.600000000e+01, v11;
	v11 =	vmul.f32 $1.600000000e+01, v12  }
0xbf: {  	v10 =	vcvt.f32.s32 v7;
	v7 =	vld [tilespmem:s5+$0x60];
	v12 =	vtrunc.f32 v5;
	v5 =	vadd.s32 v1, v8  }
0xc0: {  	v13 =	vmul.f32 $1.600000000e+01, v13;
	[tilespmem:v4+s29+$0x0] =	vst.idx.add.f32.msk $0xffff, v2;
	v4 =	vadd.s32 v1, v9;
	v19 =	vcvt.f32.s32 v12  }
0xc1: {  	[tilespmem:v14+s29+$0x0] =	vst.idx.add.f32.msk $0xffff, v2;
	v9 =	vtrunc.f32 v11;
	v8 =	vtrunc.f32 v3;
	v3 =	vadd.s32 v1, v10  }
0xc2: {  	[tilespmem:v6+s29+$0x0] =	vst.idx.add.f32.msk $0xffff, v2;
	v11 =	vmul.f32 $1.600000000e+01, v16;
	v12 =	vmul.f32 $1.600000000e+01, v15;
	v6 =	vadd.s32 v1, v19  }
0xc3: {  	v10 =	vtrunc.f32 v13;
	v13 =	vmul.f32 $1.600000000e+01, v18;
	[tilespmem:v17+s29+$0x0] =	vst.idx.add.f32.msk $0xffff, v2  }
.LBB2_6:
0xc4: {  	s31 =	sadd.s32 $0x80, s31;
	v12 =	vtrunc.f32 v12;
	v7 =	vmul.f32 $1.600000000e+01, v7;
	s3 =	sadd.s32 $0x400, s3;
	[tilespmem:v5+s29+$0x0] =	vst.idx.add.f32.msk $0xffff, v2  }
0xc5: {  	v5 =	vtrunc.f32 v11;
	s4 =	sadd.s32 $0x20, s4;
	s5 =	sand.u32 $0x7000, s31;
	s6 =	sand.u32 $0xC00, s3;
	v11 =	vtrunc.f32 v13;
	[tilespmem:v4+s29+$0x0] =	vst.idx.add.f32.msk $0xffff, v2  }
0xc6: {  	s7 =	sand.u32 $0x380, s4;
	p0 =	slt.u32 s31, $0x5F80;
	v4 =	vcvt.f32.s32 v8;
	s5 =	sor.u32 s6, s5;
	v7 =	vtrunc.f32 v7;
	[tilespmem:v3+s29+$0x0] =	vst.idx.add.f32.msk $0xffff, v2  }
0xc7: {  	v8 =	vcvt.f32.s32 v10;
	v3 =	vcvt.f32.s32 v9;
	s5 =	sor.u32 s7, s5;
	[tilespmem:v6+s29+$0x0] =	vst.idx.add.f32.msk $0xffff, v2  }
0xc8: {  	v5 =	vcvt.f32.s32 v5;
	v9 =	vadd.s32 v1, v4;
	v4 =	vcvt.f32.s32 v12;
	v6 =	vld [tilespmem:s5+$0x70]  }
0xc9: {  	v7 =	vcvt.f32.s32 v7;
	v13 =	vadd.s32 v1, v3;
	v3 =	vcvt.f32.s32 v11;
	v10 =	vld [tilespmem:s5+$0x0]  }
0xca: {  	v14 =	vadd.s32 v1, v8;
	v5 =	vadd.s32 v1, v5;
	v15 =	vadd.s32 v1, v4;
	v11 =	vld [tilespmem:s5+$0x10]  }
0xcb: {  	v4 =	vadd.s32 v1, v3;
	v3 =	vadd.s32 v1, v7;
	v8 =	vld [tilespmem:s5+$0x20]  }
0xcc: {  	v12 =	vld [tilespmem:s5+$0x30]  }
0xcd: {  	v16 =	vld [tilespmem:s5+$0x40];
	v6 =	vmul.f32 $1.600000000e+01, v6  }
0xce: {  	v10 =	vmul.f32 $1.600000000e+01, v10;
	v17 =	vld [tilespmem:s5+$0x50]  }
.Ltmp2:
0xcf: {  	v11 =	vmul.f32 $1.600000000e+01, v11;
	v7 =	vld [tilespmem:s5+$0x60];
	v6 =	vtrunc.f32 v6;
	(pc) =	sbr.rel @p0 .LBB2_6-.Ltmp2, $4  }
0xd0: {  	v18 =	vmul.f32 $1.600000000e+01, v8;
	v6 =	vcvt.f32.s32 v6;
	[tilespmem:v9+s29+$0x0] =	vst.idx.add.f32.msk $0xffff, v2  }
0xd1: {  	v8 =	vtrunc.f32 v10;
	v12 =	vmul.f32 $1.600000000e+01, v12;
	[tilespmem:v13+s29+$0x0] =	vst.idx.add.f32.msk $0xffff, v2  }
0xd2: {  	v9 =	vtrunc.f32 v11;
	v11 =	vmul.f32 $1.600000000e+01, v16;
	v6 =	vadd.s32 v1, v6;
	[tilespmem:v14+s29+$0x0] =	vst.idx.add.f32.msk $0xffff, v2  }
0xd3: {  	v10 =	vtrunc.f32 v18;
	v13 =	vmul.f32 $1.600000000e+01, v17;
	[tilespmem:v15+s29+$0x0] =	vst.idx.add.f32.msk $0xffff, v2  }
0xd4: {  	_ = 	snop  }
0xd5: {  	v8 =	vcvt.f32.s32 v8  }
0xd6: {  	v12 =	vtrunc.f32 v12;
	v9 =	vcvt.f32.s32 v9  }
0xd7: {  	v7 =	vmul.f32 $1.600000000e+01, v7;
	v10 =	vcvt.f32.s32 v10;
	v8 =	vadd.s32 v1, v8  }
0xd8: {  	[tilespmem:v5+s29+$0x0] =	vst.idx.add.f32.msk $0xffff, v2;
	v5 =	vtrunc.f32 v11;
	v11 =	vcvt.f32.s32 v12;
	v9 =	vadd.s32 v1, v9  }
0xd9: {  	[tilespmem:v4+s29+$0x0] =	vst.idx.add.f32.msk $0xffff, v2;
	v12 =	vtrunc.f32 v13;
	v4 =	vcvt.f32.s32 v5;
	v5 =	vadd.s32 v1, v10  }
0xda: {  	[tilespmem:v3+s29+$0x0] =	vst.idx.add.f32.msk $0xffff, v2;
	v7 =	vtrunc.f32 v7;
	v3 =	vcvt.f32.s32 v12;
	v10 =	vadd.s32 v1, v11  }
0xdb: {  	[tilespmem:v6+s29+$0x0] =	vst.idx.add.f32.msk $0xffff, v2;
	v6 =	vcvt.f32.s32 v7;
	v4 =	vadd.s32 v1, v4  }
0xdc: {  	v3 =	vadd.s32 v1, v3;
	[tilespmem:v8+s29+$0x0] =	vst.idx.add.f32.msk $0xffff, v2  }
0xdd: {  	v6 =	vadd.s32 v1, v6;
	[tilespmem:v9+s29+$0x0] =	vst.idx.add.f32.msk $0xffff, v2  }
0xde: {  	[tilespmem:v5+s29+$0x0] =	vst.idx.add.f32.msk $0xffff, v2  }
0xdf: {  	[tilespmem:v10+s29+$0x0] =	vst.idx.add.f32.msk $0xffff, v2  }
0xe0: {  	[tilespmem:v4+s29+$0x0] =	vst.idx.add.f32.msk $0xffff, v2  }
0xe1: {  	[tilespmem:v3+s29+$0x0] =	vst.idx.add.f32.msk $0xffff, v2  }
0xe2: {  	[tilespmem:v6+s29+$0x0] =	vst.idx.add.f32.msk $0xffff, v2  }
0xe3: {  	s3 =	simm.s32 $0x0;
	s7 =	simm.s32 $0x0;
	s4 =	rddreg [dreg:$0x7]  }
0xe4: {  	[tilespmem:s3], [sflag:$0x1] =	stream.linear.gather [hbm4b:s4+s3], $0x6000, $0x38;
	[tilespmem:$0xC880] =	vst v63  }
0xe5: {  	s5 =	sand.u32 $0xC00, s3;
	s4 =	sand.u32 $0x7000, s7;
	_ =	swait.ge [sflag:s30], $0x6000  }
0xe6: {  	s3 =	sand.u32 $0x380, s3;
	s4 =	sor.u32 s5, s4;
	[sflag:s30] =	ssyncset.done $0x0  }
0xe7: {  	s3 =	sor.u32 s3, s4;
	[sflag:s30] =	ssyncadd.s32 $0xFFFFA000  }
0xe8: {  	v3 =	vld [tilespmem:s3+$0x6070];
	_ =	sdelay $0x3  }
0xe9: {  	v4 =	vld [tilespmem:s3+$0x6000]  }
0xea: {  	v5 =	vld [tilespmem:s3+$0x6010];
	v3 =	vmul.f32 $1.600000000e+01, v3  }
0xeb: {  	v6 =	vld [tilespmem:s3+$0x6020]  }
0xec: {  	v7 =	vld [tilespmem:s3+$0x6030];
	v3 =	vtrunc.f32 v3  }
0xed: {  	v8 =	vld [tilespmem:s3+$0x6040];
	v3 =	vcvt.f32.s32 v3  }
0xee: {  	v9 =	vld [tilespmem:s3+$0x6050]  }
0xef: {  	s31 =	simm.s32 $0x80;
	v10 =	vld [tilespmem:s3+$0x6060];
	s3 =	simm.s32 $0x400;
	v3 =	vadd.s32 v1, v3  }
0xf0: {  	s5 =	sand.u32 $0x7000, s31;
	s4 =	simm.s32 $0x20;
	s6 =	sand.u32 $0xC00, s3;
	v4 =	vmul.f32 $1.600000000e+01, v4  }
0xf1: {  	s7 =	sand.u32 $0x380, s4;
	s5 =	sor.u32 s6, s5;
	v5 =	vmul.f32 $1.600000000e+01, v5;
	v6 =	vmul.f32 $1.600000000e+01, v6  }
0xf2: {  	s5 =	sor.u32 s7, s5;
	v7 =	vmul.f32 $1.600000000e+01, v7;
	v8 =	vmul.f32 $1.600000000e+01, v8  }
0xf3: {  	v11 =	vld [tilespmem:s5+$0x6000];
	v9 =	vmul.f32 $1.600000000e+01, v9;
	v4 =	vtrunc.f32 v4  }
0xf4: {  	v5 =	vtrunc.f32 v5;
	v6 =	vtrunc.f32 v6;
	[tilespmem:v3+s29+$0x0] =	vst.idx.add.f32.msk $0xffff, v2  }
0xf5: {  	v3 =	vtrunc.f32 v7;
	v7 =	vmul.f32 $1.600000000e+01, v10;
	v10 =	vld [tilespmem:s5+$0x6070]  }
0xf6: {  	v12 =	vld [tilespmem:s5+$0x6010];
	v8 =	vtrunc.f32 v8;
	v4 =	vcvt.f32.s32 v4  }
0xf7: {  	v9 =	vtrunc.f32 v9;
	v5 =	vcvt.f32.s32 v5  }
0xf8: {  	v13 =	vld [tilespmem:s5+$0x6020];
	v6 =	vcvt.f32.s32 v6;
	v8 =	vcvt.f32.s32 v8;
	v4 =	vadd.s32 v1, v4  }
0xf9: {  	v15 =	vld [tilespmem:s5+$0x6030];
	v9 =	vcvt.f32.s32 v9;
	v14 =	vadd.s32 v1, v5;
	v3 =	vcvt.f32.s32 v3  }
0xfa: {  	v16 =	vld [tilespmem:s5+$0x6040];
	v6 =	vadd.s32 v1, v6;
	v7 =	vtrunc.f32 v7;
	v5 =	vmul.f32 $1.600000000e+01, v10  }
0xfb: {  	v18 =	vld [tilespmem:s5+$0x6050];
	v17 =	vadd.s32 v1, v3;
	v3 =	vmul.f32 $1.600000000e+01, v11;
	v11 =	vmul.f32 $1.600000000e+01, v12  }
0xfc: {  	v10 =	vcvt.f32.s32 v7;
	v7 =	vld [tilespmem:s5+$0x6060];
	v12 =	vtrunc.f32 v5;
	v5 =	vadd.s32 v1, v8  }
0xfd: {  	v13 =	vmul.f32 $1.600000000e+01, v13;
	[tilespmem:v4+s29+$0x0] =	vst.idx.add.f32.msk $0xffff, v2;
	v4 =	vadd.s32 v1, v9;
	v19 =	vcvt.f32.s32 v12  }
0xfe: {  	[tilespmem:v14+s29+$0x0] =	vst.idx.add.f32.msk $0xffff, v2;
	v9 =	vtrunc.f32 v11;
	v8 =	vtrunc.f32 v3;
	v3 =	vadd.s32 v1, v10  }
0xff: {  	[tilespmem:v6+s29+$0x0] =	vst.idx.add.f32.msk $0xffff, v2;
	v11 =	vmul.f32 $1.600000000e+01, v16;
	v12 =	vmul.f32 $1.600000000e+01, v15;
	v6 =	vadd.s32 v1, v19  }
0x100: {  	v10 =	vtrunc.f32 v13;
	v13 =	vmul.f32 $1.600000000e+01, v18;
	[tilespmem:v17+s29+$0x0] =	vst.idx.add.f32.msk $0xffff, v2  }
.LBB2_8:
0x101: {  	s31 =	sadd.s32 $0x80, s31;
	v12 =	vtrunc.f32 v12;
	v7 =	vmul.f32 $1.600000000e+01, v7;
	s3 =	sadd.s32 $0x400, s3;
	[tilespmem:v5+s29+$0x0] =	vst.idx.add.f32.msk $0xffff, v2  }
0x102: {  	v5 =	vtrunc.f32 v11;
	s4 =	sadd.s32 $0x20, s4;
	s5 =	sand.u32 $0x7000, s31;
	s6 =	sand.u32 $0xC00, s3;
	v11 =	vtrunc.f32 v13;
	[tilespmem:v4+s29+$0x0] =	vst.idx.add.f32.msk $0xffff, v2  }
0x103: {  	s7 =	sand.u32 $0x380, s4;
	p0 =	slt.u32 s31, $0x5F80;
	v4 =	vcvt.f32.s32 v8;
	s5 =	sor.u32 s6, s5;
	v7 =	vtrunc.f32 v7;
	[tilespmem:v3+s29+$0x0] =	vst.idx.add.f32.msk $0xffff, v2  }
0x104: {  	v8 =	vcvt.f32.s32 v10;
	v3 =	vcvt.f32.s32 v9;
	s5 =	sor.u32 s7, s5;
	[tilespmem:v6+s29+$0x0] =	vst.idx.add.f32.msk $0xffff, v2  }
0x105: {  	v5 =	vcvt.f32.s32 v5;
	v9 =	vadd.s32 v1, v4;
	v4 =	vcvt.f32.s32 v12;
	v6 =	vld [tilespmem:s5+$0x6070]  }
0x106: {  	v7 =	vcvt.f32.s32 v7;
	v13 =	vadd.s32 v1, v3;
	v3 =	vcvt.f32.s32 v11;
	v10 =	vld [tilespmem:s5+$0x6000]  }
0x107: {  	v14 =	vadd.s32 v1, v8;
	v5 =	vadd.s32 v1, v5;
	v15 =	vadd.s32 v1, v4;
	v11 =	vld [tilespmem:s5+$0x6010]  }
0x108: {  	v4 =	vadd.s32 v1, v3;
	v3 =	vadd.s32 v1, v7;
	v8 =	vld [tilespmem:s5+$0x6020]  }
0x109: {  	v12 =	vld [tilespmem:s5+$0x6030]  }
0x10a: {  	v16 =	vld [tilespmem:s5+$0x6040];
	v6 =	vmul.f32 $1.600000000e+01, v6  }
0x10b: {  	v10 =	vmul.f32 $1.600000000e+01, v10;
	v17 =	vld [tilespmem:s5+$0x6050]  }
.Ltmp3:
0x10c: {  	v11 =	vmul.f32 $1.600000000e+01, v11;
	v7 =	vld [tilespmem:s5+$0x6060];
	v6 =	vtrunc.f32 v6;
	(pc) =	sbr.rel @p0 .LBB2_8-.Ltmp3, $4  }
0x10d: {  	v18 =	vmul.f32 $1.600000000e+01, v8;
	v6 =	vcvt.f32.s32 v6;
	[tilespmem:v9+s29+$0x0] =	vst.idx.add.f32.msk $0xffff, v2  }
0x10e: {  	v8 =	vtrunc.f32 v10;
	v12 =	vmul.f32 $1.600000000e+01, v12;
	[tilespmem:v13+s29+$0x0] =	vst.idx.add.f32.msk $0xffff, v2  }
0x10f: {  	v9 =	vtrunc.f32 v11;
	v11 =	vmul.f32 $1.600000000e+01, v16;
	v6 =	vadd.s32 v1, v6;
	[tilespmem:v14+s29+$0x0] =	vst.idx.add.f32.msk $0xffff, v2  }
0x110: {  	v10 =	vtrunc.f32 v18;
	v13 =	vmul.f32 $1.600000000e+01, v17;
	[tilespmem:v15+s29+$0x0] =	vst.idx.add.f32.msk $0xffff, v2  }
0x111: {  	_ = 	snop  }
0x112: {  	v8 =	vcvt.f32.s32 v8  }
0x113: {  	v12 =	vtrunc.f32 v12;
	v9 =	vcvt.f32.s32 v9  }
0x114: {  	v7 =	vmul.f32 $1.600000000e+01, v7;
	v10 =	vcvt.f32.s32 v10;
	v8 =	vadd.s32 v1, v8  }
0x115: {  	[tilespmem:v5+s29+$0x0] =	vst.idx.add.f32.msk $0xffff, v2;
	v5 =	vtrunc.f32 v11;
	v11 =	vcvt.f32.s32 v12;
	v9 =	vadd.s32 v1, v9  }
0x116: {  	[tilespmem:v4+s29+$0x0] =	vst.idx.add.f32.msk $0xffff, v2;
	v12 =	vtrunc.f32 v13;
	v4 =	vcvt.f32.s32 v5;
	v5 =	vadd.s32 v1, v10  }
0x117: {  	[tilespmem:v3+s29+$0x0] =	vst.idx.add.f32.msk $0xffff, v2;
	v7 =	vtrunc.f32 v7;
	v3 =	vcvt.f32.s32 v12;
	v10 =	vadd.s32 v1, v11  }
0x118: {  	[tilespmem:v6+s29+$0x0] =	vst.idx.add.f32.msk $0xffff, v2;
	v6 =	vcvt.f32.s32 v7;
	v4 =	vadd.s32 v1, v4  }
0x119: {  	v3 =	vadd.s32 v1, v3;
	[tilespmem:v8+s29+$0x0] =	vst.idx.add.f32.msk $0xffff, v2  }
0x11a: {  	v6 =	vadd.s32 v1, v6;
	[tilespmem:v9+s29+$0x0] =	vst.idx.add.f32.msk $0xffff, v2  }
0x11b: {  	[tilespmem:v5+s29+$0x0] =	vst.idx.add.f32.msk $0xffff, v2  }
0x11c: {  	[tilespmem:v10+s29+$0x0] =	vst.idx.add.f32.msk $0xffff, v2  }
0x11d: {  	[tilespmem:v4+s29+$0x0] =	vst.idx.add.f32.msk $0xffff, v2  }
0x11e: {  	[tilespmem:v3+s29+$0x0] =	vst.idx.add.f32.msk $0xffff, v2  }
0x11f: {  	s3 =	simm.s32 $0x0;
	s4 =	simm.s32 $0x0;
	[tilespmem:v6+s29+$0x0] =	vst.idx.add.f32.msk $0xffff, v2  }
0x120: {  	[tilespmem:s26], [sflag:$0x2] =	stream.linear.gather [hbm4b:s8+s3], $0x6000, $0x38;
	[tilespmem:$0xC880] =	vst v63  }
0x121: {  	s4 =	sand.u32 $0x7000, s4;
	s5 =	sand.u32 $0xC00, s3;
	_ =	swait.ge [sflag:s28], $0x6000  }
0x122: {  	s4 =	sor.u32 s5, s4;
	s3 =	sand.u32 $0x380, s3;
	[sflag:s28] =	ssyncset.done $0x0  }
0x123: {  	s3 =	sor.u32 s3, s4;
	[sflag:s28] =	ssyncadd.s32 $0xFFFFA000  }
0x124: {  	v3 =	vld [tilespmem:s3+$0x70];
	_ =	sdelay $0x3  }
0x125: {  	v4 =	vld [tilespmem:s3+$0x0]  }
0x126: {  	v5 =	vld [tilespmem:s3+$0x10];
	v3 =	vmul.f32 $1.600000000e+01, v3  }
0x127: {  	v6 =	vld [tilespmem:s3+$0x20]  }
0x128: {  	v7 =	vld [tilespmem:s3+$0x30];
	v3 =	vtrunc.f32 v3  }
0x129: {  	v8 =	vld [tilespmem:s3+$0x40];
	v3 =	vcvt.f32.s32 v3  }
0x12a: {  	v9 =	vld [tilespmem:s3+$0x50]  }
0x12b: {  	s31 =	simm.s32 $0x80;
	v10 =	vld [tilespmem:s3+$0x60];
	s3 =	simm.s32 $0x400;
	v3 =	vadd.s32 v1, v3  }
0x12c: {  	s5 =	sand.u32 $0x7000, s31;
	s4 =	simm.s32 $0x20;
	s6 =	sand.u32 $0xC00, s3;
	v4 =	vmul.f32 $1.600000000e+01, v4  }
0x12d: {  	s7 =	sand.u32 $0x380, s4;
	s5 =	sor.u32 s6, s5;
	v5 =	vmul.f32 $1.600000000e+01, v5;
	v6 =	vmul.f32 $1.600000000e+01, v6  }
0x12e: {  	s5 =	sor.u32 s7, s5;
	v7 =	vmul.f32 $1.600000000e+01, v7;
	v8 =	vmul.f32 $1.600000000e+01, v8  }
0x12f: {  	v11 =	vld [tilespmem:s5+$0x0];
	v9 =	vmul.f32 $1.600000000e+01, v9;
	v4 =	vtrunc.f32 v4  }
0x130: {  	v5 =	vtrunc.f32 v5;
	v6 =	vtrunc.f32 v6;
	[tilespmem:v3+s29+$0x0] =	vst.idx.add.f32.msk $0xffff, v2  }
0x131: {  	v3 =	vtrunc.f32 v7;
	v7 =	vmul.f32 $1.600000000e+01, v10;
	v10 =	vld [tilespmem:s5+$0x70]  }
0x132: {  	v12 =	vld [tilespmem:s5+$0x10];
	v8 =	vtrunc.f32 v8;
	v4 =	vcvt.f32.s32 v4  }
0x133: {  	v9 =	vtrunc.f32 v9;
	v5 =	vcvt.f32.s32 v5  }
0x134: {  	v13 =	vld [tilespmem:s5+$0x20];
	v6 =	vcvt.f32.s32 v6;
	v8 =	vcvt.f32.s32 v8;
	v4 =	vadd.s32 v1, v4  }
0x135: {  	v15 =	vld [tilespmem:s5+$0x30];
	v9 =	vcvt.f32.s32 v9;
	v14 =	vadd.s32 v1, v5;
	v3 =	vcvt.f32.s32 v3  }
0x136: {  	v16 =	vld [tilespmem:s5+$0x40];
	v6 =	vadd.s32 v1, v6;
	v7 =	vtrunc.f32 v7;
	v5 =	vmul.f32 $1.600000000e+01, v10  }
0x137: {  	v18 =	vld [tilespmem:s5+$0x50];
	v17 =	vadd.s32 v1, v3;
	v3 =	vmul.f32 $1.600000000e+01, v11;
	v11 =	vmul.f32 $1.600000000e+01, v12  }
0x138: {  	v10 =	vcvt.f32.s32 v7;
	v7 =	vld [tilespmem:s5+$0x60];
	v12 =	vtrunc.f32 v5;
	v5 =	vadd.s32 v1, v8  }
0x139: {  	v13 =	vmul.f32 $1.600000000e+01, v13;
	[tilespmem:v4+s29+$0x0] =	vst.idx.add.f32.msk $0xffff, v2;
	v4 =	vadd.s32 v1, v9;
	v19 =	vcvt.f32.s32 v12  }
0x13a: {  	[tilespmem:v14+s29+$0x0] =	vst.idx.add.f32.msk $0xffff, v2;
	v9 =	vtrunc.f32 v11;
	v8 =	vtrunc.f32 v3;
	v3 =	vadd.s32 v1, v10  }
0x13b: {  	[tilespmem:v6+s29+$0x0] =	vst.idx.add.f32.msk $0xffff, v2;
	v11 =	vmul.f32 $1.600000000e+01, v16;
	v12 =	vmul.f32 $1.600000000e+01, v15;
	v6 =	vadd.s32 v1, v19  }
0x13c: {  	v10 =	vtrunc.f32 v13;
	v13 =	vmul.f32 $1.600000000e+01, v18;
	[tilespmem:v17+s29+$0x0] =	vst.idx.add.f32.msk $0xffff, v2  }
.LBB2_10:
0x13d: {  	s31 =	sadd.s32 $0x80, s31;
	v12 =	vtrunc.f32 v12;
	v7 =	vmul.f32 $1.600000000e+01, v7;
	s3 =	sadd.s32 $0x400, s3;
	[tilespmem:v5+s29+$0x0] =	vst.idx.add.f32.msk $0xffff, v2  }
0x13e: {  	v5 =	vtrunc.f32 v11;
	s4 =	sadd.s32 $0x20, s4;
	s5 =	sand.u32 $0x7000, s31;
	s6 =	sand.u32 $0xC00, s3;
	v11 =	vtrunc.f32 v13;
	[tilespmem:v4+s29+$0x0] =	vst.idx.add.f32.msk $0xffff, v2  }
0x13f: {  	s7 =	sand.u32 $0x380, s4;
	p0 =	slt.u32 s31, $0x5F80;
	v4 =	vcvt.f32.s32 v8;
	s5 =	sor.u32 s6, s5;
	v7 =	vtrunc.f32 v7;
	[tilespmem:v3+s29+$0x0] =	vst.idx.add.f32.msk $0xffff, v2  }
0x140: {  	v8 =	vcvt.f32.s32 v10;
	v3 =	vcvt.f32.s32 v9;
	s5 =	sor.u32 s7, s5;
	[tilespmem:v6+s29+$0x0] =	vst.idx.add.f32.msk $0xffff, v2  }
0x141: {  	v5 =	vcvt.f32.s32 v5;
	v9 =	vadd.s32 v1, v4;
	v4 =	vcvt.f32.s32 v12;
	v6 =	vld [tilespmem:s5+$0x70]  }
0x142: {  	v7 =	vcvt.f32.s32 v7;
	v13 =	vadd.s32 v1, v3;
	v3 =	vcvt.f32.s32 v11;
	v10 =	vld [tilespmem:s5+$0x0]  }
0x143: {  	v14 =	vadd.s32 v1, v8;
	v5 =	vadd.s32 v1, v5;
	v15 =	vadd.s32 v1, v4;
	v11 =	vld [tilespmem:s5+$0x10]  }
0x144: {  	v4 =	vadd.s32 v1, v3;
	v3 =	vadd.s32 v1, v7;
	v8 =	vld [tilespmem:s5+$0x20]  }
0x145: {  	v12 =	vld [tilespmem:s5+$0x30]  }
0x146: {  	v16 =	vld [tilespmem:s5+$0x40];
	v6 =	vmul.f32 $1.600000000e+01, v6  }
0x147: {  	v10 =	vmul.f32 $1.600000000e+01, v10;
	v17 =	vld [tilespmem:s5+$0x50]  }
.Ltmp4:
0x148: {  	v11 =	vmul.f32 $1.600000000e+01, v11;
	v7 =	vld [tilespmem:s5+$0x60];
	v6 =	vtrunc.f32 v6;
	(pc) =	sbr.rel @p0 .LBB2_10-.Ltmp4, $4  }
0x149: {  	v18 =	vmul.f32 $1.600000000e+01, v8;
	v6 =	vcvt.f32.s32 v6;
	[tilespmem:v9+s29+$0x0] =	vst.idx.add.f32.msk $0xffff, v2  }
0x14a: {  	v8 =	vtrunc.f32 v10;
	v12 =	vmul.f32 $1.600000000e+01, v12;
	[tilespmem:v13+s29+$0x0] =	vst.idx.add.f32.msk $0xffff, v2  }
0x14b: {  	v9 =	vtrunc.f32 v11;
	v11 =	vmul.f32 $1.600000000e+01, v16;
	v6 =	vadd.s32 v1, v6;
	[tilespmem:v14+s29+$0x0] =	vst.idx.add.f32.msk $0xffff, v2  }
0x14c: {  	v10 =	vtrunc.f32 v18;
	v13 =	vmul.f32 $1.600000000e+01, v17;
	[tilespmem:v15+s29+$0x0] =	vst.idx.add.f32.msk $0xffff, v2  }
0x14d: {  	_ = 	snop  }
0x14e: {  	v8 =	vcvt.f32.s32 v8  }
0x14f: {  	v12 =	vtrunc.f32 v12;
	v9 =	vcvt.f32.s32 v9  }
0x150: {  	v7 =	vmul.f32 $1.600000000e+01, v7;
	v10 =	vcvt.f32.s32 v10;
	v8 =	vadd.s32 v1, v8  }
0x151: {  	[tilespmem:v5+s29+$0x0] =	vst.idx.add.f32.msk $0xffff, v2;
	v5 =	vtrunc.f32 v11;
	v11 =	vcvt.f32.s32 v12;
	v9 =	vadd.s32 v1, v9  }
0x152: {  	[tilespmem:v4+s29+$0x0] =	vst.idx.add.f32.msk $0xffff, v2;
	v12 =	vtrunc.f32 v13;
	v4 =	vcvt.f32.s32 v5;
	v5 =	vadd.s32 v1, v10  }
0x153: {  	[tilespmem:v3+s29+$0x0] =	vst.idx.add.f32.msk $0xffff, v2;
	v7 =	vtrunc.f32 v7;
	v3 =	vcvt.f32.s32 v12;
	v10 =	vadd.s32 v1, v11  }
0x154: {  	[tilespmem:v6+s29+$0x0] =	vst.idx.add.f32.msk $0xffff, v2;
	v6 =	vcvt.f32.s32 v7;
	v4 =	vadd.s32 v1, v4  }
0x155: {  	v3 =	vadd.s32 v1, v3;
	[tilespmem:v8+s29+$0x0] =	vst.idx.add.f32.msk $0xffff, v2  }
0x156: {  	v6 =	vadd.s32 v1, v6;
	[tilespmem:v9+s29+$0x0] =	vst.idx.add.f32.msk $0xffff, v2  }
0x157: {  	[tilespmem:v5+s29+$0x0] =	vst.idx.add.f32.msk $0xffff, v2  }
0x158: {  	[tilespmem:v10+s29+$0x0] =	vst.idx.add.f32.msk $0xffff, v2  }
0x159: {  	[tilespmem:v4+s29+$0x0] =	vst.idx.add.f32.msk $0xffff, v2  }
0x15a: {  	[tilespmem:v3+s29+$0x0] =	vst.idx.add.f32.msk $0xffff, v2  }
0x15b: {  	s3 =	simm.s32 $0x0;
	s4 =	simm.s32 $0x0;
	[tilespmem:v6+s29+$0x0] =	vst.idx.add.f32.msk $0xffff, v2  }
0x15c: {  	[tilespmem:s3], [sflag:$0x1] =	stream.linear.gather [hbm4b:s9+s3], $0x6000, $0x38;
	[tilespmem:$0xC880] =	vst v63  }
0x15d: {  	s4 =	sand.u32 $0x7000, s4;
	s5 =	sand.u32 $0xC00, s3;
	_ =	swait.ge [sflag:s30], $0x6000  }
0x15e: {  	s4 =	sor.u32 s5, s4;
	s3 =	sand.u32 $0x380, s3;
	[sflag:s30] =	ssyncset.done $0x0  }
0x15f: {  	s3 =	sor.u32 s3, s4;
	[sflag:s30] =	ssyncadd.s32 $0xFFFFA000  }
0x160: {  	v3 =	vld [tilespmem:s3+$0x6070];
	_ =	sdelay $0x3  }
0x161: {  	v4 =	vld [tilespmem:s3+$0x6000]  }
0x162: {  	v5 =	vld [tilespmem:s3+$0x6010];
	v3 =	vmul.f32 $1.600000000e+01, v3  }
0x163: {  	v6 =	vld [tilespmem:s3+$0x6020]  }
0x164: {  	v7 =	vld [tilespmem:s3+$0x6030];
	v3 =	vtrunc.f32 v3  }
0x165: {  	v8 =	vld [tilespmem:s3+$0x6040];
	v3 =	vcvt.f32.s32 v3  }
0x166: {  	v9 =	vld [tilespmem:s3+$0x6050]  }
0x167: {  	s31 =	simm.s32 $0x80;
	v10 =	vld [tilespmem:s3+$0x6060];
	s3 =	simm.s32 $0x400;
	v3 =	vadd.s32 v1, v3  }
0x168: {  	s5 =	sand.u32 $0x7000, s31;
	s4 =	simm.s32 $0x20;
	s6 =	sand.u32 $0xC00, s3;
	v4 =	vmul.f32 $1.600000000e+01, v4  }
0x169: {  	s7 =	sand.u32 $0x380, s4;
	s5 =	sor.u32 s6, s5;
	v5 =	vmul.f32 $1.600000000e+01, v5;
	v6 =	vmul.f32 $1.600000000e+01, v6  }
0x16a: {  	s5 =	sor.u32 s7, s5;
	v7 =	vmul.f32 $1.600000000e+01, v7;
	v8 =	vmul.f32 $1.600000000e+01, v8  }
0x16b: {  	v11 =	vld [tilespmem:s5+$0x6000];
	v9 =	vmul.f32 $1.600000000e+01, v9;
	v4 =	vtrunc.f32 v4  }
0x16c: {  	v5 =	vtrunc.f32 v5;
	v6 =	vtrunc.f32 v6;
	[tilespmem:v3+s29+$0x0] =	vst.idx.add.f32.msk $0xffff, v2  }
0x16d: {  	v3 =	vtrunc.f32 v7;
	v7 =	vmul.f32 $1.600000000e+01, v10;
	v10 =	vld [tilespmem:s5+$0x6070]  }
0x16e: {  	v12 =	vld [tilespmem:s5+$0x6010];
	v8 =	vtrunc.f32 v8;
	v4 =	vcvt.f32.s32 v4  }
0x16f: {  	v9 =	vtrunc.f32 v9;
	v5 =	vcvt.f32.s32 v5  }
0x170: {  	v13 =	vld [tilespmem:s5+$0x6020];
	v6 =	vcvt.f32.s32 v6;
	v8 =	vcvt.f32.s32 v8;
	v4 =	vadd.s32 v1, v4  }
0x171: {  	v15 =	vld [tilespmem:s5+$0x6030];
	v9 =	vcvt.f32.s32 v9;
	v14 =	vadd.s32 v1, v5;
	v3 =	vcvt.f32.s32 v3  }
0x172: {  	v16 =	vld [tilespmem:s5+$0x6040];
	v6 =	vadd.s32 v1, v6;
	v7 =	vtrunc.f32 v7;
	v5 =	vmul.f32 $1.600000000e+01, v10  }
0x173: {  	v18 =	vld [tilespmem:s5+$0x6050];
	v17 =	vadd.s32 v1, v3;
	v3 =	vmul.f32 $1.600000000e+01, v11;
	v11 =	vmul.f32 $1.600000000e+01, v12  }
0x174: {  	v10 =	vcvt.f32.s32 v7;
	v7 =	vld [tilespmem:s5+$0x6060];
	v12 =	vtrunc.f32 v5;
	v5 =	vadd.s32 v1, v8  }
0x175: {  	v13 =	vmul.f32 $1.600000000e+01, v13;
	[tilespmem:v4+s29+$0x0] =	vst.idx.add.f32.msk $0xffff, v2;
	v4 =	vadd.s32 v1, v9;
	v19 =	vcvt.f32.s32 v12  }
0x176: {  	[tilespmem:v14+s29+$0x0] =	vst.idx.add.f32.msk $0xffff, v2;
	v9 =	vtrunc.f32 v11;
	v8 =	vtrunc.f32 v3;
	v3 =	vadd.s32 v1, v10  }
0x177: {  	[tilespmem:v6+s29+$0x0] =	vst.idx.add.f32.msk $0xffff, v2;
	v11 =	vmul.f32 $1.600000000e+01, v16;
	v12 =	vmul.f32 $1.600000000e+01, v15;
	v6 =	vadd.s32 v1, v19  }
0x178: {  	v10 =	vtrunc.f32 v13;
	v13 =	vmul.f32 $1.600000000e+01, v18;
	[tilespmem:v17+s29+$0x0] =	vst.idx.add.f32.msk $0xffff, v2  }
.LBB2_12:
0x179: {  	s31 =	sadd.s32 $0x80, s31;
	v12 =	vtrunc.f32 v12;
	v7 =	vmul.f32 $1.600000000e+01, v7;
	s3 =	sadd.s32 $0x400, s3;
	[tilespmem:v5+s29+$0x0] =	vst.idx.add.f32.msk $0xffff, v2  }
0x17a: {  	v5 =	vtrunc.f32 v11;
	s4 =	sadd.s32 $0x20, s4;
	s5 =	sand.u32 $0x7000, s31;
	s6 =	sand.u32 $0xC00, s3;
	v11 =	vtrunc.f32 v13;
	[tilespmem:v4+s29+$0x0] =	vst.idx.add.f32.msk $0xffff, v2  }
0x17b: {  	s7 =	sand.u32 $0x380, s4;
	p0 =	slt.u32 s31, $0x5F80;
	v4 =	vcvt.f32.s32 v8;
	s5 =	sor.u32 s6, s5;
	v7 =	vtrunc.f32 v7;
	[tilespmem:v3+s29+$0x0] =	vst.idx.add.f32.msk $0xffff, v2  }
0x17c: {  	v8 =	vcvt.f32.s32 v10;
	v3 =	vcvt.f32.s32 v9;
	s5 =	sor.u32 s7, s5;
	[tilespmem:v6+s29+$0x0] =	vst.idx.add.f32.msk $0xffff, v2  }
0x17d: {  	v5 =	vcvt.f32.s32 v5;
	v9 =	vadd.s32 v1, v4;
	v4 =	vcvt.f32.s32 v12;
	v6 =	vld [tilespmem:s5+$0x6070]  }
0x17e: {  	v7 =	vcvt.f32.s32 v7;
	v13 =	vadd.s32 v1, v3;
	v3 =	vcvt.f32.s32 v11;
	v10 =	vld [tilespmem:s5+$0x6000]  }
0x17f: {  	v14 =	vadd.s32 v1, v8;
	v5 =	vadd.s32 v1, v5;
	v15 =	vadd.s32 v1, v4;
	v11 =	vld [tilespmem:s5+$0x6010]  }
0x180: {  	v4 =	vadd.s32 v1, v3;
	v3 =	vadd.s32 v1, v7;
	v8 =	vld [tilespmem:s5+$0x6020]  }
0x181: {  	v12 =	vld [tilespmem:s5+$0x6030]  }
0x182: {  	v16 =	vld [tilespmem:s5+$0x6040];
	v6 =	vmul.f32 $1.600000000e+01, v6  }
0x183: {  	v10 =	vmul.f32 $1.600000000e+01, v10;
	v17 =	vld [tilespmem:s5+$0x6050]  }
.Ltmp5:
0x184: {  	v11 =	vmul.f32 $1.600000000e+01, v11;
	v7 =	vld [tilespmem:s5+$0x6060];
	v6 =	vtrunc.f32 v6;
	(pc) =	sbr.rel @p0 .LBB2_12-.Ltmp5, $4  }
0x185: {  	v18 =	vmul.f32 $1.600000000e+01, v8;
	v6 =	vcvt.f32.s32 v6;
	[tilespmem:v9+s29+$0x0] =	vst.idx.add.f32.msk $0xffff, v2  }
0x186: {  	v8 =	vtrunc.f32 v10;
	v12 =	vmul.f32 $1.600000000e+01, v12;
	[tilespmem:v13+s29+$0x0] =	vst.idx.add.f32.msk $0xffff, v2  }
0x187: {  	v9 =	vtrunc.f32 v11;
	v11 =	vmul.f32 $1.600000000e+01, v16;
	v6 =	vadd.s32 v1, v6;
	[tilespmem:v14+s29+$0x0] =	vst.idx.add.f32.msk $0xffff, v2  }
0x188: {  	v10 =	vtrunc.f32 v18;
	v13 =	vmul.f32 $1.600000000e+01, v17;
	[tilespmem:v15+s29+$0x0] =	vst.idx.add.f32.msk $0xffff, v2  }
0x189: {  	_ = 	snop  }
0x18a: {  	v8 =	vcvt.f32.s32 v8  }
0x18b: {  	v12 =	vtrunc.f32 v12;
	v9 =	vcvt.f32.s32 v9  }
0x18c: {  	v7 =	vmul.f32 $1.600000000e+01, v7;
	v10 =	vcvt.f32.s32 v10;
	v8 =	vadd.s32 v1, v8  }
0x18d: {  	[tilespmem:v5+s29+$0x0] =	vst.idx.add.f32.msk $0xffff, v2;
	v5 =	vtrunc.f32 v11;
	v11 =	vcvt.f32.s32 v12;
	v9 =	vadd.s32 v1, v9  }
0x18e: {  	[tilespmem:v4+s29+$0x0] =	vst.idx.add.f32.msk $0xffff, v2;
	v12 =	vtrunc.f32 v13;
	v4 =	vcvt.f32.s32 v5;
	v5 =	vadd.s32 v1, v10  }
0x18f: {  	[tilespmem:v3+s29+$0x0] =	vst.idx.add.f32.msk $0xffff, v2;
	v7 =	vtrunc.f32 v7;
	v3 =	vcvt.f32.s32 v12;
	v10 =	vadd.s32 v1, v11  }
0x190: {  	[tilespmem:v6+s29+$0x0] =	vst.idx.add.f32.msk $0xffff, v2;
	v6 =	vcvt.f32.s32 v7;
	v4 =	vadd.s32 v1, v4  }
0x191: {  	v3 =	vadd.s32 v1, v3;
	[tilespmem:v8+s29+$0x0] =	vst.idx.add.f32.msk $0xffff, v2  }
0x192: {  	v6 =	vadd.s32 v1, v6;
	[tilespmem:v9+s29+$0x0] =	vst.idx.add.f32.msk $0xffff, v2  }
0x193: {  	[tilespmem:v5+s29+$0x0] =	vst.idx.add.f32.msk $0xffff, v2  }
0x194: {  	[tilespmem:v10+s29+$0x0] =	vst.idx.add.f32.msk $0xffff, v2  }
0x195: {  	[tilespmem:v4+s29+$0x0] =	vst.idx.add.f32.msk $0xffff, v2  }
0x196: {  	[tilespmem:v3+s29+$0x0] =	vst.idx.add.f32.msk $0xffff, v2  }
0x197: {  	s3 =	simm.s32 $0x0;
	s4 =	simm.s32 $0x0;
	[tilespmem:v6+s29+$0x0] =	vst.idx.add.f32.msk $0xffff, v2  }
0x198: {  	[tilespmem:s26], [sflag:$0x2] =	stream.linear.gather [hbm4b:s10+s3], $0x6000, $0x38;
	[tilespmem:$0xC880] =	vst v63  }
0x199: {  	s4 =	sand.u32 $0x7000, s4;
	s5 =	sand.u32 $0xC00, s3;
	_ =	swait.ge [sflag:s28], $0x6000  }
0x19a: {  	s4 =	sor.u32 s5, s4;
	s3 =	sand.u32 $0x380, s3;
	[sflag:s28] =	ssyncset.done $0x0  }
0x19b: {  	s3 =	sor.u32 s3, s4;
	[sflag:s28] =	ssyncadd.s32 $0xFFFFA000  }
0x19c: {  	v3 =	vld [tilespmem:s3+$0x70];
	_ =	sdelay $0x3  }
0x19d: {  	v4 =	vld [tilespmem:s3+$0x0]  }
0x19e: {  	v5 =	vld [tilespmem:s3+$0x10];
	v3 =	vmul.f32 $1.600000000e+01, v3  }
0x19f: {  	v6 =	vld [tilespmem:s3+$0x20]  }
0x1a0: {  	v7 =	vld [tilespmem:s3+$0x30];
	v3 =	vtrunc.f32 v3  }
0x1a1: {  	v8 =	vld [tilespmem:s3+$0x40];
	v3 =	vcvt.f32.s32 v3  }
0x1a2: {  	v9 =	vld [tilespmem:s3+$0x50]  }
0x1a3: {  	s31 =	simm.s32 $0x80;
	v10 =	vld [tilespmem:s3+$0x60];
	s3 =	simm.s32 $0x400;
	v3 =	vadd.s32 v1, v3  }
0x1a4: {  	s5 =	sand.u32 $0x7000, s31;
	s4 =	simm.s32 $0x20;
	s6 =	sand.u32 $0xC00, s3;
	v4 =	vmul.f32 $1.600000000e+01, v4  }
0x1a5: {  	s7 =	sand.u32 $0x380, s4;
	s5 =	sor.u32 s6, s5;
	v5 =	vmul.f32 $1.600000000e+01, v5;
	v6 =	vmul.f32 $1.600000000e+01, v6  }
0x1a6: {  	s5 =	sor.u32 s7, s5;
	v7 =	vmul.f32 $1.600000000e+01, v7;
	v8 =	vmul.f32 $1.600000000e+01, v8  }
0x1a7: {  	v11 =	vld [tilespmem:s5+$0x0];
	v9 =	vmul.f32 $1.600000000e+01, v9;
	v4 =	vtrunc.f32 v4  }
0x1a8: {  	v5 =	vtrunc.f32 v5;
	v6 =	vtrunc.f32 v6;
	[tilespmem:v3+s29+$0x0] =	vst.idx.add.f32.msk $0xffff, v2  }
0x1a9: {  	v3 =	vtrunc.f32 v7;
	v7 =	vmul.f32 $1.600000000e+01, v10;
	v10 =	vld [tilespmem:s5+$0x70]  }
0x1aa: {  	v12 =	vld [tilespmem:s5+$0x10];
	v8 =	vtrunc.f32 v8;
	v4 =	vcvt.f32.s32 v4  }
0x1ab: {  	v9 =	vtrunc.f32 v9;
	v5 =	vcvt.f32.s32 v5  }
0x1ac: {  	v13 =	vld [tilespmem:s5+$0x20];
	v6 =	vcvt.f32.s32 v6;
	v8 =	vcvt.f32.s32 v8;
	v4 =	vadd.s32 v1, v4  }
0x1ad: {  	v15 =	vld [tilespmem:s5+$0x30];
	v9 =	vcvt.f32.s32 v9;
	v14 =	vadd.s32 v1, v5;
	v3 =	vcvt.f32.s32 v3  }
0x1ae: {  	v16 =	vld [tilespmem:s5+$0x40];
	v6 =	vadd.s32 v1, v6;
	v7 =	vtrunc.f32 v7;
	v5 =	vmul.f32 $1.600000000e+01, v10  }
0x1af: {  	v18 =	vld [tilespmem:s5+$0x50];
	v17 =	vadd.s32 v1, v3;
	v3 =	vmul.f32 $1.600000000e+01, v11;
	v11 =	vmul.f32 $1.600000000e+01, v12  }
0x1b0: {  	v10 =	vcvt.f32.s32 v7;
	v7 =	vld [tilespmem:s5+$0x60];
	v12 =	vtrunc.f32 v5;
	v5 =	vadd.s32 v1, v8  }
0x1b1: {  	v13 =	vmul.f32 $1.600000000e+01, v13;
	[tilespmem:v4+s29+$0x0] =	vst.idx.add.f32.msk $0xffff, v2;
	v4 =	vadd.s32 v1, v9;
	v19 =	vcvt.f32.s32 v12  }
0x1b2: {  	[tilespmem:v14+s29+$0x0] =	vst.idx.add.f32.msk $0xffff, v2;
	v9 =	vtrunc.f32 v11;
	v8 =	vtrunc.f32 v3;
	v3 =	vadd.s32 v1, v10  }
0x1b3: {  	[tilespmem:v6+s29+$0x0] =	vst.idx.add.f32.msk $0xffff, v2;
	v11 =	vmul.f32 $1.600000000e+01, v16;
	v12 =	vmul.f32 $1.600000000e+01, v15;
	v6 =	vadd.s32 v1, v19  }
0x1b4: {  	v10 =	vtrunc.f32 v13;
	v13 =	vmul.f32 $1.600000000e+01, v18;
	[tilespmem:v17+s29+$0x0] =	vst.idx.add.f32.msk $0xffff, v2  }
.LBB2_14:
0x1b5: {  	s31 =	sadd.s32 $0x80, s31;
	v12 =	vtrunc.f32 v12;
	v7 =	vmul.f32 $1.600000000e+01, v7;
	s3 =	sadd.s32 $0x400, s3;
	[tilespmem:v5+s29+$0x0] =	vst.idx.add.f32.msk $0xffff, v2  }
0x1b6: {  	v5 =	vtrunc.f32 v11;
	s4 =	sadd.s32 $0x20, s4;
	s5 =	sand.u32 $0x7000, s31;
	s6 =	sand.u32 $0xC00, s3;
	v11 =	vtrunc.f32 v13;
	[tilespmem:v4+s29+$0x0] =	vst.idx.add.f32.msk $0xffff, v2  }
0x1b7: {  	s7 =	sand.u32 $0x380, s4;
	p0 =	slt.u32 s31, $0x5F80;
	v4 =	vcvt.f32.s32 v8;
	s5 =	sor.u32 s6, s5;
	v7 =	vtrunc.f32 v7;
	[tilespmem:v3+s29+$0x0] =	vst.idx.add.f32.msk $0xffff, v2  }
0x1b8: {  	v8 =	vcvt.f32.s32 v10;
	v3 =	vcvt.f32.s32 v9;
	s5 =	sor.u32 s7, s5;
	[tilespmem:v6+s29+$0x0] =	vst.idx.add.f32.msk $0xffff, v2  }
0x1b9: {  	v5 =	vcvt.f32.s32 v5;
	v9 =	vadd.s32 v1, v4;
	v4 =	vcvt.f32.s32 v12;
	v6 =	vld [tilespmem:s5+$0x70]  }
0x1ba: {  	v7 =	vcvt.f32.s32 v7;
	v13 =	vadd.s32 v1, v3;
	v3 =	vcvt.f32.s32 v11;
	v10 =	vld [tilespmem:s5+$0x0]  }
0x1bb: {  	v14 =	vadd.s32 v1, v8;
	v5 =	vadd.s32 v1, v5;
	v15 =	vadd.s32 v1, v4;
	v11 =	vld [tilespmem:s5+$0x10]  }
0x1bc: {  	v4 =	vadd.s32 v1, v3;
	v3 =	vadd.s32 v1, v7;
	v8 =	vld [tilespmem:s5+$0x20]  }
0x1bd: {  	v12 =	vld [tilespmem:s5+$0x30]  }
0x1be: {  	v16 =	vld [tilespmem:s5+$0x40];
	v6 =	vmul.f32 $1.600000000e+01, v6  }
0x1bf: {  	v10 =	vmul.f32 $1.600000000e+01, v10;
	v17 =	vld [tilespmem:s5+$0x50]  }
.Ltmp6:
0x1c0: {  	v11 =	vmul.f32 $1.600000000e+01, v11;
	v7 =	vld [tilespmem:s5+$0x60];
	v6 =	vtrunc.f32 v6;
	(pc) =	sbr.rel @p0 .LBB2_14-.Ltmp6, $4  }
0x1c1: {  	v18 =	vmul.f32 $1.600000000e+01, v8;
	v6 =	vcvt.f32.s32 v6;
	[tilespmem:v9+s29+$0x0] =	vst.idx.add.f32.msk $0xffff, v2  }
0x1c2: {  	v8 =	vtrunc.f32 v10;
	v12 =	vmul.f32 $1.600000000e+01, v12;
	[tilespmem:v13+s29+$0x0] =	vst.idx.add.f32.msk $0xffff, v2  }
0x1c3: {  	v9 =	vtrunc.f32 v11;
	v11 =	vmul.f32 $1.600000000e+01, v16;
	v6 =	vadd.s32 v1, v6;
	[tilespmem:v14+s29+$0x0] =	vst.idx.add.f32.msk $0xffff, v2  }
0x1c4: {  	v10 =	vtrunc.f32 v18;
	v13 =	vmul.f32 $1.600000000e+01, v17;
	[tilespmem:v15+s29+$0x0] =	vst.idx.add.f32.msk $0xffff, v2  }
0x1c5: {  	_ = 	snop  }
0x1c6: {  	v8 =	vcvt.f32.s32 v8  }
0x1c7: {  	v12 =	vtrunc.f32 v12;
	v9 =	vcvt.f32.s32 v9  }
0x1c8: {  	v7 =	vmul.f32 $1.600000000e+01, v7;
	v10 =	vcvt.f32.s32 v10;
	v8 =	vadd.s32 v1, v8  }
0x1c9: {  	[tilespmem:v5+s29+$0x0] =	vst.idx.add.f32.msk $0xffff, v2;
	v5 =	vtrunc.f32 v11;
	v11 =	vcvt.f32.s32 v12;
	v9 =	vadd.s32 v1, v9  }
0x1ca: {  	[tilespmem:v4+s29+$0x0] =	vst.idx.add.f32.msk $0xffff, v2;
	v12 =	vtrunc.f32 v13;
	v4 =	vcvt.f32.s32 v5;
	v5 =	vadd.s32 v1, v10  }
0x1cb: {  	[tilespmem:v3+s29+$0x0] =	vst.idx.add.f32.msk $0xffff, v2;
	v7 =	vtrunc.f32 v7;
	v3 =	vcvt.f32.s32 v12;
	v10 =	vadd.s32 v1, v11  }
0x1cc: {  	[tilespmem:v6+s29+$0x0] =	vst.idx.add.f32.msk $0xffff, v2;
	v6 =	vcvt.f32.s32 v7;
	v4 =	vadd.s32 v1, v4  }
0x1cd: {  	v3 =	vadd.s32 v1, v3;
	[tilespmem:v8+s29+$0x0] =	vst.idx.add.f32.msk $0xffff, v2  }
0x1ce: {  	v6 =	vadd.s32 v1, v6;
	[tilespmem:v9+s29+$0x0] =	vst.idx.add.f32.msk $0xffff, v2  }
0x1cf: {  	[tilespmem:v5+s29+$0x0] =	vst.idx.add.f32.msk $0xffff, v2  }
0x1d0: {  	[tilespmem:v10+s29+$0x0] =	vst.idx.add.f32.msk $0xffff, v2  }
0x1d1: {  	[tilespmem:v4+s29+$0x0] =	vst.idx.add.f32.msk $0xffff, v2  }
0x1d2: {  	[tilespmem:v3+s29+$0x0] =	vst.idx.add.f32.msk $0xffff, v2  }
0x1d3: {  	[tilespmem:v6+s29+$0x0] =	vst.idx.add.f32.msk $0xffff, v2  }
0x1d4: {  	v3 =	vld [tilespmem:$0xC000]  }
0x1d5: {  	v4 =	vld [tilespmem:$0xC080];
	_ =	sdelay $0x1  }
0x1d6: {  	v5 =	vld [tilespmem:$0xC100];
	_ =	sdelay $0x1  }
0x1d7: {  	v6 =	vld [tilespmem:$0xC180]  }
0x1d8: {  	v3 =	vadd.f32 v4, v3  }
0x1d9: {  	v4 =	vld [tilespmem:$0xC200]  }
0x1da: {  	v3 =	vadd.f32 v5, v3  }
0x1db: {  	v5 =	vld [tilespmem:$0xC280]  }
0x1dc: {  	v3 =	vadd.f32 v6, v3  }
0x1dd: {  	v6 =	vld [tilespmem:$0xC300]  }
0x1de: {  	v3 =	vadd.f32 v4, v3  }
0x1df: {  	v4 =	vld [tilespmem:$0xC380]  }
0x1e0: {  	v3 =	vadd.f32 v5, v3  }
0x1e1: {  	v5 =	vld [tilespmem:$0xC400]  }
0x1e2: {  	v3 =	vadd.f32 v6, v3  }
0x1e3: {  	v6 =	vld [tilespmem:$0xC480]  }
0x1e4: {  	v3 =	vadd.f32 v4, v3  }
0x1e5: {  	v4 =	vld [tilespmem:$0xC500]  }
0x1e6: {  	[tilespmem:$0xC000] =	vst v0;
	v3 =	vadd.f32 v5, v3  }
0x1e7: {  	[tilespmem:$0xC080] =	vst v0;
	v5 =	vld [tilespmem:$0xC580]  }
0x1e8: {  	[tilespmem:$0xC100] =	vst v0;
	v3 =	vadd.f32 v6, v3  }
0x1e9: {  	[tilespmem:$0xC180] =	vst v0;
	v6 =	vld [tilespmem:$0xC600]  }
0x1ea: {  	[tilespmem:$0xC200] =	vst v0;
	v3 =	vadd.f32 v4, v3  }
0x1eb: {  	[tilespmem:$0xC280] =	vst v0;
	v4 =	vld [tilespmem:$0xC680]  }
0x1ec: {  	[tilespmem:$0xC300] =	vst v0;
	v3 =	vadd.f32 v5, v3  }
0x1ed: {  	[tilespmem:$0xC380] =	vst v0;
	v5 =	vld [tilespmem:$0xC700]  }
0x1ee: {  	[tilespmem:$0xC400] =	vst v0;
	v3 =	vadd.f32 v6, v3  }
0x1ef: {  	[tilespmem:$0xC480] =	vst v0;
	v6 =	vld [tilespmem:$0xC780]  }
0x1f0: {  	[tilespmem:$0xC500] =	vst v0;
	v3 =	vadd.f32 v4, v3  }
0x1f1: {  	[tilespmem:$0xC580] =	vst v0  }
0x1f2: {  	[tilespmem:$0xC600] =	vst v0;
	v3 =	vadd.f32 v5, v3  }
0x1f3: {  	[tilespmem:$0xC680] =	vst v0  }
0x1f4: {  	[tilespmem:$0xC700] =	vst v0;
	v3 =	vadd.f32 v6, v3  }
0x1f5: {  	[tilespmem:$0xC780] =	vst v0  }
0x1f6: {  	s3 =	simm.s32 $0x0;
	s4 =	simm.s32 $0x0;
	[tilespmem:$0xC800] =	vst v3  }
0x1f7: {  	[tilespmem:s3], [sflag:$0x1] =	stream.linear.gather [hbm4b:s11+s3], $0x6000, $0x38;
	[tilespmem:$0xC880] =	vst v63  }
0x1f8: {  	s4 =	sand.u32 $0x7000, s4;
	s5 =	sand.u32 $0xC00, s3;
	_ =	swait.ge [sflag:s30], $0x6000  }
0x1f9: {  	s4 =	sor.u32 s5, s4;
	s3 =	sand.u32 $0x380, s3;
	[sflag:s30] =	ssyncset.done $0x0  }
0x1fa: {  	s3 =	sor.u32 s3, s4;
	[sflag:s30] =	ssyncadd.s32 $0xFFFFA000  }
0x1fb: {  	v3 =	vld [tilespmem:s3+$0x6070];
	_ =	sdelay $0x3  }
0x1fc: {  	v4 =	vld [tilespmem:s3+$0x6000]  }
0x1fd: {  	v5 =	vld [tilespmem:s3+$0x6010];
	v3 =	vmul.f32 $1.600000000e+01, v3  }
0x1fe: {  	v6 =	vld [tilespmem:s3+$0x6020]  }
0x1ff: {  	v7 =	vld [tilespmem:s3+$0x6030];
	v3 =	vtrunc.f32 v3  }
0x200: {  	v8 =	vld [tilespmem:s3+$0x6040];
	v3 =	vcvt.f32.s32 v3  }
0x201: {  	v9 =	vld [tilespmem:s3+$0x6050]  }
0x202: {  	s31 =	simm.s32 $0x80;
	v10 =	vld [tilespmem:s3+$0x6060];
	s3 =	simm.s32 $0x400;
	v3 =	vadd.s32 v1, v3  }
0x203: {  	s5 =	sand.u32 $0x7000, s31;
	s4 =	simm.s32 $0x20;
	s6 =	sand.u32 $0xC00, s3;
	v4 =	vmul.f32 $1.600000000e+01, v4  }
0x204: {  	s7 =	sand.u32 $0x380, s4;
	s5 =	sor.u32 s6, s5;
	v5 =	vmul.f32 $1.600000000e+01, v5;
	v6 =	vmul.f32 $1.600000000e+01, v6  }
0x205: {  	s5 =	sor.u32 s7, s5;
	v7 =	vmul.f32 $1.600000000e+01, v7;
	v8 =	vmul.f32 $1.600000000e+01, v8  }
0x206: {  	v11 =	vld [tilespmem:s5+$0x6000];
	v9 =	vmul.f32 $1.600000000e+01, v9;
	v4 =	vtrunc.f32 v4  }
0x207: {  	v5 =	vtrunc.f32 v5;
	v6 =	vtrunc.f32 v6;
	[tilespmem:v3+s29+$0x0] =	vst.idx.add.f32.msk $0xffff, v2  }
0x208: {  	v3 =	vtrunc.f32 v7;
	v7 =	vmul.f32 $1.600000000e+01, v10;
	v10 =	vld [tilespmem:s5+$0x6070]  }
0x209: {  	v12 =	vld [tilespmem:s5+$0x6010];
	v8 =	vtrunc.f32 v8;
	v4 =	vcvt.f32.s32 v4  }
0x20a: {  	v9 =	vtrunc.f32 v9;
	v5 =	vcvt.f32.s32 v5  }
0x20b: {  	v13 =	vld [tilespmem:s5+$0x6020];
	v6 =	vcvt.f32.s32 v6;
	v8 =	vcvt.f32.s32 v8;
	v4 =	vadd.s32 v1, v4  }
0x20c: {  	v15 =	vld [tilespmem:s5+$0x6030];
	v9 =	vcvt.f32.s32 v9;
	v14 =	vadd.s32 v1, v5;
	v3 =	vcvt.f32.s32 v3  }
0x20d: {  	v16 =	vld [tilespmem:s5+$0x6040];
	v6 =	vadd.s32 v1, v6;
	v7 =	vtrunc.f32 v7;
	v5 =	vmul.f32 $1.600000000e+01, v10  }
0x20e: {  	v18 =	vld [tilespmem:s5+$0x6050];
	v17 =	vadd.s32 v1, v3;
	v3 =	vmul.f32 $1.600000000e+01, v11;
	v11 =	vmul.f32 $1.600000000e+01, v12  }
0x20f: {  	v10 =	vcvt.f32.s32 v7;
	v7 =	vld [tilespmem:s5+$0x6060];
	v12 =	vtrunc.f32 v5;
	v5 =	vadd.s32 v1, v8  }
0x210: {  	v13 =	vmul.f32 $1.600000000e+01, v13;
	[tilespmem:v4+s29+$0x0] =	vst.idx.add.f32.msk $0xffff, v2;
	v4 =	vadd.s32 v1, v9;
	v19 =	vcvt.f32.s32 v12  }
0x211: {  	[tilespmem:v14+s29+$0x0] =	vst.idx.add.f32.msk $0xffff, v2;
	v9 =	vtrunc.f32 v11;
	v8 =	vtrunc.f32 v3;
	v3 =	vadd.s32 v1, v10  }
0x212: {  	[tilespmem:v6+s29+$0x0] =	vst.idx.add.f32.msk $0xffff, v2;
	v11 =	vmul.f32 $1.600000000e+01, v16;
	v12 =	vmul.f32 $1.600000000e+01, v15;
	v6 =	vadd.s32 v1, v19  }
0x213: {  	v10 =	vtrunc.f32 v13;
	v13 =	vmul.f32 $1.600000000e+01, v18;
	[tilespmem:v17+s29+$0x0] =	vst.idx.add.f32.msk $0xffff, v2  }
.LBB2_16:
0x214: {  	s31 =	sadd.s32 $0x80, s31;
	v12 =	vtrunc.f32 v12;
	v7 =	vmul.f32 $1.600000000e+01, v7;
	s3 =	sadd.s32 $0x400, s3;
	[tilespmem:v5+s29+$0x0] =	vst.idx.add.f32.msk $0xffff, v2  }
0x215: {  	v5 =	vtrunc.f32 v11;
	s4 =	sadd.s32 $0x20, s4;
	s5 =	sand.u32 $0x7000, s31;
	s6 =	sand.u32 $0xC00, s3;
	v11 =	vtrunc.f32 v13;
	[tilespmem:v4+s29+$0x0] =	vst.idx.add.f32.msk $0xffff, v2  }
0x216: {  	s7 =	sand.u32 $0x380, s4;
	p0 =	slt.u32 s31, $0x5F80;
	v4 =	vcvt.f32.s32 v8;
	s5 =	sor.u32 s6, s5;
	v7 =	vtrunc.f32 v7;
	[tilespmem:v3+s29+$0x0] =	vst.idx.add.f32.msk $0xffff, v2  }
0x217: {  	v8 =	vcvt.f32.s32 v10;
	v3 =	vcvt.f32.s32 v9;
	s5 =	sor.u32 s7, s5;
	[tilespmem:v6+s29+$0x0] =	vst.idx.add.f32.msk $0xffff, v2  }
0x218: {  	v5 =	vcvt.f32.s32 v5;
	v9 =	vadd.s32 v1, v4;
	v4 =	vcvt.f32.s32 v12;
	v6 =	vld [tilespmem:s5+$0x6070]  }
0x219: {  	v7 =	vcvt.f32.s32 v7;
	v13 =	vadd.s32 v1, v3;
	v3 =	vcvt.f32.s32 v11;
	v10 =	vld [tilespmem:s5+$0x6000]  }
0x21a: {  	v14 =	vadd.s32 v1, v8;
	v5 =	vadd.s32 v1, v5;
	v15 =	vadd.s32 v1, v4;
	v11 =	vld [tilespmem:s5+$0x6010]  }
0x21b: {  	v4 =	vadd.s32 v1, v3;
	v3 =	vadd.s32 v1, v7;
	v8 =	vld [tilespmem:s5+$0x6020]  }
0x21c: {  	v12 =	vld [tilespmem:s5+$0x6030]  }
0x21d: {  	v16 =	vld [tilespmem:s5+$0x6040];
	v6 =	vmul.f32 $1.600000000e+01, v6  }
0x21e: {  	v10 =	vmul.f32 $1.600000000e+01, v10;
	v17 =	vld [tilespmem:s5+$0x6050]  }
.Ltmp7:
0x21f: {  	v11 =	vmul.f32 $1.600000000e+01, v11;
	v7 =	vld [tilespmem:s5+$0x6060];
	v6 =	vtrunc.f32 v6;
	(pc) =	sbr.rel @p0 .LBB2_16-.Ltmp7, $4  }
0x220: {  	v18 =	vmul.f32 $1.600000000e+01, v8;
	v6 =	vcvt.f32.s32 v6;
	[tilespmem:v9+s29+$0x0] =	vst.idx.add.f32.msk $0xffff, v2  }
0x221: {  	v8 =	vtrunc.f32 v10;
	v12 =	vmul.f32 $1.600000000e+01, v12;
	[tilespmem:v13+s29+$0x0] =	vst.idx.add.f32.msk $0xffff, v2  }
0x222: {  	v9 =	vtrunc.f32 v11;
	v11 =	vmul.f32 $1.600000000e+01, v16;
	v6 =	vadd.s32 v1, v6;
	[tilespmem:v14+s29+$0x0] =	vst.idx.add.f32.msk $0xffff, v2  }
0x223: {  	v10 =	vtrunc.f32 v18;
	v13 =	vmul.f32 $1.600000000e+01, v17;
	[tilespmem:v15+s29+$0x0] =	vst.idx.add.f32.msk $0xffff, v2  }
0x224: {  	_ = 	snop  }
0x225: {  	v8 =	vcvt.f32.s32 v8  }
0x226: {  	v12 =	vtrunc.f32 v12;
	v9 =	vcvt.f32.s32 v9  }
0x227: {  	v7 =	vmul.f32 $1.600000000e+01, v7;
	v10 =	vcvt.f32.s32 v10;
	v8 =	vadd.s32 v1, v8  }
0x228: {  	[tilespmem:v5+s29+$0x0] =	vst.idx.add.f32.msk $0xffff, v2;
	v5 =	vtrunc.f32 v11;
	v11 =	vcvt.f32.s32 v12;
	v9 =	vadd.s32 v1, v9  }
0x229: {  	[tilespmem:v4+s29+$0x0] =	vst.idx.add.f32.msk $0xffff, v2;
	v12 =	vtrunc.f32 v13;
	v4 =	vcvt.f32.s32 v5;
	v5 =	vadd.s32 v1, v10  }
0x22a: {  	[tilespmem:v3+s29+$0x0] =	vst.idx.add.f32.msk $0xffff, v2;
	v7 =	vtrunc.f32 v7;
	v3 =	vcvt.f32.s32 v12;
	v10 =	vadd.s32 v1, v11  }
0x22b: {  	[tilespmem:v6+s29+$0x0] =	vst.idx.add.f32.msk $0xffff, v2;
	v6 =	vcvt.f32.s32 v7;
	v4 =	vadd.s32 v1, v4  }
0x22c: {  	v3 =	vadd.s32 v1, v3;
	[tilespmem:v8+s29+$0x0] =	vst.idx.add.f32.msk $0xffff, v2  }
0x22d: {  	v6 =	vadd.s32 v1, v6;
	[tilespmem:v9+s29+$0x0] =	vst.idx.add.f32.msk $0xffff, v2  }
0x22e: {  	[tilespmem:v5+s29+$0x0] =	vst.idx.add.f32.msk $0xffff, v2  }
0x22f: {  	[tilespmem:v10+s29+$0x0] =	vst.idx.add.f32.msk $0xffff, v2  }
0x230: {  	[tilespmem:v4+s29+$0x0] =	vst.idx.add.f32.msk $0xffff, v2  }
0x231: {  	[tilespmem:v3+s29+$0x0] =	vst.idx.add.f32.msk $0xffff, v2  }
0x232: {  	s3 =	simm.s32 $0x0;
	s4 =	simm.s32 $0x0;
	[tilespmem:v6+s29+$0x0] =	vst.idx.add.f32.msk $0xffff, v2  }
0x233: {  	[tilespmem:s26], [sflag:$0x2] =	stream.linear.gather [hbm4b:s12+s3], $0x6000, $0x38;
	[tilespmem:$0xC880] =	vst v63  }
0x234: {  	s4 =	sand.u32 $0x7000, s4;
	s5 =	sand.u32 $0xC00, s3;
	_ =	swait.ge [sflag:s28], $0x6000  }
0x235: {  	s4 =	sor.u32 s5, s4;
	s3 =	sand.u32 $0x380, s3;
	[sflag:s28] =	ssyncset.done $0x0  }
0x236: {  	s3 =	sor.u32 s3, s4;
	[sflag:s28] =	ssyncadd.s32 $0xFFFFA000  }
0x237: {  	v3 =	vld [tilespmem:s3+$0x70];
	_ =	sdelay $0x3  }
0x238: {  	v4 =	vld [tilespmem:s3+$0x0]  }
0x239: {  	v5 =	vld [tilespmem:s3+$0x10];
	v3 =	vmul.f32 $1.600000000e+01, v3  }
0x23a: {  	v6 =	vld [tilespmem:s3+$0x20]  }
0x23b: {  	v7 =	vld [tilespmem:s3+$0x30];
	v3 =	vtrunc.f32 v3  }
0x23c: {  	v8 =	vld [tilespmem:s3+$0x40];
	v3 =	vcvt.f32.s32 v3  }
0x23d: {  	v9 =	vld [tilespmem:s3+$0x50]  }
0x23e: {  	s31 =	simm.s32 $0x80;
	v10 =	vld [tilespmem:s3+$0x60];
	s3 =	simm.s32 $0x400;
	v3 =	vadd.s32 v1, v3  }
0x23f: {  	s5 =	sand.u32 $0x7000, s31;
	s4 =	simm.s32 $0x20;
	s6 =	sand.u32 $0xC00, s3;
	v4 =	vmul.f32 $1.600000000e+01, v4  }
0x240: {  	s7 =	sand.u32 $0x380, s4;
	s5 =	sor.u32 s6, s5;
	v5 =	vmul.f32 $1.600000000e+01, v5;
	v6 =	vmul.f32 $1.600000000e+01, v6  }
0x241: {  	s5 =	sor.u32 s7, s5;
	v7 =	vmul.f32 $1.600000000e+01, v7;
	v8 =	vmul.f32 $1.600000000e+01, v8  }
0x242: {  	v11 =	vld [tilespmem:s5+$0x0];
	v9 =	vmul.f32 $1.600000000e+01, v9;
	v4 =	vtrunc.f32 v4  }
0x243: {  	v5 =	vtrunc.f32 v5;
	v6 =	vtrunc.f32 v6;
	[tilespmem:v3+s29+$0x0] =	vst.idx.add.f32.msk $0xffff, v2  }
0x244: {  	v3 =	vtrunc.f32 v7;
	v7 =	vmul.f32 $1.600000000e+01, v10;
	v10 =	vld [tilespmem:s5+$0x70]  }
0x245: {  	v12 =	vld [tilespmem:s5+$0x10];
	v8 =	vtrunc.f32 v8;
	v4 =	vcvt.f32.s32 v4  }
0x246: {  	v9 =	vtrunc.f32 v9;
	v5 =	vcvt.f32.s32 v5  }
0x247: {  	v13 =	vld [tilespmem:s5+$0x20];
	v6 =	vcvt.f32.s32 v6;
	v8 =	vcvt.f32.s32 v8;
	v4 =	vadd.s32 v1, v4  }
0x248: {  	v15 =	vld [tilespmem:s5+$0x30];
	v9 =	vcvt.f32.s32 v9;
	v14 =	vadd.s32 v1, v5;
	v3 =	vcvt.f32.s32 v3  }
0x249: {  	v16 =	vld [tilespmem:s5+$0x40];
	v6 =	vadd.s32 v1, v6;
	v7 =	vtrunc.f32 v7;
	v5 =	vmul.f32 $1.600000000e+01, v10  }
0x24a: {  	v18 =	vld [tilespmem:s5+$0x50];
	v17 =	vadd.s32 v1, v3;
	v3 =	vmul.f32 $1.600000000e+01, v11;
	v11 =	vmul.f32 $1.600000000e+01, v12  }
0x24b: {  	v10 =	vcvt.f32.s32 v7;
	v7 =	vld [tilespmem:s5+$0x60];
	v12 =	vtrunc.f32 v5;
	v5 =	vadd.s32 v1, v8  }
0x24c: {  	v13 =	vmul.f32 $1.600000000e+01, v13;
	[tilespmem:v4+s29+$0x0] =	vst.idx.add.f32.msk $0xffff, v2;
	v4 =	vadd.s32 v1, v9;
	v19 =	vcvt.f32.s32 v12  }
0x24d: {  	[tilespmem:v14+s29+$0x0] =	vst.idx.add.f32.msk $0xffff, v2;
	v9 =	vtrunc.f32 v11;
	v8 =	vtrunc.f32 v3;
	v3 =	vadd.s32 v1, v10  }
0x24e: {  	[tilespmem:v6+s29+$0x0] =	vst.idx.add.f32.msk $0xffff, v2;
	v11 =	vmul.f32 $1.600000000e+01, v16;
	v12 =	vmul.f32 $1.600000000e+01, v15;
	v6 =	vadd.s32 v1, v19  }
0x24f: {  	v10 =	vtrunc.f32 v13;
	v13 =	vmul.f32 $1.600000000e+01, v18;
	[tilespmem:v17+s29+$0x0] =	vst.idx.add.f32.msk $0xffff, v2  }
.LBB2_18:
0x250: {  	s31 =	sadd.s32 $0x80, s31;
	v12 =	vtrunc.f32 v12;
	v7 =	vmul.f32 $1.600000000e+01, v7;
	s3 =	sadd.s32 $0x400, s3;
	[tilespmem:v5+s29+$0x0] =	vst.idx.add.f32.msk $0xffff, v2  }
0x251: {  	v5 =	vtrunc.f32 v11;
	s4 =	sadd.s32 $0x20, s4;
	s5 =	sand.u32 $0x7000, s31;
	s6 =	sand.u32 $0xC00, s3;
	v11 =	vtrunc.f32 v13;
	[tilespmem:v4+s29+$0x0] =	vst.idx.add.f32.msk $0xffff, v2  }
0x252: {  	s7 =	sand.u32 $0x380, s4;
	p0 =	slt.u32 s31, $0x5F80;
	v4 =	vcvt.f32.s32 v8;
	s5 =	sor.u32 s6, s5;
	v7 =	vtrunc.f32 v7;
	[tilespmem:v3+s29+$0x0] =	vst.idx.add.f32.msk $0xffff, v2  }
0x253: {  	v8 =	vcvt.f32.s32 v10;
	v3 =	vcvt.f32.s32 v9;
	s5 =	sor.u32 s7, s5;
	[tilespmem:v6+s29+$0x0] =	vst.idx.add.f32.msk $0xffff, v2  }
0x254: {  	v5 =	vcvt.f32.s32 v5;
	v9 =	vadd.s32 v1, v4;
	v4 =	vcvt.f32.s32 v12;
	v6 =	vld [tilespmem:s5+$0x70]  }
0x255: {  	v7 =	vcvt.f32.s32 v7;
	v13 =	vadd.s32 v1, v3;
	v3 =	vcvt.f32.s32 v11;
	v10 =	vld [tilespmem:s5+$0x0]  }
0x256: {  	v14 =	vadd.s32 v1, v8;
	v5 =	vadd.s32 v1, v5;
	v15 =	vadd.s32 v1, v4;
	v11 =	vld [tilespmem:s5+$0x10]  }
0x257: {  	v4 =	vadd.s32 v1, v3;
	v3 =	vadd.s32 v1, v7;
	v8 =	vld [tilespmem:s5+$0x20]  }
0x258: {  	v12 =	vld [tilespmem:s5+$0x30]  }
0x259: {  	v16 =	vld [tilespmem:s5+$0x40];
	v6 =	vmul.f32 $1.600000000e+01, v6  }
0x25a: {  	v10 =	vmul.f32 $1.600000000e+01, v10;
	v17 =	vld [tilespmem:s5+$0x50]  }
.Ltmp8:
0x25b: {  	v11 =	vmul.f32 $1.600000000e+01, v11;
	v7 =	vld [tilespmem:s5+$0x60];
	v6 =	vtrunc.f32 v6;
	(pc) =	sbr.rel @p0 .LBB2_18-.Ltmp8, $4  }
0x25c: {  	v18 =	vmul.f32 $1.600000000e+01, v8;
	v6 =	vcvt.f32.s32 v6;
	[tilespmem:v9+s29+$0x0] =	vst.idx.add.f32.msk $0xffff, v2  }
0x25d: {  	v8 =	vtrunc.f32 v10;
	v12 =	vmul.f32 $1.600000000e+01, v12;
	[tilespmem:v13+s29+$0x0] =	vst.idx.add.f32.msk $0xffff, v2  }
0x25e: {  	v9 =	vtrunc.f32 v11;
	v11 =	vmul.f32 $1.600000000e+01, v16;
	v6 =	vadd.s32 v1, v6;
	[tilespmem:v14+s29+$0x0] =	vst.idx.add.f32.msk $0xffff, v2  }
0x25f: {  	v10 =	vtrunc.f32 v18;
	v13 =	vmul.f32 $1.600000000e+01, v17;
	[tilespmem:v15+s29+$0x0] =	vst.idx.add.f32.msk $0xffff, v2  }
0x260: {  	_ = 	snop  }
0x261: {  	v8 =	vcvt.f32.s32 v8  }
0x262: {  	v12 =	vtrunc.f32 v12;
	v9 =	vcvt.f32.s32 v9  }
0x263: {  	v7 =	vmul.f32 $1.600000000e+01, v7;
	v10 =	vcvt.f32.s32 v10;
	v8 =	vadd.s32 v1, v8  }
0x264: {  	[tilespmem:v5+s29+$0x0] =	vst.idx.add.f32.msk $0xffff, v2;
	v5 =	vtrunc.f32 v11;
	v11 =	vcvt.f32.s32 v12;
	v9 =	vadd.s32 v1, v9  }
0x265: {  	[tilespmem:v4+s29+$0x0] =	vst.idx.add.f32.msk $0xffff, v2;
	v12 =	vtrunc.f32 v13;
	v4 =	vcvt.f32.s32 v5;
	v5 =	vadd.s32 v1, v10  }
0x266: {  	[tilespmem:v3+s29+$0x0] =	vst.idx.add.f32.msk $0xffff, v2;
	v7 =	vtrunc.f32 v7;
	v3 =	vcvt.f32.s32 v12;
	v10 =	vadd.s32 v1, v11  }
0x267: {  	[tilespmem:v6+s29+$0x0] =	vst.idx.add.f32.msk $0xffff, v2;
	v6 =	vcvt.f32.s32 v7;
	v4 =	vadd.s32 v1, v4  }
0x268: {  	v3 =	vadd.s32 v1, v3;
	[tilespmem:v8+s29+$0x0] =	vst.idx.add.f32.msk $0xffff, v2  }
0x269: {  	v6 =	vadd.s32 v1, v6;
	[tilespmem:v9+s29+$0x0] =	vst.idx.add.f32.msk $0xffff, v2  }
0x26a: {  	[tilespmem:v5+s29+$0x0] =	vst.idx.add.f32.msk $0xffff, v2  }
0x26b: {  	[tilespmem:v10+s29+$0x0] =	vst.idx.add.f32.msk $0xffff, v2  }
0x26c: {  	[tilespmem:v4+s29+$0x0] =	vst.idx.add.f32.msk $0xffff, v2  }
0x26d: {  	[tilespmem:v3+s29+$0x0] =	vst.idx.add.f32.msk $0xffff, v2  }
0x26e: {  	s3 =	simm.s32 $0x0;
	s4 =	simm.s32 $0x0;
	[tilespmem:v6+s29+$0x0] =	vst.idx.add.f32.msk $0xffff, v2  }
0x26f: {  	[tilespmem:s3], [sflag:$0x1] =	stream.linear.gather [hbm4b:s13+s3], $0x6000, $0x38;
	[tilespmem:$0xC880] =	vst v63  }
0x270: {  	s4 =	sand.u32 $0x7000, s4;
	s5 =	sand.u32 $0xC00, s3;
	_ =	swait.ge [sflag:s30], $0x6000  }
0x271: {  	s4 =	sor.u32 s5, s4;
	s3 =	sand.u32 $0x380, s3;
	[sflag:s30] =	ssyncset.done $0x0  }
0x272: {  	s3 =	sor.u32 s3, s4;
	[sflag:s30] =	ssyncadd.s32 $0xFFFFA000  }
0x273: {  	v3 =	vld [tilespmem:s3+$0x6070];
	_ =	sdelay $0x3  }
0x274: {  	v4 =	vld [tilespmem:s3+$0x6000]  }
0x275: {  	v5 =	vld [tilespmem:s3+$0x6010];
	v3 =	vmul.f32 $1.600000000e+01, v3  }
0x276: {  	v6 =	vld [tilespmem:s3+$0x6020]  }
0x277: {  	v7 =	vld [tilespmem:s3+$0x6030];
	v3 =	vtrunc.f32 v3  }
0x278: {  	v8 =	vld [tilespmem:s3+$0x6040];
	v3 =	vcvt.f32.s32 v3  }
0x279: {  	v9 =	vld [tilespmem:s3+$0x6050]  }
0x27a: {  	s31 =	simm.s32 $0x80;
	v10 =	vld [tilespmem:s3+$0x6060];
	s3 =	simm.s32 $0x400;
	v3 =	vadd.s32 v1, v3  }
0x27b: {  	s5 =	sand.u32 $0x7000, s31;
	s4 =	simm.s32 $0x20;
	s6 =	sand.u32 $0xC00, s3;
	v4 =	vmul.f32 $1.600000000e+01, v4  }
0x27c: {  	s7 =	sand.u32 $0x380, s4;
	s5 =	sor.u32 s6, s5;
	v5 =	vmul.f32 $1.600000000e+01, v5;
	v6 =	vmul.f32 $1.600000000e+01, v6  }
0x27d: {  	s5 =	sor.u32 s7, s5;
	v7 =	vmul.f32 $1.600000000e+01, v7;
	v8 =	vmul.f32 $1.600000000e+01, v8  }
0x27e: {  	v11 =	vld [tilespmem:s5+$0x6000];
	v9 =	vmul.f32 $1.600000000e+01, v9;
	v4 =	vtrunc.f32 v4  }
0x27f: {  	v5 =	vtrunc.f32 v5;
	v6 =	vtrunc.f32 v6;
	[tilespmem:v3+s29+$0x0] =	vst.idx.add.f32.msk $0xffff, v2  }
0x280: {  	v3 =	vtrunc.f32 v7;
	v7 =	vmul.f32 $1.600000000e+01, v10;
	v10 =	vld [tilespmem:s5+$0x6070]  }
0x281: {  	v12 =	vld [tilespmem:s5+$0x6010];
	v8 =	vtrunc.f32 v8;
	v4 =	vcvt.f32.s32 v4  }
0x282: {  	v9 =	vtrunc.f32 v9;
	v5 =	vcvt.f32.s32 v5  }
0x283: {  	v13 =	vld [tilespmem:s5+$0x6020];
	v6 =	vcvt.f32.s32 v6;
	v8 =	vcvt.f32.s32 v8;
	v4 =	vadd.s32 v1, v4  }
0x284: {  	v15 =	vld [tilespmem:s5+$0x6030];
	v9 =	vcvt.f32.s32 v9;
	v14 =	vadd.s32 v1, v5;
	v3 =	vcvt.f32.s32 v3  }
0x285: {  	v16 =	vld [tilespmem:s5+$0x6040];
	v6 =	vadd.s32 v1, v6;
	v7 =	vtrunc.f32 v7;
	v5 =	vmul.f32 $1.600000000e+01, v10  }
0x286: {  	v18 =	vld [tilespmem:s5+$0x6050];
	v17 =	vadd.s32 v1, v3;
	v3 =	vmul.f32 $1.600000000e+01, v11;
	v11 =	vmul.f32 $1.600000000e+01, v12  }
0x287: {  	v10 =	vcvt.f32.s32 v7;
	v7 =	vld [tilespmem:s5+$0x6060];
	v12 =	vtrunc.f32 v5;
	v5 =	vadd.s32 v1, v8  }
0x288: {  	v13 =	vmul.f32 $1.600000000e+01, v13;
	[tilespmem:v4+s29+$0x0] =	vst.idx.add.f32.msk $0xffff, v2;
	v4 =	vadd.s32 v1, v9;
	v19 =	vcvt.f32.s32 v12  }
0x289: {  	[tilespmem:v14+s29+$0x0] =	vst.idx.add.f32.msk $0xffff, v2;
	v9 =	vtrunc.f32 v11;
	v8 =	vtrunc.f32 v3;
	v3 =	vadd.s32 v1, v10  }
0x28a: {  	[tilespmem:v6+s29+$0x0] =	vst.idx.add.f32.msk $0xffff, v2;
	v11 =	vmul.f32 $1.600000000e+01, v16;
	v12 =	vmul.f32 $1.600000000e+01, v15;
	v6 =	vadd.s32 v1, v19  }
0x28b: {  	v10 =	vtrunc.f32 v13;
	v13 =	vmul.f32 $1.600000000e+01, v18;
	[tilespmem:v17+s29+$0x0] =	vst.idx.add.f32.msk $0xffff, v2  }
.LBB2_20:
0x28c: {  	s31 =	sadd.s32 $0x80, s31;
	v12 =	vtrunc.f32 v12;
	v7 =	vmul.f32 $1.600000000e+01, v7;
	s3 =	sadd.s32 $0x400, s3;
	[tilespmem:v5+s29+$0x0] =	vst.idx.add.f32.msk $0xffff, v2  }
0x28d: {  	v5 =	vtrunc.f32 v11;
	s4 =	sadd.s32 $0x20, s4;
	s5 =	sand.u32 $0x7000, s31;
	s6 =	sand.u32 $0xC00, s3;
	v11 =	vtrunc.f32 v13;
	[tilespmem:v4+s29+$0x0] =	vst.idx.add.f32.msk $0xffff, v2  }
0x28e: {  	s7 =	sand.u32 $0x380, s4;
	p0 =	slt.u32 s31, $0x5F80;
	v4 =	vcvt.f32.s32 v8;
	s5 =	sor.u32 s6, s5;
	v7 =	vtrunc.f32 v7;
	[tilespmem:v3+s29+$0x0] =	vst.idx.add.f32.msk $0xffff, v2  }
0x28f: {  	v8 =	vcvt.f32.s32 v10;
	v3 =	vcvt.f32.s32 v9;
	s5 =	sor.u32 s7, s5;
	[tilespmem:v6+s29+$0x0] =	vst.idx.add.f32.msk $0xffff, v2  }
0x290: {  	v5 =	vcvt.f32.s32 v5;
	v9 =	vadd.s32 v1, v4;
	v4 =	vcvt.f32.s32 v12;
	v6 =	vld [tilespmem:s5+$0x6070]  }
0x291: {  	v7 =	vcvt.f32.s32 v7;
	v13 =	vadd.s32 v1, v3;
	v3 =	vcvt.f32.s32 v11;
	v10 =	vld [tilespmem:s5+$0x6000]  }
0x292: {  	v14 =	vadd.s32 v1, v8;
	v5 =	vadd.s32 v1, v5;
	v15 =	vadd.s32 v1, v4;
	v11 =	vld [tilespmem:s5+$0x6010]  }
0x293: {  	v4 =	vadd.s32 v1, v3;
	v3 =	vadd.s32 v1, v7;
	v8 =	vld [tilespmem:s5+$0x6020]  }
0x294: {  	v12 =	vld [tilespmem:s5+$0x6030]  }
0x295: {  	v16 =	vld [tilespmem:s5+$0x6040];
	v6 =	vmul.f32 $1.600000000e+01, v6  }
0x296: {  	v10 =	vmul.f32 $1.600000000e+01, v10;
	v17 =	vld [tilespmem:s5+$0x6050]  }
.Ltmp9:
0x297: {  	v11 =	vmul.f32 $1.600000000e+01, v11;
	v7 =	vld [tilespmem:s5+$0x6060];
	v6 =	vtrunc.f32 v6;
	(pc) =	sbr.rel @p0 .LBB2_20-.Ltmp9, $4  }
0x298: {  	v18 =	vmul.f32 $1.600000000e+01, v8;
	v6 =	vcvt.f32.s32 v6;
	[tilespmem:v9+s29+$0x0] =	vst.idx.add.f32.msk $0xffff, v2  }
0x299: {  	v8 =	vtrunc.f32 v10;
	v12 =	vmul.f32 $1.600000000e+01, v12;
	[tilespmem:v13+s29+$0x0] =	vst.idx.add.f32.msk $0xffff, v2  }
0x29a: {  	v9 =	vtrunc.f32 v11;
	v11 =	vmul.f32 $1.600000000e+01, v16;
	v6 =	vadd.s32 v1, v6;
	[tilespmem:v14+s29+$0x0] =	vst.idx.add.f32.msk $0xffff, v2  }
0x29b: {  	v10 =	vtrunc.f32 v18;
	v13 =	vmul.f32 $1.600000000e+01, v17;
	[tilespmem:v15+s29+$0x0] =	vst.idx.add.f32.msk $0xffff, v2  }
0x29c: {  	_ = 	snop  }
0x29d: {  	v8 =	vcvt.f32.s32 v8  }
0x29e: {  	v12 =	vtrunc.f32 v12;
	v9 =	vcvt.f32.s32 v9  }
0x29f: {  	v7 =	vmul.f32 $1.600000000e+01, v7;
	v10 =	vcvt.f32.s32 v10;
	v8 =	vadd.s32 v1, v8  }
0x2a0: {  	[tilespmem:v5+s29+$0x0] =	vst.idx.add.f32.msk $0xffff, v2;
	v5 =	vtrunc.f32 v11;
	v11 =	vcvt.f32.s32 v12;
	v9 =	vadd.s32 v1, v9  }
0x2a1: {  	[tilespmem:v4+s29+$0x0] =	vst.idx.add.f32.msk $0xffff, v2;
	v12 =	vtrunc.f32 v13;
	v4 =	vcvt.f32.s32 v5;
	v5 =	vadd.s32 v1, v10  }
0x2a2: {  	[tilespmem:v3+s29+$0x0] =	vst.idx.add.f32.msk $0xffff, v2;
	v7 =	vtrunc.f32 v7;
	v3 =	vcvt.f32.s32 v12;
	v10 =	vadd.s32 v1, v11  }
0x2a3: {  	[tilespmem:v6+s29+$0x0] =	vst.idx.add.f32.msk $0xffff, v2;
	v6 =	vcvt.f32.s32 v7;
	v4 =	vadd.s32 v1, v4  }
0x2a4: {  	v3 =	vadd.s32 v1, v3;
	[tilespmem:v8+s29+$0x0] =	vst.idx.add.f32.msk $0xffff, v2  }
0x2a5: {  	v6 =	vadd.s32 v1, v6;
	[tilespmem:v9+s29+$0x0] =	vst.idx.add.f32.msk $0xffff, v2  }
0x2a6: {  	[tilespmem:v5+s29+$0x0] =	vst.idx.add.f32.msk $0xffff, v2  }
0x2a7: {  	[tilespmem:v10+s29+$0x0] =	vst.idx.add.f32.msk $0xffff, v2  }
0x2a8: {  	[tilespmem:v4+s29+$0x0] =	vst.idx.add.f32.msk $0xffff, v2  }
0x2a9: {  	[tilespmem:v3+s29+$0x0] =	vst.idx.add.f32.msk $0xffff, v2  }
0x2aa: {  	s3 =	simm.s32 $0x0;
	s4 =	simm.s32 $0x0;
	[tilespmem:v6+s29+$0x0] =	vst.idx.add.f32.msk $0xffff, v2  }
0x2ab: {  	[tilespmem:s26], [sflag:$0x2] =	stream.linear.gather [hbm4b:s14+s3], $0x6000, $0x38;
	[tilespmem:$0xC880] =	vst v63  }
0x2ac: {  	s4 =	sand.u32 $0x7000, s4;
	s5 =	sand.u32 $0xC00, s3;
	_ =	swait.ge [sflag:s28], $0x6000  }
0x2ad: {  	s4 =	sor.u32 s5, s4;
	s3 =	sand.u32 $0x380, s3;
	[sflag:s28] =	ssyncset.done $0x0  }
0x2ae: {  	s3 =	sor.u32 s3, s4;
	[sflag:s28] =	ssyncadd.s32 $0xFFFFA000  }
0x2af: {  	v3 =	vld [tilespmem:s3+$0x70];
	_ =	sdelay $0x3  }
0x2b0: {  	v4 =	vld [tilespmem:s3+$0x0]  }
0x2b1: {  	v5 =	vld [tilespmem:s3+$0x10];
	v3 =	vmul.f32 $1.600000000e+01, v3  }
0x2b2: {  	v6 =	vld [tilespmem:s3+$0x20]  }
0x2b3: {  	v7 =	vld [tilespmem:s3+$0x30];
	v3 =	vtrunc.f32 v3  }
0x2b4: {  	v8 =	vld [tilespmem:s3+$0x40];
	v3 =	vcvt.f32.s32 v3  }
0x2b5: {  	v9 =	vld [tilespmem:s3+$0x50]  }
0x2b6: {  	s31 =	simm.s32 $0x80;
	v10 =	vld [tilespmem:s3+$0x60];
	s3 =	simm.s32 $0x400;
	v3 =	vadd.s32 v1, v3  }
0x2b7: {  	s5 =	sand.u32 $0x7000, s31;
	s4 =	simm.s32 $0x20;
	s6 =	sand.u32 $0xC00, s3;
	v4 =	vmul.f32 $1.600000000e+01, v4  }
0x2b8: {  	s7 =	sand.u32 $0x380, s4;
	s5 =	sor.u32 s6, s5;
	v5 =	vmul.f32 $1.600000000e+01, v5;
	v6 =	vmul.f32 $1.600000000e+01, v6  }
0x2b9: {  	s5 =	sor.u32 s7, s5;
	v7 =	vmul.f32 $1.600000000e+01, v7;
	v8 =	vmul.f32 $1.600000000e+01, v8  }
0x2ba: {  	v11 =	vld [tilespmem:s5+$0x0];
	v9 =	vmul.f32 $1.600000000e+01, v9;
	v4 =	vtrunc.f32 v4  }
0x2bb: {  	v5 =	vtrunc.f32 v5;
	v6 =	vtrunc.f32 v6;
	[tilespmem:v3+s29+$0x0] =	vst.idx.add.f32.msk $0xffff, v2  }
0x2bc: {  	v3 =	vtrunc.f32 v7;
	v7 =	vmul.f32 $1.600000000e+01, v10;
	v10 =	vld [tilespmem:s5+$0x70]  }
0x2bd: {  	v12 =	vld [tilespmem:s5+$0x10];
	v8 =	vtrunc.f32 v8;
	v4 =	vcvt.f32.s32 v4  }
0x2be: {  	v9 =	vtrunc.f32 v9;
	v5 =	vcvt.f32.s32 v5  }
0x2bf: {  	v13 =	vld [tilespmem:s5+$0x20];
	v6 =	vcvt.f32.s32 v6;
	v8 =	vcvt.f32.s32 v8;
	v4 =	vadd.s32 v1, v4  }
0x2c0: {  	v15 =	vld [tilespmem:s5+$0x30];
	v9 =	vcvt.f32.s32 v9;
	v14 =	vadd.s32 v1, v5;
	v3 =	vcvt.f32.s32 v3  }
0x2c1: {  	v16 =	vld [tilespmem:s5+$0x40];
	v6 =	vadd.s32 v1, v6;
	v7 =	vtrunc.f32 v7;
	v5 =	vmul.f32 $1.600000000e+01, v10  }
0x2c2: {  	v18 =	vld [tilespmem:s5+$0x50];
	v17 =	vadd.s32 v1, v3;
	v3 =	vmul.f32 $1.600000000e+01, v11;
	v11 =	vmul.f32 $1.600000000e+01, v12  }
0x2c3: {  	v10 =	vcvt.f32.s32 v7;
	v7 =	vld [tilespmem:s5+$0x60];
	v12 =	vtrunc.f32 v5;
	v5 =	vadd.s32 v1, v8  }
0x2c4: {  	v13 =	vmul.f32 $1.600000000e+01, v13;
	[tilespmem:v4+s29+$0x0] =	vst.idx.add.f32.msk $0xffff, v2;
	v4 =	vadd.s32 v1, v9;
	v19 =	vcvt.f32.s32 v12  }
0x2c5: {  	[tilespmem:v14+s29+$0x0] =	vst.idx.add.f32.msk $0xffff, v2;
	v9 =	vtrunc.f32 v11;
	v8 =	vtrunc.f32 v3;
	v3 =	vadd.s32 v1, v10  }
0x2c6: {  	[tilespmem:v6+s29+$0x0] =	vst.idx.add.f32.msk $0xffff, v2;
	v11 =	vmul.f32 $1.600000000e+01, v16;
	v12 =	vmul.f32 $1.600000000e+01, v15;
	v6 =	vadd.s32 v1, v19  }
0x2c7: {  	v10 =	vtrunc.f32 v13;
	v13 =	vmul.f32 $1.600000000e+01, v18;
	[tilespmem:v17+s29+$0x0] =	vst.idx.add.f32.msk $0xffff, v2  }
.LBB2_22:
0x2c8: {  	s31 =	sadd.s32 $0x80, s31;
	v12 =	vtrunc.f32 v12;
	v7 =	vmul.f32 $1.600000000e+01, v7;
	s3 =	sadd.s32 $0x400, s3;
	[tilespmem:v5+s29+$0x0] =	vst.idx.add.f32.msk $0xffff, v2  }
0x2c9: {  	v5 =	vtrunc.f32 v11;
	s4 =	sadd.s32 $0x20, s4;
	s5 =	sand.u32 $0x7000, s31;
	s6 =	sand.u32 $0xC00, s3;
	v11 =	vtrunc.f32 v13;
	[tilespmem:v4+s29+$0x0] =	vst.idx.add.f32.msk $0xffff, v2  }
0x2ca: {  	s7 =	sand.u32 $0x380, s4;
	p0 =	slt.u32 s31, $0x5F80;
	v4 =	vcvt.f32.s32 v8;
	s5 =	sor.u32 s6, s5;
	v7 =	vtrunc.f32 v7;
	[tilespmem:v3+s29+$0x0] =	vst.idx.add.f32.msk $0xffff, v2  }
0x2cb: {  	v8 =	vcvt.f32.s32 v10;
	v3 =	vcvt.f32.s32 v9;
	s5 =	sor.u32 s7, s5;
	[tilespmem:v6+s29+$0x0] =	vst.idx.add.f32.msk $0xffff, v2  }
0x2cc: {  	v5 =	vcvt.f32.s32 v5;
	v9 =	vadd.s32 v1, v4;
	v4 =	vcvt.f32.s32 v12;
	v6 =	vld [tilespmem:s5+$0x70]  }
0x2cd: {  	v7 =	vcvt.f32.s32 v7;
	v13 =	vadd.s32 v1, v3;
	v3 =	vcvt.f32.s32 v11;
	v10 =	vld [tilespmem:s5+$0x0]  }
0x2ce: {  	v14 =	vadd.s32 v1, v8;
	v5 =	vadd.s32 v1, v5;
	v15 =	vadd.s32 v1, v4;
	v11 =	vld [tilespmem:s5+$0x10]  }
0x2cf: {  	v4 =	vadd.s32 v1, v3;
	v3 =	vadd.s32 v1, v7;
	v8 =	vld [tilespmem:s5+$0x20]  }
0x2d0: {  	v12 =	vld [tilespmem:s5+$0x30]  }
0x2d1: {  	v16 =	vld [tilespmem:s5+$0x40];
	v6 =	vmul.f32 $1.600000000e+01, v6  }
0x2d2: {  	v10 =	vmul.f32 $1.600000000e+01, v10;
	v17 =	vld [tilespmem:s5+$0x50]  }
.Ltmp10:
0x2d3: {  	v11 =	vmul.f32 $1.600000000e+01, v11;
	v7 =	vld [tilespmem:s5+$0x60];
	v6 =	vtrunc.f32 v6;
	(pc) =	sbr.rel @p0 .LBB2_22-.Ltmp10, $4  }
0x2d4: {  	v18 =	vmul.f32 $1.600000000e+01, v8;
	v6 =	vcvt.f32.s32 v6;
	[tilespmem:v9+s29+$0x0] =	vst.idx.add.f32.msk $0xffff, v2  }
0x2d5: {  	v8 =	vtrunc.f32 v10;
	v12 =	vmul.f32 $1.600000000e+01, v12;
	[tilespmem:v13+s29+$0x0] =	vst.idx.add.f32.msk $0xffff, v2  }
0x2d6: {  	v9 =	vtrunc.f32 v11;
	v11 =	vmul.f32 $1.600000000e+01, v16;
	v6 =	vadd.s32 v1, v6;
	[tilespmem:v14+s29+$0x0] =	vst.idx.add.f32.msk $0xffff, v2  }
0x2d7: {  	v10 =	vtrunc.f32 v18;
	v13 =	vmul.f32 $1.600000000e+01, v17;
	[tilespmem:v15+s29+$0x0] =	vst.idx.add.f32.msk $0xffff, v2  }
0x2d8: {  	_ = 	snop  }
0x2d9: {  	v8 =	vcvt.f32.s32 v8  }
0x2da: {  	v12 =	vtrunc.f32 v12;
	v9 =	vcvt.f32.s32 v9  }
0x2db: {  	v7 =	vmul.f32 $1.600000000e+01, v7;
	v10 =	vcvt.f32.s32 v10;
	v8 =	vadd.s32 v1, v8  }
0x2dc: {  	[tilespmem:v5+s29+$0x0] =	vst.idx.add.f32.msk $0xffff, v2;
	v5 =	vtrunc.f32 v11;
	v11 =	vcvt.f32.s32 v12;
	v9 =	vadd.s32 v1, v9  }
0x2dd: {  	[tilespmem:v4+s29+$0x0] =	vst.idx.add.f32.msk $0xffff, v2;
	v12 =	vtrunc.f32 v13;
	v4 =	vcvt.f32.s32 v5;
	v5 =	vadd.s32 v1, v10  }
0x2de: {  	[tilespmem:v3+s29+$0x0] =	vst.idx.add.f32.msk $0xffff, v2;
	v7 =	vtrunc.f32 v7;
	v3 =	vcvt.f32.s32 v12;
	v10 =	vadd.s32 v1, v11  }
0x2df: {  	[tilespmem:v6+s29+$0x0] =	vst.idx.add.f32.msk $0xffff, v2;
	v6 =	vcvt.f32.s32 v7;
	v4 =	vadd.s32 v1, v4  }
0x2e0: {  	v3 =	vadd.s32 v1, v3;
	[tilespmem:v8+s29+$0x0] =	vst.idx.add.f32.msk $0xffff, v2  }
0x2e1: {  	v6 =	vadd.s32 v1, v6;
	[tilespmem:v9+s29+$0x0] =	vst.idx.add.f32.msk $0xffff, v2  }
0x2e2: {  	[tilespmem:v5+s29+$0x0] =	vst.idx.add.f32.msk $0xffff, v2  }
0x2e3: {  	[tilespmem:v10+s29+$0x0] =	vst.idx.add.f32.msk $0xffff, v2  }
0x2e4: {  	[tilespmem:v4+s29+$0x0] =	vst.idx.add.f32.msk $0xffff, v2  }
0x2e5: {  	[tilespmem:v3+s29+$0x0] =	vst.idx.add.f32.msk $0xffff, v2  }
0x2e6: {  	s3 =	simm.s32 $0x0;
	s4 =	simm.s32 $0x0;
	[tilespmem:v6+s29+$0x0] =	vst.idx.add.f32.msk $0xffff, v2  }
0x2e7: {  	[tilespmem:s3], [sflag:$0x1] =	stream.linear.gather [hbm4b:s15+s3], $0x6000, $0x38;
	[tilespmem:$0xC880] =	vst v63  }
0x2e8: {  	s4 =	sand.u32 $0x7000, s4;
	s5 =	sand.u32 $0xC00, s3;
	_ =	swait.ge [sflag:s30], $0x6000  }
0x2e9: {  	s4 =	sor.u32 s5, s4;
	s3 =	sand.u32 $0x380, s3;
	[sflag:s30] =	ssyncset.done $0x0  }
0x2ea: {  	s3 =	sor.u32 s3, s4;
	[sflag:s30] =	ssyncadd.s32 $0xFFFFA000  }
0x2eb: {  	v3 =	vld [tilespmem:s3+$0x6070];
	_ =	sdelay $0x3  }
0x2ec: {  	v4 =	vld [tilespmem:s3+$0x6000]  }
0x2ed: {  	v5 =	vld [tilespmem:s3+$0x6010];
	v3 =	vmul.f32 $1.600000000e+01, v3  }
0x2ee: {  	v6 =	vld [tilespmem:s3+$0x6020]  }
0x2ef: {  	v7 =	vld [tilespmem:s3+$0x6030];
	v3 =	vtrunc.f32 v3  }
0x2f0: {  	v8 =	vld [tilespmem:s3+$0x6040];
	v3 =	vcvt.f32.s32 v3  }
0x2f1: {  	v9 =	vld [tilespmem:s3+$0x6050]  }
0x2f2: {  	s31 =	simm.s32 $0x80;
	v10 =	vld [tilespmem:s3+$0x6060];
	s3 =	simm.s32 $0x400;
	v3 =	vadd.s32 v1, v3  }
0x2f3: {  	s5 =	sand.u32 $0x7000, s31;
	s4 =	simm.s32 $0x20;
	s6 =	sand.u32 $0xC00, s3;
	v4 =	vmul.f32 $1.600000000e+01, v4  }
0x2f4: {  	s7 =	sand.u32 $0x380, s4;
	s5 =	sor.u32 s6, s5;
	v5 =	vmul.f32 $1.600000000e+01, v5;
	v6 =	vmul.f32 $1.600000000e+01, v6  }
0x2f5: {  	s5 =	sor.u32 s7, s5;
	v7 =	vmul.f32 $1.600000000e+01, v7;
	v8 =	vmul.f32 $1.600000000e+01, v8  }
0x2f6: {  	v11 =	vld [tilespmem:s5+$0x6000];
	v9 =	vmul.f32 $1.600000000e+01, v9;
	v4 =	vtrunc.f32 v4  }
0x2f7: {  	v5 =	vtrunc.f32 v5;
	v6 =	vtrunc.f32 v6;
	[tilespmem:v3+s29+$0x0] =	vst.idx.add.f32.msk $0xffff, v2  }
0x2f8: {  	v3 =	vtrunc.f32 v7;
	v7 =	vmul.f32 $1.600000000e+01, v10;
	v10 =	vld [tilespmem:s5+$0x6070]  }
0x2f9: {  	v12 =	vld [tilespmem:s5+$0x6010];
	v8 =	vtrunc.f32 v8;
	v4 =	vcvt.f32.s32 v4  }
0x2fa: {  	v9 =	vtrunc.f32 v9;
	v5 =	vcvt.f32.s32 v5  }
0x2fb: {  	v13 =	vld [tilespmem:s5+$0x6020];
	v6 =	vcvt.f32.s32 v6;
	v8 =	vcvt.f32.s32 v8;
	v4 =	vadd.s32 v1, v4  }
0x2fc: {  	v15 =	vld [tilespmem:s5+$0x6030];
	v9 =	vcvt.f32.s32 v9;
	v14 =	vadd.s32 v1, v5;
	v3 =	vcvt.f32.s32 v3  }
0x2fd: {  	v16 =	vld [tilespmem:s5+$0x6040];
	v6 =	vadd.s32 v1, v6;
	v7 =	vtrunc.f32 v7;
	v5 =	vmul.f32 $1.600000000e+01, v10  }
0x2fe: {  	v18 =	vld [tilespmem:s5+$0x6050];
	v17 =	vadd.s32 v1, v3;
	v3 =	vmul.f32 $1.600000000e+01, v11;
	v11 =	vmul.f32 $1.600000000e+01, v12  }
0x2ff: {  	v10 =	vcvt.f32.s32 v7;
	v7 =	vld [tilespmem:s5+$0x6060];
	v12 =	vtrunc.f32 v5;
	v5 =	vadd.s32 v1, v8  }
0x300: {  	v13 =	vmul.f32 $1.600000000e+01, v13;
	[tilespmem:v4+s29+$0x0] =	vst.idx.add.f32.msk $0xffff, v2;
	v4 =	vadd.s32 v1, v9;
	v19 =	vcvt.f32.s32 v12  }
0x301: {  	[tilespmem:v14+s29+$0x0] =	vst.idx.add.f32.msk $0xffff, v2;
	v9 =	vtrunc.f32 v11;
	v8 =	vtrunc.f32 v3;
	v3 =	vadd.s32 v1, v10  }
0x302: {  	[tilespmem:v6+s29+$0x0] =	vst.idx.add.f32.msk $0xffff, v2;
	v11 =	vmul.f32 $1.600000000e+01, v16;
	v12 =	vmul.f32 $1.600000000e+01, v15;
	v6 =	vadd.s32 v1, v19  }
0x303: {  	v10 =	vtrunc.f32 v13;
	v13 =	vmul.f32 $1.600000000e+01, v18;
	[tilespmem:v17+s29+$0x0] =	vst.idx.add.f32.msk $0xffff, v2  }
.LBB2_24:
0x304: {  	s31 =	sadd.s32 $0x80, s31;
	v12 =	vtrunc.f32 v12;
	v7 =	vmul.f32 $1.600000000e+01, v7;
	s3 =	sadd.s32 $0x400, s3;
	[tilespmem:v5+s29+$0x0] =	vst.idx.add.f32.msk $0xffff, v2  }
0x305: {  	v5 =	vtrunc.f32 v11;
	s4 =	sadd.s32 $0x20, s4;
	s5 =	sand.u32 $0x7000, s31;
	s6 =	sand.u32 $0xC00, s3;
	v11 =	vtrunc.f32 v13;
	[tilespmem:v4+s29+$0x0] =	vst.idx.add.f32.msk $0xffff, v2  }
0x306: {  	s7 =	sand.u32 $0x380, s4;
	p0 =	slt.u32 s31, $0x5F80;
	v4 =	vcvt.f32.s32 v8;
	s5 =	sor.u32 s6, s5;
	v7 =	vtrunc.f32 v7;
	[tilespmem:v3+s29+$0x0] =	vst.idx.add.f32.msk $0xffff, v2  }
0x307: {  	v8 =	vcvt.f32.s32 v10;
	v3 =	vcvt.f32.s32 v9;
	s5 =	sor.u32 s7, s5;
	[tilespmem:v6+s29+$0x0] =	vst.idx.add.f32.msk $0xffff, v2  }
0x308: {  	v5 =	vcvt.f32.s32 v5;
	v9 =	vadd.s32 v1, v4;
	v4 =	vcvt.f32.s32 v12;
	v6 =	vld [tilespmem:s5+$0x6070]  }
0x309: {  	v7 =	vcvt.f32.s32 v7;
	v13 =	vadd.s32 v1, v3;
	v3 =	vcvt.f32.s32 v11;
	v10 =	vld [tilespmem:s5+$0x6000]  }
0x30a: {  	v14 =	vadd.s32 v1, v8;
	v5 =	vadd.s32 v1, v5;
	v15 =	vadd.s32 v1, v4;
	v11 =	vld [tilespmem:s5+$0x6010]  }
0x30b: {  	v4 =	vadd.s32 v1, v3;
	v3 =	vadd.s32 v1, v7;
	v8 =	vld [tilespmem:s5+$0x6020]  }
0x30c: {  	v12 =	vld [tilespmem:s5+$0x6030]  }
0x30d: {  	v16 =	vld [tilespmem:s5+$0x6040];
	v6 =	vmul.f32 $1.600000000e+01, v6  }
0x30e: {  	v10 =	vmul.f32 $1.600000000e+01, v10;
	v17 =	vld [tilespmem:s5+$0x6050]  }
.Ltmp11:
0x30f: {  	v11 =	vmul.f32 $1.600000000e+01, v11;
	v7 =	vld [tilespmem:s5+$0x6060];
	v6 =	vtrunc.f32 v6;
	(pc) =	sbr.rel @p0 .LBB2_24-.Ltmp11, $4  }
0x310: {  	v18 =	vmul.f32 $1.600000000e+01, v8;
	v6 =	vcvt.f32.s32 v6;
	[tilespmem:v9+s29+$0x0] =	vst.idx.add.f32.msk $0xffff, v2  }
0x311: {  	v8 =	vtrunc.f32 v10;
	v12 =	vmul.f32 $1.600000000e+01, v12;
	[tilespmem:v13+s29+$0x0] =	vst.idx.add.f32.msk $0xffff, v2  }
0x312: {  	v9 =	vtrunc.f32 v11;
	v11 =	vmul.f32 $1.600000000e+01, v16;
	v6 =	vadd.s32 v1, v6;
	[tilespmem:v14+s29+$0x0] =	vst.idx.add.f32.msk $0xffff, v2  }
0x313: {  	v10 =	vtrunc.f32 v18;
	v13 =	vmul.f32 $1.600000000e+01, v17;
	[tilespmem:v15+s29+$0x0] =	vst.idx.add.f32.msk $0xffff, v2  }
0x314: {  	_ = 	snop  }
0x315: {  	v8 =	vcvt.f32.s32 v8  }
0x316: {  	v12 =	vtrunc.f32 v12;
	v9 =	vcvt.f32.s32 v9  }
0x317: {  	v7 =	vmul.f32 $1.600000000e+01, v7;
	v10 =	vcvt.f32.s32 v10;
	v8 =	vadd.s32 v1, v8  }
0x318: {  	[tilespmem:v5+s29+$0x0] =	vst.idx.add.f32.msk $0xffff, v2;
	v5 =	vtrunc.f32 v11;
	v11 =	vcvt.f32.s32 v12;
	v9 =	vadd.s32 v1, v9  }
0x319: {  	[tilespmem:v4+s29+$0x0] =	vst.idx.add.f32.msk $0xffff, v2;
	v12 =	vtrunc.f32 v13;
	v4 =	vcvt.f32.s32 v5;
	v5 =	vadd.s32 v1, v10  }
0x31a: {  	[tilespmem:v3+s29+$0x0] =	vst.idx.add.f32.msk $0xffff, v2;
	v7 =	vtrunc.f32 v7;
	v3 =	vcvt.f32.s32 v12;
	v10 =	vadd.s32 v1, v11  }
0x31b: {  	[tilespmem:v6+s29+$0x0] =	vst.idx.add.f32.msk $0xffff, v2;
	v6 =	vcvt.f32.s32 v7;
	v4 =	vadd.s32 v1, v4  }
0x31c: {  	v3 =	vadd.s32 v1, v3;
	[tilespmem:v8+s29+$0x0] =	vst.idx.add.f32.msk $0xffff, v2  }
0x31d: {  	v6 =	vadd.s32 v1, v6;
	[tilespmem:v9+s29+$0x0] =	vst.idx.add.f32.msk $0xffff, v2  }
0x31e: {  	[tilespmem:v5+s29+$0x0] =	vst.idx.add.f32.msk $0xffff, v2  }
0x31f: {  	[tilespmem:v10+s29+$0x0] =	vst.idx.add.f32.msk $0xffff, v2  }
0x320: {  	[tilespmem:v4+s29+$0x0] =	vst.idx.add.f32.msk $0xffff, v2  }
0x321: {  	[tilespmem:v3+s29+$0x0] =	vst.idx.add.f32.msk $0xffff, v2  }
0x322: {  	s3 =	simm.s32 $0x0;
	s4 =	simm.s32 $0x0;
	[tilespmem:v6+s29+$0x0] =	vst.idx.add.f32.msk $0xffff, v2  }
0x323: {  	[tilespmem:s26], [sflag:$0x2] =	stream.linear.gather [hbm4b:s16+s3], $0x6000, $0x38;
	[tilespmem:$0xC880] =	vst v63  }
0x324: {  	s4 =	sand.u32 $0x7000, s4;
	s5 =	sand.u32 $0xC00, s3;
	_ =	swait.ge [sflag:s28], $0x6000  }
0x325: {  	s4 =	sor.u32 s5, s4;
	s3 =	sand.u32 $0x380, s3;
	[sflag:s28] =	ssyncset.done $0x0  }
0x326: {  	s3 =	sor.u32 s3, s4;
	[sflag:s28] =	ssyncadd.s32 $0xFFFFA000  }
0x327: {  	v3 =	vld [tilespmem:s3+$0x70];
	_ =	sdelay $0x3  }
0x328: {  	v4 =	vld [tilespmem:s3+$0x0]  }
0x329: {  	v5 =	vld [tilespmem:s3+$0x10];
	v3 =	vmul.f32 $1.600000000e+01, v3  }
0x32a: {  	v6 =	vld [tilespmem:s3+$0x20]  }
0x32b: {  	v7 =	vld [tilespmem:s3+$0x30];
	v3 =	vtrunc.f32 v3  }
0x32c: {  	v8 =	vld [tilespmem:s3+$0x40];
	v3 =	vcvt.f32.s32 v3  }
0x32d: {  	v9 =	vld [tilespmem:s3+$0x50]  }
0x32e: {  	s31 =	simm.s32 $0x80;
	v10 =	vld [tilespmem:s3+$0x60];
	s3 =	simm.s32 $0x400;
	v3 =	vadd.s32 v1, v3  }
0x32f: {  	s5 =	sand.u32 $0x7000, s31;
	s4 =	simm.s32 $0x20;
	s6 =	sand.u32 $0xC00, s3;
	v4 =	vmul.f32 $1.600000000e+01, v4  }
0x330: {  	s7 =	sand.u32 $0x380, s4;
	s5 =	sor.u32 s6, s5;
	v5 =	vmul.f32 $1.600000000e+01, v5;
	v6 =	vmul.f32 $1.600000000e+01, v6  }
0x331: {  	s5 =	sor.u32 s7, s5;
	v7 =	vmul.f32 $1.600000000e+01, v7;
	v8 =	vmul.f32 $1.600000000e+01, v8  }
0x332: {  	v11 =	vld [tilespmem:s5+$0x0];
	v9 =	vmul.f32 $1.600000000e+01, v9;
	v4 =	vtrunc.f32 v4  }
0x333: {  	v5 =	vtrunc.f32 v5;
	v6 =	vtrunc.f32 v6;
	[tilespmem:v3+s29+$0x0] =	vst.idx.add.f32.msk $0xffff, v2  }
0x334: {  	v3 =	vtrunc.f32 v7;
	v7 =	vmul.f32 $1.600000000e+01, v10;
	v10 =	vld [tilespmem:s5+$0x70]  }
0x335: {  	v12 =	vld [tilespmem:s5+$0x10];
	v8 =	vtrunc.f32 v8;
	v4 =	vcvt.f32.s32 v4  }
0x336: {  	v9 =	vtrunc.f32 v9;
	v5 =	vcvt.f32.s32 v5  }
0x337: {  	v13 =	vld [tilespmem:s5+$0x20];
	v6 =	vcvt.f32.s32 v6;
	v8 =	vcvt.f32.s32 v8;
	v4 =	vadd.s32 v1, v4  }
0x338: {  	v15 =	vld [tilespmem:s5+$0x30];
	v9 =	vcvt.f32.s32 v9;
	v14 =	vadd.s32 v1, v5;
	v3 =	vcvt.f32.s32 v3  }
0x339: {  	v16 =	vld [tilespmem:s5+$0x40];
	v6 =	vadd.s32 v1, v6;
	v7 =	vtrunc.f32 v7;
	v5 =	vmul.f32 $1.600000000e+01, v10  }
0x33a: {  	v18 =	vld [tilespmem:s5+$0x50];
	v17 =	vadd.s32 v1, v3;
	v3 =	vmul.f32 $1.600000000e+01, v11;
	v11 =	vmul.f32 $1.600000000e+01, v12  }
0x33b: {  	v10 =	vcvt.f32.s32 v7;
	v7 =	vld [tilespmem:s5+$0x60];
	v12 =	vtrunc.f32 v5;
	v5 =	vadd.s32 v1, v8  }
0x33c: {  	v13 =	vmul.f32 $1.600000000e+01, v13;
	[tilespmem:v4+s29+$0x0] =	vst.idx.add.f32.msk $0xffff, v2;
	v4 =	vadd.s32 v1, v9;
	v19 =	vcvt.f32.s32 v12  }
0x33d: {  	[tilespmem:v14+s29+$0x0] =	vst.idx.add.f32.msk $0xffff, v2;
	v9 =	vtrunc.f32 v11;
	v8 =	vtrunc.f32 v3;
	v3 =	vadd.s32 v1, v10  }
0x33e: {  	[tilespmem:v6+s29+$0x0] =	vst.idx.add.f32.msk $0xffff, v2;
	v11 =	vmul.f32 $1.600000000e+01, v16;
	v12 =	vmul.f32 $1.600000000e+01, v15;
	v6 =	vadd.s32 v1, v19  }
0x33f: {  	v10 =	vtrunc.f32 v13;
	v13 =	vmul.f32 $1.600000000e+01, v18;
	[tilespmem:v17+s29+$0x0] =	vst.idx.add.f32.msk $0xffff, v2  }
.LBB2_26:
0x340: {  	s31 =	sadd.s32 $0x80, s31;
	v12 =	vtrunc.f32 v12;
	v7 =	vmul.f32 $1.600000000e+01, v7;
	s3 =	sadd.s32 $0x400, s3;
	[tilespmem:v5+s29+$0x0] =	vst.idx.add.f32.msk $0xffff, v2  }
0x341: {  	v5 =	vtrunc.f32 v11;
	s4 =	sadd.s32 $0x20, s4;
	s5 =	sand.u32 $0x7000, s31;
	s6 =	sand.u32 $0xC00, s3;
	v11 =	vtrunc.f32 v13;
	[tilespmem:v4+s29+$0x0] =	vst.idx.add.f32.msk $0xffff, v2  }
0x342: {  	s7 =	sand.u32 $0x380, s4;
	p0 =	slt.u32 s31, $0x5F80;
	v4 =	vcvt.f32.s32 v8;
	s5 =	sor.u32 s6, s5;
	v7 =	vtrunc.f32 v7;
	[tilespmem:v3+s29+$0x0] =	vst.idx.add.f32.msk $0xffff, v2  }
0x343: {  	v8 =	vcvt.f32.s32 v10;
	v3 =	vcvt.f32.s32 v9;
	s5 =	sor.u32 s7, s5;
	[tilespmem:v6+s29+$0x0] =	vst.idx.add.f32.msk $0xffff, v2  }
0x344: {  	v5 =	vcvt.f32.s32 v5;
	v9 =	vadd.s32 v1, v4;
	v4 =	vcvt.f32.s32 v12;
	v6 =	vld [tilespmem:s5+$0x70]  }
0x345: {  	v7 =	vcvt.f32.s32 v7;
	v13 =	vadd.s32 v1, v3;
	v3 =	vcvt.f32.s32 v11;
	v10 =	vld [tilespmem:s5+$0x0]  }
0x346: {  	v14 =	vadd.s32 v1, v8;
	v5 =	vadd.s32 v1, v5;
	v15 =	vadd.s32 v1, v4;
	v11 =	vld [tilespmem:s5+$0x10]  }
0x347: {  	v4 =	vadd.s32 v1, v3;
	v3 =	vadd.s32 v1, v7;
	v8 =	vld [tilespmem:s5+$0x20]  }
0x348: {  	v12 =	vld [tilespmem:s5+$0x30]  }
0x349: {  	v16 =	vld [tilespmem:s5+$0x40];
	v6 =	vmul.f32 $1.600000000e+01, v6  }
0x34a: {  	v10 =	vmul.f32 $1.600000000e+01, v10;
	v17 =	vld [tilespmem:s5+$0x50]  }
.Ltmp12:
0x34b: {  	v11 =	vmul.f32 $1.600000000e+01, v11;
	v7 =	vld [tilespmem:s5+$0x60];
	v6 =	vtrunc.f32 v6;
	(pc) =	sbr.rel @p0 .LBB2_26-.Ltmp12, $4  }
0x34c: {  	v18 =	vmul.f32 $1.600000000e+01, v8;
	v6 =	vcvt.f32.s32 v6;
	[tilespmem:v9+s29+$0x0] =	vst.idx.add.f32.msk $0xffff, v2  }
0x34d: {  	v8 =	vtrunc.f32 v10;
	v12 =	vmul.f32 $1.600000000e+01, v12;
	[tilespmem:v13+s29+$0x0] =	vst.idx.add.f32.msk $0xffff, v2  }
0x34e: {  	v9 =	vtrunc.f32 v11;
	v11 =	vmul.f32 $1.600000000e+01, v16;
	v6 =	vadd.s32 v1, v6;
	[tilespmem:v14+s29+$0x0] =	vst.idx.add.f32.msk $0xffff, v2  }
0x34f: {  	v10 =	vtrunc.f32 v18;
	v13 =	vmul.f32 $1.600000000e+01, v17;
	[tilespmem:v15+s29+$0x0] =	vst.idx.add.f32.msk $0xffff, v2  }
0x350: {  	_ = 	snop  }
0x351: {  	v8 =	vcvt.f32.s32 v8  }
0x352: {  	v12 =	vtrunc.f32 v12;
	v9 =	vcvt.f32.s32 v9  }
0x353: {  	v7 =	vmul.f32 $1.600000000e+01, v7;
	v10 =	vcvt.f32.s32 v10;
	v8 =	vadd.s32 v1, v8  }
0x354: {  	[tilespmem:v5+s29+$0x0] =	vst.idx.add.f32.msk $0xffff, v2;
	v5 =	vtrunc.f32 v11;
	v11 =	vcvt.f32.s32 v12;
	v9 =	vadd.s32 v1, v9  }
0x355: {  	[tilespmem:v4+s29+$0x0] =	vst.idx.add.f32.msk $0xffff, v2;
	v12 =	vtrunc.f32 v13;
	v4 =	vcvt.f32.s32 v5;
	v5 =	vadd.s32 v1, v10  }
0x356: {  	[tilespmem:v3+s29+$0x0] =	vst.idx.add.f32.msk $0xffff, v2;
	v7 =	vtrunc.f32 v7;
	v3 =	vcvt.f32.s32 v12;
	v10 =	vadd.s32 v1, v11  }
0x357: {  	[tilespmem:v6+s29+$0x0] =	vst.idx.add.f32.msk $0xffff, v2;
	v6 =	vcvt.f32.s32 v7;
	v4 =	vadd.s32 v1, v4  }
0x358: {  	v3 =	vadd.s32 v1, v3;
	[tilespmem:v8+s29+$0x0] =	vst.idx.add.f32.msk $0xffff, v2  }
0x359: {  	v6 =	vadd.s32 v1, v6;
	[tilespmem:v9+s29+$0x0] =	vst.idx.add.f32.msk $0xffff, v2  }
0x35a: {  	[tilespmem:v5+s29+$0x0] =	vst.idx.add.f32.msk $0xffff, v2  }
0x35b: {  	[tilespmem:v10+s29+$0x0] =	vst.idx.add.f32.msk $0xffff, v2  }
0x35c: {  	[tilespmem:v4+s29+$0x0] =	vst.idx.add.f32.msk $0xffff, v2  }
0x35d: {  	[tilespmem:v3+s29+$0x0] =	vst.idx.add.f32.msk $0xffff, v2  }
0x35e: {  	s3 =	simm.s32 $0x0;
	s4 =	simm.s32 $0x0;
	[tilespmem:v6+s29+$0x0] =	vst.idx.add.f32.msk $0xffff, v2  }
0x35f: {  	[tilespmem:s3], [sflag:$0x1] =	stream.linear.gather [hbm4b:s17+s3], $0x6000, $0x38;
	[tilespmem:$0xC880] =	vst v63  }
0x360: {  	s4 =	sand.u32 $0x7000, s4;
	s5 =	sand.u32 $0xC00, s3;
	_ =	swait.ge [sflag:s30], $0x6000  }
0x361: {  	s4 =	sor.u32 s5, s4;
	s3 =	sand.u32 $0x380, s3;
	[sflag:s30] =	ssyncset.done $0x0  }
0x362: {  	s3 =	sor.u32 s3, s4;
	[sflag:s30] =	ssyncadd.s32 $0xFFFFA000  }
0x363: {  	v3 =	vld [tilespmem:s3+$0x6070];
	_ =	sdelay $0x3  }
0x364: {  	v4 =	vld [tilespmem:s3+$0x6000]  }
0x365: {  	v5 =	vld [tilespmem:s3+$0x6010];
	v3 =	vmul.f32 $1.600000000e+01, v3  }
0x366: {  	v6 =	vld [tilespmem:s3+$0x6020]  }
0x367: {  	v7 =	vld [tilespmem:s3+$0x6030];
	v3 =	vtrunc.f32 v3  }
0x368: {  	v8 =	vld [tilespmem:s3+$0x6040];
	v3 =	vcvt.f32.s32 v3  }
0x369: {  	v9 =	vld [tilespmem:s3+$0x6050]  }
0x36a: {  	s31 =	simm.s32 $0x80;
	v10 =	vld [tilespmem:s3+$0x6060];
	s3 =	simm.s32 $0x400;
	v3 =	vadd.s32 v1, v3  }
0x36b: {  	s5 =	sand.u32 $0x7000, s31;
	s4 =	simm.s32 $0x20;
	s6 =	sand.u32 $0xC00, s3;
	v4 =	vmul.f32 $1.600000000e+01, v4  }
0x36c: {  	s7 =	sand.u32 $0x380, s4;
	s5 =	sor.u32 s6, s5;
	v5 =	vmul.f32 $1.600000000e+01, v5;
	v6 =	vmul.f32 $1.600000000e+01, v6  }
0x36d: {  	s5 =	sor.u32 s7, s5;
	v7 =	vmul.f32 $1.600000000e+01, v7;
	v8 =	vmul.f32 $1.600000000e+01, v8  }
0x36e: {  	v11 =	vld [tilespmem:s5+$0x6000];
	v9 =	vmul.f32 $1.600000000e+01, v9;
	v4 =	vtrunc.f32 v4  }
0x36f: {  	v5 =	vtrunc.f32 v5;
	v6 =	vtrunc.f32 v6;
	[tilespmem:v3+s29+$0x0] =	vst.idx.add.f32.msk $0xffff, v2  }
0x370: {  	v3 =	vtrunc.f32 v7;
	v7 =	vmul.f32 $1.600000000e+01, v10;
	v10 =	vld [tilespmem:s5+$0x6070]  }
0x371: {  	v12 =	vld [tilespmem:s5+$0x6010];
	v8 =	vtrunc.f32 v8;
	v4 =	vcvt.f32.s32 v4  }
0x372: {  	v9 =	vtrunc.f32 v9;
	v5 =	vcvt.f32.s32 v5  }
0x373: {  	v13 =	vld [tilespmem:s5+$0x6020];
	v6 =	vcvt.f32.s32 v6;
	v8 =	vcvt.f32.s32 v8;
	v4 =	vadd.s32 v1, v4  }
0x374: {  	v15 =	vld [tilespmem:s5+$0x6030];
	v9 =	vcvt.f32.s32 v9;
	v14 =	vadd.s32 v1, v5;
	v3 =	vcvt.f32.s32 v3  }
0x375: {  	v16 =	vld [tilespmem:s5+$0x6040];
	v6 =	vadd.s32 v1, v6;
	v7 =	vtrunc.f32 v7;
	v5 =	vmul.f32 $1.600000000e+01, v10  }
0x376: {  	v18 =	vld [tilespmem:s5+$0x6050];
	v17 =	vadd.s32 v1, v3;
	v3 =	vmul.f32 $1.600000000e+01, v11;
	v11 =	vmul.f32 $1.600000000e+01, v12  }
0x377: {  	v10 =	vcvt.f32.s32 v7;
	v7 =	vld [tilespmem:s5+$0x6060];
	v12 =	vtrunc.f32 v5;
	v5 =	vadd.s32 v1, v8  }
0x378: {  	v13 =	vmul.f32 $1.600000000e+01, v13;
	[tilespmem:v4+s29+$0x0] =	vst.idx.add.f32.msk $0xffff, v2;
	v4 =	vadd.s32 v1, v9;
	v19 =	vcvt.f32.s32 v12  }
0x379: {  	[tilespmem:v14+s29+$0x0] =	vst.idx.add.f32.msk $0xffff, v2;
	v9 =	vtrunc.f32 v11;
	v8 =	vtrunc.f32 v3;
	v3 =	vadd.s32 v1, v10  }
0x37a: {  	[tilespmem:v6+s29+$0x0] =	vst.idx.add.f32.msk $0xffff, v2;
	v11 =	vmul.f32 $1.600000000e+01, v16;
	v12 =	vmul.f32 $1.600000000e+01, v15;
	v6 =	vadd.s32 v1, v19  }
0x37b: {  	v10 =	vtrunc.f32 v13;
	v13 =	vmul.f32 $1.600000000e+01, v18;
	[tilespmem:v17+s29+$0x0] =	vst.idx.add.f32.msk $0xffff, v2  }
.LBB2_28:
0x37c: {  	s31 =	sadd.s32 $0x80, s31;
	v12 =	vtrunc.f32 v12;
	v7 =	vmul.f32 $1.600000000e+01, v7;
	s3 =	sadd.s32 $0x400, s3;
	[tilespmem:v5+s29+$0x0] =	vst.idx.add.f32.msk $0xffff, v2  }
0x37d: {  	v5 =	vtrunc.f32 v11;
	s4 =	sadd.s32 $0x20, s4;
	s5 =	sand.u32 $0x7000, s31;
	s6 =	sand.u32 $0xC00, s3;
	v11 =	vtrunc.f32 v13;
	[tilespmem:v4+s29+$0x0] =	vst.idx.add.f32.msk $0xffff, v2  }
0x37e: {  	s7 =	sand.u32 $0x380, s4;
	p0 =	slt.u32 s31, $0x5F80;
	v4 =	vcvt.f32.s32 v8;
	s5 =	sor.u32 s6, s5;
	v7 =	vtrunc.f32 v7;
	[tilespmem:v3+s29+$0x0] =	vst.idx.add.f32.msk $0xffff, v2  }
0x37f: {  	v8 =	vcvt.f32.s32 v10;
	v3 =	vcvt.f32.s32 v9;
	s5 =	sor.u32 s7, s5;
	[tilespmem:v6+s29+$0x0] =	vst.idx.add.f32.msk $0xffff, v2  }
0x380: {  	v5 =	vcvt.f32.s32 v5;
	v9 =	vadd.s32 v1, v4;
	v4 =	vcvt.f32.s32 v12;
	v6 =	vld [tilespmem:s5+$0x6070]  }
0x381: {  	v7 =	vcvt.f32.s32 v7;
	v13 =	vadd.s32 v1, v3;
	v3 =	vcvt.f32.s32 v11;
	v10 =	vld [tilespmem:s5+$0x6000]  }
0x382: {  	v14 =	vadd.s32 v1, v8;
	v5 =	vadd.s32 v1, v5;
	v15 =	vadd.s32 v1, v4;
	v11 =	vld [tilespmem:s5+$0x6010]  }
0x383: {  	v4 =	vadd.s32 v1, v3;
	v3 =	vadd.s32 v1, v7;
	v8 =	vld [tilespmem:s5+$0x6020]  }
0x384: {  	v12 =	vld [tilespmem:s5+$0x6030]  }
0x385: {  	v16 =	vld [tilespmem:s5+$0x6040];
	v6 =	vmul.f32 $1.600000000e+01, v6  }
0x386: {  	v10 =	vmul.f32 $1.600000000e+01, v10;
	v17 =	vld [tilespmem:s5+$0x6050]  }
.Ltmp13:
0x387: {  	v11 =	vmul.f32 $1.600000000e+01, v11;
	v7 =	vld [tilespmem:s5+$0x6060];
	v6 =	vtrunc.f32 v6;
	(pc) =	sbr.rel @p0 .LBB2_28-.Ltmp13, $4  }
0x388: {  	v18 =	vmul.f32 $1.600000000e+01, v8;
	v6 =	vcvt.f32.s32 v6;
	[tilespmem:v9+s29+$0x0] =	vst.idx.add.f32.msk $0xffff, v2  }
0x389: {  	v8 =	vtrunc.f32 v10;
	v12 =	vmul.f32 $1.600000000e+01, v12;
	[tilespmem:v13+s29+$0x0] =	vst.idx.add.f32.msk $0xffff, v2  }
0x38a: {  	v9 =	vtrunc.f32 v11;
	v11 =	vmul.f32 $1.600000000e+01, v16;
	v6 =	vadd.s32 v1, v6;
	[tilespmem:v14+s29+$0x0] =	vst.idx.add.f32.msk $0xffff, v2  }
0x38b: {  	v10 =	vtrunc.f32 v18;
	v13 =	vmul.f32 $1.600000000e+01, v17;
	[tilespmem:v15+s29+$0x0] =	vst.idx.add.f32.msk $0xffff, v2  }
0x38c: {  	_ = 	snop  }
0x38d: {  	v8 =	vcvt.f32.s32 v8  }
0x38e: {  	v12 =	vtrunc.f32 v12;
	v9 =	vcvt.f32.s32 v9  }
0x38f: {  	v7 =	vmul.f32 $1.600000000e+01, v7;
	v10 =	vcvt.f32.s32 v10;
	v8 =	vadd.s32 v1, v8  }
0x390: {  	[tilespmem:v5+s29+$0x0] =	vst.idx.add.f32.msk $0xffff, v2;
	v5 =	vtrunc.f32 v11;
	v11 =	vcvt.f32.s32 v12;
	v9 =	vadd.s32 v1, v9  }
0x391: {  	[tilespmem:v4+s29+$0x0] =	vst.idx.add.f32.msk $0xffff, v2;
	v12 =	vtrunc.f32 v13;
	v4 =	vcvt.f32.s32 v5;
	v5 =	vadd.s32 v1, v10  }
0x392: {  	[tilespmem:v3+s29+$0x0] =	vst.idx.add.f32.msk $0xffff, v2;
	v7 =	vtrunc.f32 v7;
	v3 =	vcvt.f32.s32 v12;
	v10 =	vadd.s32 v1, v11  }
0x393: {  	[tilespmem:v6+s29+$0x0] =	vst.idx.add.f32.msk $0xffff, v2;
	v6 =	vcvt.f32.s32 v7;
	v4 =	vadd.s32 v1, v4  }
0x394: {  	v3 =	vadd.s32 v1, v3;
	[tilespmem:v8+s29+$0x0] =	vst.idx.add.f32.msk $0xffff, v2  }
0x395: {  	v6 =	vadd.s32 v1, v6;
	[tilespmem:v9+s29+$0x0] =	vst.idx.add.f32.msk $0xffff, v2  }
0x396: {  	[tilespmem:v5+s29+$0x0] =	vst.idx.add.f32.msk $0xffff, v2  }
0x397: {  	[tilespmem:v10+s29+$0x0] =	vst.idx.add.f32.msk $0xffff, v2  }
0x398: {  	[tilespmem:v4+s29+$0x0] =	vst.idx.add.f32.msk $0xffff, v2  }
0x399: {  	[tilespmem:v3+s29+$0x0] =	vst.idx.add.f32.msk $0xffff, v2  }
0x39a: {  	[tilespmem:v6+s29+$0x0] =	vst.idx.add.f32.msk $0xffff, v2  }
0x39b: {  	v3 =	vld [tilespmem:$0xC000]  }
0x39c: {  	v4 =	vld [tilespmem:$0xC080];
	_ =	sdelay $0x1  }
0x39d: {  	v5 =	vld [tilespmem:$0xC100];
	_ =	sdelay $0x1  }
0x39e: {  	v6 =	vld [tilespmem:$0xC180]  }
0x39f: {  	v3 =	vadd.f32 v4, v3  }
0x3a0: {  	v4 =	vld [tilespmem:$0xC200]  }
0x3a1: {  	v3 =	vadd.f32 v5, v3  }
0x3a2: {  	v5 =	vld [tilespmem:$0xC280]  }
0x3a3: {  	v3 =	vadd.f32 v6, v3  }
0x3a4: {  	v6 =	vld [tilespmem:$0xC300]  }
0x3a5: {  	v3 =	vadd.f32 v4, v3  }
0x3a6: {  	v4 =	vld [tilespmem:$0xC380]  }
0x3a7: {  	v3 =	vadd.f32 v5, v3  }
0x3a8: {  	v5 =	vld [tilespmem:$0xC400]  }
0x3a9: {  	v3 =	vadd.f32 v6, v3  }
0x3aa: {  	v6 =	vld [tilespmem:$0xC480]  }
0x3ab: {  	v3 =	vadd.f32 v4, v3  }
0x3ac: {  	v4 =	vld [tilespmem:$0xC500]  }
0x3ad: {  	[tilespmem:$0xC000] =	vst v0;
	v3 =	vadd.f32 v5, v3  }
0x3ae: {  	[tilespmem:$0xC080] =	vst v0;
	v5 =	vld [tilespmem:$0xC580]  }
0x3af: {  	[tilespmem:$0xC100] =	vst v0;
	v3 =	vadd.f32 v6, v3  }
0x3b0: {  	[tilespmem:$0xC180] =	vst v0;
	v6 =	vld [tilespmem:$0xC600]  }
0x3b1: {  	[tilespmem:$0xC200] =	vst v0;
	v3 =	vadd.f32 v4, v3  }
0x3b2: {  	[tilespmem:$0xC280] =	vst v0;
	v4 =	vld [tilespmem:$0xC680]  }
0x3b3: {  	[tilespmem:$0xC300] =	vst v0;
	v3 =	vadd.f32 v5, v3  }
0x3b4: {  	[tilespmem:$0xC380] =	vst v0;
	v5 =	vld [tilespmem:$0xC700]  }
0x3b5: {  	[tilespmem:$0xC400] =	vst v0;
	v3 =	vadd.f32 v6, v3  }
0x3b6: {  	[tilespmem:$0xC480] =	vst v0;
	v6 =	vld [tilespmem:$0xC780]  }
0x3b7: {  	[tilespmem:$0xC500] =	vst v0;
	v3 =	vadd.f32 v4, v3  }
0x3b8: {  	[tilespmem:$0xC580] =	vst v0  }
0x3b9: {  	[tilespmem:$0xC600] =	vst v0;
	v3 =	vadd.f32 v5, v3  }
0x3ba: {  	[tilespmem:$0xC680] =	vst v0  }
0x3bb: {  	[tilespmem:$0xC700] =	vst v0;
	v3 =	vadd.f32 v6, v3  }
0x3bc: {  	[tilespmem:$0xC780] =	vst v0  }
0x3bd: {  	s3 =	simm.s32 $0x0;
	s4 =	simm.s32 $0x0;
	[tilespmem:$0xC810] =	vst v3  }
0x3be: {  	[tilespmem:s26], [sflag:$0x2] =	stream.linear.gather [hbm4b:s18+s3], $0x6000, $0x38;
	[tilespmem:$0xC880] =	vst v63  }
0x3bf: {  	s4 =	sand.u32 $0x7000, s4;
	s5 =	sand.u32 $0xC00, s3;
	_ =	swait.ge [sflag:s28], $0x6000  }
0x3c0: {  	s4 =	sor.u32 s5, s4;
	s3 =	sand.u32 $0x380, s3;
	[sflag:s28] =	ssyncset.done $0x0  }
0x3c1: {  	s3 =	sor.u32 s3, s4;
	[sflag:s28] =	ssyncadd.s32 $0xFFFFA000  }
0x3c2: {  	v3 =	vld [tilespmem:s3+$0x70];
	_ =	sdelay $0x3  }
0x3c3: {  	v4 =	vld [tilespmem:s3+$0x0]  }
0x3c4: {  	v5 =	vld [tilespmem:s3+$0x10];
	v3 =	vmul.f32 $1.600000000e+01, v3  }
0x3c5: {  	v6 =	vld [tilespmem:s3+$0x20]  }
0x3c6: {  	v7 =	vld [tilespmem:s3+$0x30];
	v3 =	vtrunc.f32 v3  }
0x3c7: {  	v8 =	vld [tilespmem:s3+$0x40];
	v3 =	vcvt.f32.s32 v3  }
0x3c8: {  	v9 =	vld [tilespmem:s3+$0x50]  }
0x3c9: {  	s31 =	simm.s32 $0x80;
	v10 =	vld [tilespmem:s3+$0x60];
	s3 =	simm.s32 $0x400;
	v3 =	vadd.s32 v1, v3  }
0x3ca: {  	s5 =	sand.u32 $0x7000, s31;
	s4 =	simm.s32 $0x20;
	s6 =	sand.u32 $0xC00, s3;
	v4 =	vmul.f32 $1.600000000e+01, v4  }
0x3cb: {  	s7 =	sand.u32 $0x380, s4;
	s5 =	sor.u32 s6, s5;
	v5 =	vmul.f32 $1.600000000e+01, v5;
	v6 =	vmul.f32 $1.600000000e+01, v6  }
0x3cc: {  	s5 =	sor.u32 s7, s5;
	v7 =	vmul.f32 $1.600000000e+01, v7;
	v8 =	vmul.f32 $1.600000000e+01, v8  }
0x3cd: {  	v11 =	vld [tilespmem:s5+$0x0];
	v9 =	vmul.f32 $1.600000000e+01, v9;
	v4 =	vtrunc.f32 v4  }
0x3ce: {  	v5 =	vtrunc.f32 v5;
	v6 =	vtrunc.f32 v6;
	[tilespmem:v3+s29+$0x0] =	vst.idx.add.f32.msk $0xffff, v2  }
0x3cf: {  	v3 =	vtrunc.f32 v7;
	v7 =	vmul.f32 $1.600000000e+01, v10;
	v10 =	vld [tilespmem:s5+$0x70]  }
0x3d0: {  	v12 =	vld [tilespmem:s5+$0x10];
	v8 =	vtrunc.f32 v8;
	v4 =	vcvt.f32.s32 v4  }
0x3d1: {  	v9 =	vtrunc.f32 v9;
	v5 =	vcvt.f32.s32 v5  }
0x3d2: {  	v13 =	vld [tilespmem:s5+$0x20];
	v6 =	vcvt.f32.s32 v6;
	v8 =	vcvt.f32.s32 v8;
	v4 =	vadd.s32 v1, v4  }
0x3d3: {  	v15 =	vld [tilespmem:s5+$0x30];
	v9 =	vcvt.f32.s32 v9;
	v14 =	vadd.s32 v1, v5;
	v3 =	vcvt.f32.s32 v3  }
0x3d4: {  	v16 =	vld [tilespmem:s5+$0x40];
	v6 =	vadd.s32 v1, v6;
	v7 =	vtrunc.f32 v7;
	v5 =	vmul.f32 $1.600000000e+01, v10  }
0x3d5: {  	v18 =	vld [tilespmem:s5+$0x50];
	v17 =	vadd.s32 v1, v3;
	v3 =	vmul.f32 $1.600000000e+01, v11;
	v11 =	vmul.f32 $1.600000000e+01, v12  }
0x3d6: {  	v10 =	vcvt.f32.s32 v7;
	v7 =	vld [tilespmem:s5+$0x60];
	v12 =	vtrunc.f32 v5;
	v5 =	vadd.s32 v1, v8  }
0x3d7: {  	v13 =	vmul.f32 $1.600000000e+01, v13;
	[tilespmem:v4+s29+$0x0] =	vst.idx.add.f32.msk $0xffff, v2;
	v4 =	vadd.s32 v1, v9;
	v19 =	vcvt.f32.s32 v12  }
0x3d8: {  	[tilespmem:v14+s29+$0x0] =	vst.idx.add.f32.msk $0xffff, v2;
	v9 =	vtrunc.f32 v11;
	v8 =	vtrunc.f32 v3;
	v3 =	vadd.s32 v1, v10  }
0x3d9: {  	[tilespmem:v6+s29+$0x0] =	vst.idx.add.f32.msk $0xffff, v2;
	v11 =	vmul.f32 $1.600000000e+01, v16;
	v12 =	vmul.f32 $1.600000000e+01, v15;
	v6 =	vadd.s32 v1, v19  }
0x3da: {  	v10 =	vtrunc.f32 v13;
	v13 =	vmul.f32 $1.600000000e+01, v18;
	[tilespmem:v17+s29+$0x0] =	vst.idx.add.f32.msk $0xffff, v2  }
.LBB2_30:
0x3db: {  	s31 =	sadd.s32 $0x80, s31;
	v12 =	vtrunc.f32 v12;
	v7 =	vmul.f32 $1.600000000e+01, v7;
	s3 =	sadd.s32 $0x400, s3;
	[tilespmem:v5+s29+$0x0] =	vst.idx.add.f32.msk $0xffff, v2  }
0x3dc: {  	v5 =	vtrunc.f32 v11;
	s4 =	sadd.s32 $0x20, s4;
	s5 =	sand.u32 $0x7000, s31;
	s6 =	sand.u32 $0xC00, s3;
	v11 =	vtrunc.f32 v13;
	[tilespmem:v4+s29+$0x0] =	vst.idx.add.f32.msk $0xffff, v2  }
0x3dd: {  	s7 =	sand.u32 $0x380, s4;
	p0 =	slt.u32 s31, $0x5F80;
	v4 =	vcvt.f32.s32 v8;
	s5 =	sor.u32 s6, s5;
	v7 =	vtrunc.f32 v7;
	[tilespmem:v3+s29+$0x0] =	vst.idx.add.f32.msk $0xffff, v2  }
0x3de: {  	v8 =	vcvt.f32.s32 v10;
	v3 =	vcvt.f32.s32 v9;
	s5 =	sor.u32 s7, s5;
	[tilespmem:v6+s29+$0x0] =	vst.idx.add.f32.msk $0xffff, v2  }
0x3df: {  	v5 =	vcvt.f32.s32 v5;
	v9 =	vadd.s32 v1, v4;
	v4 =	vcvt.f32.s32 v12;
	v6 =	vld [tilespmem:s5+$0x70]  }
0x3e0: {  	v7 =	vcvt.f32.s32 v7;
	v13 =	vadd.s32 v1, v3;
	v3 =	vcvt.f32.s32 v11;
	v10 =	vld [tilespmem:s5+$0x0]  }
0x3e1: {  	v14 =	vadd.s32 v1, v8;
	v5 =	vadd.s32 v1, v5;
	v15 =	vadd.s32 v1, v4;
	v11 =	vld [tilespmem:s5+$0x10]  }
0x3e2: {  	v4 =	vadd.s32 v1, v3;
	v3 =	vadd.s32 v1, v7;
	v8 =	vld [tilespmem:s5+$0x20]  }
0x3e3: {  	v12 =	vld [tilespmem:s5+$0x30]  }
0x3e4: {  	v16 =	vld [tilespmem:s5+$0x40];
	v6 =	vmul.f32 $1.600000000e+01, v6  }
0x3e5: {  	v10 =	vmul.f32 $1.600000000e+01, v10;
	v17 =	vld [tilespmem:s5+$0x50]  }
.Ltmp14:
0x3e6: {  	v11 =	vmul.f32 $1.600000000e+01, v11;
	v7 =	vld [tilespmem:s5+$0x60];
	v6 =	vtrunc.f32 v6;
	(pc) =	sbr.rel @p0 .LBB2_30-.Ltmp14, $4  }
0x3e7: {  	v18 =	vmul.f32 $1.600000000e+01, v8;
	v6 =	vcvt.f32.s32 v6;
	[tilespmem:v9+s29+$0x0] =	vst.idx.add.f32.msk $0xffff, v2  }
0x3e8: {  	v8 =	vtrunc.f32 v10;
	v12 =	vmul.f32 $1.600000000e+01, v12;
	[tilespmem:v13+s29+$0x0] =	vst.idx.add.f32.msk $0xffff, v2  }
0x3e9: {  	v9 =	vtrunc.f32 v11;
	v11 =	vmul.f32 $1.600000000e+01, v16;
	v6 =	vadd.s32 v1, v6;
	[tilespmem:v14+s29+$0x0] =	vst.idx.add.f32.msk $0xffff, v2  }
0x3ea: {  	v10 =	vtrunc.f32 v18;
	v13 =	vmul.f32 $1.600000000e+01, v17;
	[tilespmem:v15+s29+$0x0] =	vst.idx.add.f32.msk $0xffff, v2  }
0x3eb: {  	_ = 	snop  }
0x3ec: {  	v8 =	vcvt.f32.s32 v8  }
0x3ed: {  	v12 =	vtrunc.f32 v12;
	v9 =	vcvt.f32.s32 v9  }
0x3ee: {  	v7 =	vmul.f32 $1.600000000e+01, v7;
	v10 =	vcvt.f32.s32 v10;
	v8 =	vadd.s32 v1, v8  }
0x3ef: {  	[tilespmem:v5+s29+$0x0] =	vst.idx.add.f32.msk $0xffff, v2;
	v5 =	vtrunc.f32 v11;
	v11 =	vcvt.f32.s32 v12;
	v9 =	vadd.s32 v1, v9  }
0x3f0: {  	[tilespmem:v4+s29+$0x0] =	vst.idx.add.f32.msk $0xffff, v2;
	v12 =	vtrunc.f32 v13;
	v4 =	vcvt.f32.s32 v5;
	v5 =	vadd.s32 v1, v10  }
0x3f1: {  	[tilespmem:v3+s29+$0x0] =	vst.idx.add.f32.msk $0xffff, v2;
	v7 =	vtrunc.f32 v7;
	v3 =	vcvt.f32.s32 v12;
	v10 =	vadd.s32 v1, v11  }
0x3f2: {  	[tilespmem:v6+s29+$0x0] =	vst.idx.add.f32.msk $0xffff, v2;
	v6 =	vcvt.f32.s32 v7;
	v4 =	vadd.s32 v1, v4  }
0x3f3: {  	v3 =	vadd.s32 v1, v3;
	[tilespmem:v8+s29+$0x0] =	vst.idx.add.f32.msk $0xffff, v2  }
0x3f4: {  	v6 =	vadd.s32 v1, v6;
	[tilespmem:v9+s29+$0x0] =	vst.idx.add.f32.msk $0xffff, v2  }
0x3f5: {  	[tilespmem:v5+s29+$0x0] =	vst.idx.add.f32.msk $0xffff, v2  }
0x3f6: {  	[tilespmem:v10+s29+$0x0] =	vst.idx.add.f32.msk $0xffff, v2  }
0x3f7: {  	[tilespmem:v4+s29+$0x0] =	vst.idx.add.f32.msk $0xffff, v2  }
0x3f8: {  	[tilespmem:v3+s29+$0x0] =	vst.idx.add.f32.msk $0xffff, v2  }
0x3f9: {  	s3 =	simm.s32 $0x0;
	s4 =	simm.s32 $0x0;
	[tilespmem:v6+s29+$0x0] =	vst.idx.add.f32.msk $0xffff, v2  }
0x3fa: {  	[tilespmem:s3], [sflag:$0x1] =	stream.linear.gather [hbm4b:s19+s3], $0x6000, $0x38;
	[tilespmem:$0xC880] =	vst v63  }
0x3fb: {  	s4 =	sand.u32 $0x7000, s4;
	s5 =	sand.u32 $0xC00, s3;
	_ =	swait.ge [sflag:s30], $0x6000  }
0x3fc: {  	s4 =	sor.u32 s5, s4;
	s3 =	sand.u32 $0x380, s3;
	[sflag:s30] =	ssyncset.done $0x0  }
0x3fd: {  	s3 =	sor.u32 s3, s4;
	[sflag:s30] =	ssyncadd.s32 $0xFFFFA000  }
0x3fe: {  	v3 =	vld [tilespmem:s3+$0x6070];
	_ =	sdelay $0x3  }
0x3ff: {  	v4 =	vld [tilespmem:s3+$0x6000]  }
0x400: {  	v5 =	vld [tilespmem:s3+$0x6010];
	v3 =	vmul.f32 $1.600000000e+01, v3  }
0x401: {  	v6 =	vld [tilespmem:s3+$0x6020]  }
0x402: {  	v7 =	vld [tilespmem:s3+$0x6030];
	v3 =	vtrunc.f32 v3  }
0x403: {  	v8 =	vld [tilespmem:s3+$0x6040];
	v3 =	vcvt.f32.s32 v3  }
0x404: {  	v9 =	vld [tilespmem:s3+$0x6050]  }
0x405: {  	s31 =	simm.s32 $0x80;
	v10 =	vld [tilespmem:s3+$0x6060];
	s3 =	simm.s32 $0x400;
	v3 =	vadd.s32 v1, v3  }
0x406: {  	s5 =	sand.u32 $0x7000, s31;
	s4 =	simm.s32 $0x20;
	s6 =	sand.u32 $0xC00, s3;
	v4 =	vmul.f32 $1.600000000e+01, v4  }
0x407: {  	s7 =	sand.u32 $0x380, s4;
	s5 =	sor.u32 s6, s5;
	v5 =	vmul.f32 $1.600000000e+01, v5;
	v6 =	vmul.f32 $1.600000000e+01, v6  }
0x408: {  	s5 =	sor.u32 s7, s5;
	v7 =	vmul.f32 $1.600000000e+01, v7;
	v8 =	vmul.f32 $1.600000000e+01, v8  }
0x409: {  	v11 =	vld [tilespmem:s5+$0x6000];
	v9 =	vmul.f32 $1.600000000e+01, v9;
	v4 =	vtrunc.f32 v4  }
0x40a: {  	v5 =	vtrunc.f32 v5;
	v6 =	vtrunc.f32 v6;
	[tilespmem:v3+s29+$0x0] =	vst.idx.add.f32.msk $0xffff, v2  }
0x40b: {  	v3 =	vtrunc.f32 v7;
	v7 =	vmul.f32 $1.600000000e+01, v10;
	v10 =	vld [tilespmem:s5+$0x6070]  }
0x40c: {  	v12 =	vld [tilespmem:s5+$0x6010];
	v8 =	vtrunc.f32 v8;
	v4 =	vcvt.f32.s32 v4  }
0x40d: {  	v9 =	vtrunc.f32 v9;
	v5 =	vcvt.f32.s32 v5  }
0x40e: {  	v13 =	vld [tilespmem:s5+$0x6020];
	v6 =	vcvt.f32.s32 v6;
	v8 =	vcvt.f32.s32 v8;
	v4 =	vadd.s32 v1, v4  }
0x40f: {  	v15 =	vld [tilespmem:s5+$0x6030];
	v9 =	vcvt.f32.s32 v9;
	v14 =	vadd.s32 v1, v5;
	v3 =	vcvt.f32.s32 v3  }
0x410: {  	v16 =	vld [tilespmem:s5+$0x6040];
	v6 =	vadd.s32 v1, v6;
	v7 =	vtrunc.f32 v7;
	v5 =	vmul.f32 $1.600000000e+01, v10  }
0x411: {  	v18 =	vld [tilespmem:s5+$0x6050];
	v17 =	vadd.s32 v1, v3;
	v3 =	vmul.f32 $1.600000000e+01, v11;
	v11 =	vmul.f32 $1.600000000e+01, v12  }
0x412: {  	v10 =	vcvt.f32.s32 v7;
	v7 =	vld [tilespmem:s5+$0x6060];
	v12 =	vtrunc.f32 v5;
	v5 =	vadd.s32 v1, v8  }
0x413: {  	v13 =	vmul.f32 $1.600000000e+01, v13;
	[tilespmem:v4+s29+$0x0] =	vst.idx.add.f32.msk $0xffff, v2;
	v4 =	vadd.s32 v1, v9;
	v19 =	vcvt.f32.s32 v12  }
0x414: {  	[tilespmem:v14+s29+$0x0] =	vst.idx.add.f32.msk $0xffff, v2;
	v9 =	vtrunc.f32 v11;
	v8 =	vtrunc.f32 v3;
	v3 =	vadd.s32 v1, v10  }
0x415: {  	[tilespmem:v6+s29+$0x0] =	vst.idx.add.f32.msk $0xffff, v2;
	v11 =	vmul.f32 $1.600000000e+01, v16;
	v12 =	vmul.f32 $1.600000000e+01, v15;
	v6 =	vadd.s32 v1, v19  }
0x416: {  	v10 =	vtrunc.f32 v13;
	v13 =	vmul.f32 $1.600000000e+01, v18;
	[tilespmem:v17+s29+$0x0] =	vst.idx.add.f32.msk $0xffff, v2  }
.LBB2_32:
0x417: {  	s31 =	sadd.s32 $0x80, s31;
	v12 =	vtrunc.f32 v12;
	v7 =	vmul.f32 $1.600000000e+01, v7;
	s3 =	sadd.s32 $0x400, s3;
	[tilespmem:v5+s29+$0x0] =	vst.idx.add.f32.msk $0xffff, v2  }
0x418: {  	v5 =	vtrunc.f32 v11;
	s4 =	sadd.s32 $0x20, s4;
	s5 =	sand.u32 $0x7000, s31;
	s6 =	sand.u32 $0xC00, s3;
	v11 =	vtrunc.f32 v13;
	[tilespmem:v4+s29+$0x0] =	vst.idx.add.f32.msk $0xffff, v2  }
0x419: {  	s7 =	sand.u32 $0x380, s4;
	p0 =	slt.u32 s31, $0x5F80;
	v4 =	vcvt.f32.s32 v8;
	s5 =	sor.u32 s6, s5;
	v7 =	vtrunc.f32 v7;
	[tilespmem:v3+s29+$0x0] =	vst.idx.add.f32.msk $0xffff, v2  }
0x41a: {  	v8 =	vcvt.f32.s32 v10;
	v3 =	vcvt.f32.s32 v9;
	s5 =	sor.u32 s7, s5;
	[tilespmem:v6+s29+$0x0] =	vst.idx.add.f32.msk $0xffff, v2  }
0x41b: {  	v5 =	vcvt.f32.s32 v5;
	v9 =	vadd.s32 v1, v4;
	v4 =	vcvt.f32.s32 v12;
	v6 =	vld [tilespmem:s5+$0x6070]  }
0x41c: {  	v7 =	vcvt.f32.s32 v7;
	v13 =	vadd.s32 v1, v3;
	v3 =	vcvt.f32.s32 v11;
	v10 =	vld [tilespmem:s5+$0x6000]  }
0x41d: {  	v14 =	vadd.s32 v1, v8;
	v5 =	vadd.s32 v1, v5;
	v15 =	vadd.s32 v1, v4;
	v11 =	vld [tilespmem:s5+$0x6010]  }
0x41e: {  	v4 =	vadd.s32 v1, v3;
	v3 =	vadd.s32 v1, v7;
	v8 =	vld [tilespmem:s5+$0x6020]  }
0x41f: {  	v12 =	vld [tilespmem:s5+$0x6030]  }
0x420: {  	v16 =	vld [tilespmem:s5+$0x6040];
	v6 =	vmul.f32 $1.600000000e+01, v6  }
0x421: {  	v10 =	vmul.f32 $1.600000000e+01, v10;
	v17 =	vld [tilespmem:s5+$0x6050]  }
.Ltmp15:
0x422: {  	v11 =	vmul.f32 $1.600000000e+01, v11;
	v7 =	vld [tilespmem:s5+$0x6060];
	v6 =	vtrunc.f32 v6;
	(pc) =	sbr.rel @p0 .LBB2_32-.Ltmp15, $4  }
0x423: {  	v18 =	vmul.f32 $1.600000000e+01, v8;
	v6 =	vcvt.f32.s32 v6;
	[tilespmem:v9+s29+$0x0] =	vst.idx.add.f32.msk $0xffff, v2  }
0x424: {  	v8 =	vtrunc.f32 v10;
	v12 =	vmul.f32 $1.600000000e+01, v12;
	[tilespmem:v13+s29+$0x0] =	vst.idx.add.f32.msk $0xffff, v2  }
0x425: {  	v9 =	vtrunc.f32 v11;
	v11 =	vmul.f32 $1.600000000e+01, v16;
	v6 =	vadd.s32 v1, v6;
	[tilespmem:v14+s29+$0x0] =	vst.idx.add.f32.msk $0xffff, v2  }
0x426: {  	v10 =	vtrunc.f32 v18;
	v13 =	vmul.f32 $1.600000000e+01, v17;
	[tilespmem:v15+s29+$0x0] =	vst.idx.add.f32.msk $0xffff, v2  }
0x427: {  	_ = 	snop  }
0x428: {  	v8 =	vcvt.f32.s32 v8  }
0x429: {  	v12 =	vtrunc.f32 v12;
	v9 =	vcvt.f32.s32 v9  }
0x42a: {  	v7 =	vmul.f32 $1.600000000e+01, v7;
	v10 =	vcvt.f32.s32 v10;
	v8 =	vadd.s32 v1, v8  }
0x42b: {  	[tilespmem:v5+s29+$0x0] =	vst.idx.add.f32.msk $0xffff, v2;
	v5 =	vtrunc.f32 v11;
	v11 =	vcvt.f32.s32 v12;
	v9 =	vadd.s32 v1, v9  }
0x42c: {  	[tilespmem:v4+s29+$0x0] =	vst.idx.add.f32.msk $0xffff, v2;
	v12 =	vtrunc.f32 v13;
	v4 =	vcvt.f32.s32 v5;
	v5 =	vadd.s32 v1, v10  }
0x42d: {  	[tilespmem:v3+s29+$0x0] =	vst.idx.add.f32.msk $0xffff, v2;
	v7 =	vtrunc.f32 v7;
	v3 =	vcvt.f32.s32 v12;
	v10 =	vadd.s32 v1, v11  }
0x42e: {  	[tilespmem:v6+s29+$0x0] =	vst.idx.add.f32.msk $0xffff, v2;
	v6 =	vcvt.f32.s32 v7;
	v4 =	vadd.s32 v1, v4  }
0x42f: {  	v3 =	vadd.s32 v1, v3;
	[tilespmem:v8+s29+$0x0] =	vst.idx.add.f32.msk $0xffff, v2  }
0x430: {  	v6 =	vadd.s32 v1, v6;
	[tilespmem:v9+s29+$0x0] =	vst.idx.add.f32.msk $0xffff, v2  }
0x431: {  	[tilespmem:v5+s29+$0x0] =	vst.idx.add.f32.msk $0xffff, v2  }
0x432: {  	[tilespmem:v10+s29+$0x0] =	vst.idx.add.f32.msk $0xffff, v2  }
0x433: {  	[tilespmem:v4+s29+$0x0] =	vst.idx.add.f32.msk $0xffff, v2  }
0x434: {  	[tilespmem:v3+s29+$0x0] =	vst.idx.add.f32.msk $0xffff, v2  }
0x435: {  	s3 =	simm.s32 $0x0;
	s4 =	simm.s32 $0x0;
	[tilespmem:v6+s29+$0x0] =	vst.idx.add.f32.msk $0xffff, v2  }
0x436: {  	[tilespmem:s26], [sflag:$0x2] =	stream.linear.gather [hbm4b:s20+s3], $0x6000, $0x38;
	[tilespmem:$0xC880] =	vst v63  }
0x437: {  	s4 =	sand.u32 $0x7000, s4;
	s5 =	sand.u32 $0xC00, s3;
	_ =	swait.ge [sflag:s28], $0x6000  }
0x438: {  	s4 =	sor.u32 s5, s4;
	s3 =	sand.u32 $0x380, s3;
	[sflag:s28] =	ssyncset.done $0x0  }
0x439: {  	s3 =	sor.u32 s3, s4;
	[sflag:s28] =	ssyncadd.s32 $0xFFFFA000  }
0x43a: {  	v3 =	vld [tilespmem:s3+$0x70];
	_ =	sdelay $0x3  }
0x43b: {  	v4 =	vld [tilespmem:s3+$0x0]  }
0x43c: {  	v5 =	vld [tilespmem:s3+$0x10];
	v3 =	vmul.f32 $1.600000000e+01, v3  }
0x43d: {  	v6 =	vld [tilespmem:s3+$0x20]  }
0x43e: {  	v7 =	vld [tilespmem:s3+$0x30];
	v3 =	vtrunc.f32 v3  }
0x43f: {  	v8 =	vld [tilespmem:s3+$0x40];
	v3 =	vcvt.f32.s32 v3  }
0x440: {  	v9 =	vld [tilespmem:s3+$0x50]  }
0x441: {  	s31 =	simm.s32 $0x80;
	v10 =	vld [tilespmem:s3+$0x60];
	s3 =	simm.s32 $0x400;
	v3 =	vadd.s32 v1, v3  }
0x442: {  	s5 =	sand.u32 $0x7000, s31;
	s4 =	simm.s32 $0x20;
	s6 =	sand.u32 $0xC00, s3;
	v4 =	vmul.f32 $1.600000000e+01, v4  }
0x443: {  	s7 =	sand.u32 $0x380, s4;
	s5 =	sor.u32 s6, s5;
	v5 =	vmul.f32 $1.600000000e+01, v5;
	v6 =	vmul.f32 $1.600000000e+01, v6  }
0x444: {  	s5 =	sor.u32 s7, s5;
	v7 =	vmul.f32 $1.600000000e+01, v7;
	v8 =	vmul.f32 $1.600000000e+01, v8  }
0x445: {  	v11 =	vld [tilespmem:s5+$0x0];
	v9 =	vmul.f32 $1.600000000e+01, v9;
	v4 =	vtrunc.f32 v4  }
0x446: {  	v5 =	vtrunc.f32 v5;
	v6 =	vtrunc.f32 v6;
	[tilespmem:v3+s29+$0x0] =	vst.idx.add.f32.msk $0xffff, v2  }
0x447: {  	v3 =	vtrunc.f32 v7;
	v7 =	vmul.f32 $1.600000000e+01, v10;
	v10 =	vld [tilespmem:s5+$0x70]  }
0x448: {  	v12 =	vld [tilespmem:s5+$0x10];
	v8 =	vtrunc.f32 v8;
	v4 =	vcvt.f32.s32 v4  }
0x449: {  	v9 =	vtrunc.f32 v9;
	v5 =	vcvt.f32.s32 v5  }
0x44a: {  	v13 =	vld [tilespmem:s5+$0x20];
	v6 =	vcvt.f32.s32 v6;
	v8 =	vcvt.f32.s32 v8;
	v4 =	vadd.s32 v1, v4  }
0x44b: {  	v15 =	vld [tilespmem:s5+$0x30];
	v9 =	vcvt.f32.s32 v9;
	v14 =	vadd.s32 v1, v5;
	v3 =	vcvt.f32.s32 v3  }
0x44c: {  	v16 =	vld [tilespmem:s5+$0x40];
	v6 =	vadd.s32 v1, v6;
	v7 =	vtrunc.f32 v7;
	v5 =	vmul.f32 $1.600000000e+01, v10  }
0x44d: {  	v18 =	vld [tilespmem:s5+$0x50];
	v17 =	vadd.s32 v1, v3;
	v3 =	vmul.f32 $1.600000000e+01, v11;
	v11 =	vmul.f32 $1.600000000e+01, v12  }
0x44e: {  	v10 =	vcvt.f32.s32 v7;
	v7 =	vld [tilespmem:s5+$0x60];
	v12 =	vtrunc.f32 v5;
	v5 =	vadd.s32 v1, v8  }
0x44f: {  	v13 =	vmul.f32 $1.600000000e+01, v13;
	[tilespmem:v4+s29+$0x0] =	vst.idx.add.f32.msk $0xffff, v2;
	v4 =	vadd.s32 v1, v9;
	v19 =	vcvt.f32.s32 v12  }
0x450: {  	[tilespmem:v14+s29+$0x0] =	vst.idx.add.f32.msk $0xffff, v2;
	v9 =	vtrunc.f32 v11;
	v8 =	vtrunc.f32 v3;
	v3 =	vadd.s32 v1, v10  }
0x451: {  	[tilespmem:v6+s29+$0x0] =	vst.idx.add.f32.msk $0xffff, v2;
	v11 =	vmul.f32 $1.600000000e+01, v16;
	v12 =	vmul.f32 $1.600000000e+01, v15;
	v6 =	vadd.s32 v1, v19  }
0x452: {  	v10 =	vtrunc.f32 v13;
	v13 =	vmul.f32 $1.600000000e+01, v18;
	[tilespmem:v17+s29+$0x0] =	vst.idx.add.f32.msk $0xffff, v2  }
.LBB2_34:
0x453: {  	s31 =	sadd.s32 $0x80, s31;
	v12 =	vtrunc.f32 v12;
	v7 =	vmul.f32 $1.600000000e+01, v7;
	s3 =	sadd.s32 $0x400, s3;
	[tilespmem:v5+s29+$0x0] =	vst.idx.add.f32.msk $0xffff, v2  }
0x454: {  	v5 =	vtrunc.f32 v11;
	s4 =	sadd.s32 $0x20, s4;
	s5 =	sand.u32 $0x7000, s31;
	s6 =	sand.u32 $0xC00, s3;
	v11 =	vtrunc.f32 v13;
	[tilespmem:v4+s29+$0x0] =	vst.idx.add.f32.msk $0xffff, v2  }
0x455: {  	s7 =	sand.u32 $0x380, s4;
	p0 =	slt.u32 s31, $0x5F80;
	v4 =	vcvt.f32.s32 v8;
	s5 =	sor.u32 s6, s5;
	v7 =	vtrunc.f32 v7;
	[tilespmem:v3+s29+$0x0] =	vst.idx.add.f32.msk $0xffff, v2  }
0x456: {  	v8 =	vcvt.f32.s32 v10;
	v3 =	vcvt.f32.s32 v9;
	s5 =	sor.u32 s7, s5;
	[tilespmem:v6+s29+$0x0] =	vst.idx.add.f32.msk $0xffff, v2  }
0x457: {  	v5 =	vcvt.f32.s32 v5;
	v9 =	vadd.s32 v1, v4;
	v4 =	vcvt.f32.s32 v12;
	v6 =	vld [tilespmem:s5+$0x70]  }
0x458: {  	v7 =	vcvt.f32.s32 v7;
	v13 =	vadd.s32 v1, v3;
	v3 =	vcvt.f32.s32 v11;
	v10 =	vld [tilespmem:s5+$0x0]  }
0x459: {  	v14 =	vadd.s32 v1, v8;
	v5 =	vadd.s32 v1, v5;
	v15 =	vadd.s32 v1, v4;
	v11 =	vld [tilespmem:s5+$0x10]  }
0x45a: {  	v4 =	vadd.s32 v1, v3;
	v3 =	vadd.s32 v1, v7;
	v8 =	vld [tilespmem:s5+$0x20]  }
0x45b: {  	v12 =	vld [tilespmem:s5+$0x30]  }
0x45c: {  	v16 =	vld [tilespmem:s5+$0x40];
	v6 =	vmul.f32 $1.600000000e+01, v6  }
0x45d: {  	v10 =	vmul.f32 $1.600000000e+01, v10;
	v17 =	vld [tilespmem:s5+$0x50]  }
.Ltmp16:
0x45e: {  	v11 =	vmul.f32 $1.600000000e+01, v11;
	v7 =	vld [tilespmem:s5+$0x60];
	v6 =	vtrunc.f32 v6;
	(pc) =	sbr.rel @p0 .LBB2_34-.Ltmp16, $4  }
0x45f: {  	v18 =	vmul.f32 $1.600000000e+01, v8;
	v6 =	vcvt.f32.s32 v6;
	[tilespmem:v9+s29+$0x0] =	vst.idx.add.f32.msk $0xffff, v2  }
0x460: {  	v8 =	vtrunc.f32 v10;
	v12 =	vmul.f32 $1.600000000e+01, v12;
	[tilespmem:v13+s29+$0x0] =	vst.idx.add.f32.msk $0xffff, v2  }
0x461: {  	v9 =	vtrunc.f32 v11;
	v11 =	vmul.f32 $1.600000000e+01, v16;
	v6 =	vadd.s32 v1, v6;
	[tilespmem:v14+s29+$0x0] =	vst.idx.add.f32.msk $0xffff, v2  }
0x462: {  	v10 =	vtrunc.f32 v18;
	v13 =	vmul.f32 $1.600000000e+01, v17;
	[tilespmem:v15+s29+$0x0] =	vst.idx.add.f32.msk $0xffff, v2  }
0x463: {  	_ = 	snop  }
0x464: {  	v8 =	vcvt.f32.s32 v8  }
0x465: {  	v12 =	vtrunc.f32 v12;
	v9 =	vcvt.f32.s32 v9  }
0x466: {  	v7 =	vmul.f32 $1.600000000e+01, v7;
	v10 =	vcvt.f32.s32 v10;
	v8 =	vadd.s32 v1, v8  }
0x467: {  	[tilespmem:v5+s29+$0x0] =	vst.idx.add.f32.msk $0xffff, v2;
	v5 =	vtrunc.f32 v11;
	v11 =	vcvt.f32.s32 v12;
	v9 =	vadd.s32 v1, v9  }
0x468: {  	[tilespmem:v4+s29+$0x0] =	vst.idx.add.f32.msk $0xffff, v2;
	v12 =	vtrunc.f32 v13;
	v4 =	vcvt.f32.s32 v5;
	v5 =	vadd.s32 v1, v10  }
0x469: {  	[tilespmem:v3+s29+$0x0] =	vst.idx.add.f32.msk $0xffff, v2;
	v7 =	vtrunc.f32 v7;
	v3 =	vcvt.f32.s32 v12;
	v10 =	vadd.s32 v1, v11  }
0x46a: {  	[tilespmem:v6+s29+$0x0] =	vst.idx.add.f32.msk $0xffff, v2;
	v6 =	vcvt.f32.s32 v7;
	v4 =	vadd.s32 v1, v4  }
0x46b: {  	v3 =	vadd.s32 v1, v3;
	[tilespmem:v8+s29+$0x0] =	vst.idx.add.f32.msk $0xffff, v2  }
0x46c: {  	v6 =	vadd.s32 v1, v6;
	[tilespmem:v9+s29+$0x0] =	vst.idx.add.f32.msk $0xffff, v2  }
0x46d: {  	[tilespmem:v5+s29+$0x0] =	vst.idx.add.f32.msk $0xffff, v2  }
0x46e: {  	[tilespmem:v10+s29+$0x0] =	vst.idx.add.f32.msk $0xffff, v2  }
0x46f: {  	[tilespmem:v4+s29+$0x0] =	vst.idx.add.f32.msk $0xffff, v2  }
0x470: {  	[tilespmem:v3+s29+$0x0] =	vst.idx.add.f32.msk $0xffff, v2  }
0x471: {  	s3 =	simm.s32 $0x0;
	s4 =	simm.s32 $0x0;
	[tilespmem:v6+s29+$0x0] =	vst.idx.add.f32.msk $0xffff, v2  }
0x472: {  	[tilespmem:s3], [sflag:$0x1] =	stream.linear.gather [hbm4b:s21+s3], $0x6000, $0x38;
	[tilespmem:$0xC880] =	vst v63  }
0x473: {  	s4 =	sand.u32 $0x7000, s4;
	s5 =	sand.u32 $0xC00, s3;
	_ =	swait.ge [sflag:s30], $0x6000  }
0x474: {  	s4 =	sor.u32 s5, s4;
	s3 =	sand.u32 $0x380, s3;
	[sflag:s30] =	ssyncset.done $0x0  }
0x475: {  	s3 =	sor.u32 s3, s4;
	[sflag:s30] =	ssyncadd.s32 $0xFFFFA000  }
0x476: {  	v3 =	vld [tilespmem:s3+$0x6070];
	_ =	sdelay $0x3  }
0x477: {  	v4 =	vld [tilespmem:s3+$0x6000]  }
0x478: {  	v5 =	vld [tilespmem:s3+$0x6010];
	v3 =	vmul.f32 $1.600000000e+01, v3  }
0x479: {  	v6 =	vld [tilespmem:s3+$0x6020]  }
0x47a: {  	v7 =	vld [tilespmem:s3+$0x6030];
	v3 =	vtrunc.f32 v3  }
0x47b: {  	v8 =	vld [tilespmem:s3+$0x6040];
	v3 =	vcvt.f32.s32 v3  }
0x47c: {  	v9 =	vld [tilespmem:s3+$0x6050]  }
0x47d: {  	s31 =	simm.s32 $0x80;
	v10 =	vld [tilespmem:s3+$0x6060];
	s3 =	simm.s32 $0x400;
	v3 =	vadd.s32 v1, v3  }
0x47e: {  	s5 =	sand.u32 $0x7000, s31;
	s4 =	simm.s32 $0x20;
	s6 =	sand.u32 $0xC00, s3;
	v4 =	vmul.f32 $1.600000000e+01, v4  }
0x47f: {  	s7 =	sand.u32 $0x380, s4;
	s5 =	sor.u32 s6, s5;
	v5 =	vmul.f32 $1.600000000e+01, v5;
	v6 =	vmul.f32 $1.600000000e+01, v6  }
0x480: {  	s5 =	sor.u32 s7, s5;
	v7 =	vmul.f32 $1.600000000e+01, v7;
	v8 =	vmul.f32 $1.600000000e+01, v8  }
0x481: {  	v11 =	vld [tilespmem:s5+$0x6000];
	v9 =	vmul.f32 $1.600000000e+01, v9;
	v4 =	vtrunc.f32 v4  }
0x482: {  	v5 =	vtrunc.f32 v5;
	v6 =	vtrunc.f32 v6;
	[tilespmem:v3+s29+$0x0] =	vst.idx.add.f32.msk $0xffff, v2  }
0x483: {  	v3 =	vtrunc.f32 v7;
	v7 =	vmul.f32 $1.600000000e+01, v10;
	v10 =	vld [tilespmem:s5+$0x6070]  }
0x484: {  	v12 =	vld [tilespmem:s5+$0x6010];
	v8 =	vtrunc.f32 v8;
	v4 =	vcvt.f32.s32 v4  }
0x485: {  	v9 =	vtrunc.f32 v9;
	v5 =	vcvt.f32.s32 v5  }
0x486: {  	v13 =	vld [tilespmem:s5+$0x6020];
	v6 =	vcvt.f32.s32 v6;
	v8 =	vcvt.f32.s32 v8;
	v4 =	vadd.s32 v1, v4  }
0x487: {  	v15 =	vld [tilespmem:s5+$0x6030];
	v9 =	vcvt.f32.s32 v9;
	v14 =	vadd.s32 v1, v5;
	v3 =	vcvt.f32.s32 v3  }
0x488: {  	v16 =	vld [tilespmem:s5+$0x6040];
	v6 =	vadd.s32 v1, v6;
	v7 =	vtrunc.f32 v7;
	v5 =	vmul.f32 $1.600000000e+01, v10  }
0x489: {  	v18 =	vld [tilespmem:s5+$0x6050];
	v17 =	vadd.s32 v1, v3;
	v3 =	vmul.f32 $1.600000000e+01, v11;
	v11 =	vmul.f32 $1.600000000e+01, v12  }
0x48a: {  	v10 =	vcvt.f32.s32 v7;
	v7 =	vld [tilespmem:s5+$0x6060];
	v12 =	vtrunc.f32 v5;
	v5 =	vadd.s32 v1, v8  }
0x48b: {  	v13 =	vmul.f32 $1.600000000e+01, v13;
	[tilespmem:v4+s29+$0x0] =	vst.idx.add.f32.msk $0xffff, v2;
	v4 =	vadd.s32 v1, v9;
	v19 =	vcvt.f32.s32 v12  }
0x48c: {  	[tilespmem:v14+s29+$0x0] =	vst.idx.add.f32.msk $0xffff, v2;
	v9 =	vtrunc.f32 v11;
	v8 =	vtrunc.f32 v3;
	v3 =	vadd.s32 v1, v10  }
0x48d: {  	[tilespmem:v6+s29+$0x0] =	vst.idx.add.f32.msk $0xffff, v2;
	v11 =	vmul.f32 $1.600000000e+01, v16;
	v12 =	vmul.f32 $1.600000000e+01, v15;
	v6 =	vadd.s32 v1, v19  }
0x48e: {  	v10 =	vtrunc.f32 v13;
	v13 =	vmul.f32 $1.600000000e+01, v18;
	[tilespmem:v17+s29+$0x0] =	vst.idx.add.f32.msk $0xffff, v2  }
.LBB2_36:
0x48f: {  	s31 =	sadd.s32 $0x80, s31;
	v12 =	vtrunc.f32 v12;
	v7 =	vmul.f32 $1.600000000e+01, v7;
	s3 =	sadd.s32 $0x400, s3;
	[tilespmem:v5+s29+$0x0] =	vst.idx.add.f32.msk $0xffff, v2  }
0x490: {  	v5 =	vtrunc.f32 v11;
	s4 =	sadd.s32 $0x20, s4;
	s5 =	sand.u32 $0x7000, s31;
	s6 =	sand.u32 $0xC00, s3;
	v11 =	vtrunc.f32 v13;
	[tilespmem:v4+s29+$0x0] =	vst.idx.add.f32.msk $0xffff, v2  }
0x491: {  	s7 =	sand.u32 $0x380, s4;
	p0 =	slt.u32 s31, $0x5F80;
	v4 =	vcvt.f32.s32 v8;
	s5 =	sor.u32 s6, s5;
	v7 =	vtrunc.f32 v7;
	[tilespmem:v3+s29+$0x0] =	vst.idx.add.f32.msk $0xffff, v2  }
0x492: {  	v8 =	vcvt.f32.s32 v10;
	v3 =	vcvt.f32.s32 v9;
	s5 =	sor.u32 s7, s5;
	[tilespmem:v6+s29+$0x0] =	vst.idx.add.f32.msk $0xffff, v2  }
0x493: {  	v5 =	vcvt.f32.s32 v5;
	v9 =	vadd.s32 v1, v4;
	v4 =	vcvt.f32.s32 v12;
	v6 =	vld [tilespmem:s5+$0x6070]  }
0x494: {  	v7 =	vcvt.f32.s32 v7;
	v13 =	vadd.s32 v1, v3;
	v3 =	vcvt.f32.s32 v11;
	v10 =	vld [tilespmem:s5+$0x6000]  }
0x495: {  	v14 =	vadd.s32 v1, v8;
	v5 =	vadd.s32 v1, v5;
	v15 =	vadd.s32 v1, v4;
	v11 =	vld [tilespmem:s5+$0x6010]  }
0x496: {  	v4 =	vadd.s32 v1, v3;
	v3 =	vadd.s32 v1, v7;
	v8 =	vld [tilespmem:s5+$0x6020]  }
0x497: {  	v12 =	vld [tilespmem:s5+$0x6030]  }
0x498: {  	v16 =	vld [tilespmem:s5+$0x6040];
	v6 =	vmul.f32 $1.600000000e+01, v6  }
0x499: {  	v10 =	vmul.f32 $1.600000000e+01, v10;
	v17 =	vld [tilespmem:s5+$0x6050]  }
.Ltmp17:
0x49a: {  	v11 =	vmul.f32 $1.600000000e+01, v11;
	v7 =	vld [tilespmem:s5+$0x6060];
	v6 =	vtrunc.f32 v6;
	(pc) =	sbr.rel @p0 .LBB2_36-.Ltmp17, $4  }
0x49b: {  	v18 =	vmul.f32 $1.600000000e+01, v8;
	v6 =	vcvt.f32.s32 v6;
	[tilespmem:v9+s29+$0x0] =	vst.idx.add.f32.msk $0xffff, v2  }
0x49c: {  	v8 =	vtrunc.f32 v10;
	v12 =	vmul.f32 $1.600000000e+01, v12;
	[tilespmem:v13+s29+$0x0] =	vst.idx.add.f32.msk $0xffff, v2  }
0x49d: {  	v9 =	vtrunc.f32 v11;
	v11 =	vmul.f32 $1.600000000e+01, v16;
	v6 =	vadd.s32 v1, v6;
	[tilespmem:v14+s29+$0x0] =	vst.idx.add.f32.msk $0xffff, v2  }
0x49e: {  	v10 =	vtrunc.f32 v18;
	v13 =	vmul.f32 $1.600000000e+01, v17;
	[tilespmem:v15+s29+$0x0] =	vst.idx.add.f32.msk $0xffff, v2  }
0x49f: {  	_ = 	snop  }
0x4a0: {  	v8 =	vcvt.f32.s32 v8  }
0x4a1: {  	v12 =	vtrunc.f32 v12;
	v9 =	vcvt.f32.s32 v9  }
0x4a2: {  	v7 =	vmul.f32 $1.600000000e+01, v7;
	v10 =	vcvt.f32.s32 v10;
	v8 =	vadd.s32 v1, v8  }
0x4a3: {  	[tilespmem:v5+s29+$0x0] =	vst.idx.add.f32.msk $0xffff, v2;
	v5 =	vtrunc.f32 v11;
	v11 =	vcvt.f32.s32 v12;
	v9 =	vadd.s32 v1, v9  }
0x4a4: {  	[tilespmem:v4+s29+$0x0] =	vst.idx.add.f32.msk $0xffff, v2;
	v12 =	vtrunc.f32 v13;
	v4 =	vcvt.f32.s32 v5;
	v5 =	vadd.s32 v1, v10  }
0x4a5: {  	[tilespmem:v3+s29+$0x0] =	vst.idx.add.f32.msk $0xffff, v2;
	v7 =	vtrunc.f32 v7;
	v3 =	vcvt.f32.s32 v12;
	v10 =	vadd.s32 v1, v11  }
0x4a6: {  	[tilespmem:v6+s29+$0x0] =	vst.idx.add.f32.msk $0xffff, v2;
	v6 =	vcvt.f32.s32 v7;
	v4 =	vadd.s32 v1, v4  }
0x4a7: {  	v3 =	vadd.s32 v1, v3;
	[tilespmem:v8+s29+$0x0] =	vst.idx.add.f32.msk $0xffff, v2  }
0x4a8: {  	v6 =	vadd.s32 v1, v6;
	[tilespmem:v9+s29+$0x0] =	vst.idx.add.f32.msk $0xffff, v2  }
0x4a9: {  	[tilespmem:v5+s29+$0x0] =	vst.idx.add.f32.msk $0xffff, v2  }
0x4aa: {  	[tilespmem:v10+s29+$0x0] =	vst.idx.add.f32.msk $0xffff, v2  }
0x4ab: {  	[tilespmem:v4+s29+$0x0] =	vst.idx.add.f32.msk $0xffff, v2  }
0x4ac: {  	[tilespmem:v3+s29+$0x0] =	vst.idx.add.f32.msk $0xffff, v2  }
0x4ad: {  	s3 =	simm.s32 $0x0;
	s4 =	simm.s32 $0x0;
	[tilespmem:v6+s29+$0x0] =	vst.idx.add.f32.msk $0xffff, v2  }
0x4ae: {  	[tilespmem:s26], [sflag:$0x2] =	stream.linear.gather [hbm4b:s23+s3], $0x6000, $0x38;
	[tilespmem:$0xC880] =	vst v63  }
0x4af: {  	s4 =	sand.u32 $0x7000, s4;
	s5 =	sand.u32 $0xC00, s3;
	_ =	swait.ge [sflag:s28], $0x6000  }
0x4b0: {  	s4 =	sor.u32 s5, s4;
	s3 =	sand.u32 $0x380, s3;
	[sflag:s28] =	ssyncset.done $0x0  }
0x4b1: {  	s3 =	sor.u32 s3, s4;
	[sflag:s28] =	ssyncadd.s32 $0xFFFFA000  }
0x4b2: {  	v3 =	vld [tilespmem:s3+$0x70];
	_ =	sdelay $0x3  }
0x4b3: {  	v4 =	vld [tilespmem:s3+$0x0]  }
0x4b4: {  	v5 =	vld [tilespmem:s3+$0x10];
	v3 =	vmul.f32 $1.600000000e+01, v3  }
0x4b5: {  	v6 =	vld [tilespmem:s3+$0x20]  }
0x4b6: {  	v7 =	vld [tilespmem:s3+$0x30];
	v3 =	vtrunc.f32 v3  }
0x4b7: {  	v8 =	vld [tilespmem:s3+$0x40];
	v3 =	vcvt.f32.s32 v3  }
0x4b8: {  	v9 =	vld [tilespmem:s3+$0x50]  }
0x4b9: {  	s31 =	simm.s32 $0x80;
	v10 =	vld [tilespmem:s3+$0x60];
	s3 =	simm.s32 $0x400;
	v3 =	vadd.s32 v1, v3  }
0x4ba: {  	s5 =	sand.u32 $0x7000, s31;
	s4 =	simm.s32 $0x20;
	s6 =	sand.u32 $0xC00, s3;
	v4 =	vmul.f32 $1.600000000e+01, v4  }
0x4bb: {  	s7 =	sand.u32 $0x380, s4;
	s5 =	sor.u32 s6, s5;
	v5 =	vmul.f32 $1.600000000e+01, v5;
	v6 =	vmul.f32 $1.600000000e+01, v6  }
0x4bc: {  	s5 =	sor.u32 s7, s5;
	v7 =	vmul.f32 $1.600000000e+01, v7;
	v8 =	vmul.f32 $1.600000000e+01, v8  }
0x4bd: {  	v11 =	vld [tilespmem:s5+$0x0];
	v9 =	vmul.f32 $1.600000000e+01, v9;
	v4 =	vtrunc.f32 v4  }
0x4be: {  	v5 =	vtrunc.f32 v5;
	v6 =	vtrunc.f32 v6;
	[tilespmem:v3+s29+$0x0] =	vst.idx.add.f32.msk $0xffff, v2  }
0x4bf: {  	v3 =	vtrunc.f32 v7;
	v7 =	vmul.f32 $1.600000000e+01, v10;
	v10 =	vld [tilespmem:s5+$0x70]  }
0x4c0: {  	v12 =	vld [tilespmem:s5+$0x10];
	v8 =	vtrunc.f32 v8;
	v4 =	vcvt.f32.s32 v4  }
0x4c1: {  	v9 =	vtrunc.f32 v9;
	v5 =	vcvt.f32.s32 v5  }
0x4c2: {  	v13 =	vld [tilespmem:s5+$0x20];
	v6 =	vcvt.f32.s32 v6;
	v8 =	vcvt.f32.s32 v8;
	v4 =	vadd.s32 v1, v4  }
0x4c3: {  	v15 =	vld [tilespmem:s5+$0x30];
	v9 =	vcvt.f32.s32 v9;
	v14 =	vadd.s32 v1, v5;
	v3 =	vcvt.f32.s32 v3  }
0x4c4: {  	v16 =	vld [tilespmem:s5+$0x40];
	v6 =	vadd.s32 v1, v6;
	v7 =	vtrunc.f32 v7;
	v5 =	vmul.f32 $1.600000000e+01, v10  }
0x4c5: {  	v18 =	vld [tilespmem:s5+$0x50];
	v17 =	vadd.s32 v1, v3;
	v3 =	vmul.f32 $1.600000000e+01, v11;
	v11 =	vmul.f32 $1.600000000e+01, v12  }
0x4c6: {  	v10 =	vcvt.f32.s32 v7;
	v7 =	vld [tilespmem:s5+$0x60];
	v12 =	vtrunc.f32 v5;
	v5 =	vadd.s32 v1, v8  }
0x4c7: {  	v13 =	vmul.f32 $1.600000000e+01, v13;
	[tilespmem:v4+s29+$0x0] =	vst.idx.add.f32.msk $0xffff, v2;
	v4 =	vadd.s32 v1, v9;
	v19 =	vcvt.f32.s32 v12  }
0x4c8: {  	[tilespmem:v14+s29+$0x0] =	vst.idx.add.f32.msk $0xffff, v2;
	v9 =	vtrunc.f32 v11;
	v8 =	vtrunc.f32 v3;
	v3 =	vadd.s32 v1, v10  }
0x4c9: {  	[tilespmem:v6+s29+$0x0] =	vst.idx.add.f32.msk $0xffff, v2;
	v11 =	vmul.f32 $1.600000000e+01, v16;
	v12 =	vmul.f32 $1.600000000e+01, v15;
	v6 =	vadd.s32 v1, v19  }
0x4ca: {  	v10 =	vtrunc.f32 v13;
	v13 =	vmul.f32 $1.600000000e+01, v18;
	[tilespmem:v17+s29+$0x0] =	vst.idx.add.f32.msk $0xffff, v2  }
.LBB2_38:
0x4cb: {  	s31 =	sadd.s32 $0x80, s31;
	v12 =	vtrunc.f32 v12;
	v7 =	vmul.f32 $1.600000000e+01, v7;
	s3 =	sadd.s32 $0x400, s3;
	[tilespmem:v5+s29+$0x0] =	vst.idx.add.f32.msk $0xffff, v2  }
0x4cc: {  	v5 =	vtrunc.f32 v11;
	s4 =	sadd.s32 $0x20, s4;
	s5 =	sand.u32 $0x7000, s31;
	s6 =	sand.u32 $0xC00, s3;
	v11 =	vtrunc.f32 v13;
	[tilespmem:v4+s29+$0x0] =	vst.idx.add.f32.msk $0xffff, v2  }
0x4cd: {  	s7 =	sand.u32 $0x380, s4;
	p0 =	slt.u32 s31, $0x5F80;
	v4 =	vcvt.f32.s32 v8;
	s5 =	sor.u32 s6, s5;
	v7 =	vtrunc.f32 v7;
	[tilespmem:v3+s29+$0x0] =	vst.idx.add.f32.msk $0xffff, v2  }
0x4ce: {  	v8 =	vcvt.f32.s32 v10;
	v3 =	vcvt.f32.s32 v9;
	s5 =	sor.u32 s7, s5;
	[tilespmem:v6+s29+$0x0] =	vst.idx.add.f32.msk $0xffff, v2  }
0x4cf: {  	v5 =	vcvt.f32.s32 v5;
	v9 =	vadd.s32 v1, v4;
	v4 =	vcvt.f32.s32 v12;
	v6 =	vld [tilespmem:s5+$0x70]  }
0x4d0: {  	v7 =	vcvt.f32.s32 v7;
	v13 =	vadd.s32 v1, v3;
	v3 =	vcvt.f32.s32 v11;
	v10 =	vld [tilespmem:s5+$0x0]  }
0x4d1: {  	v14 =	vadd.s32 v1, v8;
	v5 =	vadd.s32 v1, v5;
	v15 =	vadd.s32 v1, v4;
	v11 =	vld [tilespmem:s5+$0x10]  }
0x4d2: {  	v4 =	vadd.s32 v1, v3;
	v3 =	vadd.s32 v1, v7;
	v8 =	vld [tilespmem:s5+$0x20]  }
0x4d3: {  	v12 =	vld [tilespmem:s5+$0x30]  }
0x4d4: {  	v16 =	vld [tilespmem:s5+$0x40];
	v6 =	vmul.f32 $1.600000000e+01, v6  }
0x4d5: {  	v10 =	vmul.f32 $1.600000000e+01, v10;
	v17 =	vld [tilespmem:s5+$0x50]  }
.Ltmp18:
0x4d6: {  	v11 =	vmul.f32 $1.600000000e+01, v11;
	v7 =	vld [tilespmem:s5+$0x60];
	v6 =	vtrunc.f32 v6;
	(pc) =	sbr.rel @p0 .LBB2_38-.Ltmp18, $4  }
0x4d7: {  	v18 =	vmul.f32 $1.600000000e+01, v8;
	v6 =	vcvt.f32.s32 v6;
	[tilespmem:v9+s29+$0x0] =	vst.idx.add.f32.msk $0xffff, v2  }
0x4d8: {  	v8 =	vtrunc.f32 v10;
	v12 =	vmul.f32 $1.600000000e+01, v12;
	[tilespmem:v13+s29+$0x0] =	vst.idx.add.f32.msk $0xffff, v2  }
0x4d9: {  	v9 =	vtrunc.f32 v11;
	v11 =	vmul.f32 $1.600000000e+01, v16;
	v6 =	vadd.s32 v1, v6;
	[tilespmem:v14+s29+$0x0] =	vst.idx.add.f32.msk $0xffff, v2  }
0x4da: {  	v10 =	vtrunc.f32 v18;
	v13 =	vmul.f32 $1.600000000e+01, v17;
	[tilespmem:v15+s29+$0x0] =	vst.idx.add.f32.msk $0xffff, v2  }
0x4db: {  	_ = 	snop  }
0x4dc: {  	v8 =	vcvt.f32.s32 v8  }
0x4dd: {  	v12 =	vtrunc.f32 v12;
	v9 =	vcvt.f32.s32 v9  }
0x4de: {  	v7 =	vmul.f32 $1.600000000e+01, v7;
	v10 =	vcvt.f32.s32 v10;
	v8 =	vadd.s32 v1, v8  }
0x4df: {  	[tilespmem:v5+s29+$0x0] =	vst.idx.add.f32.msk $0xffff, v2;
	v5 =	vtrunc.f32 v11;
	v11 =	vcvt.f32.s32 v12;
	v9 =	vadd.s32 v1, v9  }
0x4e0: {  	[tilespmem:v4+s29+$0x0] =	vst.idx.add.f32.msk $0xffff, v2;
	v12 =	vtrunc.f32 v13;
	v4 =	vcvt.f32.s32 v5;
	v5 =	vadd.s32 v1, v10  }
0x4e1: {  	[tilespmem:v3+s29+$0x0] =	vst.idx.add.f32.msk $0xffff, v2;
	v7 =	vtrunc.f32 v7;
	v3 =	vcvt.f32.s32 v12;
	v10 =	vadd.s32 v1, v11  }
0x4e2: {  	[tilespmem:v6+s29+$0x0] =	vst.idx.add.f32.msk $0xffff, v2;
	v6 =	vcvt.f32.s32 v7;
	v4 =	vadd.s32 v1, v4  }
0x4e3: {  	v3 =	vadd.s32 v1, v3;
	[tilespmem:v8+s29+$0x0] =	vst.idx.add.f32.msk $0xffff, v2  }
0x4e4: {  	v6 =	vadd.s32 v1, v6;
	[tilespmem:v9+s29+$0x0] =	vst.idx.add.f32.msk $0xffff, v2  }
0x4e5: {  	[tilespmem:v5+s29+$0x0] =	vst.idx.add.f32.msk $0xffff, v2  }
0x4e6: {  	[tilespmem:v10+s29+$0x0] =	vst.idx.add.f32.msk $0xffff, v2  }
0x4e7: {  	[tilespmem:v4+s29+$0x0] =	vst.idx.add.f32.msk $0xffff, v2  }
0x4e8: {  	[tilespmem:v3+s29+$0x0] =	vst.idx.add.f32.msk $0xffff, v2  }
0x4e9: {  	s3 =	simm.s32 $0x0;
	s4 =	simm.s32 $0x0;
	[tilespmem:v6+s29+$0x0] =	vst.idx.add.f32.msk $0xffff, v2  }
0x4ea: {  	[tilespmem:s3], [sflag:$0x1] =	stream.linear.gather [hbm4b:s24+s3], $0x6000, $0x38;
	[tilespmem:$0xC880] =	vst v63  }
0x4eb: {  	s4 =	sand.u32 $0x7000, s4;
	s5 =	sand.u32 $0xC00, s3;
	_ =	swait.ge [sflag:s30], $0x6000  }
0x4ec: {  	s4 =	sor.u32 s5, s4;
	s3 =	sand.u32 $0x380, s3;
	[sflag:s30] =	ssyncset.done $0x0  }
0x4ed: {  	s3 =	sor.u32 s3, s4;
	[sflag:s30] =	ssyncadd.s32 $0xFFFFA000  }
0x4ee: {  	v3 =	vld [tilespmem:s3+$0x6070];
	_ =	sdelay $0x3  }
0x4ef: {  	v4 =	vld [tilespmem:s3+$0x6000]  }
0x4f0: {  	v5 =	vld [tilespmem:s3+$0x6010];
	v3 =	vmul.f32 $1.600000000e+01, v3  }
0x4f1: {  	v6 =	vld [tilespmem:s3+$0x6020]  }
0x4f2: {  	v7 =	vld [tilespmem:s3+$0x6030];
	v3 =	vtrunc.f32 v3  }
0x4f3: {  	v8 =	vld [tilespmem:s3+$0x6040];
	v3 =	vcvt.f32.s32 v3  }
0x4f4: {  	v9 =	vld [tilespmem:s3+$0x6050]  }
0x4f5: {  	s31 =	simm.s32 $0x80;
	v10 =	vld [tilespmem:s3+$0x6060];
	s3 =	simm.s32 $0x400;
	v3 =	vadd.s32 v1, v3  }
0x4f6: {  	s5 =	sand.u32 $0x7000, s31;
	s4 =	simm.s32 $0x20;
	s6 =	sand.u32 $0xC00, s3;
	v4 =	vmul.f32 $1.600000000e+01, v4  }
0x4f7: {  	s7 =	sand.u32 $0x380, s4;
	s5 =	sor.u32 s6, s5;
	v5 =	vmul.f32 $1.600000000e+01, v5;
	v6 =	vmul.f32 $1.600000000e+01, v6  }
0x4f8: {  	s5 =	sor.u32 s7, s5;
	v7 =	vmul.f32 $1.600000000e+01, v7;
	v8 =	vmul.f32 $1.600000000e+01, v8  }
0x4f9: {  	v11 =	vld [tilespmem:s5+$0x6000];
	v9 =	vmul.f32 $1.600000000e+01, v9;
	v4 =	vtrunc.f32 v4  }
0x4fa: {  	v5 =	vtrunc.f32 v5;
	v6 =	vtrunc.f32 v6;
	[tilespmem:v3+s29+$0x0] =	vst.idx.add.f32.msk $0xffff, v2  }
0x4fb: {  	v3 =	vtrunc.f32 v7;
	v7 =	vmul.f32 $1.600000000e+01, v10;
	v10 =	vld [tilespmem:s5+$0x6070]  }
0x4fc: {  	v12 =	vld [tilespmem:s5+$0x6010];
	v8 =	vtrunc.f32 v8;
	v4 =	vcvt.f32.s32 v4  }
0x4fd: {  	v9 =	vtrunc.f32 v9;
	v5 =	vcvt.f32.s32 v5  }
0x4fe: {  	v13 =	vld [tilespmem:s5+$0x6020];
	v6 =	vcvt.f32.s32 v6;
	v8 =	vcvt.f32.s32 v8;
	v4 =	vadd.s32 v1, v4  }
0x4ff: {  	v15 =	vld [tilespmem:s5+$0x6030];
	v9 =	vcvt.f32.s32 v9;
	v14 =	vadd.s32 v1, v5;
	v3 =	vcvt.f32.s32 v3  }
0x500: {  	v16 =	vld [tilespmem:s5+$0x6040];
	v6 =	vadd.s32 v1, v6;
	v7 =	vtrunc.f32 v7;
	v5 =	vmul.f32 $1.600000000e+01, v10  }
0x501: {  	v18 =	vld [tilespmem:s5+$0x6050];
	v17 =	vadd.s32 v1, v3;
	v3 =	vmul.f32 $1.600000000e+01, v11;
	v11 =	vmul.f32 $1.600000000e+01, v12  }
0x502: {  	v10 =	vcvt.f32.s32 v7;
	v7 =	vld [tilespmem:s5+$0x6060];
	v12 =	vtrunc.f32 v5;
	v5 =	vadd.s32 v1, v8  }
0x503: {  	v13 =	vmul.f32 $1.600000000e+01, v13;
	[tilespmem:v4+s29+$0x0] =	vst.idx.add.f32.msk $0xffff, v2;
	v4 =	vadd.s32 v1, v9;
	v19 =	vcvt.f32.s32 v12  }
0x504: {  	[tilespmem:v14+s29+$0x0] =	vst.idx.add.f32.msk $0xffff, v2;
	v9 =	vtrunc.f32 v11;
	v8 =	vtrunc.f32 v3;
	v3 =	vadd.s32 v1, v10  }
0x505: {  	[tilespmem:v6+s29+$0x0] =	vst.idx.add.f32.msk $0xffff, v2;
	v11 =	vmul.f32 $1.600000000e+01, v16;
	v12 =	vmul.f32 $1.600000000e+01, v15;
	v6 =	vadd.s32 v1, v19  }
0x506: {  	v10 =	vtrunc.f32 v13;
	v13 =	vmul.f32 $1.600000000e+01, v18;
	[tilespmem:v17+s29+$0x0] =	vst.idx.add.f32.msk $0xffff, v2  }
.LBB2_40:
0x507: {  	s31 =	sadd.s32 $0x80, s31;
	v12 =	vtrunc.f32 v12;
	v7 =	vmul.f32 $1.600000000e+01, v7;
	s3 =	sadd.s32 $0x400, s3;
	[tilespmem:v5+s29+$0x0] =	vst.idx.add.f32.msk $0xffff, v2  }
0x508: {  	v5 =	vtrunc.f32 v11;
	s4 =	sadd.s32 $0x20, s4;
	s5 =	sand.u32 $0x7000, s31;
	s6 =	sand.u32 $0xC00, s3;
	v11 =	vtrunc.f32 v13;
	[tilespmem:v4+s29+$0x0] =	vst.idx.add.f32.msk $0xffff, v2  }
0x509: {  	s7 =	sand.u32 $0x380, s4;
	p0 =	slt.u32 s31, $0x5F80;
	v4 =	vcvt.f32.s32 v8;
	s5 =	sor.u32 s6, s5;
	v7 =	vtrunc.f32 v7;
	[tilespmem:v3+s29+$0x0] =	vst.idx.add.f32.msk $0xffff, v2  }
0x50a: {  	v8 =	vcvt.f32.s32 v10;
	v3 =	vcvt.f32.s32 v9;
	s5 =	sor.u32 s7, s5;
	[tilespmem:v6+s29+$0x0] =	vst.idx.add.f32.msk $0xffff, v2  }
0x50b: {  	v5 =	vcvt.f32.s32 v5;
	v9 =	vadd.s32 v1, v4;
	v4 =	vcvt.f32.s32 v12;
	v6 =	vld [tilespmem:s5+$0x6070]  }
0x50c: {  	v7 =	vcvt.f32.s32 v7;
	v13 =	vadd.s32 v1, v3;
	v3 =	vcvt.f32.s32 v11;
	v10 =	vld [tilespmem:s5+$0x6000]  }
0x50d: {  	v14 =	vadd.s32 v1, v8;
	v5 =	vadd.s32 v1, v5;
	v15 =	vadd.s32 v1, v4;
	v11 =	vld [tilespmem:s5+$0x6010]  }
0x50e: {  	v4 =	vadd.s32 v1, v3;
	v3 =	vadd.s32 v1, v7;
	v8 =	vld [tilespmem:s5+$0x6020]  }
0x50f: {  	v12 =	vld [tilespmem:s5+$0x6030]  }
0x510: {  	v16 =	vld [tilespmem:s5+$0x6040];
	v6 =	vmul.f32 $1.600000000e+01, v6  }
0x511: {  	v10 =	vmul.f32 $1.600000000e+01, v10;
	v17 =	vld [tilespmem:s5+$0x6050]  }
.Ltmp19:
0x512: {  	v11 =	vmul.f32 $1.600000000e+01, v11;
	v7 =	vld [tilespmem:s5+$0x6060];
	v6 =	vtrunc.f32 v6;
	(pc) =	sbr.rel @p0 .LBB2_40-.Ltmp19, $4  }
0x513: {  	v18 =	vmul.f32 $1.600000000e+01, v8;
	v6 =	vcvt.f32.s32 v6;
	[tilespmem:v9+s29+$0x0] =	vst.idx.add.f32.msk $0xffff, v2  }
0x514: {  	v8 =	vtrunc.f32 v10;
	v12 =	vmul.f32 $1.600000000e+01, v12;
	[tilespmem:v13+s29+$0x0] =	vst.idx.add.f32.msk $0xffff, v2  }
0x515: {  	v9 =	vtrunc.f32 v11;
	v11 =	vmul.f32 $1.600000000e+01, v16;
	v6 =	vadd.s32 v1, v6;
	[tilespmem:v14+s29+$0x0] =	vst.idx.add.f32.msk $0xffff, v2  }
0x516: {  	v10 =	vtrunc.f32 v18;
	v13 =	vmul.f32 $1.600000000e+01, v17;
	[tilespmem:v15+s29+$0x0] =	vst.idx.add.f32.msk $0xffff, v2  }
0x517: {  	_ = 	snop  }
0x518: {  	v8 =	vcvt.f32.s32 v8  }
0x519: {  	v12 =	vtrunc.f32 v12;
	v9 =	vcvt.f32.s32 v9  }
0x51a: {  	v7 =	vmul.f32 $1.600000000e+01, v7;
	v10 =	vcvt.f32.s32 v10;
	v8 =	vadd.s32 v1, v8  }
0x51b: {  	[tilespmem:v5+s29+$0x0] =	vst.idx.add.f32.msk $0xffff, v2;
	v5 =	vtrunc.f32 v11;
	v11 =	vcvt.f32.s32 v12;
	v9 =	vadd.s32 v1, v9  }
0x51c: {  	[tilespmem:v4+s29+$0x0] =	vst.idx.add.f32.msk $0xffff, v2;
	v12 =	vtrunc.f32 v13;
	v4 =	vcvt.f32.s32 v5;
	v5 =	vadd.s32 v1, v10  }
0x51d: {  	[tilespmem:v3+s29+$0x0] =	vst.idx.add.f32.msk $0xffff, v2;
	v7 =	vtrunc.f32 v7;
	v3 =	vcvt.f32.s32 v12;
	v10 =	vadd.s32 v1, v11  }
0x51e: {  	[tilespmem:v6+s29+$0x0] =	vst.idx.add.f32.msk $0xffff, v2;
	v6 =	vcvt.f32.s32 v7;
	v4 =	vadd.s32 v1, v4  }
0x51f: {  	v3 =	vadd.s32 v1, v3;
	[tilespmem:v8+s29+$0x0] =	vst.idx.add.f32.msk $0xffff, v2  }
0x520: {  	v6 =	vadd.s32 v1, v6;
	[tilespmem:v9+s29+$0x0] =	vst.idx.add.f32.msk $0xffff, v2  }
0x521: {  	[tilespmem:v5+s29+$0x0] =	vst.idx.add.f32.msk $0xffff, v2  }
0x522: {  	[tilespmem:v10+s29+$0x0] =	vst.idx.add.f32.msk $0xffff, v2  }
0x523: {  	[tilespmem:v4+s29+$0x0] =	vst.idx.add.f32.msk $0xffff, v2  }
0x524: {  	[tilespmem:v3+s29+$0x0] =	vst.idx.add.f32.msk $0xffff, v2  }
0x525: {  	s3 =	simm.s32 $0x0;
	s4 =	simm.s32 $0x0;
	[tilespmem:v6+s29+$0x0] =	vst.idx.add.f32.msk $0xffff, v2  }
0x526: {  	s4 =	sand.u32 $0x7000, s4;
	s5 =	sand.u32 $0xC00, s3;
	_ =	swait.ge [sflag:s28], $0x6000  }
0x527: {  	s3 =	sand.u32 $0x380, s3;
	s4 =	sor.u32 s5, s4;
	[sflag:s28] =	ssyncset.done $0x0  }
0x528: {  	s3 =	sor.u32 s3, s4;
	[sflag:s28] =	ssyncadd.s32 $0xFFFFA000  }
0x529: {  	v3 =	vld [tilespmem:s3+$0x70];
	_ =	sdelay $0x3  }
0x52a: {  	v4 =	vld [tilespmem:s3+$0x0]  }
0x52b: {  	v5 =	vld [tilespmem:s3+$0x10];
	v3 =	vmul.f32 $1.600000000e+01, v3  }
0x52c: {  	v6 =	vld [tilespmem:s3+$0x20]  }
0x52d: {  	v7 =	vld [tilespmem:s3+$0x30];
	v3 =	vtrunc.f32 v3  }
0x52e: {  	v8 =	vld [tilespmem:s3+$0x40];
	v3 =	vcvt.f32.s32 v3  }
0x52f: {  	v9 =	vld [tilespmem:s3+$0x50]  }
0x530: {  	s31 =	simm.s32 $0x80;
	v10 =	vld [tilespmem:s3+$0x60];
	s3 =	simm.s32 $0x400;
	v3 =	vadd.s32 v1, v3  }
0x531: {  	s5 =	sand.u32 $0x7000, s31;
	s4 =	simm.s32 $0x20;
	s6 =	sand.u32 $0xC00, s3;
	v4 =	vmul.f32 $1.600000000e+01, v4  }
0x532: {  	s7 =	sand.u32 $0x380, s4;
	s5 =	sor.u32 s6, s5;
	v5 =	vmul.f32 $1.600000000e+01, v5;
	v6 =	vmul.f32 $1.600000000e+01, v6  }
0x533: {  	s5 =	sor.u32 s7, s5;
	v7 =	vmul.f32 $1.600000000e+01, v7;
	v8 =	vmul.f32 $1.600000000e+01, v8  }
0x534: {  	v11 =	vld [tilespmem:s5+$0x0];
	v9 =	vmul.f32 $1.600000000e+01, v9;
	v4 =	vtrunc.f32 v4  }
0x535: {  	v5 =	vtrunc.f32 v5;
	v6 =	vtrunc.f32 v6;
	[tilespmem:v3+s29+$0x0] =	vst.idx.add.f32.msk $0xffff, v2  }
0x536: {  	v3 =	vtrunc.f32 v7;
	v7 =	vmul.f32 $1.600000000e+01, v10;
	v10 =	vld [tilespmem:s5+$0x70]  }
0x537: {  	v12 =	vld [tilespmem:s5+$0x10];
	v8 =	vtrunc.f32 v8;
	v4 =	vcvt.f32.s32 v4  }
0x538: {  	v9 =	vtrunc.f32 v9;
	v5 =	vcvt.f32.s32 v5  }
0x539: {  	v13 =	vld [tilespmem:s5+$0x20];
	v6 =	vcvt.f32.s32 v6;
	v8 =	vcvt.f32.s32 v8;
	v4 =	vadd.s32 v1, v4  }
0x53a: {  	v15 =	vld [tilespmem:s5+$0x30];
	v9 =	vcvt.f32.s32 v9;
	v14 =	vadd.s32 v1, v5;
	v3 =	vcvt.f32.s32 v3  }
0x53b: {  	v16 =	vld [tilespmem:s5+$0x40];
	v6 =	vadd.s32 v1, v6;
	v7 =	vtrunc.f32 v7;
	v5 =	vmul.f32 $1.600000000e+01, v10  }
0x53c: {  	v18 =	vld [tilespmem:s5+$0x50];
	v17 =	vadd.s32 v1, v3;
	v3 =	vmul.f32 $1.600000000e+01, v11;
	v11 =	vmul.f32 $1.600000000e+01, v12  }
0x53d: {  	v10 =	vcvt.f32.s32 v7;
	v7 =	vld [tilespmem:s5+$0x60];
	v12 =	vtrunc.f32 v5;
	v5 =	vadd.s32 v1, v8  }
0x53e: {  	v13 =	vmul.f32 $1.600000000e+01, v13;
	[tilespmem:v4+s29+$0x0] =	vst.idx.add.f32.msk $0xffff, v2;
	v4 =	vadd.s32 v1, v9;
	v19 =	vcvt.f32.s32 v12  }
0x53f: {  	[tilespmem:v14+s29+$0x0] =	vst.idx.add.f32.msk $0xffff, v2;
	v9 =	vtrunc.f32 v11;
	v8 =	vtrunc.f32 v3;
	v3 =	vadd.s32 v1, v10  }
0x540: {  	[tilespmem:v6+s29+$0x0] =	vst.idx.add.f32.msk $0xffff, v2;
	v11 =	vmul.f32 $1.600000000e+01, v16;
	v12 =	vmul.f32 $1.600000000e+01, v15;
	v6 =	vadd.s32 v1, v19  }
0x541: {  	v10 =	vtrunc.f32 v13;
	v13 =	vmul.f32 $1.600000000e+01, v18;
	[tilespmem:v17+s29+$0x0] =	vst.idx.add.f32.msk $0xffff, v2  }
.LBB2_42:
0x542: {  	s31 =	sadd.s32 $0x80, s31;
	v12 =	vtrunc.f32 v12;
	v7 =	vmul.f32 $1.600000000e+01, v7;
	s3 =	sadd.s32 $0x400, s3;
	[tilespmem:v5+s29+$0x0] =	vst.idx.add.f32.msk $0xffff, v2  }
0x543: {  	v5 =	vtrunc.f32 v11;
	s4 =	sadd.s32 $0x20, s4;
	s5 =	sand.u32 $0x7000, s31;
	s6 =	sand.u32 $0xC00, s3;
	v11 =	vtrunc.f32 v13;
	[tilespmem:v4+s29+$0x0] =	vst.idx.add.f32.msk $0xffff, v2  }
0x544: {  	s7 =	sand.u32 $0x380, s4;
	p0 =	slt.u32 s31, $0x5F80;
	v4 =	vcvt.f32.s32 v8;
	s5 =	sor.u32 s6, s5;
	v7 =	vtrunc.f32 v7;
	[tilespmem:v3+s29+$0x0] =	vst.idx.add.f32.msk $0xffff, v2  }
0x545: {  	v8 =	vcvt.f32.s32 v10;
	v3 =	vcvt.f32.s32 v9;
	s5 =	sor.u32 s7, s5;
	[tilespmem:v6+s29+$0x0] =	vst.idx.add.f32.msk $0xffff, v2  }
0x546: {  	v5 =	vcvt.f32.s32 v5;
	v9 =	vadd.s32 v1, v4;
	v4 =	vcvt.f32.s32 v12;
	v6 =	vld [tilespmem:s5+$0x70]  }
0x547: {  	v7 =	vcvt.f32.s32 v7;
	v13 =	vadd.s32 v1, v3;
	v3 =	vcvt.f32.s32 v11;
	v10 =	vld [tilespmem:s5+$0x0]  }
0x548: {  	v14 =	vadd.s32 v1, v8;
	v5 =	vadd.s32 v1, v5;
	v15 =	vadd.s32 v1, v4;
	v11 =	vld [tilespmem:s5+$0x10]  }
0x549: {  	v4 =	vadd.s32 v1, v3;
	v3 =	vadd.s32 v1, v7;
	v8 =	vld [tilespmem:s5+$0x20]  }
0x54a: {  	v12 =	vld [tilespmem:s5+$0x30]  }
0x54b: {  	v16 =	vld [tilespmem:s5+$0x40];
	v6 =	vmul.f32 $1.600000000e+01, v6  }
0x54c: {  	v10 =	vmul.f32 $1.600000000e+01, v10;
	v17 =	vld [tilespmem:s5+$0x50]  }
.Ltmp20:
0x54d: {  	v11 =	vmul.f32 $1.600000000e+01, v11;
	v7 =	vld [tilespmem:s5+$0x60];
	v6 =	vtrunc.f32 v6;
	(pc) =	sbr.rel @p0 .LBB2_42-.Ltmp20, $4  }
0x54e: {  	v18 =	vmul.f32 $1.600000000e+01, v8;
	v6 =	vcvt.f32.s32 v6;
	[tilespmem:v9+s29+$0x0] =	vst.idx.add.f32.msk $0xffff, v2  }
0x54f: {  	v8 =	vtrunc.f32 v10;
	v12 =	vmul.f32 $1.600000000e+01, v12;
	[tilespmem:v13+s29+$0x0] =	vst.idx.add.f32.msk $0xffff, v2  }
0x550: {  	v9 =	vtrunc.f32 v11;
	v11 =	vmul.f32 $1.600000000e+01, v16;
	v6 =	vadd.s32 v1, v6;
	[tilespmem:v14+s29+$0x0] =	vst.idx.add.f32.msk $0xffff, v2  }
0x551: {  	v10 =	vtrunc.f32 v18;
	v13 =	vmul.f32 $1.600000000e+01, v17;
	[tilespmem:v15+s29+$0x0] =	vst.idx.add.f32.msk $0xffff, v2  }
0x552: {  	_ = 	snop  }
0x553: {  	v8 =	vcvt.f32.s32 v8  }
0x554: {  	v12 =	vtrunc.f32 v12;
	v9 =	vcvt.f32.s32 v9  }
0x555: {  	v7 =	vmul.f32 $1.600000000e+01, v7;
	v10 =	vcvt.f32.s32 v10;
	v8 =	vadd.s32 v1, v8  }
0x556: {  	[tilespmem:v5+s29+$0x0] =	vst.idx.add.f32.msk $0xffff, v2;
	v45 =	vtrunc.f32 v11;
	v46 =	vcvt.f32.s32 v12;
	v9 =	vadd.s32 v1, v9  }
0x557: {  	[tilespmem:v4+s29+$0x0] =	vst.idx.add.f32.msk $0xffff, v2;
	v47 =	vtrunc.f32 v13;
	v48 =	vcvt.f32.s32 v45;
	v49 =	vadd.s32 v1, v10  }
0x558: {  	[tilespmem:v3+s29+$0x0] =	vst.idx.add.f32.msk $0xffff, v2;
	v7 =	vtrunc.f32 v7;
	v3 =	vcvt.f32.s32 v47;
	v50 =	vadd.s32 v1, v46  }
0x559: {  	[tilespmem:v6+s29+$0x0] =	vst.idx.add.f32.msk $0xffff, v2;
	v51 =	vcvt.f32.s32 v7;
	v4 =	vadd.s32 v1, v48  }
0x55a: {  	v3 =	vadd.s32 v1, v3;
	[tilespmem:v8+s29+$0x0] =	vst.idx.add.f32.msk $0xffff, v2  }
0x55b: {  	v6 =	vadd.s32 v1, v51;
	[tilespmem:v9+s29+$0x0] =	vst.idx.add.f32.msk $0xffff, v2  }
0x55c: {  	[tilespmem:v49+s29+$0x0] =	vst.idx.add.f32.msk $0xffff, v2  }
0x55d: {  	[tilespmem:v50+s29+$0x0] =	vst.idx.add.f32.msk $0xffff, v2  }
0x55e: {  	[tilespmem:v4+s29+$0x0] =	vst.idx.add.f32.msk $0xffff, v2  }
0x55f: {  	[tilespmem:v3+s29+$0x0] =	vst.idx.add.f32.msk $0xffff, v2  }
0x560: {  	[tilespmem:v6+s29+$0x0] =	vst.idx.add.f32.msk $0xffff, v2  }
0x561: {  	v3 =	vld [tilespmem:$0xC000]  }
0x562: {  	v4 =	vld [tilespmem:$0xC080];
	_ =	sdelay $0x1  }
0x563: {  	v5 =	vld [tilespmem:$0xC100];
	_ =	sdelay $0x1  }
0x564: {  	v6 =	vld [tilespmem:$0xC180]  }
0x565: {  	v3 =	vadd.f32 v4, v3  }
0x566: {  	v52 =	vld [tilespmem:$0xC200]  }
0x567: {  	v3 =	vadd.f32 v5, v3  }
0x568: {  	v53 =	vld [tilespmem:$0xC280]  }
0x569: {  	v3 =	vadd.f32 v6, v3  }
0x56a: {  	v54 =	vld [tilespmem:$0xC300]  }
0x56b: {  	v3 =	vadd.f32 v52, v3  }
0x56c: {  	v55 =	vld [tilespmem:$0xC380]  }
0x56d: {  	v3 =	vadd.f32 v53, v3  }
0x56e: {  	v56 =	vld [tilespmem:$0xC400]  }
0x56f: {  	v3 =	vadd.f32 v54, v3  }
0x570: {  	v57 =	vld [tilespmem:$0xC480]  }
0x571: {  	v3 =	vadd.f32 v55, v3  }
0x572: {  	v58 =	vld [tilespmem:$0xC500]  }
0x573: {  	v3 =	vadd.f32 v56, v3  }
0x574: {  	v59 =	vld [tilespmem:$0xC580]  }
0x575: {  	v3 =	vadd.f32 v57, v3  }
0x576: {  	v60 =	vld [tilespmem:$0xC600]  }
0x577: {  	v3 =	vadd.f32 v58, v3  }
0x578: {  	v61 =	vld [tilespmem:$0xC680]  }
0x579: {  	v3 =	vadd.f32 v59, v3  }
0x57a: {  	v62 =	vld [tilespmem:$0xC700]  }
0x57b: {  	v3 =	vadd.f32 v60, v3  }
0x57c: {  	v63 =	vld [tilespmem:$0xC780]  }
0x57d: {  	v3 =	vadd.f32 v61, v3;
	_ =	sdelay $0x1  }
0x57e: {  	v3 =	vadd.f32 v62, v3;
	_ =	sdelay $0x1  }
0x57f: {  	s0 =	sadd.s32 $0x1, s0;
	v3 =	vadd.f32 v63, v3  }
0x580: {  	p0 =	sne.s32 s0, s25  }
.Ltmp21:
0x581: {  	s3 =	simm.s32 $0xC800;
	[tilespmem:$0xC820] =	vst v3;
	(pc) =	sbr.rel @p0 .LBB2_1-.Ltmp21, $4  }
0x582: {  	[hbm4b:s22+s2] =	stream.linear.scatter [tilespmem:s3], [sflag:$0x3], $0x80, $0x38;
	[tilespmem:$0xC880] =	vst v63  }
0x583: {  	_ =	swait.ge [sflag:s1], $0x80  }
0x584: {  	[sflag:s1] =	ssyncset.done $0x0  }
0x585: {  	[sflag:s1] =	ssyncadd.s32 $0xFFFFFF80  }
0x586: {  	_ =	sfence.sel $0x180000  }
0x587: {  	[bflag:$0x0] =	sbarrier.arrive $0xFFFF  }
0x588: {  	_ =	strace $0x90000047  }
0x589: {  	s0 =	stileid.u32;
	[bflag:$0x2] =	sbarrier.arrive $0xFFFF  }
0x58a: {  	p0 =	sne.s32 s0, $0x0;
	s0 =	rddreg [dreg:$0x2]  }
0x58b: {  	s0 =	sadd.s32 @!p0 $0x100000, s0  }
0x58c: {  	[sflag:s0] =	ssyncadd.tile.s32 @!p0 $0x1;
	_ =	shalt  }
.Lfunc_end2:
_tile_overlayer_lowered:
.L_overlay_start_2:
0x58d: {  	(tag) =	ssettag $0x2  }
0x58e: {  	s0 =	rddreg [dreg:$0x0];
	s2 =	stileid.u32  }
0x58f: {  	s1 =	rddreg [dreg:$0x1];
	p0 =	sne.s32 s2, $0x0  }
0x590: {  	s3 =	rddreg [dreg:$0x2];
	[bflag:$0x3] =	sbarrier.arrive $0xFFFF;
	s2 =	simm.s32 @!p0 $0x1C03  }
0x591: {  	[timem:s3], [sflag:s2] =	dma.local @!p0 [hbm:s0], s1  }
0x592: {  	s0 =	simm.s32 @!p0 $0x3  }
0x593: {  	_ =	swait.ge @!p0 [sflag:s0], s1  }
0x594: {  	s1 =	ssub.s32 @!p0 $0x0, s1;
	[sflag:s0] =	ssyncset.done @!p0 $0x0  }
0x595: {  	[sflag:s0] =	ssyncadd.s32 @!p0 s1  }
0x596: {  	[bflag:$0x3] =	sbarrier.arrive $0xFFFF  }
0x597: {  	_ =	shalt  }

</sc_bundles>
